<compile_context>
chip_gen: v7x
topology: tpu7x:2x2x1
jax: 0.10.2.dev20260603
libtpu: 0.0.44.dev20260713+nightly
codegen_flags: <defaults>
</compile_context>

<pallas_src>
import functools

import jax
import jax.numpy as jnp
import numpy as np
from jax import lax
from jax.experimental import pallas as pl
from jax.experimental.pallas import tpu as pltpu
from jax.experimental.pallas import tpu_sc as plsc

N = 10000
E = 320000
D = 128
HID = 64
N_PAD = 10240
NC = 2
NS = 16
CH = 128
CE = 256
NSUB = CE // CH
EPW = 10240
E_PAD = NC * NS * EPW
NCHUNK = EPW // CE
ROWS_PT = N_PAD // NS
RB = 1024



def _proj_call(K):
    def body(x_ref, w_ref, a_ref, b_ref, ei_ref, fb_ref, er_ref):
        feat = jnp.dot(x_ref[...], w_ref[...], preferred_element_type=jnp.float32)
        el = jnp.dot(feat, a_ref[...], preferred_element_type=jnp.float32)
        er = jnp.dot(feat, b_ref[...], preferred_element_type=jnp.float32)
        eli = jnp.dot(el, ei_ref[...], preferred_element_type=jnp.float32)
        fb_ref[...] = jnp.concatenate([feat, eli], axis=1).astype(jnp.bfloat16)
        er_ref[...] = er

    return pl.pallas_call(
        body,
        grid=(N_PAD // RB,),
        in_specs=[
            pl.BlockSpec((RB, K), lambda i: (i, 0)),
            pl.BlockSpec((K, HID), lambda i: (0, 0)),
            pl.BlockSpec((HID, 8), lambda i: (0, 0)),
            pl.BlockSpec((HID, 16), lambda i: (0, 0)),
            pl.BlockSpec((8, 16), lambda i: (0, 0)),
        ],
        out_specs=[
            pl.BlockSpec((RB, 80), lambda i: (i, 0)),
            pl.BlockSpec((RB, 16), lambda i: (i, 0)),
        ],
        out_shape=[
            jax.ShapeDtypeStruct((N_PAD, 80), jnp.bfloat16),
            jax.ShapeDtypeStruct((N_PAD, 16), jnp.float32),
        ],
    )


def _mid_call():
    def body(num_ref, den_ref, b_ref, e_ref, p_ref, w_ref, a_ref, bb_ref,
             ei_ref, fb_ref, er_ref):
        nm = num_ref[0] + num_ref[1]
        dn = den_ref[0] + den_ref[1]
        nmp = jnp.dot(nm, p_ref[...], preferred_element_type=jnp.float32)
        den64 = jnp.dot(dn, e_ref[...], preferred_element_type=jnp.float32)
        v = nmp / (den64 + 1e-9) + b_ref[...]
        h = jnp.where(v > 0, v, jnp.exp(v) - 1.0)
        feat = jnp.dot(h, w_ref[...], preferred_element_type=jnp.float32)
        el = jnp.dot(feat, a_ref[...], preferred_element_type=jnp.float32)
        er = jnp.dot(feat, bb_ref[...], preferred_element_type=jnp.float32)
        eli = jnp.dot(el, ei_ref[...], preferred_element_type=jnp.float32)
        fb_ref[...] = jnp.concatenate([feat, eli], axis=1).astype(jnp.bfloat16)
        er_ref[...] = er

    return pl.pallas_call(
        body,
        grid=(N_PAD // RB,),
        in_specs=[
            pl.BlockSpec((2, RB, HID), lambda i: (0, i, 0)),
            pl.BlockSpec((2, RB, 16), lambda i: (0, i, 0)),
            pl.BlockSpec((1, HID), lambda i: (0, 0)),
            pl.BlockSpec((16, HID), lambda i: (0, 0)),
            pl.BlockSpec((HID, HID), lambda i: (0, 0)),
            pl.BlockSpec((HID, HID), lambda i: (0, 0)),
            pl.BlockSpec((HID, 8), lambda i: (0, 0)),
            pl.BlockSpec((HID, 16), lambda i: (0, 0)),
            pl.BlockSpec((8, 16), lambda i: (0, 0)),
        ],
        out_specs=[
            pl.BlockSpec((RB, 80), lambda i: (i, 0)),
            pl.BlockSpec((RB, 16), lambda i: (i, 0)),
        ],
        out_shape=[
            jax.ShapeDtypeStruct((N_PAD, 80), jnp.bfloat16),
            jax.ShapeDtypeStruct((N_PAD, 16), jnp.float32),
        ],
    )


def _norm_call(apply_elu):
    def body(num_ref, den_ref, b_ref, e_ref, p_ref, o_ref):
        nm = num_ref[0] + num_ref[1]
        dn = den_ref[0] + den_ref[1]
        nmp = jnp.dot(nm, p_ref[...], preferred_element_type=jnp.float32)
        den64 = jnp.dot(dn, e_ref[...], preferred_element_type=jnp.float32)
        v = nmp / (den64 + 1e-9) + b_ref[...]
        if apply_elu:
            v = jnp.where(v > 0, v, jnp.exp(v) - 1.0)
        o_ref[...] = v

    return pl.pallas_call(
        body,
        grid=(N_PAD // RB,),
        in_specs=[
            pl.BlockSpec((2, RB, HID), lambda i: (0, i, 0)),
            pl.BlockSpec((2, RB, 16), lambda i: (0, i, 0)),
            pl.BlockSpec((1, HID), lambda i: (0, 0)),
            pl.BlockSpec((16, HID), lambda i: (0, 0)),
            pl.BlockSpec((HID, HID), lambda i: (0, 0)),
        ],
        out_specs=pl.BlockSpec((RB, HID), lambda i: (i, 0)),
        out_shape=jax.ShapeDtypeStruct((N_PAD, HID), jnp.float32),
    )



def _edge_call(mode):
    mesh = plsc.VectorSubcoreMesh(core_axis_name="c", subcore_axis_name="s")

    @functools.partial(
        pl.kernel,
        out_type=(
            jax.ShapeDtypeStruct((NC, N_PAD, 64), jnp.float32),
            jax.ShapeDtypeStruct((NC, N_PAD, 16), jnp.float32),
        ),
        mesh=mesh,
        compiler_params=pltpu.CompilerParams(
            needs_layout_passes=False, use_tc_tiling_on_sc=False),
        scratch_types=[
            pltpu.VMEM((NSUB, CH), jnp.int32),
            pltpu.VMEM((NSUB, CH), jnp.int32),
            pltpu.VMEM((CE, 80), jnp.bfloat16),
            pltpu.VMEM((CE, 16), jnp.float32),
            pltpu.VMEM((CE, 16), jnp.float32),
            pltpu.VMEM((CE, 64), jnp.float32),
            pltpu.VMEM((NSUB, CH), jnp.int32),
            pltpu.VMEM((NSUB, CH), jnp.int32),
            pltpu.VMEM((CE, 80), jnp.bfloat16),
            pltpu.VMEM((CE, 16), jnp.float32),
            pltpu.VMEM((CE, 16), jnp.float32),
            pltpu.VMEM((CE, 64), jnp.float32),
            pltpu.VMEM_SHARED((N_PAD, 64), jnp.float32),
            pltpu.VMEM_SHARED((N_PAD, 16), jnp.float32),
            pltpu.SemaphoreType.DMA,
            pltpu.SemaphoreType.DMA,
            pltpu.SemaphoreType.DMA,
            pltpu.SemaphoreType.DMA,
        ],
    )
    def k(src_h, dst_h, fe_h, er_h, num_o, den_o,
          src_v0, dst_v0, fe_v0, er_v0, w_v0, msg_v0,
          src_v1, dst_v1, fe_v1, er_v1, w_v1, msg_v1,
          num_sp, den_sp, gsem0, gsem1, ssem0, ssem1):
        c = lax.axis_index("c")
        s = lax.axis_index("s")
        wid = s * NC + c
        ebase = wid * EPW
        zero16 = jnp.zeros((16,), jnp.float32)
        iota = lax.iota(jnp.int32, 16)
        if mode == 1:
            patt = [8 + 4 * q + (iota >> 2) for q in range(2)]
        else:
            patt = [8 + jnp.zeros((16,), jnp.int32) for _ in range(2)]
        bufs = [(src_v0, dst_v0, fe_v0, er_v0, w_v0, msg_v0, gsem0, ssem0),
                (src_v1, dst_v1, fe_v1, er_v1, w_v1, msg_v1, gsem1, ssem1)]

        @plsc.parallel_loop(0, CE * 4, unroll=8)
        def znloop(i):
            msg_v0[i >> 2, pl.ds((i & 3) * 16, 16)] = zero16

        @plsc.parallel_loop(0, CE, unroll=8)
        def zdloop(i):
            w_v0[i, :] = zero16

        row0 = s * ROWS_PT
        done = 0
        while done < ROWS_PT:
            step = min(CE, ROWS_PT - done)
            pltpu.sync_copy(msg_v0.at[pl.ds(0, step)],
                            num_sp.at[pl.ds(row0 + done, step)])
            pltpu.sync_copy(w_v0.at[pl.ds(0, step)],
                            den_sp.at[pl.ds(row0 + done, step)])
            done += step
        plsc.subcore_barrier()

        def load_idx(g, b):
            src_v, dst_v = bufs[b][0], bufs[b][1]
            for j in range(NSUB):
                base = ebase + g * CE + j * CH
                pltpu.sync_copy(src_h.at[pl.ds(base, CH)], src_v.at[j])
                pltpu.sync_copy(dst_h.at[pl.ds(base, CH)], dst_v.at[j])

        def gathers(b):
            src_v, dst_v, fe_v, er_v = bufs[b][0], bufs[b][1], bufs[b][2], bufs[b][3]
            gsem = bufs[b][6]
            out = []
            for j in range(NSUB):
                out.append(pltpu.make_async_copy(
                    fe_h.at[src_v.at[j]], fe_v.at[pl.ds(j * CH, CH)], gsem))
                out.append(pltpu.make_async_copy(
                    er_h.at[dst_v.at[j]], er_v.at[pl.ds(j * CH, CH)], gsem))
            return out

        def scatters(b):
            dst_v, w_v, msg_v = bufs[b][1], bufs[b][4], bufs[b][5]
            ssem = bufs[b][7]
            out = []
            for j in range(NSUB):
                out.append(pltpu.make_async_copy(
                    msg_v.at[pl.ds(j * CH, CH)], num_sp.at[dst_v.at[j]], ssem))
                out.append(pltpu.make_async_copy(
                    w_v.at[pl.ds(j * CH, CH)], den_sp.at[dst_v.at[j]], ssem))
            return out

        def compute(b):
            fe_v, er_v, w_v, msg_v = bufs[b][2], bufs[b][3], bufs[b][4], bufs[b][5]

            @plsc.parallel_loop(0, CE, unroll=4)
            def rows(r):
                ue = fe_v[r, pl.ds(48, 32)]
                ea, _eb = plsc.unpack(ue, format=plsc.PackFormat.INTERLEAVED,
                                      preferred_element_type=jnp.float32)
                z = ea + er_v[r, :]
                w = jnp.exp(jnp.where(z > 0, z, 0.2 * z))
                w_v[r, :] = w
                for q in range(2):
                    uf = fe_v[r, pl.ds(q * 32, 32)]
                    fa, fb2 = plsc.unpack(uf, format=plsc.PackFormat.INTERLEAVED,
                                          preferred_element_type=jnp.float32)
                    wq = jnp.take_along_axis(w, patt[q], axis=0)
                    msg_v[r, pl.ds(q * 32, 16)] = fa * wq
                    msg_v[r, pl.ds(q * 32 + 16, 16)] = fb2 * wq

        load_idx(0, 0)
        for cp in gathers(0):
            cp.start()

        def halfstep(i, b):
            g = 2 * i + b
            nb2 = 1 - b

            @pl.when(g >= 1)
            def _():
                for cp in scatters(nb2):
                    cp.wait()

            @pl.when(g + 1 < NCHUNK)
            def _():
                load_idx(g + 1, nb2)
                for cp in gathers(nb2):
                    cp.start()

            for cp in gathers(b):
                cp.wait()
            compute(b)
            for cp in scatters(b):
                cp.start(add=True)

        def pipe(i, _):
            halfstep(i, 0)
            halfstep(i, 1)
            return 0
        lax.fori_loop(0, NCHUNK // 2, pipe, 0)

        for cp in scatters((NCHUNK - 1) & 1):
            cp.wait()
        plsc.subcore_barrier()

        pltpu.sync_copy(num_sp.at[pl.ds(row0, ROWS_PT)],
                        num_o.at[c, pl.ds(row0, ROWS_PT)])
        pltpu.sync_copy(den_sp.at[pl.ds(row0, ROWS_PT)],
                        den_o.at[c, pl.ds(row0, ROWS_PT)])

    return k



_E16_L1 = np.zeros((16, HID), np.float32)
for _h in range(8):
    _E16_L1[8 + _h, _h * 8:(_h + 1) * 8] = 1.0
_E16_L2 = np.zeros((16, HID), np.float32)
_E16_L2[8, :] = 1.0

_PERM = np.zeros((HID, HID), np.float32)
for _c in range(HID):
    _q, _rc = _c // 32, _c % 32
    _f = 32 * _q + (2 * _rc if _rc < 16 else 2 * (_rc - 16) + 1)
    _PERM[_c, _f] = 1.0

_EI = np.zeros((8, 16), np.float32)
for _j in range(8):
    _EI[_j, 2 * _j] = 1.0
    _EI[_j, 2 * _j + 1] = 1.0


def _blockdiag(a):
    return (jnp.eye(8, dtype=a.dtype)[:, None, :] * a[:, :, None]).reshape(HID, 8)


def kernel(x, edge_index, W1, al1, ar1, b1, W2, al2, ar2, b2):
    src = jnp.concatenate(
        [edge_index[0].astype(jnp.int32), jnp.full((E_PAD - E,), N, jnp.int32)])
    dst = jnp.concatenate(
        [edge_index[1].astype(jnp.int32), jnp.full((E_PAD - E,), N, jnp.int32)])
    xp = jnp.zeros((N_PAD, D), jnp.float32).at[:N].set(x)

    A1 = _blockdiag(al1)
    B1 = jnp.concatenate([_blockdiag(ar1)] * 2, axis=1)
    A2 = jnp.tile(al2.T, (1, 8))
    B2 = jnp.tile(ar2.T, (1, 16))
    E1 = jnp.asarray(_E16_L1)
    E2 = jnp.asarray(_E16_L2)
    P = jnp.asarray(_PERM)
    EI = jnp.asarray(_EI)

    fb1, er1 = _proj_call(D)(xp, W1, A1, B1, EI)
    num1, den1 = _edge_call(1)(src, dst, fb1, er1)
    fb2, er2 = _mid_call()(num1, den1, b1.reshape(1, HID), E1, P, W2, A2, B2, EI)
    num2, den2 = _edge_call(2)(src, dst, fb2, er2)
    out = _norm_call(False)(num2, den2, b2.reshape(1, HID), E2, P)
    return out[:N]

# --- scband reference (transcript-rebuilt; emitter-appended) ---
"""Pipeline reference for scband-gat-89859305766919 (READ-ONLY COPY).

The authoritative reference and input builder live on the scoring server;
editing this copy changes nothing except your own understanding.
"""

import jax, jax.numpy as jnp
import numpy as np

N = 10000
E = 320000
D = 128
H1 = 8
F1 = 8
OUT = 64

def setup_inputs(seed: int = 0):
    key = jax.random.key(seed)
    ks = jax.random.split(key, 12)
    x = jax.random.normal(ks[0], (N, D), dtype=jnp.float32)
    edge_index = jax.random.randint(ks[1], (2, E), 0, N)
    s1 = 1.0 / np.sqrt(D)
    W1 = jax.random.normal(ks[2], (D, H1 * F1), dtype=jnp.float32) * s1
    al1 = jax.random.normal(ks[3], (H1, F1), dtype=jnp.float32) * s1
    ar1 = jax.random.normal(ks[4], (H1, F1), dtype=jnp.float32) * s1
    b1 = jnp.zeros((H1 * F1,), dtype=jnp.float32)
    s2 = 1.0 / np.sqrt(H1 * F1)
    W2 = jax.random.normal(ks[5], (H1 * F1, OUT), dtype=jnp.float32) * s2
    al2 = jax.random.normal(ks[6], (1, OUT), dtype=jnp.float32) * s2
    ar2 = jax.random.normal(ks[7], (1, OUT), dtype=jnp.float32) * s2
    b2 = jnp.zeros((OUT,), dtype=jnp.float32)
    return {"x": x, "edge_index": edge_index, "W1": W1, "al1": al1, "ar1": ar1, "b1": b1, "W2": W2, "al2": al2, "ar2": ar2, "b2": b2}

def _gat_layer(x, src, dst, W, al, ar, b, H, F):
    feat = (x @ W).reshape(-1, H, F)
    el = jnp.sum(feat * al[None, :, :], axis=-1)
    er = jnp.sum(feat * ar[None, :, :], axis=-1)
    e = jax.nn.leaky_relu(el[src] + er[dst], negative_slope=0.2)
    m = jax.ops.segment_max(e, dst, num_segments=N)
    m = jnp.where(jnp.isfinite(m), m, 0.0)
    ex = jnp.exp(e - m[dst])
    denom = jax.ops.segment_sum(ex, dst, num_segments=N)
    alpha = ex / (denom[dst] + 1e-9)
    msg = feat[src] * alpha[:, :, None]
    out = jax.ops.segment_sum(msg, dst, num_segments=N)
    return out + b.reshape(1, H, F)

def reference(x, edge_index, W1, al1, ar1, b1, W2, al2, ar2, b2):
    src = edge_index[0]
    dst = edge_index[1]
    h = _gat_layer(x, src, dst, W1, al1, ar1, b1, H1, F1)
    h = jax.nn.elu(h).reshape(N, H1 * F1)
    o = _gat_layer(h, src, dst, W2, al2, ar2, b2, 1, OUT)
    return o.mean(axis=1)

if __name__ == "__main__":
    import jax
    _d = setup_inputs()
    print(jax.jit(kernel)(*tuple(_d.values())))

</pallas_src>

<mosaic_0001>
#map = affine_map<(d0, d1) -> (0)>
#map1 = affine_map<(d0, d1) -> (0, 0)>
#map2 = affine_map<(d0, d1) -> (0, 0, 0)>
module attributes {stable_mosaic.version = 14 : i64} {
  func.func @k(%arg0: i32, %arg1: i32, %arg2: memref<327680xi32, #tpu.memory_space<hbm>>, %arg3: memref<327680xi32, #tpu.memory_space<hbm>>, %arg4: memref<10240x80xbf16, #tpu.memory_space<hbm>>, %arg5: memref<10240x16xf32, #tpu.memory_space<hbm>>, %arg6: memref<2x10240x64xf32, #tpu.memory_space<hbm>>, %arg7: memref<2x10240x16xf32, #tpu.memory_space<hbm>>, %arg8: memref<2x128xi32, #tpu.memory_space<vmem>>, %arg9: memref<2x128xi32, #tpu.memory_space<vmem>>, %arg10: memref<256x80xbf16, #tpu.memory_space<vmem>>, %arg11: memref<256x16xf32, #tpu.memory_space<vmem>>, %arg12: memref<256x16xf32, #tpu.memory_space<vmem>>, %arg13: memref<256x64xf32, #tpu.memory_space<vmem>>, %arg14: memref<2x128xi32, #tpu.memory_space<vmem>>, %arg15: memref<2x128xi32, #tpu.memory_space<vmem>>, %arg16: memref<256x80xbf16, #tpu.memory_space<vmem>>, %arg17: memref<256x16xf32, #tpu.memory_space<vmem>>, %arg18: memref<256x16xf32, #tpu.memory_space<vmem>>, %arg19: memref<256x64xf32, #tpu.memory_space<vmem>>, %arg20: memref<10240x64xf32, #tpu.memory_space<vmem_shared>>, %arg21: memref<10240x16xf32, #tpu.memory_space<vmem_shared>>, %arg22: memref<!tpu.dma_semaphore, #tpu.memory_space<semaphore_mem>>, %arg23: memref<!tpu.dma_semaphore, #tpu.memory_space<semaphore_mem>>, %arg24: memref<!tpu.dma_semaphore, #tpu.memory_space<semaphore_mem>>, %arg25: memref<!tpu.dma_semaphore, #tpu.memory_space<semaphore_mem>>) attributes {dimension_semantics = [#tpu.dimension_semantics<core_parallel>, #tpu.dimension_semantics<subcore_parallel>], iteration_bounds = array<i64: 2, 16>, scalar_prefetch = 0 : i64, scratch_operands = 18 : i64, tpu.core_type = #tpu.core_type<sc_vector_subcore>, window_params = [{transform_indices = #map}, {transform_indices = #map}, {transform_indices = #map1}, {transform_indices = #map1}, {transform_indices = #map2}, {transform_indices = #map2}]} {
    %mul3A = arith.constant 2 : i32
    %mul3A_0 = arith.muli %arg1, %mul3A : i32
    %add3A = arith.addi %mul3A_0, %arg0 : i32
    %mul3A_1 = arith.constant 10240 : i32
    %mul3A_2 = arith.muli %add3A, %mul3A_1 : i32
    %broadcast_in_dim3A = arith.constant 0.000000e+00 : f32
    %broadcast_in_dim3A_3 = vector.broadcast %broadcast_in_dim3A : f32 to vector<16xf32>
    %iota3A = tpu.iota {dimensions = array<i32: 0>} : vector<16xi32>
    %shift_right_arithmetic3A = arith.constant 2 : i32
    %shift_right_arithmetic3A_4 = vector.broadcast %shift_right_arithmetic3A : i32 to vector<16xi32>
    %shift_right_arithmetic3A_5 = arith.shrsi %iota3A, %shift_right_arithmetic3A_4 : vector<16xi32>
    %add3A_6 = arith.constant 8 : i32
    %add3A_7 = vector.broadcast %add3A_6 : i32 to vector<16xi32>
    %add3A_8 = arith.addi %add3A_7, %shift_right_arithmetic3A_5 : vector<16xi32>
    %shift_right_arithmetic3A_9 = arith.constant 2 : i32
    %shift_right_arithmetic3A_10 = vector.broadcast %shift_right_arithmetic3A_9 : i32 to vector<16xi32>
    %shift_right_arithmetic3A_11 = arith.shrsi %iota3A, %shift_right_arithmetic3A_10 : vector<16xi32>
    %add3A_12 = arith.constant 12 : i32
    %add3A_13 = vector.broadcast %add3A_12 : i32 to vector<16xi32>
    %add3A_14 = arith.addi %add3A_13, %shift_right_arithmetic3A_11 : vector<16xi32>
    %parallel_loop3A = arith.constant 0 : i32
    %parallel_loop3A_15 = arith.constant 1024 : i32
    %parallel_loop3A_16 = arith.constant 1 : i32
    scf.for %parallel_loop3A_130 = %parallel_loop3A to %parallel_loop3A_15 step %parallel_loop3A_16  : i32 {
      %parallel_loop3A_131 = arith.constant 2 : i32
      %parallel_loop3A_132 = arith.shrsi %parallel_loop3A_130, %parallel_loop3A_131 : i32
      %parallel_loop3A_133 = arith.constant 3 : i32
      %parallel_loop3A_134 = arith.andi %parallel_loop3A_130, %parallel_loop3A_133 : i32
      %parallel_loop3A_135 = arith.constant 16 : i32
      %parallel_loop3A_136 = arith.muli %parallel_loop3A_134, %parallel_loop3A_135 : i32
      %parallel_loop3A_137 = arith.index_cast %parallel_loop3A_132 : i32 to index
      %parallel_loop3A_138 = arith.index_cast %parallel_loop3A_136 : i32 to index
      %parallel_loop3A_139 = tpu.vector_load %arg13[%parallel_loop3A_137, %parallel_loop3A_138] {strides = array<i32>} : memref<256x64xf32, #tpu.memory_space<vmem>>, vector<16xf32>,
      tpu.vector_store %arg13[%parallel_loop3A_137, %parallel_loop3A_138], %broadcast_in_dim3A_3 {strides = array<i32>} : memref<256x64xf32, #tpu.memory_space<vmem>>, vector<16xf32>,
    } {sc.loop_unroll_factor = 8 : i64, sc.parallel_access}
    %parallel_loop3A_17 = arith.constant 0 : i32
    %parallel_loop3A_18 = arith.constant 256 : i32
    %parallel_loop3A_19 = arith.constant 1 : i32
    scf.for %parallel_loop3A_130 = %parallel_loop3A_17 to %parallel_loop3A_18 step %parallel_loop3A_19  : i32 {
      %parallel_loop3A_131 = arith.index_cast %parallel_loop3A_130 : i32 to index
      %parallel_loop3A_132 = arith.constant 0 : index
      %parallel_loop3A_133 = tpu.vector_load %arg12[%parallel_loop3A_131, %parallel_loop3A_132] {strides = array<i32>} : memref<256x16xf32, #tpu.memory_space<vmem>>, vector<16xf32>,
      tpu.vector_store %arg12[%parallel_loop3A_131, %parallel_loop3A_132], %broadcast_in_dim3A_3 {strides = array<i32>} : memref<256x16xf32, #tpu.memory_space<vmem>>, vector<16xf32>,
    } {sc.loop_unroll_factor = 8 : i64, sc.parallel_access}
    %mul3A_20 = arith.constant 640 : i32
    %mul3A_21 = arith.muli %arg1, %mul3A_20 : i32
    %add3A_22 = arith.constant 0 : i32
    %add3A_23 = arith.addi %mul3A_21, %add3A_22 : i32
    "tpu.region"() ({
      %run_scoped3A_130 = tpu.sem_alloc : memref<!tpu.dma_semaphore, #tpu.memory_space<semaphore_mem>>
      %dma_start3A_131 = arith.constant 0 : i32
      %dma_start3A_132 = arith.constant 0 : i32
      %dma_start3A_133 = tpu.memref_slice %arg13[%dma_start3A_131, %dma_start3A_132] : memref<256x64xf32, #tpu.memory_space<vmem>> -> memref<256x64xf32, #tpu.memory_space<vmem>>
      %dma_start3A_134 = arith.constant 0 : i32
      %dma_start3A_135 = tpu.memref_slice %arg20[%add3A_23, %dma_start3A_134] : memref<10240x64xf32, #tpu.memory_space<vmem_shared>> -> memref<256x64xf32, #tpu.memory_space<vmem_shared>>
      %dma_start3A_136 = arith.constant 0 : i32
      %dma_start3A_137 = tpu.memref_slice %arg20[%add3A_23, %dma_start3A_136] : memref<10240x64xf32, #tpu.memory_space<vmem_shared>> -> memref<256x64xf32, #tpu.memory_space<vmem_shared>>
      %dma_start3A_138 = arith.constant 0 : i32
      %dma_start3A_139 = arith.constant 0 : i32
      %dma_start3A_140 = tpu.memref_slice %arg13[%dma_start3A_138, %dma_start3A_139] : memref<256x64xf32, #tpu.memory_space<vmem>> -> memref<256x64xf32, #tpu.memory_space<vmem>>
      tpu.enqueue_dma source(%dma_start3A_140 : memref<256x64xf32, #tpu.memory_space<vmem>>) target(%dma_start3A_137 : memref<256x64xf32, #tpu.memory_space<vmem_shared>>) target_semaphore(%run_scoped3A_130 : memref<!tpu.dma_semaphore, #tpu.memory_space<semaphore_mem>>)
      %dma_wait3A_141 = arith.constant 0 : i32
      %dma_wait3A_142 = arith.constant 0 : i32
      %dma_wait3A_143 = tpu.memref_slice %arg13[%dma_wait3A_141, %dma_wait3A_142] : memref<256x64xf32, #tpu.memory_space<vmem>> -> memref<256x64xf32, #tpu.memory_space<vmem>>
      %dma_wait3A_144 = arith.constant 0 : i32
      %dma_wait3A_145 = tpu.memref_slice %arg20[%add3A_23, %dma_wait3A_144] : memref<10240x64xf32, #tpu.memory_space<vmem_shared>> -> memref<256x64xf32, #tpu.memory_space<vmem_shared>>
      %dma_wait3A_146 = arith.constant 0 : i32
      %dma_wait3A_147 = tpu.memref_slice %arg20[%add3A_23, %dma_wait3A_146] : memref<10240x64xf32, #tpu.memory_space<vmem_shared>> -> memref<256x64xf32, #tpu.memory_space<vmem_shared>>
      %dma_wait3A_148 = arith.constant 0 : i32
      %dma_wait3A_149 = arith.constant 0 : i32
      %dma_wait3A_150 = tpu.memref_slice %arg13[%dma_wait3A_148, %dma_wait3A_149] : memref<256x64xf32, #tpu.memory_space<vmem>> -> memref<256x64xf32, #tpu.memory_space<vmem>>
      tpu.wait_dma2 semaphore(%run_scoped3A_130 : memref<!tpu.dma_semaphore, #tpu.memory_space<semaphore_mem>>) src(%dma_wait3A_150 : memref<256x64xf32, #tpu.memory_space<vmem>>) dst(%dma_wait3A_147 : memref<256x64xf32, #tpu.memory_space<vmem_shared>>)
      tpu.yield
    }) : () -> ()
    %add3A_24 = arith.constant 0 : i32
    %add3A_25 = arith.addi %mul3A_21, %add3A_24 : i32
    "tpu.region"() ({
      %run_scoped3A_130 = tpu.sem_alloc : memref<!tpu.dma_semaphore, #tpu.memory_space<semaphore_mem>>
      %dma_start3A_131 = arith.constant 0 : i32
      %dma_start3A_132 = arith.constant 0 : i32
      %dma_start3A_133 = tpu.memref_slice %arg12[%dma_start3A_131, %dma_start3A_132] : memref<256x16xf32, #tpu.memory_space<vmem>> -> memref<256x16xf32, #tpu.memory_space<vmem>>
      %dma_start3A_134 = arith.constant 0 : i32
      %dma_start3A_135 = tpu.memref_slice %arg21[%add3A_25, %dma_start3A_134] : memref<10240x16xf32, #tpu.memory_space<vmem_shared>> -> memref<256x16xf32, #tpu.memory_space<vmem_shared>>
      %dma_start3A_136 = arith.constant 0 : i32
      %dma_start3A_137 = tpu.memref_slice %arg21[%add3A_25, %dma_start3A_136] : memref<10240x16xf32, #tpu.memory_space<vmem_shared>> -> memref<256x16xf32, #tpu.memory_space<vmem_shared>>
      %dma_start3A_138 = arith.constant 0 : i32
      %dma_start3A_139 = arith.constant 0 : i32
      %dma_start3A_140 = tpu.memref_slice %arg12[%dma_start3A_138, %dma_start3A_139] : memref<256x16xf32, #tpu.memory_space<vmem>> -> memref<256x16xf32, #tpu.memory_space<vmem>>
      tpu.enqueue_dma source(%dma_start3A_140 : memref<256x16xf32, #tpu.memory_space<vmem>>) target(%dma_start3A_137 : memref<256x16xf32, #tpu.memory_space<vmem_shared>>) target_semaphore(%run_scoped3A_130 : memref<!tpu.dma_semaphore, #tpu.memory_space<semaphore_mem>>)
      %dma_wait3A_141 = arith.constant 0 : i32
      %dma_wait3A_142 = arith.constant 0 : i32
      %dma_wait3A_143 = tpu.memref_slice %arg12[%dma_wait3A_141, %dma_wait3A_142] : memref<256x16xf32, #tpu.memory_space<vmem>> -> memref<256x16xf32, #tpu.memory_space<vmem>>
      %dma_wait3A_144 = arith.constant 0 : i32
      %dma_wait3A_145 = tpu.memref_slice %arg21[%add3A_25, %dma_wait3A_144] : memref<10240x16xf32, #tpu.memory_space<vmem_shared>> -> memref<256x16xf32, #tpu.memory_space<vmem_shared>>
      %dma_wait3A_146 = arith.constant 0 : i32
      %dma_wait3A_147 = tpu.memref_slice %arg21[%add3A_25, %dma_wait3A_146] : memref<10240x16xf32, #tpu.memory_space<vmem_shared>> -> memref<256x16xf32, #tpu.memory_space<vmem_shared>>
      %dma_wait3A_148 = arith.constant 0 : i32
      %dma_wait3A_149 = arith.constant 0 : i32
      %dma_wait3A_150 = tpu.memref_slice %arg12[%dma_wait3A_148, %dma_wait3A_149] : memref<256x16xf32, #tpu.memory_space<vmem>> -> memref<256x16xf32, #tpu.memory_space<vmem>>
      tpu.wait_dma2 semaphore(%run_scoped3A_130 : memref<!tpu.dma_semaphore, #tpu.memory_space<semaphore_mem>>) src(%dma_wait3A_150 : memref<256x16xf32, #tpu.memory_space<vmem>>) dst(%dma_wait3A_147 : memref<256x16xf32, #tpu.memory_space<vmem_shared>>)
      tpu.yield
    }) : () -> ()
    %add3A_26 = arith.constant 256 : i32
    %add3A_27 = arith.addi %mul3A_21, %add3A_26 : i32
    "tpu.region"() ({
      %run_scoped3A_130 = tpu.sem_alloc : memref<!tpu.dma_semaphore, #tpu.memory_space<semaphore_mem>>
      %dma_start3A_131 = arith.constant 0 : i32
      %dma_start3A_132 = arith.constant 0 : i32
      %dma_start3A_133 = tpu.memref_slice %arg13[%dma_start3A_131, %dma_start3A_132] : memref<256x64xf32, #tpu.memory_space<vmem>> -> memref<256x64xf32, #tpu.memory_space<vmem>>
      %dma_start3A_134 = arith.constant 0 : i32
      %dma_start3A_135 = tpu.memref_slice %arg20[%add3A_27, %dma_start3A_134] : memref<10240x64xf32, #tpu.memory_space<vmem_shared>> -> memref<256x64xf32, #tpu.memory_space<vmem_shared>>
      %dma_start3A_136 = arith.constant 0 : i32
      %dma_start3A_137 = tpu.memref_slice %arg20[%add3A_27, %dma_start3A_136] : memref<10240x64xf32, #tpu.memory_space<vmem_shared>> -> memref<256x64xf32, #tpu.memory_space<vmem_shared>>
      %dma_start3A_138 = arith.constant 0 : i32
      %dma_start3A_139 = arith.constant 0 : i32
      %dma_start3A_140 = tpu.memref_slice %arg13[%dma_start3A_138, %dma_start3A_139] : memref<256x64xf32, #tpu.memory_space<vmem>> -> memref<256x64xf32, #tpu.memory_space<vmem>>
      tpu.enqueue_dma source(%dma_start3A_140 : memref<256x64xf32, #tpu.memory_space<vmem>>) target(%dma_start3A_137 : memref<256x64xf32, #tpu.memory_space<vmem_shared>>) target_semaphore(%run_scoped3A_130 : memref<!tpu.dma_semaphore, #tpu.memory_space<semaphore_mem>>)
      %dma_wait3A_141 = arith.constant 0 : i32
      %dma_wait3A_142 = arith.constant 0 : i32
      %dma_wait3A_143 = tpu.memref_slice %arg13[%dma_wait3A_141, %dma_wait3A_142] : memref<256x64xf32, #tpu.memory_space<vmem>> -> memref<256x64xf32, #tpu.memory_space<vmem>>
      %dma_wait3A_144 = arith.constant 0 : i32
      %dma_wait3A_145 = tpu.memref_slice %arg20[%add3A_27, %dma_wait3A_144] : memref<10240x64xf32, #tpu.memory_space<vmem_shared>> -> memref<256x64xf32, #tpu.memory_space<vmem_shared>>
      %dma_wait3A_146 = arith.constant 0 : i32
      %dma_wait3A_147 = tpu.memref_slice %arg20[%add3A_27, %dma_wait3A_146] : memref<10240x64xf32, #tpu.memory_space<vmem_shared>> -> memref<256x64xf32, #tpu.memory_space<vmem_shared>>
      %dma_wait3A_148 = arith.constant 0 : i32
      %dma_wait3A_149 = arith.constant 0 : i32
      %dma_wait3A_150 = tpu.memref_slice %arg13[%dma_wait3A_148, %dma_wait3A_149] : memref<256x64xf32, #tpu.memory_space<vmem>> -> memref<256x64xf32, #tpu.memory_space<vmem>>
      tpu.wait_dma2 semaphore(%run_scoped3A_130 : memref<!tpu.dma_semaphore, #tpu.memory_space<semaphore_mem>>) src(%dma_wait3A_150 : memref<256x64xf32, #tpu.memory_space<vmem>>) dst(%dma_wait3A_147 : memref<256x64xf32, #tpu.memory_space<vmem_shared>>)
      tpu.yield
    }) : () -> ()
    %add3A_28 = arith.constant 256 : i32
    %add3A_29 = arith.addi %mul3A_21, %add3A_28 : i32
    "tpu.region"() ({
      %run_scoped3A_130 = tpu.sem_alloc : memref<!tpu.dma_semaphore, #tpu.memory_space<semaphore_mem>>
      %dma_start3A_131 = arith.constant 0 : i32
      %dma_start3A_132 = arith.constant 0 : i32
      %dma_start3A_133 = tpu.memref_slice %arg12[%dma_start3A_131, %dma_start3A_132] : memref<256x16xf32, #tpu.memory_space<vmem>> -> memref<256x16xf32, #tpu.memory_space<vmem>>
      %dma_start3A_134 = arith.constant 0 : i32
      %dma_start3A_135 = tpu.memref_slice %arg21[%add3A_29, %dma_start3A_134] : memref<10240x16xf32, #tpu.memory_space<vmem_shared>> -> memref<256x16xf32, #tpu.memory_space<vmem_shared>>
      %dma_start3A_136 = arith.constant 0 : i32
      %dma_start3A_137 = tpu.memref_slice %arg21[%add3A_29, %dma_start3A_136] : memref<10240x16xf32, #tpu.memory_space<vmem_shared>> -> memref<256x16xf32, #tpu.memory_space<vmem_shared>>
      %dma_start3A_138 = arith.constant 0 : i32
      %dma_start3A_139 = arith.constant 0 : i32
      %dma_start3A_140 = tpu.memref_slice %arg12[%dma_start3A_138, %dma_start3A_139] : memref<256x16xf32, #tpu.memory_space<vmem>> -> memref<256x16xf32, #tpu.memory_space<vmem>>
      tpu.enqueue_dma source(%dma_start3A_140 : memref<256x16xf32, #tpu.memory_space<vmem>>) target(%dma_start3A_137 : memref<256x16xf32, #tpu.memory_space<vmem_shared>>) target_semaphore(%run_scoped3A_130 : memref<!tpu.dma_semaphore, #tpu.memory_space<semaphore_mem>>)
      %dma_wait3A_141 = arith.constant 0 : i32
      %dma_wait3A_142 = arith.constant 0 : i32
      %dma_wait3A_143 = tpu.memref_slice %arg12[%dma_wait3A_141, %dma_wait3A_142] : memref<256x16xf32, #tpu.memory_space<vmem>> -> memref<256x16xf32, #tpu.memory_space<vmem>>
      %dma_wait3A_144 = arith.constant 0 : i32
      %dma_wait3A_145 = tpu.memref_slice %arg21[%add3A_29, %dma_wait3A_144] : memref<10240x16xf32, #tpu.memory_space<vmem_shared>> -> memref<256x16xf32, #tpu.memory_space<vmem_shared>>
      %dma_wait3A_146 = arith.constant 0 : i32
      %dma_wait3A_147 = tpu.memref_slice %arg21[%add3A_29, %dma_wait3A_146] : memref<10240x16xf32, #tpu.memory_space<vmem_shared>> -> memref<256x16xf32, #tpu.memory_space<vmem_shared>>
      %dma_wait3A_148 = arith.constant 0 : i32
      %dma_wait3A_149 = arith.constant 0 : i32
      %dma_wait3A_150 = tpu.memref_slice %arg12[%dma_wait3A_148, %dma_wait3A_149] : memref<256x16xf32, #tpu.memory_space<vmem>> -> memref<256x16xf32, #tpu.memory_space<vmem>>
      tpu.wait_dma2 semaphore(%run_scoped3A_130 : memref<!tpu.dma_semaphore, #tpu.memory_space<semaphore_mem>>) src(%dma_wait3A_150 : memref<256x16xf32, #tpu.memory_space<vmem>>) dst(%dma_wait3A_147 : memref<256x16xf32, #tpu.memory_space<vmem_shared>>)
      tpu.yield
    }) : () -> ()
    %add3A_30 = arith.constant 512 : i32
    %add3A_31 = arith.addi %mul3A_21, %add3A_30 : i32
    "tpu.region"() ({
      %run_scoped3A_130 = tpu.sem_alloc : memref<!tpu.dma_semaphore, #tpu.memory_space<semaphore_mem>>
      %dma_start3A_131 = arith.constant 0 : i32
      %dma_start3A_132 = arith.constant 0 : i32
      %dma_start3A_133 = tpu.memref_slice %arg13[%dma_start3A_131, %dma_start3A_132] : memref<256x64xf32, #tpu.memory_space<vmem>> -> memref<128x64xf32, #tpu.memory_space<vmem>>
      %dma_start3A_134 = arith.constant 0 : i32
      %dma_start3A_135 = tpu.memref_slice %arg20[%add3A_31, %dma_start3A_134] : memref<10240x64xf32, #tpu.memory_space<vmem_shared>> -> memref<128x64xf32, #tpu.memory_space<vmem_shared>>
      %dma_start3A_136 = arith.constant 0 : i32
      %dma_start3A_137 = tpu.memref_slice %arg20[%add3A_31, %dma_start3A_136] : memref<10240x64xf32, #tpu.memory_space<vmem_shared>> -> memref<128x64xf32, #tpu.memory_space<vmem_shared>>
      %dma_start3A_138 = arith.constant 0 : i32
      %dma_start3A_139 = arith.constant 0 : i32
      %dma_start3A_140 = tpu.memref_slice %arg13[%dma_start3A_138, %dma_start3A_139] : memref<256x64xf32, #tpu.memory_space<vmem>> -> memref<128x64xf32, #tpu.memory_space<vmem>>
      tpu.enqueue_dma source(%dma_start3A_140 : memref<128x64xf32, #tpu.memory_space<vmem>>) target(%dma_start3A_137 : memref<128x64xf32, #tpu.memory_space<vmem_shared>>) target_semaphore(%run_scoped3A_130 : memref<!tpu.dma_semaphore, #tpu.memory_space<semaphore_mem>>)
      %dma_wait3A_141 = arith.constant 0 : i32
      %dma_wait3A_142 = arith.constant 0 : i32
      %dma_wait3A_143 = tpu.memref_slice %arg13[%dma_wait3A_141, %dma_wait3A_142] : memref<256x64xf32, #tpu.memory_space<vmem>> -> memref<128x64xf32, #tpu.memory_space<vmem>>
      %dma_wait3A_144 = arith.constant 0 : i32
      %dma_wait3A_145 = tpu.memref_slice %arg20[%add3A_31, %dma_wait3A_144] : memref<10240x64xf32, #tpu.memory_space<vmem_shared>> -> memref<128x64xf32, #tpu.memory_space<vmem_shared>>
      %dma_wait3A_146 = arith.constant 0 : i32
      %dma_wait3A_147 = tpu.memref_slice %arg20[%add3A_31, %dma_wait3A_146] : memref<10240x64xf32, #tpu.memory_space<vmem_shared>> -> memref<128x64xf32, #tpu.memory_space<vmem_shared>>
      %dma_wait3A_148 = arith.constant 0 : i32
      %dma_wait3A_149 = arith.constant 0 : i32
      %dma_wait3A_150 = tpu.memref_slice %arg13[%dma_wait3A_148, %dma_wait3A_149] : memref<256x64xf32, #tpu.memory_space<vmem>> -> memref<128x64xf32, #tpu.memory_space<vmem>>
      tpu.wait_dma2 semaphore(%run_scoped3A_130 : memref<!tpu.dma_semaphore, #tpu.memory_space<semaphore_mem>>) src(%dma_wait3A_150 : memref<128x64xf32, #tpu.memory_space<vmem>>) dst(%dma_wait3A_147 : memref<128x64xf32, #tpu.memory_space<vmem_shared>>)
      tpu.yield
    }) : () -> ()
    %add3A_32 = arith.constant 512 : i32
    %add3A_33 = arith.addi %mul3A_21, %add3A_32 : i32
    "tpu.region"() ({
      %run_scoped3A_130 = tpu.sem_alloc : memref<!tpu.dma_semaphore, #tpu.memory_space<semaphore_mem>>
      %dma_start3A_131 = arith.constant 0 : i32
      %dma_start3A_132 = arith.constant 0 : i32
      %dma_start3A_133 = tpu.memref_slice %arg12[%dma_start3A_131, %dma_start3A_132] : memref<256x16xf32, #tpu.memory_space<vmem>> -> memref<128x16xf32, #tpu.memory_space<vmem>>
      %dma_start3A_134 = arith.constant 0 : i32
      %dma_start3A_135 = tpu.memref_slice %arg21[%add3A_33, %dma_start3A_134] : memref<10240x16xf32, #tpu.memory_space<vmem_shared>> -> memref<128x16xf32, #tpu.memory_space<vmem_shared>>
      %dma_start3A_136 = arith.constant 0 : i32
      %dma_start3A_137 = tpu.memref_slice %arg21[%add3A_33, %dma_start3A_136] : memref<10240x16xf32, #tpu.memory_space<vmem_shared>> -> memref<128x16xf32, #tpu.memory_space<vmem_shared>>
      %dma_start3A_138 = arith.constant 0 : i32
      %dma_start3A_139 = arith.constant 0 : i32
      %dma_start3A_140 = tpu.memref_slice %arg12[%dma_start3A_138, %dma_start3A_139] : memref<256x16xf32, #tpu.memory_space<vmem>> -> memref<128x16xf32, #tpu.memory_space<vmem>>
      tpu.enqueue_dma source(%dma_start3A_140 : memref<128x16xf32, #tpu.memory_space<vmem>>) target(%dma_start3A_137 : memref<128x16xf32, #tpu.memory_space<vmem_shared>>) target_semaphore(%run_scoped3A_130 : memref<!tpu.dma_semaphore, #tpu.memory_space<semaphore_mem>>)
      %dma_wait3A_141 = arith.constant 0 : i32
      %dma_wait3A_142 = arith.constant 0 : i32
      %dma_wait3A_143 = tpu.memref_slice %arg12[%dma_wait3A_141, %dma_wait3A_142] : memref<256x16xf32, #tpu.memory_space<vmem>> -> memref<128x16xf32, #tpu.memory_space<vmem>>
      %dma_wait3A_144 = arith.constant 0 : i32
      %dma_wait3A_145 = tpu.memref_slice %arg21[%add3A_33, %dma_wait3A_144] : memref<10240x16xf32, #tpu.memory_space<vmem_shared>> -> memref<128x16xf32, #tpu.memory_space<vmem_shared>>
      %dma_wait3A_146 = arith.constant 0 : i32
      %dma_wait3A_147 = tpu.memref_slice %arg21[%add3A_33, %dma_wait3A_146] : memref<10240x16xf32, #tpu.memory_space<vmem_shared>> -> memref<128x16xf32, #tpu.memory_space<vmem_shared>>
      %dma_wait3A_148 = arith.constant 0 : i32
      %dma_wait3A_149 = arith.constant 0 : i32
      %dma_wait3A_150 = tpu.memref_slice %arg12[%dma_wait3A_148, %dma_wait3A_149] : memref<256x16xf32, #tpu.memory_space<vmem>> -> memref<128x16xf32, #tpu.memory_space<vmem>>
      tpu.wait_dma2 semaphore(%run_scoped3A_130 : memref<!tpu.dma_semaphore, #tpu.memory_space<semaphore_mem>>) src(%dma_wait3A_150 : memref<128x16xf32, #tpu.memory_space<vmem>>) dst(%dma_wait3A_147 : memref<128x16xf32, #tpu.memory_space<vmem_shared>>)
      tpu.yield
    }) : () -> ()
    %barrier3A = arith.constant 0 : index
    tpu.barrier barrier_id(%barrier3A)
    %add3A_34 = arith.constant 0 : i32
    %add3A_35 = arith.addi %mul3A_2, %add3A_34 : i32
    %add3A_36 = arith.constant 0 : i32
    %add3A_37 = arith.addi %add3A_35, %add3A_36 : i32
    %run_scoped3A = arith.constant 0 : i32
    "tpu.region"() ({
      %run_scoped3A_130 = tpu.sem_alloc : memref<!tpu.dma_semaphore, #tpu.memory_space<semaphore_mem>>
      %dma_start3A_131 = arith.constant 0 : i32
      %dma_start3A_132 = tpu.memref_slice %arg8[%run_scoped3A, %dma_start3A_131] : memref<2x128xi32, #tpu.memory_space<vmem>> -> memref<1x128xi32, #tpu.memory_space<vmem>>
      %dma_start3A_133 = tpu.memref_squeeze %dma_start3A_132 : memref<1x128xi32, #tpu.memory_space<vmem>> -> memref<128xi32, #tpu.memory_space<vmem>>
      %dma_start3A_134 = tpu.memref_slice %arg2[%add3A_37] : memref<327680xi32, #tpu.memory_space<hbm>> -> memref<128xi32, #tpu.memory_space<hbm>>
      %dma_start3A_135 = arith.constant 0 : i32
      %dma_start3A_136 = tpu.memref_slice %arg8[%run_scoped3A, %dma_start3A_135] : memref<2x128xi32, #tpu.memory_space<vmem>> -> memref<1x128xi32, #tpu.memory_space<vmem>>
      %dma_start3A_137 = tpu.memref_squeeze %dma_start3A_136 : memref<1x128xi32, #tpu.memory_space<vmem>> -> memref<128xi32, #tpu.memory_space<vmem>>
      %dma_start3A_138 = tpu.memref_slice %arg2[%add3A_37] : memref<327680xi32, #tpu.memory_space<hbm>> -> memref<128xi32, #tpu.memory_space<hbm>>
      tpu.enqueue_dma source(%dma_start3A_138 : memref<128xi32, #tpu.memory_space<hbm>>) target(%dma_start3A_137 : memref<128xi32, #tpu.memory_space<vmem>>) target_semaphore(%run_scoped3A_130 : memref<!tpu.dma_semaphore, #tpu.memory_space<semaphore_mem>>)
      %dma_wait3A_139 = arith.constant 0 : i32
      %dma_wait3A_140 = tpu.memref_slice %arg8[%run_scoped3A, %dma_wait3A_139] : memref<2x128xi32, #tpu.memory_space<vmem>> -> memref<1x128xi32, #tpu.memory_space<vmem>>
      %dma_wait3A_141 = tpu.memref_squeeze %dma_wait3A_140 : memref<1x128xi32, #tpu.memory_space<vmem>> -> memref<128xi32, #tpu.memory_space<vmem>>
      %dma_wait3A_142 = tpu.memref_slice %arg2[%add3A_37] : memref<327680xi32, #tpu.memory_space<hbm>> -> memref<128xi32, #tpu.memory_space<hbm>>
      %dma_wait3A_143 = arith.constant 0 : i32
      %dma_wait3A_144 = tpu.memref_slice %arg8[%run_scoped3A, %dma_wait3A_143] : memref<2x128xi32, #tpu.memory_space<vmem>> -> memref<1x128xi32, #tpu.memory_space<vmem>>
      %dma_wait3A_145 = tpu.memref_squeeze %dma_wait3A_144 : memref<1x128xi32, #tpu.memory_space<vmem>> -> memref<128xi32, #tpu.memory_space<vmem>>
      %dma_wait3A_146 = tpu.memref_slice %arg2[%add3A_37] : memref<327680xi32, #tpu.memory_space<hbm>> -> memref<128xi32, #tpu.memory_space<hbm>>
      tpu.wait_dma2 semaphore(%run_scoped3A_130 : memref<!tpu.dma_semaphore, #tpu.memory_space<semaphore_mem>>) src(%dma_wait3A_146 : memref<128xi32, #tpu.memory_space<hbm>>) dst(%dma_wait3A_145 : memref<128xi32, #tpu.memory_space<vmem>>)
      tpu.yield
    }) : () -> ()
    %run_scoped3A_38 = arith.constant 0 : i32
    "tpu.region"() ({
      %run_scoped3A_130 = tpu.sem_alloc : memref<!tpu.dma_semaphore, #tpu.memory_space<semaphore_mem>>
      %dma_start3A_131 = arith.constant 0 : i32
      %dma_start3A_132 = tpu.memref_slice %arg9[%run_scoped3A_38, %dma_start3A_131] : memref<2x128xi32, #tpu.memory_space<vmem>> -> memref<1x128xi32, #tpu.memory_space<vmem>>
      %dma_start3A_133 = tpu.memref_squeeze %dma_start3A_132 : memref<1x128xi32, #tpu.memory_space<vmem>> -> memref<128xi32, #tpu.memory_space<vmem>>
      %dma_start3A_134 = tpu.memref_slice %arg3[%add3A_37] : memref<327680xi32, #tpu.memory_space<hbm>> -> memref<128xi32, #tpu.memory_space<hbm>>
      %dma_start3A_135 = arith.constant 0 : i32
      %dma_start3A_136 = tpu.memref_slice %arg9[%run_scoped3A_38, %dma_start3A_135] : memref<2x128xi32, #tpu.memory_space<vmem>> -> memref<1x128xi32, #tpu.memory_space<vmem>>
      %dma_start3A_137 = tpu.memref_squeeze %dma_start3A_136 : memref<1x128xi32, #tpu.memory_space<vmem>> -> memref<128xi32, #tpu.memory_space<vmem>>
      %dma_start3A_138 = tpu.memref_slice %arg3[%add3A_37] : memref<327680xi32, #tpu.memory_space<hbm>> -> memref<128xi32, #tpu.memory_space<hbm>>
      tpu.enqueue_dma source(%dma_start3A_138 : memref<128xi32, #tpu.memory_space<hbm>>) target(%dma_start3A_137 : memref<128xi32, #tpu.memory_space<vmem>>) target_semaphore(%run_scoped3A_130 : memref<!tpu.dma_semaphore, #tpu.memory_space<semaphore_mem>>)
      %dma_wait3A_139 = arith.constant 0 : i32
      %dma_wait3A_140 = tpu.memref_slice %arg9[%run_scoped3A_38, %dma_wait3A_139] : memref<2x128xi32, #tpu.memory_space<vmem>> -> memref<1x128xi32, #tpu.memory_space<vmem>>
      %dma_wait3A_141 = tpu.memref_squeeze %dma_wait3A_140 : memref<1x128xi32, #tpu.memory_space<vmem>> -> memref<128xi32, #tpu.memory_space<vmem>>
      %dma_wait3A_142 = tpu.memref_slice %arg3[%add3A_37] : memref<327680xi32, #tpu.memory_space<hbm>> -> memref<128xi32, #tpu.memory_space<hbm>>
      %dma_wait3A_143 = arith.constant 0 : i32
      %dma_wait3A_144 = tpu.memref_slice %arg9[%run_scoped3A_38, %dma_wait3A_143] : memref<2x128xi32, #tpu.memory_space<vmem>> -> memref<1x128xi32, #tpu.memory_space<vmem>>
      %dma_wait3A_145 = tpu.memref_squeeze %dma_wait3A_144 : memref<1x128xi32, #tpu.memory_space<vmem>> -> memref<128xi32, #tpu.memory_space<vmem>>
      %dma_wait3A_146 = tpu.memref_slice %arg3[%add3A_37] : memref<327680xi32, #tpu.memory_space<hbm>> -> memref<128xi32, #tpu.memory_space<hbm>>
      tpu.wait_dma2 semaphore(%run_scoped3A_130 : memref<!tpu.dma_semaphore, #tpu.memory_space<semaphore_mem>>) src(%dma_wait3A_146 : memref<128xi32, #tpu.memory_space<hbm>>) dst(%dma_wait3A_145 : memref<128xi32, #tpu.memory_space<vmem>>)
      tpu.yield
    }) : () -> ()
    %add3A_39 = arith.constant 0 : i32
    %add3A_40 = arith.addi %mul3A_2, %add3A_39 : i32
    %add3A_41 = arith.constant 128 : i32
    %add3A_42 = arith.addi %add3A_40, %add3A_41 : i32
    %run_scoped3A_43 = arith.constant 1 : i32
    "tpu.region"() ({
      %run_scoped3A_130 = tpu.sem_alloc : memref<!tpu.dma_semaphore, #tpu.memory_space<semaphore_mem>>
      %dma_start3A_131 = arith.constant 0 : i32
      %dma_start3A_132 = tpu.memref_slice %arg8[%run_scoped3A_43, %dma_start3A_131] : memref<2x128xi32, #tpu.memory_space<vmem>> -> memref<1x128xi32, #tpu.memory_space<vmem>>
      %dma_start3A_133 = tpu.memref_squeeze %dma_start3A_132 : memref<1x128xi32, #tpu.memory_space<vmem>> -> memref<128xi32, #tpu.memory_space<vmem>>
      %dma_start3A_134 = tpu.memref_slice %arg2[%add3A_42] : memref<327680xi32, #tpu.memory_space<hbm>> -> memref<128xi32, #tpu.memory_space<hbm>>
      %dma_start3A_135 = arith.constant 0 : i32
      %dma_start3A_136 = tpu.memref_slice %arg8[%run_scoped3A_43, %dma_start3A_135] : memref<2x128xi32, #tpu.memory_space<vmem>> -> memref<1x128xi32, #tpu.memory_space<vmem>>
      %dma_start3A_137 = tpu.memref_squeeze %dma_start3A_136 : memref<1x128xi32, #tpu.memory_space<vmem>> -> memref<128xi32, #tpu.memory_space<vmem>>
      %dma_start3A_138 = tpu.memref_slice %arg2[%add3A_42] : memref<327680xi32, #tpu.memory_space<hbm>> -> memref<128xi32, #tpu.memory_space<hbm>>
      tpu.enqueue_dma source(%dma_start3A_138 : memref<128xi32, #tpu.memory_space<hbm>>) target(%dma_start3A_137 : memref<128xi32, #tpu.memory_space<vmem>>) target_semaphore(%run_scoped3A_130 : memref<!tpu.dma_semaphore, #tpu.memory_space<semaphore_mem>>)
      %dma_wait3A_139 = arith.constant 0 : i32
      %dma_wait3A_140 = tpu.memref_slice %arg8[%run_scoped3A_43, %dma_wait3A_139] : memref<2x128xi32, #tpu.memory_space<vmem>> -> memref<1x128xi32, #tpu.memory_space<vmem>>
      %dma_wait3A_141 = tpu.memref_squeeze %dma_wait3A_140 : memref<1x128xi32, #tpu.memory_space<vmem>> -> memref<128xi32, #tpu.memory_space<vmem>>
      %dma_wait3A_142 = tpu.memref_slice %arg2[%add3A_42] : memref<327680xi32, #tpu.memory_space<hbm>> -> memref<128xi32, #tpu.memory_space<hbm>>
      %dma_wait3A_143 = arith.constant 0 : i32
      %dma_wait3A_144 = tpu.memref_slice %arg8[%run_scoped3A_43, %dma_wait3A_143] : memref<2x128xi32, #tpu.memory_space<vmem>> -> memref<1x128xi32, #tpu.memory_space<vmem>>
      %dma_wait3A_145 = tpu.memref_squeeze %dma_wait3A_144 : memref<1x128xi32, #tpu.memory_space<vmem>> -> memref<128xi32, #tpu.memory_space<vmem>>
      %dma_wait3A_146 = tpu.memref_slice %arg2[%add3A_42] : memref<327680xi32, #tpu.memory_space<hbm>> -> memref<128xi32, #tpu.memory_space<hbm>>
      tpu.wait_dma2 semaphore(%run_scoped3A_130 : memref<!tpu.dma_semaphore, #tpu.memory_space<semaphore_mem>>) src(%dma_wait3A_146 : memref<128xi32, #tpu.memory_space<hbm>>) dst(%dma_wait3A_145 : memref<128xi32, #tpu.memory_space<vmem>>)
      tpu.yield
    }) : () -> ()
    %run_scoped3A_44 = arith.constant 1 : i32
    "tpu.region"() ({
      %run_scoped3A_130 = tpu.sem_alloc : memref<!tpu.dma_semaphore, #tpu.memory_space<semaphore_mem>>
      %dma_start3A_131 = arith.constant 0 : i32
      %dma_start3A_132 = tpu.memref_slice %arg9[%run_scoped3A_44, %dma_start3A_131] : memref<2x128xi32, #tpu.memory_space<vmem>> -> memref<1x128xi32, #tpu.memory_space<vmem>>
      %dma_start3A_133 = tpu.memref_squeeze %dma_start3A_132 : memref<1x128xi32, #tpu.memory_space<vmem>> -> memref<128xi32, #tpu.memory_space<vmem>>
      %dma_start3A_134 = tpu.memref_slice %arg3[%add3A_42] : memref<327680xi32, #tpu.memory_space<hbm>> -> memref<128xi32, #tpu.memory_space<hbm>>
      %dma_start3A_135 = arith.constant 0 : i32
      %dma_start3A_136 = tpu.memref_slice %arg9[%run_scoped3A_44, %dma_start3A_135] : memref<2x128xi32, #tpu.memory_space<vmem>> -> memref<1x128xi32, #tpu.memory_space<vmem>>
      %dma_start3A_137 = tpu.memref_squeeze %dma_start3A_136 : memref<1x128xi32, #tpu.memory_space<vmem>> -> memref<128xi32, #tpu.memory_space<vmem>>
      %dma_start3A_138 = tpu.memref_slice %arg3[%add3A_42] : memref<327680xi32, #tpu.memory_space<hbm>> -> memref<128xi32, #tpu.memory_space<hbm>>
      tpu.enqueue_dma source(%dma_start3A_138 : memref<128xi32, #tpu.memory_space<hbm>>) target(%dma_start3A_137 : memref<128xi32, #tpu.memory_space<vmem>>) target_semaphore(%run_scoped3A_130 : memref<!tpu.dma_semaphore, #tpu.memory_space<semaphore_mem>>)
      %dma_wait3A_139 = arith.constant 0 : i32
      %dma_wait3A_140 = tpu.memref_slice %arg9[%run_scoped3A_44, %dma_wait3A_139] : memref<2x128xi32, #tpu.memory_space<vmem>> -> memref<1x128xi32, #tpu.memory_space<vmem>>
      %dma_wait3A_141 = tpu.memref_squeeze %dma_wait3A_140 : memref<1x128xi32, #tpu.memory_space<vmem>> -> memref<128xi32, #tpu.memory_space<vmem>>
      %dma_wait3A_142 = tpu.memref_slice %arg3[%add3A_42] : memref<327680xi32, #tpu.memory_space<hbm>> -> memref<128xi32, #tpu.memory_space<hbm>>
      %dma_wait3A_143 = arith.constant 0 : i32
      %dma_wait3A_144 = tpu.memref_slice %arg9[%run_scoped3A_44, %dma_wait3A_143] : memref<2x128xi32, #tpu.memory_space<vmem>> -> memref<1x128xi32, #tpu.memory_space<vmem>>
      %dma_wait3A_145 = tpu.memref_squeeze %dma_wait3A_144 : memref<1x128xi32, #tpu.memory_space<vmem>> -> memref<128xi32, #tpu.memory_space<vmem>>
      %dma_wait3A_146 = tpu.memref_slice %arg3[%add3A_42] : memref<327680xi32, #tpu.memory_space<hbm>> -> memref<128xi32, #tpu.memory_space<hbm>>
      tpu.wait_dma2 semaphore(%run_scoped3A_130 : memref<!tpu.dma_semaphore, #tpu.memory_space<semaphore_mem>>) src(%dma_wait3A_146 : memref<128xi32, #tpu.memory_space<hbm>>) dst(%dma_wait3A_145 : memref<128xi32, #tpu.memory_space<vmem>>)
      tpu.yield
    }) : () -> ()
    %dma_start3A = arith.constant 0 : i32
    %dma_start3A_45 = arith.constant 0 : i32
    %dma_start3A_46 = arith.constant 0 : i32
    %dma_start3A_47 = tpu.memref_slice %arg10[%dma_start3A_45, %dma_start3A_46] : memref<256x80xbf16, #tpu.memory_space<vmem>> -> memref<128x80xbf16, #tpu.memory_space<vmem>>
    %dma_start3A_48 = arith.constant 0 : i32
    %dma_start3A_49 = tpu.memref_slice %arg8[%dma_start3A, %dma_start3A_48] : memref<2x128xi32, #tpu.memory_space<vmem>> -> memref<1x128xi32, #tpu.memory_space<vmem>>
    %dma_start3A_50 = tpu.memref_squeeze %dma_start3A_49 : memref<1x128xi32, #tpu.memory_space<vmem>> -> memref<128xi32, #tpu.memory_space<vmem>>
    %dma_start3A_51 = arith.constant 0 : i32
    %dma_start3A_52 = arith.constant 0 : i32
    %dma_start3A_53 = tpu.memref_slice %arg4[%dma_start3A_51, %dma_start3A_52] : memref<10240x80xbf16, #tpu.memory_space<hbm>> -> memref<10240x80xbf16, #tpu.memory_space<hbm>>
    tpu.enqueue_indirect_dma source(%dma_start3A_53 : memref<10240x80xbf16, #tpu.memory_space<hbm>>) target(%dma_start3A_47 : memref<128x80xbf16, #tpu.memory_space<vmem>>) offsets(%dma_start3A_50 : memref<128xi32, #tpu.memory_space<vmem>>) semaphore(%arg22 : memref<!tpu.dma_semaphore, #tpu.memory_space<semaphore_mem>>)
    %dma_start3A_54 = arith.constant 0 : i32
    %dma_start3A_55 = arith.constant 0 : i32
    %dma_start3A_56 = arith.constant 0 : i32
    %dma_start3A_57 = tpu.memref_slice %arg11[%dma_start3A_55, %dma_start3A_56] : memref<256x16xf32, #tpu.memory_space<vmem>> -> memref<128x16xf32, #tpu.memory_space<vmem>>
    %dma_start3A_58 = arith.constant 0 : i32
    %dma_start3A_59 = tpu.memref_slice %arg9[%dma_start3A_54, %dma_start3A_58] : memref<2x128xi32, #tpu.memory_space<vmem>> -> memref<1x128xi32, #tpu.memory_space<vmem>>
    %dma_start3A_60 = tpu.memref_squeeze %dma_start3A_59 : memref<1x128xi32, #tpu.memory_space<vmem>> -> memref<128xi32, #tpu.memory_space<vmem>>
    %dma_start3A_61 = arith.constant 0 : i32
    %dma_start3A_62 = arith.constant 0 : i32
    %dma_start3A_63 = tpu.memref_slice %arg5[%dma_start3A_61, %dma_start3A_62] : memref<10240x16xf32, #tpu.memory_space<hbm>> -> memref<10240x16xf32, #tpu.memory_space<hbm>>
    tpu.enqueue_indirect_dma source(%dma_start3A_63 : memref<10240x16xf32, #tpu.memory_space<hbm>>) target(%dma_start3A_57 : memref<128x16xf32, #tpu.memory_space<vmem>>) offsets(%dma_start3A_60 : memref<128xi32, #tpu.memory_space<vmem>>) semaphore(%arg22 : memref<!tpu.dma_semaphore, #tpu.memory_space<semaphore_mem>>)
    %dma_start3A_64 = arith.constant 1 : i32
    %dma_start3A_65 = arith.constant 128 : i32
    %dma_start3A_66 = arith.constant 0 : i32
    %dma_start3A_67 = tpu.memref_slice %arg10[%dma_start3A_65, %dma_start3A_66] : memref<256x80xbf16, #tpu.memory_space<vmem>> -> memref<128x80xbf16, #tpu.memory_space<vmem>>
    %dma_start3A_68 = arith.constant 0 : i32
    %dma_start3A_69 = tpu.memref_slice %arg8[%dma_start3A_64, %dma_start3A_68] : memref<2x128xi32, #tpu.memory_space<vmem>> -> memref<1x128xi32, #tpu.memory_space<vmem>>
    %dma_start3A_70 = tpu.memref_squeeze %dma_start3A_69 : memref<1x128xi32, #tpu.memory_space<vmem>> -> memref<128xi32, #tpu.memory_space<vmem>>
    %dma_start3A_71 = arith.constant 0 : i32
    %dma_start3A_72 = arith.constant 0 : i32
    %dma_start3A_73 = tpu.memref_slice %arg4[%dma_start3A_71, %dma_start3A_72] : memref<10240x80xbf16, #tpu.memory_space<hbm>> -> memref<10240x80xbf16, #tpu.memory_space<hbm>>
    tpu.enqueue_indirect_dma source(%dma_start3A_73 : memref<10240x80xbf16, #tpu.memory_space<hbm>>) target(%dma_start3A_67 : memref<128x80xbf16, #tpu.memory_space<vmem>>) offsets(%dma_start3A_70 : memref<128xi32, #tpu.memory_space<vmem>>) semaphore(%arg22 : memref<!tpu.dma_semaphore, #tpu.memory_space<semaphore_mem>>)
    %dma_start3A_74 = arith.constant 1 : i32
    %dma_start3A_75 = arith.constant 128 : i32
    %dma_start3A_76 = arith.constant 0 : i32
    %dma_start3A_77 = tpu.memref_slice %arg11[%dma_start3A_75, %dma_start3A_76] : memref<256x16xf32, #tpu.memory_space<vmem>> -> memref<128x16xf32, #tpu.memory_space<vmem>>
    %dma_start3A_78 = arith.constant 0 : i32
    %dma_start3A_79 = tpu.memref_slice %arg9[%dma_start3A_74, %dma_start3A_78] : memref<2x128xi32, #tpu.memory_space<vmem>> -> memref<1x128xi32, #tpu.memory_space<vmem>>
    %dma_start3A_80 = tpu.memref_squeeze %dma_start3A_79 : memref<1x128xi32, #tpu.memory_space<vmem>> -> memref<128xi32, #tpu.memory_space<vmem>>
    %dma_start3A_81 = arith.constant 0 : i32
    %dma_start3A_82 = arith.constant 0 : i32
    %dma_start3A_83 = tpu.memref_slice %arg5[%dma_start3A_81, %dma_start3A_82] : memref<10240x16xf32, #tpu.memory_space<hbm>> -> memref<10240x16xf32, #tpu.memory_space<hbm>>
    tpu.enqueue_indirect_dma source(%dma_start3A_83 : memref<10240x16xf32, #tpu.memory_space<hbm>>) target(%dma_start3A_77 : memref<128x16xf32, #tpu.memory_space<vmem>>) offsets(%dma_start3A_80 : memref<128xi32, #tpu.memory_space<vmem>>) semaphore(%arg22 : memref<!tpu.dma_semaphore, #tpu.memory_space<semaphore_mem>>)
    %scan3A = arith.constant 0 : i32
    %scan3A_84 = arith.constant 0 : i32
    %scan3A_85 = arith.constant 20 : i32
    %scan3A_86 = arith.addi %scan3A_84, %scan3A_85 : i32
    %scan3A_87 = arith.constant 1 : i32
    %scan3A_88 = scf.for %scan3A_130 = %scan3A_84 to %scan3A_86 step %scan3A_87 iter_args(%scan3A_131 = %scan3A) -> (i32)  : i32 {
      %mul3A_132 = arith.constant 2 : i32
      %mul3A_133 = arith.muli %mul3A_132, %scan3A_130 : i32
      %add3A_134 = arith.constant 0 : i32
      %add3A_135 = arith.addi %mul3A_133, %add3A_134 : i32
      %ge3A = arith.constant 1 : i32
      %ge3A_136 = arith.cmpi sge, %add3A_135, %ge3A : i32
      %convert_element_type3A = arith.extui %ge3A_136 : i1 to i32
      %cond3A = arith.constant 0 : i32
      %cond3A_137 = arith.cmpi ne, %convert_element_type3A, %cond3A : i32
      scf.if %cond3A_137 {
        %dma_wait3A_327 = arith.constant 0 : i32
        %dma_wait3A_328 = arith.constant 0 : i32
        %dma_wait3A_329 = arith.constant 0 : i32
        %dma_wait3A_330 = tpu.memref_slice %arg19[%dma_wait3A_328, %dma_wait3A_329] : memref<256x64xf32, #tpu.memory_space<vmem>> -> memref<128x64xf32, #tpu.memory_space<vmem>>
        %dma_wait3A_331 = arith.constant 0 : i32
        %dma_wait3A_332 = tpu.memref_slice %arg15[%dma_wait3A_327, %dma_wait3A_331] : memref<2x128xi32, #tpu.memory_space<vmem>> -> memref<1x128xi32, #tpu.memory_space<vmem>>
        %dma_wait3A_333 = tpu.memref_squeeze %dma_wait3A_332 : memref<1x128xi32, #tpu.memory_space<vmem>> -> memref<128xi32, #tpu.memory_space<vmem>>
        %dma_wait3A_334 = arith.constant 0 : i32
        %dma_wait3A_335 = arith.constant 0 : i32
        %dma_wait3A_336 = tpu.memref_slice %arg20[%dma_wait3A_334, %dma_wait3A_335] : memref<10240x64xf32, #tpu.memory_space<vmem_shared>> -> memref<10240x64xf32, #tpu.memory_space<vmem_shared>>
        tpu.wait_indirect_dma semaphore(%arg25 : memref<!tpu.dma_semaphore, #tpu.memory_space<semaphore_mem>>) src(%dma_wait3A_330 : memref<128x64xf32, #tpu.memory_space<vmem>>) dst(%dma_wait3A_336 : memref<10240x64xf32, #tpu.memory_space<vmem_shared>>)
        %dma_wait3A_337 = arith.constant 0 : i32
        %dma_wait3A_338 = arith.constant 0 : i32
        %dma_wait3A_339 = arith.constant 0 : i32
        %dma_wait3A_340 = tpu.memref_slice %arg18[%dma_wait3A_338, %dma_wait3A_339] : memref<256x16xf32, #tpu.memory_space<vmem>> -> memref<128x16xf32, #tpu.memory_space<vmem>>
        %dma_wait3A_341 = arith.constant 0 : i32
        %dma_wait3A_342 = tpu.memref_slice %arg15[%dma_wait3A_337, %dma_wait3A_341] : memref<2x128xi32, #tpu.memory_space<vmem>> -> memref<1x128xi32, #tpu.memory_space<vmem>>
        %dma_wait3A_343 = tpu.memref_squeeze %dma_wait3A_342 : memref<1x128xi32, #tpu.memory_space<vmem>> -> memref<128xi32, #tpu.memory_space<vmem>>
        %dma_wait3A_344 = arith.constant 0 : i32
        %dma_wait3A_345 = arith.constant 0 : i32
        %dma_wait3A_346 = tpu.memref_slice %arg21[%dma_wait3A_344, %dma_wait3A_345] : memref<10240x16xf32, #tpu.memory_space<vmem_shared>> -> memref<10240x16xf32, #tpu.memory_space<vmem_shared>>
        tpu.wait_indirect_dma semaphore(%arg25 : memref<!tpu.dma_semaphore, #tpu.memory_space<semaphore_mem>>) src(%dma_wait3A_340 : memref<128x16xf32, #tpu.memory_space<vmem>>) dst(%dma_wait3A_346 : memref<10240x16xf32, #tpu.memory_space<vmem_shared>>)
        %dma_wait3A_347 = arith.constant 1 : i32
        %dma_wait3A_348 = arith.constant 128 : i32
        %dma_wait3A_349 = arith.constant 0 : i32
        %dma_wait3A_350 = tpu.memref_slice %arg19[%dma_wait3A_348, %dma_wait3A_349] : memref<256x64xf32, #tpu.memory_space<vmem>> -> memref<128x64xf32, #tpu.memory_space<vmem>>
        %dma_wait3A_351 = arith.constant 0 : i32
        %dma_wait3A_352 = tpu.memref_slice %arg15[%dma_wait3A_347, %dma_wait3A_351] : memref<2x128xi32, #tpu.memory_space<vmem>> -> memref<1x128xi32, #tpu.memory_space<vmem>>
        %dma_wait3A_353 = tpu.memref_squeeze %dma_wait3A_352 : memref<1x128xi32, #tpu.memory_space<vmem>> -> memref<128xi32, #tpu.memory_space<vmem>>
        %dma_wait3A_354 = arith.constant 0 : i32
        %dma_wait3A_355 = arith.constant 0 : i32
        %dma_wait3A_356 = tpu.memref_slice %arg20[%dma_wait3A_354, %dma_wait3A_355] : memref<10240x64xf32, #tpu.memory_space<vmem_shared>> -> memref<10240x64xf32, #tpu.memory_space<vmem_shared>>
        tpu.wait_indirect_dma semaphore(%arg25 : memref<!tpu.dma_semaphore, #tpu.memory_space<semaphore_mem>>) src(%dma_wait3A_350 : memref<128x64xf32, #tpu.memory_space<vmem>>) dst(%dma_wait3A_356 : memref<10240x64xf32, #tpu.memory_space<vmem_shared>>)
        %dma_wait3A_357 = arith.constant 1 : i32
        %dma_wait3A_358 = arith.constant 128 : i32
        %dma_wait3A_359 = arith.constant 0 : i32
        %dma_wait3A_360 = tpu.memref_slice %arg18[%dma_wait3A_358, %dma_wait3A_359] : memref<256x16xf32, #tpu.memory_space<vmem>> -> memref<128x16xf32, #tpu.memory_space<vmem>>
        %dma_wait3A_361 = arith.constant 0 : i32
        %dma_wait3A_362 = tpu.memref_slice %arg15[%dma_wait3A_357, %dma_wait3A_361] : memref<2x128xi32, #tpu.memory_space<vmem>> -> memref<1x128xi32, #tpu.memory_space<vmem>>
        %dma_wait3A_363 = tpu.memref_squeeze %dma_wait3A_362 : memref<1x128xi32, #tpu.memory_space<vmem>> -> memref<128xi32, #tpu.memory_space<vmem>>
        %dma_wait3A_364 = arith.constant 0 : i32
        %dma_wait3A_365 = arith.constant 0 : i32
        %dma_wait3A_366 = tpu.memref_slice %arg21[%dma_wait3A_364, %dma_wait3A_365] : memref<10240x16xf32, #tpu.memory_space<vmem_shared>> -> memref<10240x16xf32, #tpu.memory_space<vmem_shared>>
        tpu.wait_indirect_dma semaphore(%arg25 : memref<!tpu.dma_semaphore, #tpu.memory_space<semaphore_mem>>) src(%dma_wait3A_360 : memref<128x16xf32, #tpu.memory_space<vmem>>) dst(%dma_wait3A_366 : memref<10240x16xf32, #tpu.memory_space<vmem_shared>>)
      } else {
      }
      %add3A_138 = arith.constant 1 : i32
      %add3A_139 = arith.addi %add3A_135, %add3A_138 : i32
      %lt3A = arith.constant 40 : i32
      %lt3A_140 = arith.cmpi slt, %add3A_139, %lt3A : i32
      %convert_element_type3A_141 = arith.extui %lt3A_140 : i1 to i32
      %cond3A_142 = arith.constant 0 : i32
      %cond3A_143 = arith.cmpi ne, %convert_element_type3A_141, %cond3A_142 : i32
      scf.if %cond3A_143 {
        %add3A_327 = arith.constant 1 : i32
        %add3A_328 = arith.addi %add3A_135, %add3A_327 : i32
        %mul3A_329 = arith.constant 256 : i32
        %mul3A_330 = arith.muli %add3A_328, %mul3A_329 : i32
        %add3A_331 = arith.addi %mul3A_2, %mul3A_330 : i32
        %add3A_332 = arith.constant 0 : i32
        %add3A_333 = arith.addi %add3A_331, %add3A_332 : i32
        %run_scoped3A_334 = arith.constant 0 : i32
        "tpu.region"() ({
          %run_scoped3A_383 = tpu.sem_alloc : memref<!tpu.dma_semaphore, #tpu.memory_space<semaphore_mem>>
          %dma_start3A_384 = arith.constant 0 : i32
          %dma_start3A_385 = tpu.memref_slice %arg14[%run_scoped3A_334, %dma_start3A_384] : memref<2x128xi32, #tpu.memory_space<vmem>> -> memref<1x128xi32, #tpu.memory_space<vmem>>
          %dma_start3A_386 = tpu.memref_squeeze %dma_start3A_385 : memref<1x128xi32, #tpu.memory_space<vmem>> -> memref<128xi32, #tpu.memory_space<vmem>>
          %dma_start3A_387 = tpu.memref_slice %arg2[%add3A_333] : memref<327680xi32, #tpu.memory_space<hbm>> -> memref<128xi32, #tpu.memory_space<hbm>>
          %dma_start3A_388 = arith.constant 0 : i32
          %dma_start3A_389 = tpu.memref_slice %arg14[%run_scoped3A_334, %dma_start3A_388] : memref<2x128xi32, #tpu.memory_space<vmem>> -> memref<1x128xi32, #tpu.memory_space<vmem>>
          %dma_start3A_390 = tpu.memref_squeeze %dma_start3A_389 : memref<1x128xi32, #tpu.memory_space<vmem>> -> memref<128xi32, #tpu.memory_space<vmem>>
          %dma_start3A_391 = tpu.memref_slice %arg2[%add3A_333] : memref<327680xi32, #tpu.memory_space<hbm>> -> memref<128xi32, #tpu.memory_space<hbm>>
          tpu.enqueue_dma source(%dma_start3A_391 : memref<128xi32, #tpu.memory_space<hbm>>) target(%dma_start3A_390 : memref<128xi32, #tpu.memory_space<vmem>>) target_semaphore(%run_scoped3A_383 : memref<!tpu.dma_semaphore, #tpu.memory_space<semaphore_mem>>)
          %dma_wait3A_392 = arith.constant 0 : i32
          %dma_wait3A_393 = tpu.memref_slice %arg14[%run_scoped3A_334, %dma_wait3A_392] : memref<2x128xi32, #tpu.memory_space<vmem>> -> memref<1x128xi32, #tpu.memory_space<vmem>>
          %dma_wait3A_394 = tpu.memref_squeeze %dma_wait3A_393 : memref<1x128xi32, #tpu.memory_space<vmem>> -> memref<128xi32, #tpu.memory_space<vmem>>
          %dma_wait3A_395 = tpu.memref_slice %arg2[%add3A_333] : memref<327680xi32, #tpu.memory_space<hbm>> -> memref<128xi32, #tpu.memory_space<hbm>>
          %dma_wait3A_396 = arith.constant 0 : i32
          %dma_wait3A_397 = tpu.memref_slice %arg14[%run_scoped3A_334, %dma_wait3A_396] : memref<2x128xi32, #tpu.memory_space<vmem>> -> memref<1x128xi32, #tpu.memory_space<vmem>>
          %dma_wait3A_398 = tpu.memref_squeeze %dma_wait3A_397 : memref<1x128xi32, #tpu.memory_space<vmem>> -> memref<128xi32, #tpu.memory_space<vmem>>
          %dma_wait3A_399 = tpu.memref_slice %arg2[%add3A_333] : memref<327680xi32, #tpu.memory_space<hbm>> -> memref<128xi32, #tpu.memory_space<hbm>>
          tpu.wait_dma2 semaphore(%run_scoped3A_383 : memref<!tpu.dma_semaphore, #tpu.memory_space<semaphore_mem>>) src(%dma_wait3A_399 : memref<128xi32, #tpu.memory_space<hbm>>) dst(%dma_wait3A_398 : memref<128xi32, #tpu.memory_space<vmem>>)
          tpu.yield
        }) : () -> ()
        %run_scoped3A_335 = arith.constant 0 : i32
        "tpu.region"() ({
          %run_scoped3A_383 = tpu.sem_alloc : memref<!tpu.dma_semaphore, #tpu.memory_space<semaphore_mem>>
          %dma_start3A_384 = arith.constant 0 : i32
          %dma_start3A_385 = tpu.memref_slice %arg15[%run_scoped3A_335, %dma_start3A_384] : memref<2x128xi32, #tpu.memory_space<vmem>> -> memref<1x128xi32, #tpu.memory_space<vmem>>
          %dma_start3A_386 = tpu.memref_squeeze %dma_start3A_385 : memref<1x128xi32, #tpu.memory_space<vmem>> -> memref<128xi32, #tpu.memory_space<vmem>>
          %dma_start3A_387 = tpu.memref_slice %arg3[%add3A_333] : memref<327680xi32, #tpu.memory_space<hbm>> -> memref<128xi32, #tpu.memory_space<hbm>>
          %dma_start3A_388 = arith.constant 0 : i32
          %dma_start3A_389 = tpu.memref_slice %arg15[%run_scoped3A_335, %dma_start3A_388] : memref<2x128xi32, #tpu.memory_space<vmem>> -> memref<1x128xi32, #tpu.memory_space<vmem>>
          %dma_start3A_390 = tpu.memref_squeeze %dma_start3A_389 : memref<1x128xi32, #tpu.memory_space<vmem>> -> memref<128xi32, #tpu.memory_space<vmem>>
          %dma_start3A_391 = tpu.memref_slice %arg3[%add3A_333] : memref<327680xi32, #tpu.memory_space<hbm>> -> memref<128xi32, #tpu.memory_space<hbm>>
          tpu.enqueue_dma source(%dma_start3A_391 : memref<128xi32, #tpu.memory_space<hbm>>) target(%dma_start3A_390 : memref<128xi32, #tpu.memory_space<vmem>>) target_semaphore(%run_scoped3A_383 : memref<!tpu.dma_semaphore, #tpu.memory_space<semaphore_mem>>)
          %dma_wait3A_392 = arith.constant 0 : i32
          %dma_wait3A_393 = tpu.memref_slice %arg15[%run_scoped3A_335, %dma_wait3A_392] : memref<2x128xi32, #tpu.memory_space<vmem>> -> memref<1x128xi32, #tpu.memory_space<vmem>>
          %dma_wait3A_394 = tpu.memref_squeeze %dma_wait3A_393 : memref<1x128xi32, #tpu.memory_space<vmem>> -> memref<128xi32, #tpu.memory_space<vmem>>
          %dma_wait3A_395 = tpu.memref_slice %arg3[%add3A_333] : memref<327680xi32, #tpu.memory_space<hbm>> -> memref<128xi32, #tpu.memory_space<hbm>>
          %dma_wait3A_396 = arith.constant 0 : i32
          %dma_wait3A_397 = tpu.memref_slice %arg15[%run_scoped3A_335, %dma_wait3A_396] : memref<2x128xi32, #tpu.memory_space<vmem>> -> memref<1x128xi32, #tpu.memory_space<vmem>>
          %dma_wait3A_398 = tpu.memref_squeeze %dma_wait3A_397 : memref<1x128xi32, #tpu.memory_space<vmem>> -> memref<128xi32, #tpu.memory_space<vmem>>
          %dma_wait3A_399 = tpu.memref_slice %arg3[%add3A_333] : memref<327680xi32, #tpu.memory_space<hbm>> -> memref<128xi32, #tpu.memory_space<hbm>>
          tpu.wait_dma2 semaphore(%run_scoped3A_383 : memref<!tpu.dma_semaphore, #tpu.memory_space<semaphore_mem>>) src(%dma_wait3A_399 : memref<128xi32, #tpu.memory_space<hbm>>) dst(%dma_wait3A_398 : memref<128xi32, #tpu.memory_space<vmem>>)
          tpu.yield
        }) : () -> ()
        %mul3A_336 = arith.constant 256 : i32
        %mul3A_337 = arith.muli %add3A_328, %mul3A_336 : i32
        %add3A_338 = arith.addi %mul3A_2, %mul3A_337 : i32
        %add3A_339 = arith.constant 128 : i32
        %add3A_340 = arith.addi %add3A_338, %add3A_339 : i32
        %run_scoped3A_341 = arith.constant 1 : i32
        "tpu.region"() ({
          %run_scoped3A_383 = tpu.sem_alloc : memref<!tpu.dma_semaphore, #tpu.memory_space<semaphore_mem>>
          %dma_start3A_384 = arith.constant 0 : i32
          %dma_start3A_385 = tpu.memref_slice %arg14[%run_scoped3A_341, %dma_start3A_384] : memref<2x128xi32, #tpu.memory_space<vmem>> -> memref<1x128xi32, #tpu.memory_space<vmem>>
          %dma_start3A_386 = tpu.memref_squeeze %dma_start3A_385 : memref<1x128xi32, #tpu.memory_space<vmem>> -> memref<128xi32, #tpu.memory_space<vmem>>
          %dma_start3A_387 = tpu.memref_slice %arg2[%add3A_340] : memref<327680xi32, #tpu.memory_space<hbm>> -> memref<128xi32, #tpu.memory_space<hbm>>
          %dma_start3A_388 = arith.constant 0 : i32
          %dma_start3A_389 = tpu.memref_slice %arg14[%run_scoped3A_341, %dma_start3A_388] : memref<2x128xi32, #tpu.memory_space<vmem>> -> memref<1x128xi32, #tpu.memory_space<vmem>>
          %dma_start3A_390 = tpu.memref_squeeze %dma_start3A_389 : memref<1x128xi32, #tpu.memory_space<vmem>> -> memref<128xi32, #tpu.memory_space<vmem>>
          %dma_start3A_391 = tpu.memref_slice %arg2[%add3A_340] : memref<327680xi32, #tpu.memory_space<hbm>> -> memref<128xi32, #tpu.memory_space<hbm>>
          tpu.enqueue_dma source(%dma_start3A_391 : memref<128xi32, #tpu.memory_space<hbm>>) target(%dma_start3A_390 : memref<128xi32, #tpu.memory_space<vmem>>) target_semaphore(%run_scoped3A_383 : memref<!tpu.dma_semaphore, #tpu.memory_space<semaphore_mem>>)
          %dma_wait3A_392 = arith.constant 0 : i32
          %dma_wait3A_393 = tpu.memref_slice %arg14[%run_scoped3A_341, %dma_wait3A_392] : memref<2x128xi32, #tpu.memory_space<vmem>> -> memref<1x128xi32, #tpu.memory_space<vmem>>
          %dma_wait3A_394 = tpu.memref_squeeze %dma_wait3A_393 : memref<1x128xi32, #tpu.memory_space<vmem>> -> memref<128xi32, #tpu.memory_space<vmem>>
          %dma_wait3A_395 = tpu.memref_slice %arg2[%add3A_340] : memref<327680xi32, #tpu.memory_space<hbm>> -> memref<128xi32, #tpu.memory_space<hbm>>
          %dma_wait3A_396 = arith.constant 0 : i32
          %dma_wait3A_397 = tpu.memref_slice %arg14[%run_scoped3A_341, %dma_wait3A_396] : memref<2x128xi32, #tpu.memory_space<vmem>> -> memref<1x128xi32, #tpu.memory_space<vmem>>
          %dma_wait3A_398 = tpu.memref_squeeze %dma_wait3A_397 : memref<1x128xi32, #tpu.memory_space<vmem>> -> memref<128xi32, #tpu.memory_space<vmem>>
          %dma_wait3A_399 = tpu.memref_slice %arg2[%add3A_340] : memref<327680xi32, #tpu.memory_space<hbm>> -> memref<128xi32, #tpu.memory_space<hbm>>
          tpu.wait_dma2 semaphore(%run_scoped3A_383 : memref<!tpu.dma_semaphore, #tpu.memory_space<semaphore_mem>>) src(%dma_wait3A_399 : memref<128xi32, #tpu.memory_space<hbm>>) dst(%dma_wait3A_398 : memref<128xi32, #tpu.memory_space<vmem>>)
          tpu.yield
        }) : () -> ()
        %run_scoped3A_342 = arith.constant 1 : i32
        "tpu.region"() ({
          %run_scoped3A_383 = tpu.sem_alloc : memref<!tpu.dma_semaphore, #tpu.memory_space<semaphore_mem>>
          %dma_start3A_384 = arith.constant 0 : i32
          %dma_start3A_385 = tpu.memref_slice %arg15[%run_scoped3A_342, %dma_start3A_384] : memref<2x128xi32, #tpu.memory_space<vmem>> -> memref<1x128xi32, #tpu.memory_space<vmem>>
          %dma_start3A_386 = tpu.memref_squeeze %dma_start3A_385 : memref<1x128xi32, #tpu.memory_space<vmem>> -> memref<128xi32, #tpu.memory_space<vmem>>
          %dma_start3A_387 = tpu.memref_slice %arg3[%add3A_340] : memref<327680xi32, #tpu.memory_space<hbm>> -> memref<128xi32, #tpu.memory_space<hbm>>
          %dma_start3A_388 = arith.constant 0 : i32
          %dma_start3A_389 = tpu.memref_slice %arg15[%run_scoped3A_342, %dma_start3A_388] : memref<2x128xi32, #tpu.memory_space<vmem>> -> memref<1x128xi32, #tpu.memory_space<vmem>>
          %dma_start3A_390 = tpu.memref_squeeze %dma_start3A_389 : memref<1x128xi32, #tpu.memory_space<vmem>> -> memref<128xi32, #tpu.memory_space<vmem>>
          %dma_start3A_391 = tpu.memref_slice %arg3[%add3A_340] : memref<327680xi32, #tpu.memory_space<hbm>> -> memref<128xi32, #tpu.memory_space<hbm>>
          tpu.enqueue_dma source(%dma_start3A_391 : memref<128xi32, #tpu.memory_space<hbm>>) target(%dma_start3A_390 : memref<128xi32, #tpu.memory_space<vmem>>) target_semaphore(%run_scoped3A_383 : memref<!tpu.dma_semaphore, #tpu.memory_space<semaphore_mem>>)
          %dma_wait3A_392 = arith.constant 0 : i32
          %dma_wait3A_393 = tpu.memref_slice %arg15[%run_scoped3A_342, %dma_wait3A_392] : memref<2x128xi32, #tpu.memory_space<vmem>> -> memref<1x128xi32, #tpu.memory_space<vmem>>
          %dma_wait3A_394 = tpu.memref_squeeze %dma_wait3A_393 : memref<1x128xi32, #tpu.memory_space<vmem>> -> memref<128xi32, #tpu.memory_space<vmem>>
          %dma_wait3A_395 = tpu.memref_slice %arg3[%add3A_340] : memref<327680xi32, #tpu.memory_space<hbm>> -> memref<128xi32, #tpu.memory_space<hbm>>
          %dma_wait3A_396 = arith.constant 0 : i32
          %dma_wait3A_397 = tpu.memref_slice %arg15[%run_scoped3A_342, %dma_wait3A_396] : memref<2x128xi32, #tpu.memory_space<vmem>> -> memref<1x128xi32, #tpu.memory_space<vmem>>
          %dma_wait3A_398 = tpu.memref_squeeze %dma_wait3A_397 : memref<1x128xi32, #tpu.memory_space<vmem>> -> memref<128xi32, #tpu.memory_space<vmem>>
          %dma_wait3A_399 = tpu.memref_slice %arg3[%add3A_340] : memref<327680xi32, #tpu.memory_space<hbm>> -> memref<128xi32, #tpu.memory_space<hbm>>
          tpu.wait_dma2 semaphore(%run_scoped3A_383 : memref<!tpu.dma_semaphore, #tpu.memory_space<semaphore_mem>>) src(%dma_wait3A_399 : memref<128xi32, #tpu.memory_space<hbm>>) dst(%dma_wait3A_398 : memref<128xi32, #tpu.memory_space<vmem>>)
          tpu.yield
        }) : () -> ()
        %dma_start3A_343 = arith.constant 0 : i32
        %dma_start3A_344 = arith.constant 0 : i32
        %dma_start3A_345 = arith.constant 0 : i32
        %dma_start3A_346 = tpu.memref_slice %arg16[%dma_start3A_344, %dma_start3A_345] : memref<256x80xbf16, #tpu.memory_space<vmem>> -> memref<128x80xbf16, #tpu.memory_space<vmem>>
        %dma_start3A_347 = arith.constant 0 : i32
        %dma_start3A_348 = tpu.memref_slice %arg14[%dma_start3A_343, %dma_start3A_347] : memref<2x128xi32, #tpu.memory_space<vmem>> -> memref<1x128xi32, #tpu.memory_space<vmem>>
        %dma_start3A_349 = tpu.memref_squeeze %dma_start3A_348 : memref<1x128xi32, #tpu.memory_space<vmem>> -> memref<128xi32, #tpu.memory_space<vmem>>
        %dma_start3A_350 = arith.constant 0 : i32
        %dma_start3A_351 = arith.constant 0 : i32
        %dma_start3A_352 = tpu.memref_slice %arg4[%dma_start3A_350, %dma_start3A_351] : memref<10240x80xbf16, #tpu.memory_space<hbm>> -> memref<10240x80xbf16, #tpu.memory_space<hbm>>
        tpu.enqueue_indirect_dma source(%dma_start3A_352 : memref<10240x80xbf16, #tpu.memory_space<hbm>>) target(%dma_start3A_346 : memref<128x80xbf16, #tpu.memory_space<vmem>>) offsets(%dma_start3A_349 : memref<128xi32, #tpu.memory_space<vmem>>) semaphore(%arg23 : memref<!tpu.dma_semaphore, #tpu.memory_space<semaphore_mem>>)
        %dma_start3A_353 = arith.constant 0 : i32
        %dma_start3A_354 = arith.constant 0 : i32
        %dma_start3A_355 = arith.constant 0 : i32
        %dma_start3A_356 = tpu.memref_slice %arg17[%dma_start3A_354, %dma_start3A_355] : memref<256x16xf32, #tpu.memory_space<vmem>> -> memref<128x16xf32, #tpu.memory_space<vmem>>
        %dma_start3A_357 = arith.constant 0 : i32
        %dma_start3A_358 = tpu.memref_slice %arg15[%dma_start3A_353, %dma_start3A_357] : memref<2x128xi32, #tpu.memory_space<vmem>> -> memref<1x128xi32, #tpu.memory_space<vmem>>
        %dma_start3A_359 = tpu.memref_squeeze %dma_start3A_358 : memref<1x128xi32, #tpu.memory_space<vmem>> -> memref<128xi32, #tpu.memory_space<vmem>>
        %dma_start3A_360 = arith.constant 0 : i32
        %dma_start3A_361 = arith.constant 0 : i32
        %dma_start3A_362 = tpu.memref_slice %arg5[%dma_start3A_360, %dma_start3A_361] : memref<10240x16xf32, #tpu.memory_space<hbm>> -> memref<10240x16xf32, #tpu.memory_space<hbm>>
        tpu.enqueue_indirect_dma source(%dma_start3A_362 : memref<10240x16xf32, #tpu.memory_space<hbm>>) target(%dma_start3A_356 : memref<128x16xf32, #tpu.memory_space<vmem>>) offsets(%dma_start3A_359 : memref<128xi32, #tpu.memory_space<vmem>>) semaphore(%arg23 : memref<!tpu.dma_semaphore, #tpu.memory_space<semaphore_mem>>)
        %dma_start3A_363 = arith.constant 1 : i32
        %dma_start3A_364 = arith.constant 128 : i32
        %dma_start3A_365 = arith.constant 0 : i32
        %dma_start3A_366 = tpu.memref_slice %arg16[%dma_start3A_364, %dma_start3A_365] : memref<256x80xbf16, #tpu.memory_space<vmem>> -> memref<128x80xbf16, #tpu.memory_space<vmem>>
        %dma_start3A_367 = arith.constant 0 : i32
        %dma_start3A_368 = tpu.memref_slice %arg14[%dma_start3A_363, %dma_start3A_367] : memref<2x128xi32, #tpu.memory_space<vmem>> -> memref<1x128xi32, #tpu.memory_space<vmem>>
        %dma_start3A_369 = tpu.memref_squeeze %dma_start3A_368 : memref<1x128xi32, #tpu.memory_space<vmem>> -> memref<128xi32, #tpu.memory_space<vmem>>
        %dma_start3A_370 = arith.constant 0 : i32
        %dma_start3A_371 = arith.constant 0 : i32
        %dma_start3A_372 = tpu.memref_slice %arg4[%dma_start3A_370, %dma_start3A_371] : memref<10240x80xbf16, #tpu.memory_space<hbm>> -> memref<10240x80xbf16, #tpu.memory_space<hbm>>
        tpu.enqueue_indirect_dma source(%dma_start3A_372 : memref<10240x80xbf16, #tpu.memory_space<hbm>>) target(%dma_start3A_366 : memref<128x80xbf16, #tpu.memory_space<vmem>>) offsets(%dma_start3A_369 : memref<128xi32, #tpu.memory_space<vmem>>) semaphore(%arg23 : memref<!tpu.dma_semaphore, #tpu.memory_space<semaphore_mem>>)
        %dma_start3A_373 = arith.constant 1 : i32
        %dma_start3A_374 = arith.constant 128 : i32
        %dma_start3A_375 = arith.constant 0 : i32
        %dma_start3A_376 = tpu.memref_slice %arg17[%dma_start3A_374, %dma_start3A_375] : memref<256x16xf32, #tpu.memory_space<vmem>> -> memref<128x16xf32, #tpu.memory_space<vmem>>
        %dma_start3A_377 = arith.constant 0 : i32
        %dma_start3A_378 = tpu.memref_slice %arg15[%dma_start3A_373, %dma_start3A_377] : memref<2x128xi32, #tpu.memory_space<vmem>> -> memref<1x128xi32, #tpu.memory_space<vmem>>
        %dma_start3A_379 = tpu.memref_squeeze %dma_start3A_378 : memref<1x128xi32, #tpu.memory_space<vmem>> -> memref<128xi32, #tpu.memory_space<vmem>>
        %dma_start3A_380 = arith.constant 0 : i32
        %dma_start3A_381 = arith.constant 0 : i32
        %dma_start3A_382 = tpu.memref_slice %arg5[%dma_start3A_380, %dma_start3A_381] : memref<10240x16xf32, #tpu.memory_space<hbm>> -> memref<10240x16xf32, #tpu.memory_space<hbm>>
        tpu.enqueue_indirect_dma source(%dma_start3A_382 : memref<10240x16xf32, #tpu.memory_space<hbm>>) target(%dma_start3A_376 : memref<128x16xf32, #tpu.memory_space<vmem>>) offsets(%dma_start3A_379 : memref<128xi32, #tpu.memory_space<vmem>>) semaphore(%arg23 : memref<!tpu.dma_semaphore, #tpu.memory_space<semaphore_mem>>)
      } else {
      }
      %dma_wait3A_144 = arith.constant 0 : i32
      %dma_wait3A_145 = arith.constant 0 : i32
      %dma_wait3A_146 = arith.constant 0 : i32
      %dma_wait3A_147 = tpu.memref_slice %arg10[%dma_wait3A_145, %dma_wait3A_146] : memref<256x80xbf16, #tpu.memory_space<vmem>> -> memref<128x80xbf16, #tpu.memory_space<vmem>>
      %dma_wait3A_148 = arith.constant 0 : i32
      %dma_wait3A_149 = tpu.memref_slice %arg8[%dma_wait3A_144, %dma_wait3A_148] : memref<2x128xi32, #tpu.memory_space<vmem>> -> memref<1x128xi32, #tpu.memory_space<vmem>>
      %dma_wait3A_150 = tpu.memref_squeeze %dma_wait3A_149 : memref<1x128xi32, #tpu.memory_space<vmem>> -> memref<128xi32, #tpu.memory_space<vmem>>
      %dma_wait3A_151 = arith.constant 0 : i32
      %dma_wait3A_152 = arith.constant 0 : i32
      %dma_wait3A_153 = tpu.memref_slice %arg4[%dma_wait3A_151, %dma_wait3A_152] : memref<10240x80xbf16, #tpu.memory_space<hbm>> -> memref<10240x80xbf16, #tpu.memory_space<hbm>>
      tpu.wait_indirect_dma semaphore(%arg22 : memref<!tpu.dma_semaphore, #tpu.memory_space<semaphore_mem>>) src(%dma_wait3A_153 : memref<10240x80xbf16, #tpu.memory_space<hbm>>) dst(%dma_wait3A_147 : memref<128x80xbf16, #tpu.memory_space<vmem>>)
      %dma_wait3A_154 = arith.constant 0 : i32
      %dma_wait3A_155 = arith.constant 0 : i32
      %dma_wait3A_156 = arith.constant 0 : i32
      %dma_wait3A_157 = tpu.memref_slice %arg11[%dma_wait3A_155, %dma_wait3A_156] : memref<256x16xf32, #tpu.memory_space<vmem>> -> memref<128x16xf32, #tpu.memory_space<vmem>>
      %dma_wait3A_158 = arith.constant 0 : i32
      %dma_wait3A_159 = tpu.memref_slice %arg9[%dma_wait3A_154, %dma_wait3A_158] : memref<2x128xi32, #tpu.memory_space<vmem>> -> memref<1x128xi32, #tpu.memory_space<vmem>>
      %dma_wait3A_160 = tpu.memref_squeeze %dma_wait3A_159 : memref<1x128xi32, #tpu.memory_space<vmem>> -> memref<128xi32, #tpu.memory_space<vmem>>
      %dma_wait3A_161 = arith.constant 0 : i32
      %dma_wait3A_162 = arith.constant 0 : i32
      %dma_wait3A_163 = tpu.memref_slice %arg5[%dma_wait3A_161, %dma_wait3A_162] : memref<10240x16xf32, #tpu.memory_space<hbm>> -> memref<10240x16xf32, #tpu.memory_space<hbm>>
      tpu.wait_indirect_dma semaphore(%arg22 : memref<!tpu.dma_semaphore, #tpu.memory_space<semaphore_mem>>) src(%dma_wait3A_163 : memref<10240x16xf32, #tpu.memory_space<hbm>>) dst(%dma_wait3A_157 : memref<128x16xf32, #tpu.memory_space<vmem>>)
      %dma_wait3A_164 = arith.constant 1 : i32
      %dma_wait3A_165 = arith.constant 128 : i32
      %dma_wait3A_166 = arith.constant 0 : i32
      %dma_wait3A_167 = tpu.memref_slice %arg10[%dma_wait3A_165, %dma_wait3A_166] : memref<256x80xbf16, #tpu.memory_space<vmem>> -> memref<128x80xbf16, #tpu.memory_space<vmem>>
      %dma_wait3A_168 = arith.constant 0 : i32
      %dma_wait3A_169 = tpu.memref_slice %arg8[%dma_wait3A_164, %dma_wait3A_168] : memref<2x128xi32, #tpu.memory_space<vmem>> -> memref<1x128xi32, #tpu.memory_space<vmem>>
      %dma_wait3A_170 = tpu.memref_squeeze %dma_wait3A_169 : memref<1x128xi32, #tpu.memory_space<vmem>> -> memref<128xi32, #tpu.memory_space<vmem>>
      %dma_wait3A_171 = arith.constant 0 : i32
      %dma_wait3A_172 = arith.constant 0 : i32
      %dma_wait3A_173 = tpu.memref_slice %arg4[%dma_wait3A_171, %dma_wait3A_172] : memref<10240x80xbf16, #tpu.memory_space<hbm>> -> memref<10240x80xbf16, #tpu.memory_space<hbm>>
      tpu.wait_indirect_dma semaphore(%arg22 : memref<!tpu.dma_semaphore, #tpu.memory_space<semaphore_mem>>) src(%dma_wait3A_173 : memref<10240x80xbf16, #tpu.memory_space<hbm>>) dst(%dma_wait3A_167 : memref<128x80xbf16, #tpu.memory_space<vmem>>)
      %dma_wait3A_174 = arith.constant 1 : i32
      %dma_wait3A_175 = arith.constant 128 : i32
      %dma_wait3A_176 = arith.constant 0 : i32
      %dma_wait3A_177 = tpu.memref_slice %arg11[%dma_wait3A_175, %dma_wait3A_176] : memref<256x16xf32, #tpu.memory_space<vmem>> -> memref<128x16xf32, #tpu.memory_space<vmem>>
      %dma_wait3A_178 = arith.constant 0 : i32
      %dma_wait3A_179 = tpu.memref_slice %arg9[%dma_wait3A_174, %dma_wait3A_178] : memref<2x128xi32, #tpu.memory_space<vmem>> -> memref<1x128xi32, #tpu.memory_space<vmem>>
      %dma_wait3A_180 = tpu.memref_squeeze %dma_wait3A_179 : memref<1x128xi32, #tpu.memory_space<vmem>> -> memref<128xi32, #tpu.memory_space<vmem>>
      %dma_wait3A_181 = arith.constant 0 : i32
      %dma_wait3A_182 = arith.constant 0 : i32
      %dma_wait3A_183 = tpu.memref_slice %arg5[%dma_wait3A_181, %dma_wait3A_182] : memref<10240x16xf32, #tpu.memory_space<hbm>> -> memref<10240x16xf32, #tpu.memory_space<hbm>>
      tpu.wait_indirect_dma semaphore(%arg22 : memref<!tpu.dma_semaphore, #tpu.memory_space<semaphore_mem>>) src(%dma_wait3A_183 : memref<10240x16xf32, #tpu.memory_space<hbm>>) dst(%dma_wait3A_177 : memref<128x16xf32, #tpu.memory_space<vmem>>)
      %parallel_loop3A_184 = arith.constant 0 : i32
      %parallel_loop3A_185 = arith.constant 256 : i32
      %parallel_loop3A_186 = arith.constant 1 : i32
      scf.for %parallel_loop3A_327 = %parallel_loop3A_184 to %parallel_loop3A_185 step %parallel_loop3A_186  : i32 {
        %parallel_loop3A_328 = arith.index_cast %parallel_loop3A_327 : i32 to index
        %parallel_loop3A_329 = arith.constant 48 : index
        %parallel_loop3A_330 = tpu.vector_load %arg10[%parallel_loop3A_328, %parallel_loop3A_329] {strides = array<i32>} : memref<256x80xbf16, #tpu.memory_space<vmem>>, vector<32xbf16>,
        %parallel_loop3A_331 = tpu.unpack_subelements %parallel_loop3A_330, 0 {pack_format = #tpu.pack_format<interleaved>} : vector<32xbf16> -> vector<16xf32>
        %parallel_loop3A_332 = tpu.unpack_subelements %parallel_loop3A_330, 1 {pack_format = #tpu.pack_format<interleaved>} : vector<32xbf16> -> vector<16xf32>
        %parallel_loop3A_333 = arith.index_cast %parallel_loop3A_327 : i32 to index
        %parallel_loop3A_334 = arith.constant 0 : index
        %parallel_loop3A_335 = tpu.vector_load %arg11[%parallel_loop3A_333, %parallel_loop3A_334] {strides = array<i32>} : memref<256x16xf32, #tpu.memory_space<vmem>>, vector<16xf32>,
        %parallel_loop3A_336 = arith.addf %parallel_loop3A_331, %parallel_loop3A_335 : vector<16xf32>
        %parallel_loop3A_337 = arith.constant 0.000000e+00 : f32
        %parallel_loop3A_338 = vector.broadcast %parallel_loop3A_337 : f32 to vector<16xf32>
        %parallel_loop3A_339 = arith.cmpf ogt, %parallel_loop3A_336, %parallel_loop3A_338 : vector<16xf32>
        %parallel_loop3A_340 = arith.constant 2.000000e-01 : f32
        %parallel_loop3A_341 = vector.broadcast %parallel_loop3A_340 : f32 to vector<16xf32>
        %parallel_loop3A_342 = arith.mulf %parallel_loop3A_341, %parallel_loop3A_336 : vector<16xf32>
        %parallel_loop3A_343 = arith.select %parallel_loop3A_339, %parallel_loop3A_336, %parallel_loop3A_342 : vector<16xi1>, vector<16xf32>
        %parallel_loop3A_344 = math.exp %parallel_loop3A_343 : vector<16xf32>
        %parallel_loop3A_345 = arith.index_cast %parallel_loop3A_327 : i32 to index
        %parallel_loop3A_346 = arith.constant 0 : index
        %parallel_loop3A_347 = tpu.vector_load %arg12[%parallel_loop3A_345, %parallel_loop3A_346] {strides = array<i32>} : memref<256x16xf32, #tpu.memory_space<vmem>>, vector<16xf32>,
        tpu.vector_store %arg12[%parallel_loop3A_345, %parallel_loop3A_346], %parallel_loop3A_344 {strides = array<i32>} : memref<256x16xf32, #tpu.memory_space<vmem>>, vector<16xf32>,
        %parallel_loop3A_348 = arith.index_cast %parallel_loop3A_327 : i32 to index
        %parallel_loop3A_349 = arith.constant 0 : index
        %parallel_loop3A_350 = tpu.vector_load %arg10[%parallel_loop3A_348, %parallel_loop3A_349] {strides = array<i32>} : memref<256x80xbf16, #tpu.memory_space<vmem>>, vector<32xbf16>,
        %parallel_loop3A_351 = tpu.unpack_subelements %parallel_loop3A_350, 0 {pack_format = #tpu.pack_format<interleaved>} : vector<32xbf16> -> vector<16xf32>
        %parallel_loop3A_352 = tpu.unpack_subelements %parallel_loop3A_350, 1 {pack_format = #tpu.pack_format<interleaved>} : vector<32xbf16> -> vector<16xf32>
        %parallel_loop3A_353 = arith.constant 0 : i32
        %parallel_loop3A_354 = vector.broadcast %parallel_loop3A_353 : i32 to vector<16xi32>
        %parallel_loop3A_355 = arith.cmpi slt, %add3A_8, %parallel_loop3A_354 : vector<16xi32>
        %parallel_loop3A_356 = arith.constant 16 : i32
        %parallel_loop3A_357 = vector.broadcast %parallel_loop3A_356 : i32 to vector<16xi32>
        %parallel_loop3A_358 = arith.addi %add3A_8, %parallel_loop3A_357 : vector<16xi32>
        %parallel_loop3A_359 = arith.select %parallel_loop3A_355, %parallel_loop3A_358, %add3A_8 : vector<16xi1>, vector<16xi32>
        %parallel_loop3A_360 = vector.shape_cast %parallel_loop3A_359 : vector<16xi32> to vector<16x1xi32>
        %parallel_loop3A_361 = vector.shape_cast %parallel_loop3A_360 : vector<16x1xi32> to vector<16xi32>
        %parallel_loop3A_362 = tpu.dynamic_gather %parallel_loop3A_344[%parallel_loop3A_361] in [0] : vector<16xf32>, vector<16xi32> -> vector<16xf32>
        %parallel_loop3A_363 = arith.mulf %parallel_loop3A_351, %parallel_loop3A_362 : vector<16xf32>
        %parallel_loop3A_364 = arith.index_cast %parallel_loop3A_327 : i32 to index
        %parallel_loop3A_365 = arith.constant 0 : index
        %parallel_loop3A_366 = tpu.vector_load %arg13[%parallel_loop3A_364, %parallel_loop3A_365] {strides = array<i32>} : memref<256x64xf32, #tpu.memory_space<vmem>>, vector<16xf32>,
        tpu.vector_store %arg13[%parallel_loop3A_364, %parallel_loop3A_365], %parallel_loop3A_363 {strides = array<i32>} : memref<256x64xf32, #tpu.memory_space<vmem>>, vector<16xf32>,
        %parallel_loop3A_367 = arith.mulf %parallel_loop3A_352, %parallel_loop3A_362 : vector<16xf32>
        %parallel_loop3A_368 = arith.index_cast %parallel_loop3A_327 : i32 to index
        %parallel_loop3A_369 = arith.constant 16 : index
        %parallel_loop3A_370 = tpu.vector_load %arg13[%parallel_loop3A_368, %parallel_loop3A_369] {strides = array<i32>} : memref<256x64xf32, #tpu.memory_space<vmem>>, vector<16xf32>,
        tpu.vector_store %arg13[%parallel_loop3A_368, %parallel_loop3A_369], %parallel_loop3A_367 {strides = array<i32>} : memref<256x64xf32, #tpu.memory_space<vmem>>, vector<16xf32>,
        %parallel_loop3A_371 = arith.index_cast %parallel_loop3A_327 : i32 to index
        %parallel_loop3A_372 = arith.constant 32 : index
        %parallel_loop3A_373 = tpu.vector_load %arg10[%parallel_loop3A_371, %parallel_loop3A_372] {strides = array<i32>} : memref<256x80xbf16, #tpu.memory_space<vmem>>, vector<32xbf16>,
        %parallel_loop3A_374 = tpu.unpack_subelements %parallel_loop3A_373, 0 {pack_format = #tpu.pack_format<interleaved>} : vector<32xbf16> -> vector<16xf32>
        %parallel_loop3A_375 = tpu.unpack_subelements %parallel_loop3A_373, 1 {pack_format = #tpu.pack_format<interleaved>} : vector<32xbf16> -> vector<16xf32>
        %parallel_loop3A_376 = arith.constant 0 : i32
        %parallel_loop3A_377 = vector.broadcast %parallel_loop3A_376 : i32 to vector<16xi32>
        %parallel_loop3A_378 = arith.cmpi slt, %add3A_14, %parallel_loop3A_377 : vector<16xi32>
        %parallel_loop3A_379 = arith.constant 16 : i32
        %parallel_loop3A_380 = vector.broadcast %parallel_loop3A_379 : i32 to vector<16xi32>
        %parallel_loop3A_381 = arith.addi %add3A_14, %parallel_loop3A_380 : vector<16xi32>
        %parallel_loop3A_382 = arith.select %parallel_loop3A_378, %parallel_loop3A_381, %add3A_14 : vector<16xi1>, vector<16xi32>
        %parallel_loop3A_383 = vector.shape_cast %parallel_loop3A_382 : vector<16xi32> to vector<16x1xi32>
        %parallel_loop3A_384 = vector.shape_cast %parallel_loop3A_383 : vector<16x1xi32> to vector<16xi32>
        %parallel_loop3A_385 = tpu.dynamic_gather %parallel_loop3A_344[%parallel_loop3A_384] in [0] : vector<16xf32>, vector<16xi32> -> vector<16xf32>
        %parallel_loop3A_386 = arith.mulf %parallel_loop3A_374, %parallel_loop3A_385 : vector<16xf32>
        %parallel_loop3A_387 = arith.index_cast %parallel_loop3A_327 : i32 to index
        %parallel_loop3A_388 = arith.constant 32 : index
        %parallel_loop3A_389 = tpu.vector_load %arg13[%parallel_loop3A_387, %parallel_loop3A_388] {strides = array<i32>} : memref<256x64xf32, #tpu.memory_space<vmem>>, vector<16xf32>,
        tpu.vector_store %arg13[%parallel_loop3A_387, %parallel_loop3A_388], %parallel_loop3A_386 {strides = array<i32>} : memref<256x64xf32, #tpu.memory_space<vmem>>, vector<16xf32>,
        %parallel_loop3A_390 = arith.mulf %parallel_loop3A_375, %parallel_loop3A_385 : vector<16xf32>
        %parallel_loop3A_391 = arith.index_cast %parallel_loop3A_327 : i32 to index
        %parallel_loop3A_392 = arith.constant 48 : index
        %parallel_loop3A_393 = tpu.vector_load %arg13[%parallel_loop3A_391, %parallel_loop3A_392] {strides = array<i32>} : memref<256x64xf32, #tpu.memory_space<vmem>>, vector<16xf32>,
        tpu.vector_store %arg13[%parallel_loop3A_391, %parallel_loop3A_392], %parallel_loop3A_390 {strides = array<i32>} : memref<256x64xf32, #tpu.memory_space<vmem>>, vector<16xf32>,
      } {sc.loop_unroll_factor = 4 : i64, sc.parallel_access}
      %dma_start3A_187 = arith.constant 0 : i32
      %dma_start3A_188 = arith.constant 0 : i32
      %dma_start3A_189 = arith.constant 0 : i32
      %dma_start3A_190 = tpu.memref_slice %arg13[%dma_start3A_188, %dma_start3A_189] : memref<256x64xf32, #tpu.memory_space<vmem>> -> memref<128x64xf32, #tpu.memory_space<vmem>>
      %dma_start3A_191 = arith.constant 0 : i32
      %dma_start3A_192 = tpu.memref_slice %arg9[%dma_start3A_187, %dma_start3A_191] : memref<2x128xi32, #tpu.memory_space<vmem>> -> memref<1x128xi32, #tpu.memory_space<vmem>>
      %dma_start3A_193 = tpu.memref_squeeze %dma_start3A_192 : memref<1x128xi32, #tpu.memory_space<vmem>> -> memref<128xi32, #tpu.memory_space<vmem>>
      %dma_start3A_194 = arith.constant 0 : i32
      %dma_start3A_195 = arith.constant 0 : i32
      %dma_start3A_196 = tpu.memref_slice %arg20[%dma_start3A_194, %dma_start3A_195] : memref<10240x64xf32, #tpu.memory_space<vmem_shared>> -> memref<10240x64xf32, #tpu.memory_space<vmem_shared>>
      tpu.enqueue_indirect_dma source(%dma_start3A_190 : memref<128x64xf32, #tpu.memory_space<vmem>>) target(%dma_start3A_196 : memref<10240x64xf32, #tpu.memory_space<vmem_shared>>) offsets(%dma_start3A_193 : memref<128xi32, #tpu.memory_space<vmem>>) semaphore(%arg24 : memref<!tpu.dma_semaphore, #tpu.memory_space<semaphore_mem>>) {add = true}
      %dma_start3A_197 = arith.constant 0 : i32
      %dma_start3A_198 = arith.constant 0 : i32
      %dma_start3A_199 = arith.constant 0 : i32
      %dma_start3A_200 = tpu.memref_slice %arg12[%dma_start3A_198, %dma_start3A_199] : memref<256x16xf32, #tpu.memory_space<vmem>> -> memref<128x16xf32, #tpu.memory_space<vmem>>
      %dma_start3A_201 = arith.constant 0 : i32
      %dma_start3A_202 = tpu.memref_slice %arg9[%dma_start3A_197, %dma_start3A_201] : memref<2x128xi32, #tpu.memory_space<vmem>> -> memref<1x128xi32, #tpu.memory_space<vmem>>
      %dma_start3A_203 = tpu.memref_squeeze %dma_start3A_202 : memref<1x128xi32, #tpu.memory_space<vmem>> -> memref<128xi32, #tpu.memory_space<vmem>>
      %dma_start3A_204 = arith.constant 0 : i32
      %dma_start3A_205 = arith.constant 0 : i32
      %dma_start3A_206 = tpu.memref_slice %arg21[%dma_start3A_204, %dma_start3A_205] : memref<10240x16xf32, #tpu.memory_space<vmem_shared>> -> memref<10240x16xf32, #tpu.memory_space<vmem_shared>>
      tpu.enqueue_indirect_dma source(%dma_start3A_200 : memref<128x16xf32, #tpu.memory_space<vmem>>) target(%dma_start3A_206 : memref<10240x16xf32, #tpu.memory_space<vmem_shared>>) offsets(%dma_start3A_203 : memref<128xi32, #tpu.memory_space<vmem>>) semaphore(%arg24 : memref<!tpu.dma_semaphore, #tpu.memory_space<semaphore_mem>>) {add = true}
      %dma_start3A_207 = arith.constant 1 : i32
      %dma_start3A_208 = arith.constant 128 : i32
      %dma_start3A_209 = arith.constant 0 : i32
      %dma_start3A_210 = tpu.memref_slice %arg13[%dma_start3A_208, %dma_start3A_209] : memref<256x64xf32, #tpu.memory_space<vmem>> -> memref<128x64xf32, #tpu.memory_space<vmem>>
      %dma_start3A_211 = arith.constant 0 : i32
      %dma_start3A_212 = tpu.memref_slice %arg9[%dma_start3A_207, %dma_start3A_211] : memref<2x128xi32, #tpu.memory_space<vmem>> -> memref<1x128xi32, #tpu.memory_space<vmem>>
      %dma_start3A_213 = tpu.memref_squeeze %dma_start3A_212 : memref<1x128xi32, #tpu.memory_space<vmem>> -> memref<128xi32, #tpu.memory_space<vmem>>
      %dma_start3A_214 = arith.constant 0 : i32
      %dma_start3A_215 = arith.constant 0 : i32
      %dma_start3A_216 = tpu.memref_slice %arg20[%dma_start3A_214, %dma_start3A_215] : memref<10240x64xf32, #tpu.memory_space<vmem_shared>> -> memref<10240x64xf32, #tpu.memory_space<vmem_shared>>
      tpu.enqueue_indirect_dma source(%dma_start3A_210 : memref<128x64xf32, #tpu.memory_space<vmem>>) target(%dma_start3A_216 : memref<10240x64xf32, #tpu.memory_space<vmem_shared>>) offsets(%dma_start3A_213 : memref<128xi32, #tpu.memory_space<vmem>>) semaphore(%arg24 : memref<!tpu.dma_semaphore, #tpu.memory_space<semaphore_mem>>) {add = true}
      %dma_start3A_217 = arith.constant 1 : i32
      %dma_start3A_218 = arith.constant 128 : i32
      %dma_start3A_219 = arith.constant 0 : i32
      %dma_start3A_220 = tpu.memref_slice %arg12[%dma_start3A_218, %dma_start3A_219] : memref<256x16xf32, #tpu.memory_space<vmem>> -> memref<128x16xf32, #tpu.memory_space<vmem>>
      %dma_start3A_221 = arith.constant 0 : i32
      %dma_start3A_222 = tpu.memref_slice %arg9[%dma_start3A_217, %dma_start3A_221] : memref<2x128xi32, #tpu.memory_space<vmem>> -> memref<1x128xi32, #tpu.memory_space<vmem>>
      %dma_start3A_223 = tpu.memref_squeeze %dma_start3A_222 : memref<1x128xi32, #tpu.memory_space<vmem>> -> memref<128xi32, #tpu.memory_space<vmem>>
      %dma_start3A_224 = arith.constant 0 : i32
      %dma_start3A_225 = arith.constant 0 : i32
      %dma_start3A_226 = tpu.memref_slice %arg21[%dma_start3A_224, %dma_start3A_225] : memref<10240x16xf32, #tpu.memory_space<vmem_shared>> -> memref<10240x16xf32, #tpu.memory_space<vmem_shared>>
      tpu.enqueue_indirect_dma source(%dma_start3A_220 : memref<128x16xf32, #tpu.memory_space<vmem>>) target(%dma_start3A_226 : memref<10240x16xf32, #tpu.memory_space<vmem_shared>>) offsets(%dma_start3A_223 : memref<128xi32, #tpu.memory_space<vmem>>) semaphore(%arg24 : memref<!tpu.dma_semaphore, #tpu.memory_space<semaphore_mem>>) {add = true}
      %mul3A_227 = arith.constant 2 : i32
      %mul3A_228 = arith.muli %mul3A_227, %scan3A_130 : i32
      %add3A_229 = arith.constant 1 : i32
      %add3A_230 = arith.addi %mul3A_228, %add3A_229 : i32
      %ge3A_231 = arith.constant 1 : i32
      %ge3A_232 = arith.cmpi sge, %add3A_230, %ge3A_231 : i32
      %convert_element_type3A_233 = arith.extui %ge3A_232 : i1 to i32
      %cond3A_234 = arith.constant 0 : i32
      %cond3A_235 = arith.cmpi ne, %convert_element_type3A_233, %cond3A_234 : i32
      scf.if %cond3A_235 {
        %dma_wait3A_327 = arith.constant 0 : i32
        %dma_wait3A_328 = arith.constant 0 : i32
        %dma_wait3A_329 = arith.constant 0 : i32
        %dma_wait3A_330 = tpu.memref_slice %arg13[%dma_wait3A_328, %dma_wait3A_329] : memref<256x64xf32, #tpu.memory_space<vmem>> -> memref<128x64xf32, #tpu.memory_space<vmem>>
        %dma_wait3A_331 = arith.constant 0 : i32
        %dma_wait3A_332 = tpu.memref_slice %arg9[%dma_wait3A_327, %dma_wait3A_331] : memref<2x128xi32, #tpu.memory_space<vmem>> -> memref<1x128xi32, #tpu.memory_space<vmem>>
        %dma_wait3A_333 = tpu.memref_squeeze %dma_wait3A_332 : memref<1x128xi32, #tpu.memory_space<vmem>> -> memref<128xi32, #tpu.memory_space<vmem>>
        %dma_wait3A_334 = arith.constant 0 : i32
        %dma_wait3A_335 = arith.constant 0 : i32
        %dma_wait3A_336 = tpu.memref_slice %arg20[%dma_wait3A_334, %dma_wait3A_335] : memref<10240x64xf32, #tpu.memory_space<vmem_shared>> -> memref<10240x64xf32, #tpu.memory_space<vmem_shared>>
        tpu.wait_indirect_dma semaphore(%arg24 : memref<!tpu.dma_semaphore, #tpu.memory_space<semaphore_mem>>) src(%dma_wait3A_330 : memref<128x64xf32, #tpu.memory_space<vmem>>) dst(%dma_wait3A_336 : memref<10240x64xf32, #tpu.memory_space<vmem_shared>>)
        %dma_wait3A_337 = arith.constant 0 : i32
        %dma_wait3A_338 = arith.constant 0 : i32
        %dma_wait3A_339 = arith.constant 0 : i32
        %dma_wait3A_340 = tpu.memref_slice %arg12[%dma_wait3A_338, %dma_wait3A_339] : memref<256x16xf32, #tpu.memory_space<vmem>> -> memref<128x16xf32, #tpu.memory_space<vmem>>
        %dma_wait3A_341 = arith.constant 0 : i32
        %dma_wait3A_342 = tpu.memref_slice %arg9[%dma_wait3A_337, %dma_wait3A_341] : memref<2x128xi32, #tpu.memory_space<vmem>> -> memref<1x128xi32, #tpu.memory_space<vmem>>
        %dma_wait3A_343 = tpu.memref_squeeze %dma_wait3A_342 : memref<1x128xi32, #tpu.memory_space<vmem>> -> memref<128xi32, #tpu.memory_space<vmem>>
        %dma_wait3A_344 = arith.constant 0 : i32
        %dma_wait3A_345 = arith.constant 0 : i32
        %dma_wait3A_346 = tpu.memref_slice %arg21[%dma_wait3A_344, %dma_wait3A_345] : memref<10240x16xf32, #tpu.memory_space<vmem_shared>> -> memref<10240x16xf32, #tpu.memory_space<vmem_shared>>
        tpu.wait_indirect_dma semaphore(%arg24 : memref<!tpu.dma_semaphore, #tpu.memory_space<semaphore_mem>>) src(%dma_wait3A_340 : memref<128x16xf32, #tpu.memory_space<vmem>>) dst(%dma_wait3A_346 : memref<10240x16xf32, #tpu.memory_space<vmem_shared>>)
        %dma_wait3A_347 = arith.constant 1 : i32
        %dma_wait3A_348 = arith.constant 128 : i32
        %dma_wait3A_349 = arith.constant 0 : i32
        %dma_wait3A_350 = tpu.memref_slice %arg13[%dma_wait3A_348, %dma_wait3A_349] : memref<256x64xf32, #tpu.memory_space<vmem>> -> memref<128x64xf32, #tpu.memory_space<vmem>>
        %dma_wait3A_351 = arith.constant 0 : i32
        %dma_wait3A_352 = tpu.memref_slice %arg9[%dma_wait3A_347, %dma_wait3A_351] : memref<2x128xi32, #tpu.memory_space<vmem>> -> memref<1x128xi32, #tpu.memory_space<vmem>>
        %dma_wait3A_353 = tpu.memref_squeeze %dma_wait3A_352 : memref<1x128xi32, #tpu.memory_space<vmem>> -> memref<128xi32, #tpu.memory_space<vmem>>
        %dma_wait3A_354 = arith.constant 0 : i32
        %dma_wait3A_355 = arith.constant 0 : i32
        %dma_wait3A_356 = tpu.memref_slice %arg20[%dma_wait3A_354, %dma_wait3A_355] : memref<10240x64xf32, #tpu.memory_space<vmem_shared>> -> memref<10240x64xf32, #tpu.memory_space<vmem_shared>>
        tpu.wait_indirect_dma semaphore(%arg24 : memref<!tpu.dma_semaphore, #tpu.memory_space<semaphore_mem>>) src(%dma_wait3A_350 : memref<128x64xf32, #tpu.memory_space<vmem>>) dst(%dma_wait3A_356 : memref<10240x64xf32, #tpu.memory_space<vmem_shared>>)
        %dma_wait3A_357 = arith.constant 1 : i32
        %dma_wait3A_358 = arith.constant 128 : i32
        %dma_wait3A_359 = arith.constant 0 : i32
        %dma_wait3A_360 = tpu.memref_slice %arg12[%dma_wait3A_358, %dma_wait3A_359] : memref<256x16xf32, #tpu.memory_space<vmem>> -> memref<128x16xf32, #tpu.memory_space<vmem>>
        %dma_wait3A_361 = arith.constant 0 : i32
        %dma_wait3A_362 = tpu.memref_slice %arg9[%dma_wait3A_357, %dma_wait3A_361] : memref<2x128xi32, #tpu.memory_space<vmem>> -> memref<1x128xi32, #tpu.memory_space<vmem>>
        %dma_wait3A_363 = tpu.memref_squeeze %dma_wait3A_362 : memref<1x128xi32, #tpu.memory_space<vmem>> -> memref<128xi32, #tpu.memory_space<vmem>>
        %dma_wait3A_364 = arith.constant 0 : i32
        %dma_wait3A_365 = arith.constant 0 : i32
        %dma_wait3A_366 = tpu.memref_slice %arg21[%dma_wait3A_364, %dma_wait3A_365] : memref<10240x16xf32, #tpu.memory_space<vmem_shared>> -> memref<10240x16xf32, #tpu.memory_space<vmem_shared>>
        tpu.wait_indirect_dma semaphore(%arg24 : memref<!tpu.dma_semaphore, #tpu.memory_space<semaphore_mem>>) src(%dma_wait3A_360 : memref<128x16xf32, #tpu.memory_space<vmem>>) dst(%dma_wait3A_366 : memref<10240x16xf32, #tpu.memory_space<vmem_shared>>)
      } else {
      }
      %add3A_236 = arith.constant 1 : i32
      %add3A_237 = arith.addi %add3A_230, %add3A_236 : i32
      %lt3A_238 = arith.constant 40 : i32
      %lt3A_239 = arith.cmpi slt, %add3A_237, %lt3A_238 : i32
      %convert_element_type3A_240 = arith.extui %lt3A_239 : i1 to i32
      %cond3A_241 = arith.constant 0 : i32
      %cond3A_242 = arith.cmpi ne, %convert_element_type3A_240, %cond3A_241 : i32
      scf.if %cond3A_242 {
        %add3A_327 = arith.constant 1 : i32
        %add3A_328 = arith.addi %add3A_230, %add3A_327 : i32
        %mul3A_329 = arith.constant 256 : i32
        %mul3A_330 = arith.muli %add3A_328, %mul3A_329 : i32
        %add3A_331 = arith.addi %mul3A_2, %mul3A_330 : i32
        %add3A_332 = arith.constant 0 : i32
        %add3A_333 = arith.addi %add3A_331, %add3A_332 : i32
        %run_scoped3A_334 = arith.constant 0 : i32
        "tpu.region"() ({
          %run_scoped3A_383 = tpu.sem_alloc : memref<!tpu.dma_semaphore, #tpu.memory_space<semaphore_mem>>
          %dma_start3A_384 = arith.constant 0 : i32
          %dma_start3A_385 = tpu.memref_slice %arg8[%run_scoped3A_334, %dma_start3A_384] : memref<2x128xi32, #tpu.memory_space<vmem>> -> memref<1x128xi32, #tpu.memory_space<vmem>>
          %dma_start3A_386 = tpu.memref_squeeze %dma_start3A_385 : memref<1x128xi32, #tpu.memory_space<vmem>> -> memref<128xi32, #tpu.memory_space<vmem>>
          %dma_start3A_387 = tpu.memref_slice %arg2[%add3A_333] : memref<327680xi32, #tpu.memory_space<hbm>> -> memref<128xi32, #tpu.memory_space<hbm>>
          %dma_start3A_388 = arith.constant 0 : i32
          %dma_start3A_389 = tpu.memref_slice %arg8[%run_scoped3A_334, %dma_start3A_388] : memref<2x128xi32, #tpu.memory_space<vmem>> -> memref<1x128xi32, #tpu.memory_space<vmem>>
          %dma_start3A_390 = tpu.memref_squeeze %dma_start3A_389 : memref<1x128xi32, #tpu.memory_space<vmem>> -> memref<128xi32, #tpu.memory_space<vmem>>
          %dma_start3A_391 = tpu.memref_slice %arg2[%add3A_333] : memref<327680xi32, #tpu.memory_space<hbm>> -> memref<128xi32, #tpu.memory_space<hbm>>
          tpu.enqueue_dma source(%dma_start3A_391 : memref<128xi32, #tpu.memory_space<hbm>>) target(%dma_start3A_390 : memref<128xi32, #tpu.memory_space<vmem>>) target_semaphore(%run_scoped3A_383 : memref<!tpu.dma_semaphore, #tpu.memory_space<semaphore_mem>>)
          %dma_wait3A_392 = arith.constant 0 : i32
          %dma_wait3A_393 = tpu.memref_slice %arg8[%run_scoped3A_334, %dma_wait3A_392] : memref<2x128xi32, #tpu.memory_space<vmem>> -> memref<1x128xi32, #tpu.memory_space<vmem>>
          %dma_wait3A_394 = tpu.memref_squeeze %dma_wait3A_393 : memref<1x128xi32, #tpu.memory_space<vmem>> -> memref<128xi32, #tpu.memory_space<vmem>>
          %dma_wait3A_395 = tpu.memref_slice %arg2[%add3A_333] : memref<327680xi32, #tpu.memory_space<hbm>> -> memref<128xi32, #tpu.memory_space<hbm>>
          %dma_wait3A_396 = arith.constant 0 : i32
          %dma_wait3A_397 = tpu.memref_slice %arg8[%run_scoped3A_334, %dma_wait3A_396] : memref<2x128xi32, #tpu.memory_space<vmem>> -> memref<1x128xi32, #tpu.memory_space<vmem>>
          %dma_wait3A_398 = tpu.memref_squeeze %dma_wait3A_397 : memref<1x128xi32, #tpu.memory_space<vmem>> -> memref<128xi32, #tpu.memory_space<vmem>>
          %dma_wait3A_399 = tpu.memref_slice %arg2[%add3A_333] : memref<327680xi32, #tpu.memory_space<hbm>> -> memref<128xi32, #tpu.memory_space<hbm>>
          tpu.wait_dma2 semaphore(%run_scoped3A_383 : memref<!tpu.dma_semaphore, #tpu.memory_space<semaphore_mem>>) src(%dma_wait3A_399 : memref<128xi32, #tpu.memory_space<hbm>>) dst(%dma_wait3A_398 : memref<128xi32, #tpu.memory_space<vmem>>)
          tpu.yield
        }) : () -> ()
        %run_scoped3A_335 = arith.constant 0 : i32
        "tpu.region"() ({
          %run_scoped3A_383 = tpu.sem_alloc : memref<!tpu.dma_semaphore, #tpu.memory_space<semaphore_mem>>
          %dma_start3A_384 = arith.constant 0 : i32
          %dma_start3A_385 = tpu.memref_slice %arg9[%run_scoped3A_335, %dma_start3A_384] : memref<2x128xi32, #tpu.memory_space<vmem>> -> memref<1x128xi32, #tpu.memory_space<vmem>>
          %dma_start3A_386 = tpu.memref_squeeze %dma_start3A_385 : memref<1x128xi32, #tpu.memory_space<vmem>> -> memref<128xi32, #tpu.memory_space<vmem>>
          %dma_start3A_387 = tpu.memref_slice %arg3[%add3A_333] : memref<327680xi32, #tpu.memory_space<hbm>> -> memref<128xi32, #tpu.memory_space<hbm>>
          %dma_start3A_388 = arith.constant 0 : i32
          %dma_start3A_389 = tpu.memref_slice %arg9[%run_scoped3A_335, %dma_start3A_388] : memref<2x128xi32, #tpu.memory_space<vmem>> -> memref<1x128xi32, #tpu.memory_space<vmem>>
          %dma_start3A_390 = tpu.memref_squeeze %dma_start3A_389 : memref<1x128xi32, #tpu.memory_space<vmem>> -> memref<128xi32, #tpu.memory_space<vmem>>
          %dma_start3A_391 = tpu.memref_slice %arg3[%add3A_333] : memref<327680xi32, #tpu.memory_space<hbm>> -> memref<128xi32, #tpu.memory_space<hbm>>
          tpu.enqueue_dma source(%dma_start3A_391 : memref<128xi32, #tpu.memory_space<hbm>>) target(%dma_start3A_390 : memref<128xi32, #tpu.memory_space<vmem>>) target_semaphore(%run_scoped3A_383 : memref<!tpu.dma_semaphore, #tpu.memory_space<semaphore_mem>>)
          %dma_wait3A_392 = arith.constant 0 : i32
          %dma_wait3A_393 = tpu.memref_slice %arg9[%run_scoped3A_335, %dma_wait3A_392] : memref<2x128xi32, #tpu.memory_space<vmem>> -> memref<1x128xi32, #tpu.memory_space<vmem>>
          %dma_wait3A_394 = tpu.memref_squeeze %dma_wait3A_393 : memref<1x128xi32, #tpu.memory_space<vmem>> -> memref<128xi32, #tpu.memory_space<vmem>>
          %dma_wait3A_395 = tpu.memref_slice %arg3[%add3A_333] : memref<327680xi32, #tpu.memory_space<hbm>> -> memref<128xi32, #tpu.memory_space<hbm>>
          %dma_wait3A_396 = arith.constant 0 : i32
          %dma_wait3A_397 = tpu.memref_slice %arg9[%run_scoped3A_335, %dma_wait3A_396] : memref<2x128xi32, #tpu.memory_space<vmem>> -> memref<1x128xi32, #tpu.memory_space<vmem>>
          %dma_wait3A_398 = tpu.memref_squeeze %dma_wait3A_397 : memref<1x128xi32, #tpu.memory_space<vmem>> -> memref<128xi32, #tpu.memory_space<vmem>>
          %dma_wait3A_399 = tpu.memref_slice %arg3[%add3A_333] : memref<327680xi32, #tpu.memory_space<hbm>> -> memref<128xi32, #tpu.memory_space<hbm>>
          tpu.wait_dma2 semaphore(%run_scoped3A_383 : memref<!tpu.dma_semaphore, #tpu.memory_space<semaphore_mem>>) src(%dma_wait3A_399 : memref<128xi32, #tpu.memory_space<hbm>>) dst(%dma_wait3A_398 : memref<128xi32, #tpu.memory_space<vmem>>)
          tpu.yield
        }) : () -> ()
        %mul3A_336 = arith.constant 256 : i32
        %mul3A_337 = arith.muli %add3A_328, %mul3A_336 : i32
        %add3A_338 = arith.addi %mul3A_2, %mul3A_337 : i32
        %add3A_339 = arith.constant 128 : i32
        %add3A_340 = arith.addi %add3A_338, %add3A_339 : i32
        %run_scoped3A_341 = arith.constant 1 : i32
        "tpu.region"() ({
          %run_scoped3A_383 = tpu.sem_alloc : memref<!tpu.dma_semaphore, #tpu.memory_space<semaphore_mem>>
          %dma_start3A_384 = arith.constant 0 : i32
          %dma_start3A_385 = tpu.memref_slice %arg8[%run_scoped3A_341, %dma_start3A_384] : memref<2x128xi32, #tpu.memory_space<vmem>> -> memref<1x128xi32, #tpu.memory_space<vmem>>
          %dma_start3A_386 = tpu.memref_squeeze %dma_start3A_385 : memref<1x128xi32, #tpu.memory_space<vmem>> -> memref<128xi32, #tpu.memory_space<vmem>>
          %dma_start3A_387 = tpu.memref_slice %arg2[%add3A_340] : memref<327680xi32, #tpu.memory_space<hbm>> -> memref<128xi32, #tpu.memory_space<hbm>>
          %dma_start3A_388 = arith.constant 0 : i32
          %dma_start3A_389 = tpu.memref_slice %arg8[%run_scoped3A_341, %dma_start3A_388] : memref<2x128xi32, #tpu.memory_space<vmem>> -> memref<1x128xi32, #tpu.memory_space<vmem>>
          %dma_start3A_390 = tpu.memref_squeeze %dma_start3A_389 : memref<1x128xi32, #tpu.memory_space<vmem>> -> memref<128xi32, #tpu.memory_space<vmem>>
          %dma_start3A_391 = tpu.memref_slice %arg2[%add3A_340] : memref<327680xi32, #tpu.memory_space<hbm>> -> memref<128xi32, #tpu.memory_space<hbm>>
          tpu.enqueue_dma source(%dma_start3A_391 : memref<128xi32, #tpu.memory_space<hbm>>) target(%dma_start3A_390 : memref<128xi32, #tpu.memory_space<vmem>>) target_semaphore(%run_scoped3A_383 : memref<!tpu.dma_semaphore, #tpu.memory_space<semaphore_mem>>)
          %dma_wait3A_392 = arith.constant 0 : i32
          %dma_wait3A_393 = tpu.memref_slice %arg8[%run_scoped3A_341, %dma_wait3A_392] : memref<2x128xi32, #tpu.memory_space<vmem>> -> memref<1x128xi32, #tpu.memory_space<vmem>>
          %dma_wait3A_394 = tpu.memref_squeeze %dma_wait3A_393 : memref<1x128xi32, #tpu.memory_space<vmem>> -> memref<128xi32, #tpu.memory_space<vmem>>
          %dma_wait3A_395 = tpu.memref_slice %arg2[%add3A_340] : memref<327680xi32, #tpu.memory_space<hbm>> -> memref<128xi32, #tpu.memory_space<hbm>>
          %dma_wait3A_396 = arith.constant 0 : i32
          %dma_wait3A_397 = tpu.memref_slice %arg8[%run_scoped3A_341, %dma_wait3A_396] : memref<2x128xi32, #tpu.memory_space<vmem>> -> memref<1x128xi32, #tpu.memory_space<vmem>>
          %dma_wait3A_398 = tpu.memref_squeeze %dma_wait3A_397 : memref<1x128xi32, #tpu.memory_space<vmem>> -> memref<128xi32, #tpu.memory_space<vmem>>
          %dma_wait3A_399 = tpu.memref_slice %arg2[%add3A_340] : memref<327680xi32, #tpu.memory_space<hbm>> -> memref<128xi32, #tpu.memory_space<hbm>>
          tpu.wait_dma2 semaphore(%run_scoped3A_383 : memref<!tpu.dma_semaphore, #tpu.memory_space<semaphore_mem>>) src(%dma_wait3A_399 : memref<128xi32, #tpu.memory_space<hbm>>) dst(%dma_wait3A_398 : memref<128xi32, #tpu.memory_space<vmem>>)
          tpu.yield
        }) : () -> ()
        %run_scoped3A_342 = arith.constant 1 : i32
        "tpu.region"() ({
          %run_scoped3A_383 = tpu.sem_alloc : memref<!tpu.dma_semaphore, #tpu.memory_space<semaphore_mem>>
          %dma_start3A_384 = arith.constant 0 : i32
          %dma_start3A_385 = tpu.memref_slice %arg9[%run_scoped3A_342, %dma_start3A_384] : memref<2x128xi32, #tpu.memory_space<vmem>> -> memref<1x128xi32, #tpu.memory_space<vmem>>
          %dma_start3A_386 = tpu.memref_squeeze %dma_start3A_385 : memref<1x128xi32, #tpu.memory_space<vmem>> -> memref<128xi32, #tpu.memory_space<vmem>>
          %dma_start3A_387 = tpu.memref_slice %arg3[%add3A_340] : memref<327680xi32, #tpu.memory_space<hbm>> -> memref<128xi32, #tpu.memory_space<hbm>>
          %dma_start3A_388 = arith.constant 0 : i32
          %dma_start3A_389 = tpu.memref_slice %arg9[%run_scoped3A_342, %dma_start3A_388] : memref<2x128xi32, #tpu.memory_space<vmem>> -> memref<1x128xi32, #tpu.memory_space<vmem>>
          %dma_start3A_390 = tpu.memref_squeeze %dma_start3A_389 : memref<1x128xi32, #tpu.memory_space<vmem>> -> memref<128xi32, #tpu.memory_space<vmem>>
          %dma_start3A_391 = tpu.memref_slice %arg3[%add3A_340] : memref<327680xi32, #tpu.memory_space<hbm>> -> memref<128xi32, #tpu.memory_space<hbm>>
          tpu.enqueue_dma source(%dma_start3A_391 : memref<128xi32, #tpu.memory_space<hbm>>) target(%dma_start3A_390 : memref<128xi32, #tpu.memory_space<vmem>>) target_semaphore(%run_scoped3A_383 : memref<!tpu.dma_semaphore, #tpu.memory_space<semaphore_mem>>)
          %dma_wait3A_392 = arith.constant 0 : i32
          %dma_wait3A_393 = tpu.memref_slice %arg9[%run_scoped3A_342, %dma_wait3A_392] : memref<2x128xi32, #tpu.memory_space<vmem>> -> memref<1x128xi32, #tpu.memory_space<vmem>>
          %dma_wait3A_394 = tpu.memref_squeeze %dma_wait3A_393 : memref<1x128xi32, #tpu.memory_space<vmem>> -> memref<128xi32, #tpu.memory_space<vmem>>
          %dma_wait3A_395 = tpu.memref_slice %arg3[%add3A_340] : memref<327680xi32, #tpu.memory_space<hbm>> -> memref<128xi32, #tpu.memory_space<hbm>>
          %dma_wait3A_396 = arith.constant 0 : i32
          %dma_wait3A_397 = tpu.memref_slice %arg9[%run_scoped3A_342, %dma_wait3A_396] : memref<2x128xi32, #tpu.memory_space<vmem>> -> memref<1x128xi32, #tpu.memory_space<vmem>>
          %dma_wait3A_398 = tpu.memref_squeeze %dma_wait3A_397 : memref<1x128xi32, #tpu.memory_space<vmem>> -> memref<128xi32, #tpu.memory_space<vmem>>
          %dma_wait3A_399 = tpu.memref_slice %arg3[%add3A_340] : memref<327680xi32, #tpu.memory_space<hbm>> -> memref<128xi32, #tpu.memory_space<hbm>>
          tpu.wait_dma2 semaphore(%run_scoped3A_383 : memref<!tpu.dma_semaphore, #tpu.memory_space<semaphore_mem>>) src(%dma_wait3A_399 : memref<128xi32, #tpu.memory_space<hbm>>) dst(%dma_wait3A_398 : memref<128xi32, #tpu.memory_space<vmem>>)
          tpu.yield
        }) : () -> ()
        %dma_start3A_343 = arith.constant 0 : i32
        %dma_start3A_344 = arith.constant 0 : i32
        %dma_start3A_345 = arith.constant 0 : i32
        %dma_start3A_346 = tpu.memref_slice %arg10[%dma_start3A_344, %dma_start3A_345] : memref<256x80xbf16, #tpu.memory_space<vmem>> -> memref<128x80xbf16, #tpu.memory_space<vmem>>
        %dma_start3A_347 = arith.constant 0 : i32
        %dma_start3A_348 = tpu.memref_slice %arg8[%dma_start3A_343, %dma_start3A_347] : memref<2x128xi32, #tpu.memory_space<vmem>> -> memref<1x128xi32, #tpu.memory_space<vmem>>
        %dma_start3A_349 = tpu.memref_squeeze %dma_start3A_348 : memref<1x128xi32, #tpu.memory_space<vmem>> -> memref<128xi32, #tpu.memory_space<vmem>>
        %dma_start3A_350 = arith.constant 0 : i32
        %dma_start3A_351 = arith.constant 0 : i32
        %dma_start3A_352 = tpu.memref_slice %arg4[%dma_start3A_350, %dma_start3A_351] : memref<10240x80xbf16, #tpu.memory_space<hbm>> -> memref<10240x80xbf16, #tpu.memory_space<hbm>>
        tpu.enqueue_indirect_dma source(%dma_start3A_352 : memref<10240x80xbf16, #tpu.memory_space<hbm>>) target(%dma_start3A_346 : memref<128x80xbf16, #tpu.memory_space<vmem>>) offsets(%dma_start3A_349 : memref<128xi32, #tpu.memory_space<vmem>>) semaphore(%arg22 : memref<!tpu.dma_semaphore, #tpu.memory_space<semaphore_mem>>)
        %dma_start3A_353 = arith.constant 0 : i32
        %dma_start3A_354 = arith.constant 0 : i32
        %dma_start3A_355 = arith.constant 0 : i32
        %dma_start3A_356 = tpu.memref_slice %arg11[%dma_start3A_354, %dma_start3A_355] : memref<256x16xf32, #tpu.memory_space<vmem>> -> memref<128x16xf32, #tpu.memory_space<vmem>>
        %dma_start3A_357 = arith.constant 0 : i32
        %dma_start3A_358 = tpu.memref_slice %arg9[%dma_start3A_353, %dma_start3A_357] : memref<2x128xi32, #tpu.memory_space<vmem>> -> memref<1x128xi32, #tpu.memory_space<vmem>>
        %dma_start3A_359 = tpu.memref_squeeze %dma_start3A_358 : memref<1x128xi32, #tpu.memory_space<vmem>> -> memref<128xi32, #tpu.memory_space<vmem>>
        %dma_start3A_360 = arith.constant 0 : i32
        %dma_start3A_361 = arith.constant 0 : i32
        %dma_start3A_362 = tpu.memref_slice %arg5[%dma_start3A_360, %dma_start3A_361] : memref<10240x16xf32, #tpu.memory_space<hbm>> -> memref<10240x16xf32, #tpu.memory_space<hbm>>
        tpu.enqueue_indirect_dma source(%dma_start3A_362 : memref<10240x16xf32, #tpu.memory_space<hbm>>) target(%dma_start3A_356 : memref<128x16xf32, #tpu.memory_space<vmem>>) offsets(%dma_start3A_359 : memref<128xi32, #tpu.memory_space<vmem>>) semaphore(%arg22 : memref<!tpu.dma_semaphore, #tpu.memory_space<semaphore_mem>>)
        %dma_start3A_363 = arith.constant 1 : i32
        %dma_start3A_364 = arith.constant 128 : i32
        %dma_start3A_365 = arith.constant 0 : i32
        %dma_start3A_366 = tpu.memref_slice %arg10[%dma_start3A_364, %dma_start3A_365] : memref<256x80xbf16, #tpu.memory_space<vmem>> -> memref<128x80xbf16, #tpu.memory_space<vmem>>
        %dma_start3A_367 = arith.constant 0 : i32
        %dma_start3A_368 = tpu.memref_slice %arg8[%dma_start3A_363, %dma_start3A_367] : memref<2x128xi32, #tpu.memory_space<vmem>> -> memref<1x128xi32, #tpu.memory_space<vmem>>
        %dma_start3A_369 = tpu.memref_squeeze %dma_start3A_368 : memref<1x128xi32, #tpu.memory_space<vmem>> -> memref<128xi32, #tpu.memory_space<vmem>>
        %dma_start3A_370 = arith.constant 0 : i32
        %dma_start3A_371 = arith.constant 0 : i32
        %dma_start3A_372 = tpu.memref_slice %arg4[%dma_start3A_370, %dma_start3A_371] : memref<10240x80xbf16, #tpu.memory_space<hbm>> -> memref<10240x80xbf16, #tpu.memory_space<hbm>>
        tpu.enqueue_indirect_dma source(%dma_start3A_372 : memref<10240x80xbf16, #tpu.memory_space<hbm>>) target(%dma_start3A_366 : memref<128x80xbf16, #tpu.memory_space<vmem>>) offsets(%dma_start3A_369 : memref<128xi32, #tpu.memory_space<vmem>>) semaphore(%arg22 : memref<!tpu.dma_semaphore, #tpu.memory_space<semaphore_mem>>)
        %dma_start3A_373 = arith.constant 1 : i32
        %dma_start3A_374 = arith.constant 128 : i32
        %dma_start3A_375 = arith.constant 0 : i32
        %dma_start3A_376 = tpu.memref_slice %arg11[%dma_start3A_374, %dma_start3A_375] : memref<256x16xf32, #tpu.memory_space<vmem>> -> memref<128x16xf32, #tpu.memory_space<vmem>>
        %dma_start3A_377 = arith.constant 0 : i32
        %dma_start3A_378 = tpu.memref_slice %arg9[%dma_start3A_373, %dma_start3A_377] : memref<2x128xi32, #tpu.memory_space<vmem>> -> memref<1x128xi32, #tpu.memory_space<vmem>>
        %dma_start3A_379 = tpu.memref_squeeze %dma_start3A_378 : memref<1x128xi32, #tpu.memory_space<vmem>> -> memref<128xi32, #tpu.memory_space<vmem>>
        %dma_start3A_380 = arith.constant 0 : i32
        %dma_start3A_381 = arith.constant 0 : i32
        %dma_start3A_382 = tpu.memref_slice %arg5[%dma_start3A_380, %dma_start3A_381] : memref<10240x16xf32, #tpu.memory_space<hbm>> -> memref<10240x16xf32, #tpu.memory_space<hbm>>
        tpu.enqueue_indirect_dma source(%dma_start3A_382 : memref<10240x16xf32, #tpu.memory_space<hbm>>) target(%dma_start3A_376 : memref<128x16xf32, #tpu.memory_space<vmem>>) offsets(%dma_start3A_379 : memref<128xi32, #tpu.memory_space<vmem>>) semaphore(%arg22 : memref<!tpu.dma_semaphore, #tpu.memory_space<semaphore_mem>>)
      } else {
      }
      %dma_wait3A_243 = arith.constant 0 : i32
      %dma_wait3A_244 = arith.constant 0 : i32
      %dma_wait3A_245 = arith.constant 0 : i32
      %dma_wait3A_246 = tpu.memref_slice %arg16[%dma_wait3A_244, %dma_wait3A_245] : memref<256x80xbf16, #tpu.memory_space<vmem>> -> memref<128x80xbf16, #tpu.memory_space<vmem>>
      %dma_wait3A_247 = arith.constant 0 : i32
      %dma_wait3A_248 = tpu.memref_slice %arg14[%dma_wait3A_243, %dma_wait3A_247] : memref<2x128xi32, #tpu.memory_space<vmem>> -> memref<1x128xi32, #tpu.memory_space<vmem>>
      %dma_wait3A_249 = tpu.memref_squeeze %dma_wait3A_248 : memref<1x128xi32, #tpu.memory_space<vmem>> -> memref<128xi32, #tpu.memory_space<vmem>>
      %dma_wait3A_250 = arith.constant 0 : i32
      %dma_wait3A_251 = arith.constant 0 : i32
      %dma_wait3A_252 = tpu.memref_slice %arg4[%dma_wait3A_250, %dma_wait3A_251] : memref<10240x80xbf16, #tpu.memory_space<hbm>> -> memref<10240x80xbf16, #tpu.memory_space<hbm>>
      tpu.wait_indirect_dma semaphore(%arg23 : memref<!tpu.dma_semaphore, #tpu.memory_space<semaphore_mem>>) src(%dma_wait3A_252 : memref<10240x80xbf16, #tpu.memory_space<hbm>>) dst(%dma_wait3A_246 : memref<128x80xbf16, #tpu.memory_space<vmem>>)
      %dma_wait3A_253 = arith.constant 0 : i32
      %dma_wait3A_254 = arith.constant 0 : i32
      %dma_wait3A_255 = arith.constant 0 : i32
      %dma_wait3A_256 = tpu.memref_slice %arg17[%dma_wait3A_254, %dma_wait3A_255] : memref<256x16xf32, #tpu.memory_space<vmem>> -> memref<128x16xf32, #tpu.memory_space<vmem>>
      %dma_wait3A_257 = arith.constant 0 : i32
      %dma_wait3A_258 = tpu.memref_slice %arg15[%dma_wait3A_253, %dma_wait3A_257] : memref<2x128xi32, #tpu.memory_space<vmem>> -> memref<1x128xi32, #tpu.memory_space<vmem>>
      %dma_wait3A_259 = tpu.memref_squeeze %dma_wait3A_258 : memref<1x128xi32, #tpu.memory_space<vmem>> -> memref<128xi32, #tpu.memory_space<vmem>>
      %dma_wait3A_260 = arith.constant 0 : i32
      %dma_wait3A_261 = arith.constant 0 : i32
      %dma_wait3A_262 = tpu.memref_slice %arg5[%dma_wait3A_260, %dma_wait3A_261] : memref<10240x16xf32, #tpu.memory_space<hbm>> -> memref<10240x16xf32, #tpu.memory_space<hbm>>
      tpu.wait_indirect_dma semaphore(%arg23 : memref<!tpu.dma_semaphore, #tpu.memory_space<semaphore_mem>>) src(%dma_wait3A_262 : memref<10240x16xf32, #tpu.memory_space<hbm>>) dst(%dma_wait3A_256 : memref<128x16xf32, #tpu.memory_space<vmem>>)
      %dma_wait3A_263 = arith.constant 1 : i32
      %dma_wait3A_264 = arith.constant 128 : i32
      %dma_wait3A_265 = arith.constant 0 : i32
      %dma_wait3A_266 = tpu.memref_slice %arg16[%dma_wait3A_264, %dma_wait3A_265] : memref<256x80xbf16, #tpu.memory_space<vmem>> -> memref<128x80xbf16, #tpu.memory_space<vmem>>
      %dma_wait3A_267 = arith.constant 0 : i32
      %dma_wait3A_268 = tpu.memref_slice %arg14[%dma_wait3A_263, %dma_wait3A_267] : memref<2x128xi32, #tpu.memory_space<vmem>> -> memref<1x128xi32, #tpu.memory_space<vmem>>
      %dma_wait3A_269 = tpu.memref_squeeze %dma_wait3A_268 : memref<1x128xi32, #tpu.memory_space<vmem>> -> memref<128xi32, #tpu.memory_space<vmem>>
      %dma_wait3A_270 = arith.constant 0 : i32
      %dma_wait3A_271 = arith.constant 0 : i32
      %dma_wait3A_272 = tpu.memref_slice %arg4[%dma_wait3A_270, %dma_wait3A_271] : memref<10240x80xbf16, #tpu.memory_space<hbm>> -> memref<10240x80xbf16, #tpu.memory_space<hbm>>
      tpu.wait_indirect_dma semaphore(%arg23 : memref<!tpu.dma_semaphore, #tpu.memory_space<semaphore_mem>>) src(%dma_wait3A_272 : memref<10240x80xbf16, #tpu.memory_space<hbm>>) dst(%dma_wait3A_266 : memref<128x80xbf16, #tpu.memory_space<vmem>>)
      %dma_wait3A_273 = arith.constant 1 : i32
      %dma_wait3A_274 = arith.constant 128 : i32
      %dma_wait3A_275 = arith.constant 0 : i32
      %dma_wait3A_276 = tpu.memref_slice %arg17[%dma_wait3A_274, %dma_wait3A_275] : memref<256x16xf32, #tpu.memory_space<vmem>> -> memref<128x16xf32, #tpu.memory_space<vmem>>
      %dma_wait3A_277 = arith.constant 0 : i32
      %dma_wait3A_278 = tpu.memref_slice %arg15[%dma_wait3A_273, %dma_wait3A_277] : memref<2x128xi32, #tpu.memory_space<vmem>> -> memref<1x128xi32, #tpu.memory_space<vmem>>
      %dma_wait3A_279 = tpu.memref_squeeze %dma_wait3A_278 : memref<1x128xi32, #tpu.memory_space<vmem>> -> memref<128xi32, #tpu.memory_space<vmem>>
      %dma_wait3A_280 = arith.constant 0 : i32
      %dma_wait3A_281 = arith.constant 0 : i32
      %dma_wait3A_282 = tpu.memref_slice %arg5[%dma_wait3A_280, %dma_wait3A_281] : memref<10240x16xf32, #tpu.memory_space<hbm>> -> memref<10240x16xf32, #tpu.memory_space<hbm>>
      tpu.wait_indirect_dma semaphore(%arg23 : memref<!tpu.dma_semaphore, #tpu.memory_space<semaphore_mem>>) src(%dma_wait3A_282 : memref<10240x16xf32, #tpu.memory_space<hbm>>) dst(%dma_wait3A_276 : memref<128x16xf32, #tpu.memory_space<vmem>>)
      %parallel_loop3A_283 = arith.constant 0 : i32
      %parallel_loop3A_284 = arith.constant 256 : i32
      %parallel_loop3A_285 = arith.constant 1 : i32
      scf.for %parallel_loop3A_327 = %parallel_loop3A_283 to %parallel_loop3A_284 step %parallel_loop3A_285  : i32 {
        %parallel_loop3A_328 = arith.index_cast %parallel_loop3A_327 : i32 to index
        %parallel_loop3A_329 = arith.constant 48 : index
        %parallel_loop3A_330 = tpu.vector_load %arg16[%parallel_loop3A_328, %parallel_loop3A_329] {strides = array<i32>} : memref<256x80xbf16, #tpu.memory_space<vmem>>, vector<32xbf16>,
        %parallel_loop3A_331 = tpu.unpack_subelements %parallel_loop3A_330, 0 {pack_format = #tpu.pack_format<interleaved>} : vector<32xbf16> -> vector<16xf32>
        %parallel_loop3A_332 = tpu.unpack_subelements %parallel_loop3A_330, 1 {pack_format = #tpu.pack_format<interleaved>} : vector<32xbf16> -> vector<16xf32>
        %parallel_loop3A_333 = arith.index_cast %parallel_loop3A_327 : i32 to index
        %parallel_loop3A_334 = arith.constant 0 : index
        %parallel_loop3A_335 = tpu.vector_load %arg17[%parallel_loop3A_333, %parallel_loop3A_334] {strides = array<i32>} : memref<256x16xf32, #tpu.memory_space<vmem>>, vector<16xf32>,
        %parallel_loop3A_336 = arith.addf %parallel_loop3A_331, %parallel_loop3A_335 : vector<16xf32>
        %parallel_loop3A_337 = arith.constant 0.000000e+00 : f32
        %parallel_loop3A_338 = vector.broadcast %parallel_loop3A_337 : f32 to vector<16xf32>
        %parallel_loop3A_339 = arith.cmpf ogt, %parallel_loop3A_336, %parallel_loop3A_338 : vector<16xf32>
        %parallel_loop3A_340 = arith.constant 2.000000e-01 : f32
        %parallel_loop3A_341 = vector.broadcast %parallel_loop3A_340 : f32 to vector<16xf32>
        %parallel_loop3A_342 = arith.mulf %parallel_loop3A_341, %parallel_loop3A_336 : vector<16xf32>
        %parallel_loop3A_343 = arith.select %parallel_loop3A_339, %parallel_loop3A_336, %parallel_loop3A_342 : vector<16xi1>, vector<16xf32>
        %parallel_loop3A_344 = math.exp %parallel_loop3A_343 : vector<16xf32>
        %parallel_loop3A_345 = arith.index_cast %parallel_loop3A_327 : i32 to index
        %parallel_loop3A_346 = arith.constant 0 : index
        %parallel_loop3A_347 = tpu.vector_load %arg18[%parallel_loop3A_345, %parallel_loop3A_346] {strides = array<i32>} : memref<256x16xf32, #tpu.memory_space<vmem>>, vector<16xf32>,
        tpu.vector_store %arg18[%parallel_loop3A_345, %parallel_loop3A_346], %parallel_loop3A_344 {strides = array<i32>} : memref<256x16xf32, #tpu.memory_space<vmem>>, vector<16xf32>,
        %parallel_loop3A_348 = arith.index_cast %parallel_loop3A_327 : i32 to index
        %parallel_loop3A_349 = arith.constant 0 : index
        %parallel_loop3A_350 = tpu.vector_load %arg16[%parallel_loop3A_348, %parallel_loop3A_349] {strides = array<i32>} : memref<256x80xbf16, #tpu.memory_space<vmem>>, vector<32xbf16>,
        %parallel_loop3A_351 = tpu.unpack_subelements %parallel_loop3A_350, 0 {pack_format = #tpu.pack_format<interleaved>} : vector<32xbf16> -> vector<16xf32>
        %parallel_loop3A_352 = tpu.unpack_subelements %parallel_loop3A_350, 1 {pack_format = #tpu.pack_format<interleaved>} : vector<32xbf16> -> vector<16xf32>
        %parallel_loop3A_353 = arith.constant 0 : i32
        %parallel_loop3A_354 = vector.broadcast %parallel_loop3A_353 : i32 to vector<16xi32>
        %parallel_loop3A_355 = arith.cmpi slt, %add3A_8, %parallel_loop3A_354 : vector<16xi32>
        %parallel_loop3A_356 = arith.constant 16 : i32
        %parallel_loop3A_357 = vector.broadcast %parallel_loop3A_356 : i32 to vector<16xi32>
        %parallel_loop3A_358 = arith.addi %add3A_8, %parallel_loop3A_357 : vector<16xi32>
        %parallel_loop3A_359 = arith.select %parallel_loop3A_355, %parallel_loop3A_358, %add3A_8 : vector<16xi1>, vector<16xi32>
        %parallel_loop3A_360 = vector.shape_cast %parallel_loop3A_359 : vector<16xi32> to vector<16x1xi32>
        %parallel_loop3A_361 = vector.shape_cast %parallel_loop3A_360 : vector<16x1xi32> to vector<16xi32>
        %parallel_loop3A_362 = tpu.dynamic_gather %parallel_loop3A_344[%parallel_loop3A_361] in [0] : vector<16xf32>, vector<16xi32> -> vector<16xf32>
        %parallel_loop3A_363 = arith.mulf %parallel_loop3A_351, %parallel_loop3A_362 : vector<16xf32>
        %parallel_loop3A_364 = arith.index_cast %parallel_loop3A_327 : i32 to index
        %parallel_loop3A_365 = arith.constant 0 : index
        %parallel_loop3A_366 = tpu.vector_load %arg19[%parallel_loop3A_364, %parallel_loop3A_365] {strides = array<i32>} : memref<256x64xf32, #tpu.memory_space<vmem>>, vector<16xf32>,
        tpu.vector_store %arg19[%parallel_loop3A_364, %parallel_loop3A_365], %parallel_loop3A_363 {strides = array<i32>} : memref<256x64xf32, #tpu.memory_space<vmem>>, vector<16xf32>,
        %parallel_loop3A_367 = arith.mulf %parallel_loop3A_352, %parallel_loop3A_362 : vector<16xf32>
        %parallel_loop3A_368 = arith.index_cast %parallel_loop3A_327 : i32 to index
        %parallel_loop3A_369 = arith.constant 16 : index
        %parallel_loop3A_370 = tpu.vector_load %arg19[%parallel_loop3A_368, %parallel_loop3A_369] {strides = array<i32>} : memref<256x64xf32, #tpu.memory_space<vmem>>, vector<16xf32>,
        tpu.vector_store %arg19[%parallel_loop3A_368, %parallel_loop3A_369], %parallel_loop3A_367 {strides = array<i32>} : memref<256x64xf32, #tpu.memory_space<vmem>>, vector<16xf32>,
        %parallel_loop3A_371 = arith.index_cast %parallel_loop3A_327 : i32 to index
        %parallel_loop3A_372 = arith.constant 32 : index
        %parallel_loop3A_373 = tpu.vector_load %arg16[%parallel_loop3A_371, %parallel_loop3A_372] {strides = array<i32>} : memref<256x80xbf16, #tpu.memory_space<vmem>>, vector<32xbf16>,
        %parallel_loop3A_374 = tpu.unpack_subelements %parallel_loop3A_373, 0 {pack_format = #tpu.pack_format<interleaved>} : vector<32xbf16> -> vector<16xf32>
        %parallel_loop3A_375 = tpu.unpack_subelements %parallel_loop3A_373, 1 {pack_format = #tpu.pack_format<interleaved>} : vector<32xbf16> -> vector<16xf32>
        %parallel_loop3A_376 = arith.constant 0 : i32
        %parallel_loop3A_377 = vector.broadcast %parallel_loop3A_376 : i32 to vector<16xi32>
        %parallel_loop3A_378 = arith.cmpi slt, %add3A_14, %parallel_loop3A_377 : vector<16xi32>
        %parallel_loop3A_379 = arith.constant 16 : i32
        %parallel_loop3A_380 = vector.broadcast %parallel_loop3A_379 : i32 to vector<16xi32>
        %parallel_loop3A_381 = arith.addi %add3A_14, %parallel_loop3A_380 : vector<16xi32>
        %parallel_loop3A_382 = arith.select %parallel_loop3A_378, %parallel_loop3A_381, %add3A_14 : vector<16xi1>, vector<16xi32>
        %parallel_loop3A_383 = vector.shape_cast %parallel_loop3A_382 : vector<16xi32> to vector<16x1xi32>
        %parallel_loop3A_384 = vector.shape_cast %parallel_loop3A_383 : vector<16x1xi32> to vector<16xi32>
        %parallel_loop3A_385 = tpu.dynamic_gather %parallel_loop3A_344[%parallel_loop3A_384] in [0] : vector<16xf32>, vector<16xi32> -> vector<16xf32>
        %parallel_loop3A_386 = arith.mulf %parallel_loop3A_374, %parallel_loop3A_385 : vector<16xf32>
        %parallel_loop3A_387 = arith.index_cast %parallel_loop3A_327 : i32 to index
        %parallel_loop3A_388 = arith.constant 32 : index
        %parallel_loop3A_389 = tpu.vector_load %arg19[%parallel_loop3A_387, %parallel_loop3A_388] {strides = array<i32>} : memref<256x64xf32, #tpu.memory_space<vmem>>, vector<16xf32>,
        tpu.vector_store %arg19[%parallel_loop3A_387, %parallel_loop3A_388], %parallel_loop3A_386 {strides = array<i32>} : memref<256x64xf32, #tpu.memory_space<vmem>>, vector<16xf32>,
        %parallel_loop3A_390 = arith.mulf %parallel_loop3A_375, %parallel_loop3A_385 : vector<16xf32>
        %parallel_loop3A_391 = arith.index_cast %parallel_loop3A_327 : i32 to index
        %parallel_loop3A_392 = arith.constant 48 : index
        %parallel_loop3A_393 = tpu.vector_load %arg19[%parallel_loop3A_391, %parallel_loop3A_392] {strides = array<i32>} : memref<256x64xf32, #tpu.memory_space<vmem>>, vector<16xf32>,
        tpu.vector_store %arg19[%parallel_loop3A_391, %parallel_loop3A_392], %parallel_loop3A_390 {strides = array<i32>} : memref<256x64xf32, #tpu.memory_space<vmem>>, vector<16xf32>,
      } {sc.loop_unroll_factor = 4 : i64, sc.parallel_access}
      %dma_start3A_286 = arith.constant 0 : i32
      %dma_start3A_287 = arith.constant 0 : i32
      %dma_start3A_288 = arith.constant 0 : i32
      %dma_start3A_289 = tpu.memref_slice %arg19[%dma_start3A_287, %dma_start3A_288] : memref<256x64xf32, #tpu.memory_space<vmem>> -> memref<128x64xf32, #tpu.memory_space<vmem>>
      %dma_start3A_290 = arith.constant 0 : i32
      %dma_start3A_291 = tpu.memref_slice %arg15[%dma_start3A_286, %dma_start3A_290] : memref<2x128xi32, #tpu.memory_space<vmem>> -> memref<1x128xi32, #tpu.memory_space<vmem>>
      %dma_start3A_292 = tpu.memref_squeeze %dma_start3A_291 : memref<1x128xi32, #tpu.memory_space<vmem>> -> memref<128xi32, #tpu.memory_space<vmem>>
      %dma_start3A_293 = arith.constant 0 : i32
      %dma_start3A_294 = arith.constant 0 : i32
      %dma_start3A_295 = tpu.memref_slice %arg20[%dma_start3A_293, %dma_start3A_294] : memref<10240x64xf32, #tpu.memory_space<vmem_shared>> -> memref<10240x64xf32, #tpu.memory_space<vmem_shared>>
      tpu.enqueue_indirect_dma source(%dma_start3A_289 : memref<128x64xf32, #tpu.memory_space<vmem>>) target(%dma_start3A_295 : memref<10240x64xf32, #tpu.memory_space<vmem_shared>>) offsets(%dma_start3A_292 : memref<128xi32, #tpu.memory_space<vmem>>) semaphore(%arg25 : memref<!tpu.dma_semaphore, #tpu.memory_space<semaphore_mem>>) {add = true}
      %dma_start3A_296 = arith.constant 0 : i32
      %dma_start3A_297 = arith.constant 0 : i32
      %dma_start3A_298 = arith.constant 0 : i32
      %dma_start3A_299 = tpu.memref_slice %arg18[%dma_start3A_297, %dma_start3A_298] : memref<256x16xf32, #tpu.memory_space<vmem>> -> memref<128x16xf32, #tpu.memory_space<vmem>>
      %dma_start3A_300 = arith.constant 0 : i32
      %dma_start3A_301 = tpu.memref_slice %arg15[%dma_start3A_296, %dma_start3A_300] : memref<2x128xi32, #tpu.memory_space<vmem>> -> memref<1x128xi32, #tpu.memory_space<vmem>>
      %dma_start3A_302 = tpu.memref_squeeze %dma_start3A_301 : memref<1x128xi32, #tpu.memory_space<vmem>> -> memref<128xi32, #tpu.memory_space<vmem>>
      %dma_start3A_303 = arith.constant 0 : i32
      %dma_start3A_304 = arith.constant 0 : i32
      %dma_start3A_305 = tpu.memref_slice %arg21[%dma_start3A_303, %dma_start3A_304] : memref<10240x16xf32, #tpu.memory_space<vmem_shared>> -> memref<10240x16xf32, #tpu.memory_space<vmem_shared>>
      tpu.enqueue_indirect_dma source(%dma_start3A_299 : memref<128x16xf32, #tpu.memory_space<vmem>>) target(%dma_start3A_305 : memref<10240x16xf32, #tpu.memory_space<vmem_shared>>) offsets(%dma_start3A_302 : memref<128xi32, #tpu.memory_space<vmem>>) semaphore(%arg25 : memref<!tpu.dma_semaphore, #tpu.memory_space<semaphore_mem>>) {add = true}
      %dma_start3A_306 = arith.constant 1 : i32
      %dma_start3A_307 = arith.constant 128 : i32
      %dma_start3A_308 = arith.constant 0 : i32
      %dma_start3A_309 = tpu.memref_slice %arg19[%dma_start3A_307, %dma_start3A_308] : memref<256x64xf32, #tpu.memory_space<vmem>> -> memref<128x64xf32, #tpu.memory_space<vmem>>
      %dma_start3A_310 = arith.constant 0 : i32
      %dma_start3A_311 = tpu.memref_slice %arg15[%dma_start3A_306, %dma_start3A_310] : memref<2x128xi32, #tpu.memory_space<vmem>> -> memref<1x128xi32, #tpu.memory_space<vmem>>
      %dma_start3A_312 = tpu.memref_squeeze %dma_start3A_311 : memref<1x128xi32, #tpu.memory_space<vmem>> -> memref<128xi32, #tpu.memory_space<vmem>>
      %dma_start3A_313 = arith.constant 0 : i32
      %dma_start3A_314 = arith.constant 0 : i32
      %dma_start3A_315 = tpu.memref_slice %arg20[%dma_start3A_313, %dma_start3A_314] : memref<10240x64xf32, #tpu.memory_space<vmem_shared>> -> memref<10240x64xf32, #tpu.memory_space<vmem_shared>>
      tpu.enqueue_indirect_dma source(%dma_start3A_309 : memref<128x64xf32, #tpu.memory_space<vmem>>) target(%dma_start3A_315 : memref<10240x64xf32, #tpu.memory_space<vmem_shared>>) offsets(%dma_start3A_312 : memref<128xi32, #tpu.memory_space<vmem>>) semaphore(%arg25 : memref<!tpu.dma_semaphore, #tpu.memory_space<semaphore_mem>>) {add = true}
      %dma_start3A_316 = arith.constant 1 : i32
      %dma_start3A_317 = arith.constant 128 : i32
      %dma_start3A_318 = arith.constant 0 : i32
      %dma_start3A_319 = tpu.memref_slice %arg18[%dma_start3A_317, %dma_start3A_318] : memref<256x16xf32, #tpu.memory_space<vmem>> -> memref<128x16xf32, #tpu.memory_space<vmem>>
      %dma_start3A_320 = arith.constant 0 : i32
      %dma_start3A_321 = tpu.memref_slice %arg15[%dma_start3A_316, %dma_start3A_320] : memref<2x128xi32, #tpu.memory_space<vmem>> -> memref<1x128xi32, #tpu.memory_space<vmem>>
      %dma_start3A_322 = tpu.memref_squeeze %dma_start3A_321 : memref<1x128xi32, #tpu.memory_space<vmem>> -> memref<128xi32, #tpu.memory_space<vmem>>
      %dma_start3A_323 = arith.constant 0 : i32
      %dma_start3A_324 = arith.constant 0 : i32
      %dma_start3A_325 = tpu.memref_slice %arg21[%dma_start3A_323, %dma_start3A_324] : memref<10240x16xf32, #tpu.memory_space<vmem_shared>> -> memref<10240x16xf32, #tpu.memory_space<vmem_shared>>
      tpu.enqueue_indirect_dma source(%dma_start3A_319 : memref<128x16xf32, #tpu.memory_space<vmem>>) target(%dma_start3A_325 : memref<10240x16xf32, #tpu.memory_space<vmem_shared>>) offsets(%dma_start3A_322 : memref<128xi32, #tpu.memory_space<vmem>>) semaphore(%arg25 : memref<!tpu.dma_semaphore, #tpu.memory_space<semaphore_mem>>) {add = true}
      %scan3A_326 = arith.constant 0 : i32
      scf.yield %scan3A_326 : i32
    }
    %scan3A_89 = arith.constant 20 : i32
    %dma_wait3A = arith.constant 0 : i32
    %dma_wait3A_90 = arith.constant 0 : i32
    %dma_wait3A_91 = arith.constant 0 : i32
    %dma_wait3A_92 = tpu.memref_slice %arg19[%dma_wait3A_90, %dma_wait3A_91] : memref<256x64xf32, #tpu.memory_space<vmem>> -> memref<128x64xf32, #tpu.memory_space<vmem>>
    %dma_wait3A_93 = arith.constant 0 : i32
    %dma_wait3A_94 = tpu.memref_slice %arg15[%dma_wait3A, %dma_wait3A_93] : memref<2x128xi32, #tpu.memory_space<vmem>> -> memref<1x128xi32, #tpu.memory_space<vmem>>
    %dma_wait3A_95 = tpu.memref_squeeze %dma_wait3A_94 : memref<1x128xi32, #tpu.memory_space<vmem>> -> memref<128xi32, #tpu.memory_space<vmem>>
    %dma_wait3A_96 = arith.constant 0 : i32
    %dma_wait3A_97 = arith.constant 0 : i32
    %dma_wait3A_98 = tpu.memref_slice %arg20[%dma_wait3A_96, %dma_wait3A_97] : memref<10240x64xf32, #tpu.memory_space<vmem_shared>> -> memref<10240x64xf32, #tpu.memory_space<vmem_shared>>
    tpu.wait_indirect_dma semaphore(%arg25 : memref<!tpu.dma_semaphore, #tpu.memory_space<semaphore_mem>>) src(%dma_wait3A_92 : memref<128x64xf32, #tpu.memory_space<vmem>>) dst(%dma_wait3A_98 : memref<10240x64xf32, #tpu.memory_space<vmem_shared>>)
    %dma_wait3A_99 = arith.constant 0 : i32
    %dma_wait3A_100 = arith.constant 0 : i32
    %dma_wait3A_101 = arith.constant 0 : i32
    %dma_wait3A_102 = tpu.memref_slice %arg18[%dma_wait3A_100, %dma_wait3A_101] : memref<256x16xf32, #tpu.memory_space<vmem>> -> memref<128x16xf32, #tpu.memory_space<vmem>>
    %dma_wait3A_103 = arith.constant 0 : i32
    %dma_wait3A_104 = tpu.memref_slice %arg15[%dma_wait3A_99, %dma_wait3A_103] : memref<2x128xi32, #tpu.memory_space<vmem>> -> memref<1x128xi32, #tpu.memory_space<vmem>>
    %dma_wait3A_105 = tpu.memref_squeeze %dma_wait3A_104 : memref<1x128xi32, #tpu.memory_space<vmem>> -> memref<128xi32, #tpu.memory_space<vmem>>
    %dma_wait3A_106 = arith.constant 0 : i32
    %dma_wait3A_107 = arith.constant 0 : i32
    %dma_wait3A_108 = tpu.memref_slice %arg21[%dma_wait3A_106, %dma_wait3A_107] : memref<10240x16xf32, #tpu.memory_space<vmem_shared>> -> memref<10240x16xf32, #tpu.memory_space<vmem_shared>>
    tpu.wait_indirect_dma semaphore(%arg25 : memref<!tpu.dma_semaphore, #tpu.memory_space<semaphore_mem>>) src(%dma_wait3A_102 : memref<128x16xf32, #tpu.memory_space<vmem>>) dst(%dma_wait3A_108 : memref<10240x16xf32, #tpu.memory_space<vmem_shared>>)
    %dma_wait3A_109 = arith.constant 1 : i32
    %dma_wait3A_110 = arith.constant 128 : i32
    %dma_wait3A_111 = arith.constant 0 : i32
    %dma_wait3A_112 = tpu.memref_slice %arg19[%dma_wait3A_110, %dma_wait3A_111] : memref<256x64xf32, #tpu.memory_space<vmem>> -> memref<128x64xf32, #tpu.memory_space<vmem>>
    %dma_wait3A_113 = arith.constant 0 : i32
    %dma_wait3A_114 = tpu.memref_slice %arg15[%dma_wait3A_109, %dma_wait3A_113] : memref<2x128xi32, #tpu.memory_space<vmem>> -> memref<1x128xi32, #tpu.memory_space<vmem>>
    %dma_wait3A_115 = tpu.memref_squeeze %dma_wait3A_114 : memref<1x128xi32, #tpu.memory_space<vmem>> -> memref<128xi32, #tpu.memory_space<vmem>>
    %dma_wait3A_116 = arith.constant 0 : i32
    %dma_wait3A_117 = arith.constant 0 : i32
    %dma_wait3A_118 = tpu.memref_slice %arg20[%dma_wait3A_116, %dma_wait3A_117] : memref<10240x64xf32, #tpu.memory_space<vmem_shared>> -> memref<10240x64xf32, #tpu.memory_space<vmem_shared>>
    tpu.wait_indirect_dma semaphore(%arg25 : memref<!tpu.dma_semaphore, #tpu.memory_space<semaphore_mem>>) src(%dma_wait3A_112 : memref<128x64xf32, #tpu.memory_space<vmem>>) dst(%dma_wait3A_118 : memref<10240x64xf32, #tpu.memory_space<vmem_shared>>)
    %dma_wait3A_119 = arith.constant 1 : i32
    %dma_wait3A_120 = arith.constant 128 : i32
    %dma_wait3A_121 = arith.constant 0 : i32
    %dma_wait3A_122 = tpu.memref_slice %arg18[%dma_wait3A_120, %dma_wait3A_121] : memref<256x16xf32, #tpu.memory_space<vmem>> -> memref<128x16xf32, #tpu.memory_space<vmem>>
    %dma_wait3A_123 = arith.constant 0 : i32
    %dma_wait3A_124 = tpu.memref_slice %arg15[%dma_wait3A_119, %dma_wait3A_123] : memref<2x128xi32, #tpu.memory_space<vmem>> -> memref<1x128xi32, #tpu.memory_space<vmem>>
    %dma_wait3A_125 = tpu.memref_squeeze %dma_wait3A_124 : memref<1x128xi32, #tpu.memory_space<vmem>> -> memref<128xi32, #tpu.memory_space<vmem>>
    %dma_wait3A_126 = arith.constant 0 : i32
    %dma_wait3A_127 = arith.constant 0 : i32
    %dma_wait3A_128 = tpu.memref_slice %arg21[%dma_wait3A_126, %dma_wait3A_127] : memref<10240x16xf32, #tpu.memory_space<vmem_shared>> -> memref<10240x16xf32, #tpu.memory_space<vmem_shared>>
    tpu.wait_indirect_dma semaphore(%arg25 : memref<!tpu.dma_semaphore, #tpu.memory_space<semaphore_mem>>) src(%dma_wait3A_122 : memref<128x16xf32, #tpu.memory_space<vmem>>) dst(%dma_wait3A_128 : memref<10240x16xf32, #tpu.memory_space<vmem_shared>>)
    %barrier3A_129 = arith.constant 0 : index
    tpu.barrier barrier_id(%barrier3A_129)
    "tpu.region"() ({
      %run_scoped3A_130 = tpu.sem_alloc : memref<!tpu.dma_semaphore, #tpu.memory_space<semaphore_mem>>
      %dma_start3A_131 = arith.constant 0 : i32
      %dma_start3A_132 = tpu.memref_slice %arg6[%arg0, %mul3A_21, %dma_start3A_131] : memref<2x10240x64xf32, #tpu.memory_space<hbm>> -> memref<1x640x64xf32, #tpu.memory_space<hbm>>
      %dma_start3A_133 = tpu.memref_squeeze %dma_start3A_132 : memref<1x640x64xf32, #tpu.memory_space<hbm>> -> memref<640x64xf32, #tpu.memory_space<hbm>>
      %dma_start3A_134 = arith.constant 0 : i32
      %dma_start3A_135 = tpu.memref_slice %arg20[%mul3A_21, %dma_start3A_134] : memref<10240x64xf32, #tpu.memory_space<vmem_shared>> -> memref<640x64xf32, #tpu.memory_space<vmem_shared>>
      tpu.enqueue_dma source(%dma_start3A_135 : memref<640x64xf32, #tpu.memory_space<vmem_shared>>) target(%dma_start3A_133 : memref<640x64xf32, #tpu.memory_space<hbm>>) target_semaphore(%run_scoped3A_130 : memref<!tpu.dma_semaphore, #tpu.memory_space<semaphore_mem>>)
      %dma_wait3A_136 = arith.constant 0 : i32
      %dma_wait3A_137 = tpu.memref_slice %arg6[%arg0, %mul3A_21, %dma_wait3A_136] : memref<2x10240x64xf32, #tpu.memory_space<hbm>> -> memref<1x640x64xf32, #tpu.memory_space<hbm>>
      %dma_wait3A_138 = tpu.memref_squeeze %dma_wait3A_137 : memref<1x640x64xf32, #tpu.memory_space<hbm>> -> memref<640x64xf32, #tpu.memory_space<hbm>>
      %dma_wait3A_139 = arith.constant 0 : i32
      %dma_wait3A_140 = tpu.memref_slice %arg20[%mul3A_21, %dma_wait3A_139] : memref<10240x64xf32, #tpu.memory_space<vmem_shared>> -> memref<640x64xf32, #tpu.memory_space<vmem_shared>>
      tpu.wait_dma2 semaphore(%run_scoped3A_130 : memref<!tpu.dma_semaphore, #tpu.memory_space<semaphore_mem>>) src(%dma_wait3A_140 : memref<640x64xf32, #tpu.memory_space<vmem_shared>>) dst(%dma_wait3A_138 : memref<640x64xf32, #tpu.memory_space<hbm>>)
      tpu.yield
    }) : () -> ()
    "tpu.region"() ({
      %run_scoped3A_130 = tpu.sem_alloc : memref<!tpu.dma_semaphore, #tpu.memory_space<semaphore_mem>>
      %dma_start3A_131 = arith.constant 0 : i32
      %dma_start3A_132 = tpu.memref_slice %arg7[%arg0, %mul3A_21, %dma_start3A_131] : memref<2x10240x16xf32, #tpu.memory_space<hbm>> -> memref<1x640x16xf32, #tpu.memory_space<hbm>>
      %dma_start3A_133 = tpu.memref_squeeze %dma_start3A_132 : memref<1x640x16xf32, #tpu.memory_space<hbm>> -> memref<640x16xf32, #tpu.memory_space<hbm>>
      %dma_start3A_134 = arith.constant 0 : i32
      %dma_start3A_135 = tpu.memref_slice %arg21[%mul3A_21, %dma_start3A_134] : memref<10240x16xf32, #tpu.memory_space<vmem_shared>> -> memref<640x16xf32, #tpu.memory_space<vmem_shared>>
      tpu.enqueue_dma source(%dma_start3A_135 : memref<640x16xf32, #tpu.memory_space<vmem_shared>>) target(%dma_start3A_133 : memref<640x16xf32, #tpu.memory_space<hbm>>) target_semaphore(%run_scoped3A_130 : memref<!tpu.dma_semaphore, #tpu.memory_space<semaphore_mem>>)
      %dma_wait3A_136 = arith.constant 0 : i32
      %dma_wait3A_137 = tpu.memref_slice %arg7[%arg0, %mul3A_21, %dma_wait3A_136] : memref<2x10240x16xf32, #tpu.memory_space<hbm>> -> memref<1x640x16xf32, #tpu.memory_space<hbm>>
      %dma_wait3A_138 = tpu.memref_squeeze %dma_wait3A_137 : memref<1x640x16xf32, #tpu.memory_space<hbm>> -> memref<640x16xf32, #tpu.memory_space<hbm>>
      %dma_wait3A_139 = arith.constant 0 : i32
      %dma_wait3A_140 = tpu.memref_slice %arg21[%mul3A_21, %dma_wait3A_139] : memref<10240x16xf32, #tpu.memory_space<vmem_shared>> -> memref<640x16xf32, #tpu.memory_space<vmem_shared>>
      tpu.wait_dma2 semaphore(%run_scoped3A_130 : memref<!tpu.dma_semaphore, #tpu.memory_space<semaphore_mem>>) src(%dma_wait3A_140 : memref<640x16xf32, #tpu.memory_space<vmem_shared>>) dst(%dma_wait3A_138 : memref<640x16xf32, #tpu.memory_space<hbm>>)
      tpu.yield
    }) : () -> ()
    return
  }
}

#map = affine_map<(d0, d1) -> (0)>
#map1 = affine_map<(d0, d1) -> (0, 0)>
#map2 = affine_map<(d0, d1) -> (0, 0, 0)>
module attributes {stable_mosaic.version = 14 : i64} {
  func.func @k(%arg0: i32, %arg1: i32, %arg2: memref<327680xi32, #tpu.memory_space<hbm>>, %arg3: memref<327680xi32, #tpu.memory_space<hbm>>, %arg4: memref<10240x80xbf16, #tpu.memory_space<hbm>>, %arg5: memref<10240x16xf32, #tpu.memory_space<hbm>>, %arg6: memref<2x10240x64xf32, #tpu.memory_space<hbm>>, %arg7: memref<2x10240x16xf32, #tpu.memory_space<hbm>>, %arg8: memref<2x128xi32, #tpu.memory_space<vmem>>, %arg9: memref<2x128xi32, #tpu.memory_space<vmem>>, %arg10: memref<256x80xbf16, #tpu.memory_space<vmem>>, %arg11: memref<256x16xf32, #tpu.memory_space<vmem>>, %arg12: memref<256x16xf32, #tpu.memory_space<vmem>>, %arg13: memref<256x64xf32, #tpu.memory_space<vmem>>, %arg14: memref<2x128xi32, #tpu.memory_space<vmem>>, %arg15: memref<2x128xi32, #tpu.memory_space<vmem>>, %arg16: memref<256x80xbf16, #tpu.memory_space<vmem>>, %arg17: memref<256x16xf32, #tpu.memory_space<vmem>>, %arg18: memref<256x16xf32, #tpu.memory_space<vmem>>, %arg19: memref<256x64xf32, #tpu.memory_space<vmem>>, %arg20: memref<10240x64xf32, #tpu.memory_space<vmem_shared>>, %arg21: memref<10240x16xf32, #tpu.memory_space<vmem_shared>>, %arg22: memref<!tpu.dma_semaphore, #tpu.memory_space<semaphore_mem>>, %arg23: memref<!tpu.dma_semaphore, #tpu.memory_space<semaphore_mem>>, %arg24: memref<!tpu.dma_semaphore, #tpu.memory_space<semaphore_mem>>, %arg25: memref<!tpu.dma_semaphore, #tpu.memory_space<semaphore_mem>>) attributes {dimension_semantics = [#tpu.dimension_semantics<core_parallel>, #tpu.dimension_semantics<subcore_parallel>], iteration_bounds = array<i64: 2, 16>, scalar_prefetch = 0 : i64, scratch_operands = 18 : i64, tpu.core_type = #tpu.core_type<sc_vector_subcore>, window_params = [{transform_indices = #map}, {transform_indices = #map}, {transform_indices = #map1}, {transform_indices = #map1}, {transform_indices = #map2}, {transform_indices = #map2}]} {
    %mul3A = arith.constant 2 : i32
    %mul3A_0 = arith.muli %arg1, %mul3A : i32
    %add3A = arith.addi %mul3A_0, %arg0 : i32
    %mul3A_1 = arith.constant 10240 : i32
    %mul3A_2 = arith.muli %add3A, %mul3A_1 : i32
    %broadcast_in_dim3A = arith.constant 0.000000e+00 : f32
    %broadcast_in_dim3A_3 = vector.broadcast %broadcast_in_dim3A : f32 to vector<16xf32>
    %iota3A = tpu.iota {dimensions = array<i32: 0>} : vector<16xi32>
    %broadcast_in_dim3A_4 = arith.constant 0 : i32
    %broadcast_in_dim3A_5 = vector.broadcast %broadcast_in_dim3A_4 : i32 to vector<16xi32>
    %add3A_6 = arith.constant 8 : i32
    %add3A_7 = vector.broadcast %add3A_6 : i32 to vector<16xi32>
    %add3A_8 = arith.addi %add3A_7, %broadcast_in_dim3A_5 : vector<16xi32>
    %broadcast_in_dim3A_9 = arith.constant 0 : i32
    %broadcast_in_dim3A_10 = vector.broadcast %broadcast_in_dim3A_9 : i32 to vector<16xi32>
    %add3A_11 = arith.constant 8 : i32
    %add3A_12 = vector.broadcast %add3A_11 : i32 to vector<16xi32>
    %add3A_13 = arith.addi %add3A_12, %broadcast_in_dim3A_10 : vector<16xi32>
    %parallel_loop3A = arith.constant 0 : i32
    %parallel_loop3A_14 = arith.constant 1024 : i32
    %parallel_loop3A_15 = arith.constant 1 : i32
    scf.for %parallel_loop3A_129 = %parallel_loop3A to %parallel_loop3A_14 step %parallel_loop3A_15  : i32 {
      %parallel_loop3A_130 = arith.constant 2 : i32
      %parallel_loop3A_131 = arith.shrsi %parallel_loop3A_129, %parallel_loop3A_130 : i32
      %parallel_loop3A_132 = arith.constant 3 : i32
      %parallel_loop3A_133 = arith.andi %parallel_loop3A_129, %parallel_loop3A_132 : i32
      %parallel_loop3A_134 = arith.constant 16 : i32
      %parallel_loop3A_135 = arith.muli %parallel_loop3A_133, %parallel_loop3A_134 : i32
      %parallel_loop3A_136 = arith.index_cast %parallel_loop3A_131 : i32 to index
      %parallel_loop3A_137 = arith.index_cast %parallel_loop3A_135 : i32 to index
      %parallel_loop3A_138 = tpu.vector_load %arg13[%parallel_loop3A_136, %parallel_loop3A_137] {strides = array<i32>} : memref<256x64xf32, #tpu.memory_space<vmem>>, vector<16xf32>,
      tpu.vector_store %arg13[%parallel_loop3A_136, %parallel_loop3A_137], %broadcast_in_dim3A_3 {strides = array<i32>} : memref<256x64xf32, #tpu.memory_space<vmem>>, vector<16xf32>,
    } {sc.loop_unroll_factor = 8 : i64, sc.parallel_access}
    %parallel_loop3A_16 = arith.constant 0 : i32
    %parallel_loop3A_17 = arith.constant 256 : i32
    %parallel_loop3A_18 = arith.constant 1 : i32
    scf.for %parallel_loop3A_129 = %parallel_loop3A_16 to %parallel_loop3A_17 step %parallel_loop3A_18  : i32 {
      %parallel_loop3A_130 = arith.index_cast %parallel_loop3A_129 : i32 to index
      %parallel_loop3A_131 = arith.constant 0 : index
      %parallel_loop3A_132 = tpu.vector_load %arg12[%parallel_loop3A_130, %parallel_loop3A_131] {strides = array<i32>} : memref<256x16xf32, #tpu.memory_space<vmem>>, vector<16xf32>,
      tpu.vector_store %arg12[%parallel_loop3A_130, %parallel_loop3A_131], %broadcast_in_dim3A_3 {strides = array<i32>} : memref<256x16xf32, #tpu.memory_space<vmem>>, vector<16xf32>,
    } {sc.loop_unroll_factor = 8 : i64, sc.parallel_access}
    %mul3A_19 = arith.constant 640 : i32
    %mul3A_20 = arith.muli %arg1, %mul3A_19 : i32
    %add3A_21 = arith.constant 0 : i32
    %add3A_22 = arith.addi %mul3A_20, %add3A_21 : i32
    "tpu.region"() ({
      %run_scoped3A_129 = tpu.sem_alloc : memref<!tpu.dma_semaphore, #tpu.memory_space<semaphore_mem>>
      %dma_start3A_130 = arith.constant 0 : i32
      %dma_start3A_131 = arith.constant 0 : i32
      %dma_start3A_132 = tpu.memref_slice %arg13[%dma_start3A_130, %dma_start3A_131] : memref<256x64xf32, #tpu.memory_space<vmem>> -> memref<256x64xf32, #tpu.memory_space<vmem>>
      %dma_start3A_133 = arith.constant 0 : i32
      %dma_start3A_134 = tpu.memref_slice %arg20[%add3A_22, %dma_start3A_133] : memref<10240x64xf32, #tpu.memory_space<vmem_shared>> -> memref<256x64xf32, #tpu.memory_space<vmem_shared>>
      %dma_start3A_135 = arith.constant 0 : i32
      %dma_start3A_136 = tpu.memref_slice %arg20[%add3A_22, %dma_start3A_135] : memref<10240x64xf32, #tpu.memory_space<vmem_shared>> -> memref<256x64xf32, #tpu.memory_space<vmem_shared>>
      %dma_start3A_137 = arith.constant 0 : i32
      %dma_start3A_138 = arith.constant 0 : i32
      %dma_start3A_139 = tpu.memref_slice %arg13[%dma_start3A_137, %dma_start3A_138] : memref<256x64xf32, #tpu.memory_space<vmem>> -> memref<256x64xf32, #tpu.memory_space<vmem>>
      tpu.enqueue_dma source(%dma_start3A_139 : memref<256x64xf32, #tpu.memory_space<vmem>>) target(%dma_start3A_136 : memref<256x64xf32, #tpu.memory_space<vmem_shared>>) target_semaphore(%run_scoped3A_129 : memref<!tpu.dma_semaphore, #tpu.memory_space<semaphore_mem>>)
      %dma_wait3A_140 = arith.constant 0 : i32
      %dma_wait3A_141 = arith.constant 0 : i32
      %dma_wait3A_142 = tpu.memref_slice %arg13[%dma_wait3A_140, %dma_wait3A_141] : memref<256x64xf32, #tpu.memory_space<vmem>> -> memref<256x64xf32, #tpu.memory_space<vmem>>
      %dma_wait3A_143 = arith.constant 0 : i32
      %dma_wait3A_144 = tpu.memref_slice %arg20[%add3A_22, %dma_wait3A_143] : memref<10240x64xf32, #tpu.memory_space<vmem_shared>> -> memref<256x64xf32, #tpu.memory_space<vmem_shared>>
      %dma_wait3A_145 = arith.constant 0 : i32
      %dma_wait3A_146 = tpu.memref_slice %arg20[%add3A_22, %dma_wait3A_145] : memref<10240x64xf32, #tpu.memory_space<vmem_shared>> -> memref<256x64xf32, #tpu.memory_space<vmem_shared>>
      %dma_wait3A_147 = arith.constant 0 : i32
      %dma_wait3A_148 = arith.constant 0 : i32
      %dma_wait3A_149 = tpu.memref_slice %arg13[%dma_wait3A_147, %dma_wait3A_148] : memref<256x64xf32, #tpu.memory_space<vmem>> -> memref<256x64xf32, #tpu.memory_space<vmem>>
      tpu.wait_dma2 semaphore(%run_scoped3A_129 : memref<!tpu.dma_semaphore, #tpu.memory_space<semaphore_mem>>) src(%dma_wait3A_149 : memref<256x64xf32, #tpu.memory_space<vmem>>) dst(%dma_wait3A_146 : memref<256x64xf32, #tpu.memory_space<vmem_shared>>)
      tpu.yield
    }) : () -> ()
    %add3A_23 = arith.constant 0 : i32
    %add3A_24 = arith.addi %mul3A_20, %add3A_23 : i32
    "tpu.region"() ({
      %run_scoped3A_129 = tpu.sem_alloc : memref<!tpu.dma_semaphore, #tpu.memory_space<semaphore_mem>>
      %dma_start3A_130 = arith.constant 0 : i32
      %dma_start3A_131 = arith.constant 0 : i32
      %dma_start3A_132 = tpu.memref_slice %arg12[%dma_start3A_130, %dma_start3A_131] : memref<256x16xf32, #tpu.memory_space<vmem>> -> memref<256x16xf32, #tpu.memory_space<vmem>>
      %dma_start3A_133 = arith.constant 0 : i32
      %dma_start3A_134 = tpu.memref_slice %arg21[%add3A_24, %dma_start3A_133] : memref<10240x16xf32, #tpu.memory_space<vmem_shared>> -> memref<256x16xf32, #tpu.memory_space<vmem_shared>>
      %dma_start3A_135 = arith.constant 0 : i32
      %dma_start3A_136 = tpu.memref_slice %arg21[%add3A_24, %dma_start3A_135] : memref<10240x16xf32, #tpu.memory_space<vmem_shared>> -> memref<256x16xf32, #tpu.memory_space<vmem_shared>>
      %dma_start3A_137 = arith.constant 0 : i32
      %dma_start3A_138 = arith.constant 0 : i32
      %dma_start3A_139 = tpu.memref_slice %arg12[%dma_start3A_137, %dma_start3A_138] : memref<256x16xf32, #tpu.memory_space<vmem>> -> memref<256x16xf32, #tpu.memory_space<vmem>>
      tpu.enqueue_dma source(%dma_start3A_139 : memref<256x16xf32, #tpu.memory_space<vmem>>) target(%dma_start3A_136 : memref<256x16xf32, #tpu.memory_space<vmem_shared>>) target_semaphore(%run_scoped3A_129 : memref<!tpu.dma_semaphore, #tpu.memory_space<semaphore_mem>>)
      %dma_wait3A_140 = arith.constant 0 : i32
      %dma_wait3A_141 = arith.constant 0 : i32
      %dma_wait3A_142 = tpu.memref_slice %arg12[%dma_wait3A_140, %dma_wait3A_141] : memref<256x16xf32, #tpu.memory_space<vmem>> -> memref<256x16xf32, #tpu.memory_space<vmem>>
      %dma_wait3A_143 = arith.constant 0 : i32
      %dma_wait3A_144 = tpu.memref_slice %arg21[%add3A_24, %dma_wait3A_143] : memref<10240x16xf32, #tpu.memory_space<vmem_shared>> -> memref<256x16xf32, #tpu.memory_space<vmem_shared>>
      %dma_wait3A_145 = arith.constant 0 : i32
      %dma_wait3A_146 = tpu.memref_slice %arg21[%add3A_24, %dma_wait3A_145] : memref<10240x16xf32, #tpu.memory_space<vmem_shared>> -> memref<256x16xf32, #tpu.memory_space<vmem_shared>>
      %dma_wait3A_147 = arith.constant 0 : i32
      %dma_wait3A_148 = arith.constant 0 : i32
      %dma_wait3A_149 = tpu.memref_slice %arg12[%dma_wait3A_147, %dma_wait3A_148] : memref<256x16xf32, #tpu.memory_space<vmem>> -> memref<256x16xf32, #tpu.memory_space<vmem>>
      tpu.wait_dma2 semaphore(%run_scoped3A_129 : memref<!tpu.dma_semaphore, #tpu.memory_space<semaphore_mem>>) src(%dma_wait3A_149 : memref<256x16xf32, #tpu.memory_space<vmem>>) dst(%dma_wait3A_146 : memref<256x16xf32, #tpu.memory_space<vmem_shared>>)
      tpu.yield
    }) : () -> ()
    %add3A_25 = arith.constant 256 : i32
    %add3A_26 = arith.addi %mul3A_20, %add3A_25 : i32
    "tpu.region"() ({
      %run_scoped3A_129 = tpu.sem_alloc : memref<!tpu.dma_semaphore, #tpu.memory_space<semaphore_mem>>
      %dma_start3A_130 = arith.constant 0 : i32
      %dma_start3A_131 = arith.constant 0 : i32
      %dma_start3A_132 = tpu.memref_slice %arg13[%dma_start3A_130, %dma_start3A_131] : memref<256x64xf32, #tpu.memory_space<vmem>> -> memref<256x64xf32, #tpu.memory_space<vmem>>
      %dma_start3A_133 = arith.constant 0 : i32
      %dma_start3A_134 = tpu.memref_slice %arg20[%add3A_26, %dma_start3A_133] : memref<10240x64xf32, #tpu.memory_space<vmem_shared>> -> memref<256x64xf32, #tpu.memory_space<vmem_shared>>
      %dma_start3A_135 = arith.constant 0 : i32
      %dma_start3A_136 = tpu.memref_slice %arg20[%add3A_26, %dma_start3A_135] : memref<10240x64xf32, #tpu.memory_space<vmem_shared>> -> memref<256x64xf32, #tpu.memory_space<vmem_shared>>
      %dma_start3A_137 = arith.constant 0 : i32
      %dma_start3A_138 = arith.constant 0 : i32
      %dma_start3A_139 = tpu.memref_slice %arg13[%dma_start3A_137, %dma_start3A_138] : memref<256x64xf32, #tpu.memory_space<vmem>> -> memref<256x64xf32, #tpu.memory_space<vmem>>
      tpu.enqueue_dma source(%dma_start3A_139 : memref<256x64xf32, #tpu.memory_space<vmem>>) target(%dma_start3A_136 : memref<256x64xf32, #tpu.memory_space<vmem_shared>>) target_semaphore(%run_scoped3A_129 : memref<!tpu.dma_semaphore, #tpu.memory_space<semaphore_mem>>)
      %dma_wait3A_140 = arith.constant 0 : i32
      %dma_wait3A_141 = arith.constant 0 : i32
      %dma_wait3A_142 = tpu.memref_slice %arg13[%dma_wait3A_140, %dma_wait3A_141] : memref<256x64xf32, #tpu.memory_space<vmem>> -> memref<256x64xf32, #tpu.memory_space<vmem>>
      %dma_wait3A_143 = arith.constant 0 : i32
      %dma_wait3A_144 = tpu.memref_slice %arg20[%add3A_26, %dma_wait3A_143] : memref<10240x64xf32, #tpu.memory_space<vmem_shared>> -> memref<256x64xf32, #tpu.memory_space<vmem_shared>>
      %dma_wait3A_145 = arith.constant 0 : i32
      %dma_wait3A_146 = tpu.memref_slice %arg20[%add3A_26, %dma_wait3A_145] : memref<10240x64xf32, #tpu.memory_space<vmem_shared>> -> memref<256x64xf32, #tpu.memory_space<vmem_shared>>
      %dma_wait3A_147 = arith.constant 0 : i32
      %dma_wait3A_148 = arith.constant 0 : i32
      %dma_wait3A_149 = tpu.memref_slice %arg13[%dma_wait3A_147, %dma_wait3A_148] : memref<256x64xf32, #tpu.memory_space<vmem>> -> memref<256x64xf32, #tpu.memory_space<vmem>>
      tpu.wait_dma2 semaphore(%run_scoped3A_129 : memref<!tpu.dma_semaphore, #tpu.memory_space<semaphore_mem>>) src(%dma_wait3A_149 : memref<256x64xf32, #tpu.memory_space<vmem>>) dst(%dma_wait3A_146 : memref<256x64xf32, #tpu.memory_space<vmem_shared>>)
      tpu.yield
    }) : () -> ()
    %add3A_27 = arith.constant 256 : i32
    %add3A_28 = arith.addi %mul3A_20, %add3A_27 : i32
    "tpu.region"() ({
      %run_scoped3A_129 = tpu.sem_alloc : memref<!tpu.dma_semaphore, #tpu.memory_space<semaphore_mem>>
      %dma_start3A_130 = arith.constant 0 : i32
      %dma_start3A_131 = arith.constant 0 : i32
      %dma_start3A_132 = tpu.memref_slice %arg12[%dma_start3A_130, %dma_start3A_131] : memref<256x16xf32, #tpu.memory_space<vmem>> -> memref<256x16xf32, #tpu.memory_space<vmem>>
      %dma_start3A_133 = arith.constant 0 : i32
      %dma_start3A_134 = tpu.memref_slice %arg21[%add3A_28, %dma_start3A_133] : memref<10240x16xf32, #tpu.memory_space<vmem_shared>> -> memref<256x16xf32, #tpu.memory_space<vmem_shared>>
      %dma_start3A_135 = arith.constant 0 : i32
      %dma_start3A_136 = tpu.memref_slice %arg21[%add3A_28, %dma_start3A_135] : memref<10240x16xf32, #tpu.memory_space<vmem_shared>> -> memref<256x16xf32, #tpu.memory_space<vmem_shared>>
      %dma_start3A_137 = arith.constant 0 : i32
      %dma_start3A_138 = arith.constant 0 : i32
      %dma_start3A_139 = tpu.memref_slice %arg12[%dma_start3A_137, %dma_start3A_138] : memref<256x16xf32, #tpu.memory_space<vmem>> -> memref<256x16xf32, #tpu.memory_space<vmem>>
      tpu.enqueue_dma source(%dma_start3A_139 : memref<256x16xf32, #tpu.memory_space<vmem>>) target(%dma_start3A_136 : memref<256x16xf32, #tpu.memory_space<vmem_shared>>) target_semaphore(%run_scoped3A_129 : memref<!tpu.dma_semaphore, #tpu.memory_space<semaphore_mem>>)
      %dma_wait3A_140 = arith.constant 0 : i32
      %dma_wait3A_141 = arith.constant 0 : i32
      %dma_wait3A_142 = tpu.memref_slice %arg12[%dma_wait3A_140, %dma_wait3A_141] : memref<256x16xf32, #tpu.memory_space<vmem>> -> memref<256x16xf32, #tpu.memory_space<vmem>>
      %dma_wait3A_143 = arith.constant 0 : i32
      %dma_wait3A_144 = tpu.memref_slice %arg21[%add3A_28, %dma_wait3A_143] : memref<10240x16xf32, #tpu.memory_space<vmem_shared>> -> memref<256x16xf32, #tpu.memory_space<vmem_shared>>
      %dma_wait3A_145 = arith.constant 0 : i32
      %dma_wait3A_146 = tpu.memref_slice %arg21[%add3A_28, %dma_wait3A_145] : memref<10240x16xf32, #tpu.memory_space<vmem_shared>> -> memref<256x16xf32, #tpu.memory_space<vmem_shared>>
      %dma_wait3A_147 = arith.constant 0 : i32
      %dma_wait3A_148 = arith.constant 0 : i32
      %dma_wait3A_149 = tpu.memref_slice %arg12[%dma_wait3A_147, %dma_wait3A_148] : memref<256x16xf32, #tpu.memory_space<vmem>> -> memref<256x16xf32, #tpu.memory_space<vmem>>
      tpu.wait_dma2 semaphore(%run_scoped3A_129 : memref<!tpu.dma_semaphore, #tpu.memory_space<semaphore_mem>>) src(%dma_wait3A_149 : memref<256x16xf32, #tpu.memory_space<vmem>>) dst(%dma_wait3A_146 : memref<256x16xf32, #tpu.memory_space<vmem_shared>>)
      tpu.yield
    }) : () -> ()
    %add3A_29 = arith.constant 512 : i32
    %add3A_30 = arith.addi %mul3A_20, %add3A_29 : i32
    "tpu.region"() ({
      %run_scoped3A_129 = tpu.sem_alloc : memref<!tpu.dma_semaphore, #tpu.memory_space<semaphore_mem>>
      %dma_start3A_130 = arith.constant 0 : i32
      %dma_start3A_131 = arith.constant 0 : i32
      %dma_start3A_132 = tpu.memref_slice %arg13[%dma_start3A_130, %dma_start3A_131] : memref<256x64xf32, #tpu.memory_space<vmem>> -> memref<128x64xf32, #tpu.memory_space<vmem>>
      %dma_start3A_133 = arith.constant 0 : i32
      %dma_start3A_134 = tpu.memref_slice %arg20[%add3A_30, %dma_start3A_133] : memref<10240x64xf32, #tpu.memory_space<vmem_shared>> -> memref<128x64xf32, #tpu.memory_space<vmem_shared>>
      %dma_start3A_135 = arith.constant 0 : i32
      %dma_start3A_136 = tpu.memref_slice %arg20[%add3A_30, %dma_start3A_135] : memref<10240x64xf32, #tpu.memory_space<vmem_shared>> -> memref<128x64xf32, #tpu.memory_space<vmem_shared>>
      %dma_start3A_137 = arith.constant 0 : i32
      %dma_start3A_138 = arith.constant 0 : i32
      %dma_start3A_139 = tpu.memref_slice %arg13[%dma_start3A_137, %dma_start3A_138] : memref<256x64xf32, #tpu.memory_space<vmem>> -> memref<128x64xf32, #tpu.memory_space<vmem>>
      tpu.enqueue_dma source(%dma_start3A_139 : memref<128x64xf32, #tpu.memory_space<vmem>>) target(%dma_start3A_136 : memref<128x64xf32, #tpu.memory_space<vmem_shared>>) target_semaphore(%run_scoped3A_129 : memref<!tpu.dma_semaphore, #tpu.memory_space<semaphore_mem>>)
      %dma_wait3A_140 = arith.constant 0 : i32
      %dma_wait3A_141 = arith.constant 0 : i32
      %dma_wait3A_142 = tpu.memref_slice %arg13[%dma_wait3A_140, %dma_wait3A_141] : memref<256x64xf32, #tpu.memory_space<vmem>> -> memref<128x64xf32, #tpu.memory_space<vmem>>
      %dma_wait3A_143 = arith.constant 0 : i32
      %dma_wait3A_144 = tpu.memref_slice %arg20[%add3A_30, %dma_wait3A_143] : memref<10240x64xf32, #tpu.memory_space<vmem_shared>> -> memref<128x64xf32, #tpu.memory_space<vmem_shared>>
      %dma_wait3A_145 = arith.constant 0 : i32
      %dma_wait3A_146 = tpu.memref_slice %arg20[%add3A_30, %dma_wait3A_145] : memref<10240x64xf32, #tpu.memory_space<vmem_shared>> -> memref<128x64xf32, #tpu.memory_space<vmem_shared>>
      %dma_wait3A_147 = arith.constant 0 : i32
      %dma_wait3A_148 = arith.constant 0 : i32
      %dma_wait3A_149 = tpu.memref_slice %arg13[%dma_wait3A_147, %dma_wait3A_148] : memref<256x64xf32, #tpu.memory_space<vmem>> -> memref<128x64xf32, #tpu.memory_space<vmem>>
      tpu.wait_dma2 semaphore(%run_scoped3A_129 : memref<!tpu.dma_semaphore, #tpu.memory_space<semaphore_mem>>) src(%dma_wait3A_149 : memref<128x64xf32, #tpu.memory_space<vmem>>) dst(%dma_wait3A_146 : memref<128x64xf32, #tpu.memory_space<vmem_shared>>)
      tpu.yield
    }) : () -> ()
    %add3A_31 = arith.constant 512 : i32
    %add3A_32 = arith.addi %mul3A_20, %add3A_31 : i32
    "tpu.region"() ({
      %run_scoped3A_129 = tpu.sem_alloc : memref<!tpu.dma_semaphore, #tpu.memory_space<semaphore_mem>>
      %dma_start3A_130 = arith.constant 0 : i32
      %dma_start3A_131 = arith.constant 0 : i32
      %dma_start3A_132 = tpu.memref_slice %arg12[%dma_start3A_130, %dma_start3A_131] : memref<256x16xf32, #tpu.memory_space<vmem>> -> memref<128x16xf32, #tpu.memory_space<vmem>>
      %dma_start3A_133 = arith.constant 0 : i32
      %dma_start3A_134 = tpu.memref_slice %arg21[%add3A_32, %dma_start3A_133] : memref<10240x16xf32, #tpu.memory_space<vmem_shared>> -> memref<128x16xf32, #tpu.memory_space<vmem_shared>>
      %dma_start3A_135 = arith.constant 0 : i32
      %dma_start3A_136 = tpu.memref_slice %arg21[%add3A_32, %dma_start3A_135] : memref<10240x16xf32, #tpu.memory_space<vmem_shared>> -> memref<128x16xf32, #tpu.memory_space<vmem_shared>>
      %dma_start3A_137 = arith.constant 0 : i32
      %dma_start3A_138 = arith.constant 0 : i32
      %dma_start3A_139 = tpu.memref_slice %arg12[%dma_start3A_137, %dma_start3A_138] : memref<256x16xf32, #tpu.memory_space<vmem>> -> memref<128x16xf32, #tpu.memory_space<vmem>>
      tpu.enqueue_dma source(%dma_start3A_139 : memref<128x16xf32, #tpu.memory_space<vmem>>) target(%dma_start3A_136 : memref<128x16xf32, #tpu.memory_space<vmem_shared>>) target_semaphore(%run_scoped3A_129 : memref<!tpu.dma_semaphore, #tpu.memory_space<semaphore_mem>>)
      %dma_wait3A_140 = arith.constant 0 : i32
      %dma_wait3A_141 = arith.constant 0 : i32
      %dma_wait3A_142 = tpu.memref_slice %arg12[%dma_wait3A_140, %dma_wait3A_141] : memref<256x16xf32, #tpu.memory_space<vmem>> -> memref<128x16xf32, #tpu.memory_space<vmem>>
      %dma_wait3A_143 = arith.constant 0 : i32
      %dma_wait3A_144 = tpu.memref_slice %arg21[%add3A_32, %dma_wait3A_143] : memref<10240x16xf32, #tpu.memory_space<vmem_shared>> -> memref<128x16xf32, #tpu.memory_space<vmem_shared>>
      %dma_wait3A_145 = arith.constant 0 : i32
      %dma_wait3A_146 = tpu.memref_slice %arg21[%add3A_32, %dma_wait3A_145] : memref<10240x16xf32, #tpu.memory_space<vmem_shared>> -> memref<128x16xf32, #tpu.memory_space<vmem_shared>>
      %dma_wait3A_147 = arith.constant 0 : i32
      %dma_wait3A_148 = arith.constant 0 : i32
      %dma_wait3A_149 = tpu.memref_slice %arg12[%dma_wait3A_147, %dma_wait3A_148] : memref<256x16xf32, #tpu.memory_space<vmem>> -> memref<128x16xf32, #tpu.memory_space<vmem>>
      tpu.wait_dma2 semaphore(%run_scoped3A_129 : memref<!tpu.dma_semaphore, #tpu.memory_space<semaphore_mem>>) src(%dma_wait3A_149 : memref<128x16xf32, #tpu.memory_space<vmem>>) dst(%dma_wait3A_146 : memref<128x16xf32, #tpu.memory_space<vmem_shared>>)
      tpu.yield
    }) : () -> ()
    %barrier3A = arith.constant 0 : index
    tpu.barrier barrier_id(%barrier3A)
    %add3A_33 = arith.constant 0 : i32
    %add3A_34 = arith.addi %mul3A_2, %add3A_33 : i32
    %add3A_35 = arith.constant 0 : i32
    %add3A_36 = arith.addi %add3A_34, %add3A_35 : i32
    %run_scoped3A = arith.constant 0 : i32
    "tpu.region"() ({
      %run_scoped3A_129 = tpu.sem_alloc : memref<!tpu.dma_semaphore, #tpu.memory_space<semaphore_mem>>
      %dma_start3A_130 = arith.constant 0 : i32
      %dma_start3A_131 = tpu.memref_slice %arg8[%run_scoped3A, %dma_start3A_130] : memref<2x128xi32, #tpu.memory_space<vmem>> -> memref<1x128xi32, #tpu.memory_space<vmem>>
      %dma_start3A_132 = tpu.memref_squeeze %dma_start3A_131 : memref<1x128xi32, #tpu.memory_space<vmem>> -> memref<128xi32, #tpu.memory_space<vmem>>
      %dma_start3A_133 = tpu.memref_slice %arg2[%add3A_36] : memref<327680xi32, #tpu.memory_space<hbm>> -> memref<128xi32, #tpu.memory_space<hbm>>
      %dma_start3A_134 = arith.constant 0 : i32
      %dma_start3A_135 = tpu.memref_slice %arg8[%run_scoped3A, %dma_start3A_134] : memref<2x128xi32, #tpu.memory_space<vmem>> -> memref<1x128xi32, #tpu.memory_space<vmem>>
      %dma_start3A_136 = tpu.memref_squeeze %dma_start3A_135 : memref<1x128xi32, #tpu.memory_space<vmem>> -> memref<128xi32, #tpu.memory_space<vmem>>
      %dma_start3A_137 = tpu.memref_slice %arg2[%add3A_36] : memref<327680xi32, #tpu.memory_space<hbm>> -> memref<128xi32, #tpu.memory_space<hbm>>
      tpu.enqueue_dma source(%dma_start3A_137 : memref<128xi32, #tpu.memory_space<hbm>>) target(%dma_start3A_136 : memref<128xi32, #tpu.memory_space<vmem>>) target_semaphore(%run_scoped3A_129 : memref<!tpu.dma_semaphore, #tpu.memory_space<semaphore_mem>>)
      %dma_wait3A_138 = arith.constant 0 : i32
      %dma_wait3A_139 = tpu.memref_slice %arg8[%run_scoped3A, %dma_wait3A_138] : memref<2x128xi32, #tpu.memory_space<vmem>> -> memref<1x128xi32, #tpu.memory_space<vmem>>
      %dma_wait3A_140 = tpu.memref_squeeze %dma_wait3A_139 : memref<1x128xi32, #tpu.memory_space<vmem>> -> memref<128xi32, #tpu.memory_space<vmem>>
      %dma_wait3A_141 = tpu.memref_slice %arg2[%add3A_36] : memref<327680xi32, #tpu.memory_space<hbm>> -> memref<128xi32, #tpu.memory_space<hbm>>
      %dma_wait3A_142 = arith.constant 0 : i32
      %dma_wait3A_143 = tpu.memref_slice %arg8[%run_scoped3A, %dma_wait3A_142] : memref<2x128xi32, #tpu.memory_space<vmem>> -> memref<1x128xi32, #tpu.memory_space<vmem>>
      %dma_wait3A_144 = tpu.memref_squeeze %dma_wait3A_143 : memref<1x128xi32, #tpu.memory_space<vmem>> -> memref<128xi32, #tpu.memory_space<vmem>>
      %dma_wait3A_145 = tpu.memref_slice %arg2[%add3A_36] : memref<327680xi32, #tpu.memory_space<hbm>> -> memref<128xi32, #tpu.memory_space<hbm>>
      tpu.wait_dma2 semaphore(%run_scoped3A_129 : memref<!tpu.dma_semaphore, #tpu.memory_space<semaphore_mem>>) src(%dma_wait3A_145 : memref<128xi32, #tpu.memory_space<hbm>>) dst(%dma_wait3A_144 : memref<128xi32, #tpu.memory_space<vmem>>)
      tpu.yield
    }) : () -> ()
    %run_scoped3A_37 = arith.constant 0 : i32
    "tpu.region"() ({
      %run_scoped3A_129 = tpu.sem_alloc : memref<!tpu.dma_semaphore, #tpu.memory_space<semaphore_mem>>
      %dma_start3A_130 = arith.constant 0 : i32
      %dma_start3A_131 = tpu.memref_slice %arg9[%run_scoped3A_37, %dma_start3A_130] : memref<2x128xi32, #tpu.memory_space<vmem>> -> memref<1x128xi32, #tpu.memory_space<vmem>>
      %dma_start3A_132 = tpu.memref_squeeze %dma_start3A_131 : memref<1x128xi32, #tpu.memory_space<vmem>> -> memref<128xi32, #tpu.memory_space<vmem>>
      %dma_start3A_133 = tpu.memref_slice %arg3[%add3A_36] : memref<327680xi32, #tpu.memory_space<hbm>> -> memref<128xi32, #tpu.memory_space<hbm>>
      %dma_start3A_134 = arith.constant 0 : i32
      %dma_start3A_135 = tpu.memref_slice %arg9[%run_scoped3A_37, %dma_start3A_134] : memref<2x128xi32, #tpu.memory_space<vmem>> -> memref<1x128xi32, #tpu.memory_space<vmem>>
      %dma_start3A_136 = tpu.memref_squeeze %dma_start3A_135 : memref<1x128xi32, #tpu.memory_space<vmem>> -> memref<128xi32, #tpu.memory_space<vmem>>
      %dma_start3A_137 = tpu.memref_slice %arg3[%add3A_36] : memref<327680xi32, #tpu.memory_space<hbm>> -> memref<128xi32, #tpu.memory_space<hbm>>
      tpu.enqueue_dma source(%dma_start3A_137 : memref<128xi32, #tpu.memory_space<hbm>>) target(%dma_start3A_136 : memref<128xi32, #tpu.memory_space<vmem>>) target_semaphore(%run_scoped3A_129 : memref<!tpu.dma_semaphore, #tpu.memory_space<semaphore_mem>>)
      %dma_wait3A_138 = arith.constant 0 : i32
      %dma_wait3A_139 = tpu.memref_slice %arg9[%run_scoped3A_37, %dma_wait3A_138] : memref<2x128xi32, #tpu.memory_space<vmem>> -> memref<1x128xi32, #tpu.memory_space<vmem>>
      %dma_wait3A_140 = tpu.memref_squeeze %dma_wait3A_139 : memref<1x128xi32, #tpu.memory_space<vmem>> -> memref<128xi32, #tpu.memory_space<vmem>>
      %dma_wait3A_141 = tpu.memref_slice %arg3[%add3A_36] : memref<327680xi32, #tpu.memory_space<hbm>> -> memref<128xi32, #tpu.memory_space<hbm>>
      %dma_wait3A_142 = arith.constant 0 : i32
      %dma_wait3A_143 = tpu.memref_slice %arg9[%run_scoped3A_37, %dma_wait3A_142] : memref<2x128xi32, #tpu.memory_space<vmem>> -> memref<1x128xi32, #tpu.memory_space<vmem>>
      %dma_wait3A_144 = tpu.memref_squeeze %dma_wait3A_143 : memref<1x128xi32, #tpu.memory_space<vmem>> -> memref<128xi32, #tpu.memory_space<vmem>>
      %dma_wait3A_145 = tpu.memref_slice %arg3[%add3A_36] : memref<327680xi32, #tpu.memory_space<hbm>> -> memref<128xi32, #tpu.memory_space<hbm>>
      tpu.wait_dma2 semaphore(%run_scoped3A_129 : memref<!tpu.dma_semaphore, #tpu.memory_space<semaphore_mem>>) src(%dma_wait3A_145 : memref<128xi32, #tpu.memory_space<hbm>>) dst(%dma_wait3A_144 : memref<128xi32, #tpu.memory_space<vmem>>)
      tpu.yield
    }) : () -> ()
    %add3A_38 = arith.constant 0 : i32
    %add3A_39 = arith.addi %mul3A_2, %add3A_38 : i32
    %add3A_40 = arith.constant 128 : i32
    %add3A_41 = arith.addi %add3A_39, %add3A_40 : i32
    %run_scoped3A_42 = arith.constant 1 : i32
    "tpu.region"() ({
      %run_scoped3A_129 = tpu.sem_alloc : memref<!tpu.dma_semaphore, #tpu.memory_space<semaphore_mem>>
      %dma_start3A_130 = arith.constant 0 : i32
      %dma_start3A_131 = tpu.memref_slice %arg8[%run_scoped3A_42, %dma_start3A_130] : memref<2x128xi32, #tpu.memory_space<vmem>> -> memref<1x128xi32, #tpu.memory_space<vmem>>
      %dma_start3A_132 = tpu.memref_squeeze %dma_start3A_131 : memref<1x128xi32, #tpu.memory_space<vmem>> -> memref<128xi32, #tpu.memory_space<vmem>>
      %dma_start3A_133 = tpu.memref_slice %arg2[%add3A_41] : memref<327680xi32, #tpu.memory_space<hbm>> -> memref<128xi32, #tpu.memory_space<hbm>>
      %dma_start3A_134 = arith.constant 0 : i32
      %dma_start3A_135 = tpu.memref_slice %arg8[%run_scoped3A_42, %dma_start3A_134] : memref<2x128xi32, #tpu.memory_space<vmem>> -> memref<1x128xi32, #tpu.memory_space<vmem>>
      %dma_start3A_136 = tpu.memref_squeeze %dma_start3A_135 : memref<1x128xi32, #tpu.memory_space<vmem>> -> memref<128xi32, #tpu.memory_space<vmem>>
      %dma_start3A_137 = tpu.memref_slice %arg2[%add3A_41] : memref<327680xi32, #tpu.memory_space<hbm>> -> memref<128xi32, #tpu.memory_space<hbm>>
      tpu.enqueue_dma source(%dma_start3A_137 : memref<128xi32, #tpu.memory_space<hbm>>) target(%dma_start3A_136 : memref<128xi32, #tpu.memory_space<vmem>>) target_semaphore(%run_scoped3A_129 : memref<!tpu.dma_semaphore, #tpu.memory_space<semaphore_mem>>)
      %dma_wait3A_138 = arith.constant 0 : i32
      %dma_wait3A_139 = tpu.memref_slice %arg8[%run_scoped3A_42, %dma_wait3A_138] : memref<2x128xi32, #tpu.memory_space<vmem>> -> memref<1x128xi32, #tpu.memory_space<vmem>>
      %dma_wait3A_140 = tpu.memref_squeeze %dma_wait3A_139 : memref<1x128xi32, #tpu.memory_space<vmem>> -> memref<128xi32, #tpu.memory_space<vmem>>
      %dma_wait3A_141 = tpu.memref_slice %arg2[%add3A_41] : memref<327680xi32, #tpu.memory_space<hbm>> -> memref<128xi32, #tpu.memory_space<hbm>>
      %dma_wait3A_142 = arith.constant 0 : i32
      %dma_wait3A_143 = tpu.memref_slice %arg8[%run_scoped3A_42, %dma_wait3A_142] : memref<2x128xi32, #tpu.memory_space<vmem>> -> memref<1x128xi32, #tpu.memory_space<vmem>>
      %dma_wait3A_144 = tpu.memref_squeeze %dma_wait3A_143 : memref<1x128xi32, #tpu.memory_space<vmem>> -> memref<128xi32, #tpu.memory_space<vmem>>
      %dma_wait3A_145 = tpu.memref_slice %arg2[%add3A_41] : memref<327680xi32, #tpu.memory_space<hbm>> -> memref<128xi32, #tpu.memory_space<hbm>>
      tpu.wait_dma2 semaphore(%run_scoped3A_129 : memref<!tpu.dma_semaphore, #tpu.memory_space<semaphore_mem>>) src(%dma_wait3A_145 : memref<128xi32, #tpu.memory_space<hbm>>) dst(%dma_wait3A_144 : memref<128xi32, #tpu.memory_space<vmem>>)
      tpu.yield
    }) : () -> ()
    %run_scoped3A_43 = arith.constant 1 : i32
    "tpu.region"() ({
      %run_scoped3A_129 = tpu.sem_alloc : memref<!tpu.dma_semaphore, #tpu.memory_space<semaphore_mem>>
      %dma_start3A_130 = arith.constant 0 : i32
      %dma_start3A_131 = tpu.memref_slice %arg9[%run_scoped3A_43, %dma_start3A_130] : memref<2x128xi32, #tpu.memory_space<vmem>> -> memref<1x128xi32, #tpu.memory_space<vmem>>
      %dma_start3A_132 = tpu.memref_squeeze %dma_start3A_131 : memref<1x128xi32, #tpu.memory_space<vmem>> -> memref<128xi32, #tpu.memory_space<vmem>>
      %dma_start3A_133 = tpu.memref_slice %arg3[%add3A_41] : memref<327680xi32, #tpu.memory_space<hbm>> -> memref<128xi32, #tpu.memory_space<hbm>>
      %dma_start3A_134 = arith.constant 0 : i32
      %dma_start3A_135 = tpu.memref_slice %arg9[%run_scoped3A_43, %dma_start3A_134] : memref<2x128xi32, #tpu.memory_space<vmem>> -> memref<1x128xi32, #tpu.memory_space<vmem>>
      %dma_start3A_136 = tpu.memref_squeeze %dma_start3A_135 : memref<1x128xi32, #tpu.memory_space<vmem>> -> memref<128xi32, #tpu.memory_space<vmem>>
      %dma_start3A_137 = tpu.memref_slice %arg3[%add3A_41] : memref<327680xi32, #tpu.memory_space<hbm>> -> memref<128xi32, #tpu.memory_space<hbm>>
      tpu.enqueue_dma source(%dma_start3A_137 : memref<128xi32, #tpu.memory_space<hbm>>) target(%dma_start3A_136 : memref<128xi32, #tpu.memory_space<vmem>>) target_semaphore(%run_scoped3A_129 : memref<!tpu.dma_semaphore, #tpu.memory_space<semaphore_mem>>)
      %dma_wait3A_138 = arith.constant 0 : i32
      %dma_wait3A_139 = tpu.memref_slice %arg9[%run_scoped3A_43, %dma_wait3A_138] : memref<2x128xi32, #tpu.memory_space<vmem>> -> memref<1x128xi32, #tpu.memory_space<vmem>>
      %dma_wait3A_140 = tpu.memref_squeeze %dma_wait3A_139 : memref<1x128xi32, #tpu.memory_space<vmem>> -> memref<128xi32, #tpu.memory_space<vmem>>
      %dma_wait3A_141 = tpu.memref_slice %arg3[%add3A_41] : memref<327680xi32, #tpu.memory_space<hbm>> -> memref<128xi32, #tpu.memory_space<hbm>>
      %dma_wait3A_142 = arith.constant 0 : i32
      %dma_wait3A_143 = tpu.memref_slice %arg9[%run_scoped3A_43, %dma_wait3A_142] : memref<2x128xi32, #tpu.memory_space<vmem>> -> memref<1x128xi32, #tpu.memory_space<vmem>>
      %dma_wait3A_144 = tpu.memref_squeeze %dma_wait3A_143 : memref<1x128xi32, #tpu.memory_space<vmem>> -> memref<128xi32, #tpu.memory_space<vmem>>
      %dma_wait3A_145 = tpu.memref_slice %arg3[%add3A_41] : memref<327680xi32, #tpu.memory_space<hbm>> -> memref<128xi32, #tpu.memory_space<hbm>>
      tpu.wait_dma2 semaphore(%run_scoped3A_129 : memref<!tpu.dma_semaphore, #tpu.memory_space<semaphore_mem>>) src(%dma_wait3A_145 : memref<128xi32, #tpu.memory_space<hbm>>) dst(%dma_wait3A_144 : memref<128xi32, #tpu.memory_space<vmem>>)
      tpu.yield
    }) : () -> ()
    %dma_start3A = arith.constant 0 : i32
    %dma_start3A_44 = arith.constant 0 : i32
    %dma_start3A_45 = arith.constant 0 : i32
    %dma_start3A_46 = tpu.memref_slice %arg10[%dma_start3A_44, %dma_start3A_45] : memref<256x80xbf16, #tpu.memory_space<vmem>> -> memref<128x80xbf16, #tpu.memory_space<vmem>>
    %dma_start3A_47 = arith.constant 0 : i32
    %dma_start3A_48 = tpu.memref_slice %arg8[%dma_start3A, %dma_start3A_47] : memref<2x128xi32, #tpu.memory_space<vmem>> -> memref<1x128xi32, #tpu.memory_space<vmem>>
    %dma_start3A_49 = tpu.memref_squeeze %dma_start3A_48 : memref<1x128xi32, #tpu.memory_space<vmem>> -> memref<128xi32, #tpu.memory_space<vmem>>
    %dma_start3A_50 = arith.constant 0 : i32
    %dma_start3A_51 = arith.constant 0 : i32
    %dma_start3A_52 = tpu.memref_slice %arg4[%dma_start3A_50, %dma_start3A_51] : memref<10240x80xbf16, #tpu.memory_space<hbm>> -> memref<10240x80xbf16, #tpu.memory_space<hbm>>
    tpu.enqueue_indirect_dma source(%dma_start3A_52 : memref<10240x80xbf16, #tpu.memory_space<hbm>>) target(%dma_start3A_46 : memref<128x80xbf16, #tpu.memory_space<vmem>>) offsets(%dma_start3A_49 : memref<128xi32, #tpu.memory_space<vmem>>) semaphore(%arg22 : memref<!tpu.dma_semaphore, #tpu.memory_space<semaphore_mem>>)
    %dma_start3A_53 = arith.constant 0 : i32
    %dma_start3A_54 = arith.constant 0 : i32
    %dma_start3A_55 = arith.constant 0 : i32
    %dma_start3A_56 = tpu.memref_slice %arg11[%dma_start3A_54, %dma_start3A_55] : memref<256x16xf32, #tpu.memory_space<vmem>> -> memref<128x16xf32, #tpu.memory_space<vmem>>
    %dma_start3A_57 = arith.constant 0 : i32
    %dma_start3A_58 = tpu.memref_slice %arg9[%dma_start3A_53, %dma_start3A_57] : memref<2x128xi32, #tpu.memory_space<vmem>> -> memref<1x128xi32, #tpu.memory_space<vmem>>
    %dma_start3A_59 = tpu.memref_squeeze %dma_start3A_58 : memref<1x128xi32, #tpu.memory_space<vmem>> -> memref<128xi32, #tpu.memory_space<vmem>>
    %dma_start3A_60 = arith.constant 0 : i32
    %dma_start3A_61 = arith.constant 0 : i32
    %dma_start3A_62 = tpu.memref_slice %arg5[%dma_start3A_60, %dma_start3A_61] : memref<10240x16xf32, #tpu.memory_space<hbm>> -> memref<10240x16xf32, #tpu.memory_space<hbm>>
    tpu.enqueue_indirect_dma source(%dma_start3A_62 : memref<10240x16xf32, #tpu.memory_space<hbm>>) target(%dma_start3A_56 : memref<128x16xf32, #tpu.memory_space<vmem>>) offsets(%dma_start3A_59 : memref<128xi32, #tpu.memory_space<vmem>>) semaphore(%arg22 : memref<!tpu.dma_semaphore, #tpu.memory_space<semaphore_mem>>)
    %dma_start3A_63 = arith.constant 1 : i32
    %dma_start3A_64 = arith.constant 128 : i32
    %dma_start3A_65 = arith.constant 0 : i32
    %dma_start3A_66 = tpu.memref_slice %arg10[%dma_start3A_64, %dma_start3A_65] : memref<256x80xbf16, #tpu.memory_space<vmem>> -> memref<128x80xbf16, #tpu.memory_space<vmem>>
    %dma_start3A_67 = arith.constant 0 : i32
    %dma_start3A_68 = tpu.memref_slice %arg8[%dma_start3A_63, %dma_start3A_67] : memref<2x128xi32, #tpu.memory_space<vmem>> -> memref<1x128xi32, #tpu.memory_space<vmem>>
    %dma_start3A_69 = tpu.memref_squeeze %dma_start3A_68 : memref<1x128xi32, #tpu.memory_space<vmem>> -> memref<128xi32, #tpu.memory_space<vmem>>
    %dma_start3A_70 = arith.constant 0 : i32
    %dma_start3A_71 = arith.constant 0 : i32
    %dma_start3A_72 = tpu.memref_slice %arg4[%dma_start3A_70, %dma_start3A_71] : memref<10240x80xbf16, #tpu.memory_space<hbm>> -> memref<10240x80xbf16, #tpu.memory_space<hbm>>
    tpu.enqueue_indirect_dma source(%dma_start3A_72 : memref<10240x80xbf16, #tpu.memory_space<hbm>>) target(%dma_start3A_66 : memref<128x80xbf16, #tpu.memory_space<vmem>>) offsets(%dma_start3A_69 : memref<128xi32, #tpu.memory_space<vmem>>) semaphore(%arg22 : memref<!tpu.dma_semaphore, #tpu.memory_space<semaphore_mem>>)
    %dma_start3A_73 = arith.constant 1 : i32
    %dma_start3A_74 = arith.constant 128 : i32
    %dma_start3A_75 = arith.constant 0 : i32
    %dma_start3A_76 = tpu.memref_slice %arg11[%dma_start3A_74, %dma_start3A_75] : memref<256x16xf32, #tpu.memory_space<vmem>> -> memref<128x16xf32, #tpu.memory_space<vmem>>
    %dma_start3A_77 = arith.constant 0 : i32
    %dma_start3A_78 = tpu.memref_slice %arg9[%dma_start3A_73, %dma_start3A_77] : memref<2x128xi32, #tpu.memory_space<vmem>> -> memref<1x128xi32, #tpu.memory_space<vmem>>
    %dma_start3A_79 = tpu.memref_squeeze %dma_start3A_78 : memref<1x128xi32, #tpu.memory_space<vmem>> -> memref<128xi32, #tpu.memory_space<vmem>>
    %dma_start3A_80 = arith.constant 0 : i32
    %dma_start3A_81 = arith.constant 0 : i32
    %dma_start3A_82 = tpu.memref_slice %arg5[%dma_start3A_80, %dma_start3A_81] : memref<10240x16xf32, #tpu.memory_space<hbm>> -> memref<10240x16xf32, #tpu.memory_space<hbm>>
    tpu.enqueue_indirect_dma source(%dma_start3A_82 : memref<10240x16xf32, #tpu.memory_space<hbm>>) target(%dma_start3A_76 : memref<128x16xf32, #tpu.memory_space<vmem>>) offsets(%dma_start3A_79 : memref<128xi32, #tpu.memory_space<vmem>>) semaphore(%arg22 : memref<!tpu.dma_semaphore, #tpu.memory_space<semaphore_mem>>)
    %scan3A = arith.constant 0 : i32
    %scan3A_83 = arith.constant 0 : i32
    %scan3A_84 = arith.constant 20 : i32
    %scan3A_85 = arith.addi %scan3A_83, %scan3A_84 : i32
    %scan3A_86 = arith.constant 1 : i32
    %scan3A_87 = scf.for %scan3A_129 = %scan3A_83 to %scan3A_85 step %scan3A_86 iter_args(%scan3A_130 = %scan3A) -> (i32)  : i32 {
      %mul3A_131 = arith.constant 2 : i32
      %mul3A_132 = arith.muli %mul3A_131, %scan3A_129 : i32
      %add3A_133 = arith.constant 0 : i32
      %add3A_134 = arith.addi %mul3A_132, %add3A_133 : i32
      %ge3A = arith.constant 1 : i32
      %ge3A_135 = arith.cmpi sge, %add3A_134, %ge3A : i32
      %convert_element_type3A = arith.extui %ge3A_135 : i1 to i32
      %cond3A = arith.constant 0 : i32
      %cond3A_136 = arith.cmpi ne, %convert_element_type3A, %cond3A : i32
      scf.if %cond3A_136 {
        %dma_wait3A_326 = arith.constant 0 : i32
        %dma_wait3A_327 = arith.constant 0 : i32
        %dma_wait3A_328 = arith.constant 0 : i32
        %dma_wait3A_329 = tpu.memref_slice %arg19[%dma_wait3A_327, %dma_wait3A_328] : memref<256x64xf32, #tpu.memory_space<vmem>> -> memref<128x64xf32, #tpu.memory_space<vmem>>
        %dma_wait3A_330 = arith.constant 0 : i32
        %dma_wait3A_331 = tpu.memref_slice %arg15[%dma_wait3A_326, %dma_wait3A_330] : memref<2x128xi32, #tpu.memory_space<vmem>> -> memref<1x128xi32, #tpu.memory_space<vmem>>
        %dma_wait3A_332 = tpu.memref_squeeze %dma_wait3A_331 : memref<1x128xi32, #tpu.memory_space<vmem>> -> memref<128xi32, #tpu.memory_space<vmem>>
        %dma_wait3A_333 = arith.constant 0 : i32
        %dma_wait3A_334 = arith.constant 0 : i32
        %dma_wait3A_335 = tpu.memref_slice %arg20[%dma_wait3A_333, %dma_wait3A_334] : memref<10240x64xf32, #tpu.memory_space<vmem_shared>> -> memref<10240x64xf32, #tpu.memory_space<vmem_shared>>
        tpu.wait_indirect_dma semaphore(%arg25 : memref<!tpu.dma_semaphore, #tpu.memory_space<semaphore_mem>>) src(%dma_wait3A_329 : memref<128x64xf32, #tpu.memory_space<vmem>>) dst(%dma_wait3A_335 : memref<10240x64xf32, #tpu.memory_space<vmem_shared>>)
        %dma_wait3A_336 = arith.constant 0 : i32
        %dma_wait3A_337 = arith.constant 0 : i32
        %dma_wait3A_338 = arith.constant 0 : i32
        %dma_wait3A_339 = tpu.memref_slice %arg18[%dma_wait3A_337, %dma_wait3A_338] : memref<256x16xf32, #tpu.memory_space<vmem>> -> memref<128x16xf32, #tpu.memory_space<vmem>>
        %dma_wait3A_340 = arith.constant 0 : i32
        %dma_wait3A_341 = tpu.memref_slice %arg15[%dma_wait3A_336, %dma_wait3A_340] : memref<2x128xi32, #tpu.memory_space<vmem>> -> memref<1x128xi32, #tpu.memory_space<vmem>>
        %dma_wait3A_342 = tpu.memref_squeeze %dma_wait3A_341 : memref<1x128xi32, #tpu.memory_space<vmem>> -> memref<128xi32, #tpu.memory_space<vmem>>
        %dma_wait3A_343 = arith.constant 0 : i32
        %dma_wait3A_344 = arith.constant 0 : i32
        %dma_wait3A_345 = tpu.memref_slice %arg21[%dma_wait3A_343, %dma_wait3A_344] : memref<10240x16xf32, #tpu.memory_space<vmem_shared>> -> memref<10240x16xf32, #tpu.memory_space<vmem_shared>>
        tpu.wait_indirect_dma semaphore(%arg25 : memref<!tpu.dma_semaphore, #tpu.memory_space<semaphore_mem>>) src(%dma_wait3A_339 : memref<128x16xf32, #tpu.memory_space<vmem>>) dst(%dma_wait3A_345 : memref<10240x16xf32, #tpu.memory_space<vmem_shared>>)
        %dma_wait3A_346 = arith.constant 1 : i32
        %dma_wait3A_347 = arith.constant 128 : i32
        %dma_wait3A_348 = arith.constant 0 : i32
        %dma_wait3A_349 = tpu.memref_slice %arg19[%dma_wait3A_347, %dma_wait3A_348] : memref<256x64xf32, #tpu.memory_space<vmem>> -> memref<128x64xf32, #tpu.memory_space<vmem>>
        %dma_wait3A_350 = arith.constant 0 : i32
        %dma_wait3A_351 = tpu.memref_slice %arg15[%dma_wait3A_346, %dma_wait3A_350] : memref<2x128xi32, #tpu.memory_space<vmem>> -> memref<1x128xi32, #tpu.memory_space<vmem>>
        %dma_wait3A_352 = tpu.memref_squeeze %dma_wait3A_351 : memref<1x128xi32, #tpu.memory_space<vmem>> -> memref<128xi32, #tpu.memory_space<vmem>>
        %dma_wait3A_353 = arith.constant 0 : i32
        %dma_wait3A_354 = arith.constant 0 : i32
        %dma_wait3A_355 = tpu.memref_slice %arg20[%dma_wait3A_353, %dma_wait3A_354] : memref<10240x64xf32, #tpu.memory_space<vmem_shared>> -> memref<10240x64xf32, #tpu.memory_space<vmem_shared>>
        tpu.wait_indirect_dma semaphore(%arg25 : memref<!tpu.dma_semaphore, #tpu.memory_space<semaphore_mem>>) src(%dma_wait3A_349 : memref<128x64xf32, #tpu.memory_space<vmem>>) dst(%dma_wait3A_355 : memref<10240x64xf32, #tpu.memory_space<vmem_shared>>)
        %dma_wait3A_356 = arith.constant 1 : i32
        %dma_wait3A_357 = arith.constant 128 : i32
        %dma_wait3A_358 = arith.constant 0 : i32
        %dma_wait3A_359 = tpu.memref_slice %arg18[%dma_wait3A_357, %dma_wait3A_358] : memref<256x16xf32, #tpu.memory_space<vmem>> -> memref<128x16xf32, #tpu.memory_space<vmem>>
        %dma_wait3A_360 = arith.constant 0 : i32
        %dma_wait3A_361 = tpu.memref_slice %arg15[%dma_wait3A_356, %dma_wait3A_360] : memref<2x128xi32, #tpu.memory_space<vmem>> -> memref<1x128xi32, #tpu.memory_space<vmem>>
        %dma_wait3A_362 = tpu.memref_squeeze %dma_wait3A_361 : memref<1x128xi32, #tpu.memory_space<vmem>> -> memref<128xi32, #tpu.memory_space<vmem>>
        %dma_wait3A_363 = arith.constant 0 : i32
        %dma_wait3A_364 = arith.constant 0 : i32
        %dma_wait3A_365 = tpu.memref_slice %arg21[%dma_wait3A_363, %dma_wait3A_364] : memref<10240x16xf32, #tpu.memory_space<vmem_shared>> -> memref<10240x16xf32, #tpu.memory_space<vmem_shared>>
        tpu.wait_indirect_dma semaphore(%arg25 : memref<!tpu.dma_semaphore, #tpu.memory_space<semaphore_mem>>) src(%dma_wait3A_359 : memref<128x16xf32, #tpu.memory_space<vmem>>) dst(%dma_wait3A_365 : memref<10240x16xf32, #tpu.memory_space<vmem_shared>>)
      } else {
      }
      %add3A_137 = arith.constant 1 : i32
      %add3A_138 = arith.addi %add3A_134, %add3A_137 : i32
      %lt3A = arith.constant 40 : i32
      %lt3A_139 = arith.cmpi slt, %add3A_138, %lt3A : i32
      %convert_element_type3A_140 = arith.extui %lt3A_139 : i1 to i32
      %cond3A_141 = arith.constant 0 : i32
      %cond3A_142 = arith.cmpi ne, %convert_element_type3A_140, %cond3A_141 : i32
      scf.if %cond3A_142 {
        %add3A_326 = arith.constant 1 : i32
        %add3A_327 = arith.addi %add3A_134, %add3A_326 : i32
        %mul3A_328 = arith.constant 256 : i32
        %mul3A_329 = arith.muli %add3A_327, %mul3A_328 : i32
        %add3A_330 = arith.addi %mul3A_2, %mul3A_329 : i32
        %add3A_331 = arith.constant 0 : i32
        %add3A_332 = arith.addi %add3A_330, %add3A_331 : i32
        %run_scoped3A_333 = arith.constant 0 : i32
        "tpu.region"() ({
          %run_scoped3A_382 = tpu.sem_alloc : memref<!tpu.dma_semaphore, #tpu.memory_space<semaphore_mem>>
          %dma_start3A_383 = arith.constant 0 : i32
          %dma_start3A_384 = tpu.memref_slice %arg14[%run_scoped3A_333, %dma_start3A_383] : memref<2x128xi32, #tpu.memory_space<vmem>> -> memref<1x128xi32, #tpu.memory_space<vmem>>
          %dma_start3A_385 = tpu.memref_squeeze %dma_start3A_384 : memref<1x128xi32, #tpu.memory_space<vmem>> -> memref<128xi32, #tpu.memory_space<vmem>>
          %dma_start3A_386 = tpu.memref_slice %arg2[%add3A_332] : memref<327680xi32, #tpu.memory_space<hbm>> -> memref<128xi32, #tpu.memory_space<hbm>>
          %dma_start3A_387 = arith.constant 0 : i32
          %dma_start3A_388 = tpu.memref_slice %arg14[%run_scoped3A_333, %dma_start3A_387] : memref<2x128xi32, #tpu.memory_space<vmem>> -> memref<1x128xi32, #tpu.memory_space<vmem>>
          %dma_start3A_389 = tpu.memref_squeeze %dma_start3A_388 : memref<1x128xi32, #tpu.memory_space<vmem>> -> memref<128xi32, #tpu.memory_space<vmem>>
          %dma_start3A_390 = tpu.memref_slice %arg2[%add3A_332] : memref<327680xi32, #tpu.memory_space<hbm>> -> memref<128xi32, #tpu.memory_space<hbm>>
          tpu.enqueue_dma source(%dma_start3A_390 : memref<128xi32, #tpu.memory_space<hbm>>) target(%dma_start3A_389 : memref<128xi32, #tpu.memory_space<vmem>>) target_semaphore(%run_scoped3A_382 : memref<!tpu.dma_semaphore, #tpu.memory_space<semaphore_mem>>)
          %dma_wait3A_391 = arith.constant 0 : i32
          %dma_wait3A_392 = tpu.memref_slice %arg14[%run_scoped3A_333, %dma_wait3A_391] : memref<2x128xi32, #tpu.memory_space<vmem>> -> memref<1x128xi32, #tpu.memory_space<vmem>>
          %dma_wait3A_393 = tpu.memref_squeeze %dma_wait3A_392 : memref<1x128xi32, #tpu.memory_space<vmem>> -> memref<128xi32, #tpu.memory_space<vmem>>
          %dma_wait3A_394 = tpu.memref_slice %arg2[%add3A_332] : memref<327680xi32, #tpu.memory_space<hbm>> -> memref<128xi32, #tpu.memory_space<hbm>>
          %dma_wait3A_395 = arith.constant 0 : i32
          %dma_wait3A_396 = tpu.memref_slice %arg14[%run_scoped3A_333, %dma_wait3A_395] : memref<2x128xi32, #tpu.memory_space<vmem>> -> memref<1x128xi32, #tpu.memory_space<vmem>>
          %dma_wait3A_397 = tpu.memref_squeeze %dma_wait3A_396 : memref<1x128xi32, #tpu.memory_space<vmem>> -> memref<128xi32, #tpu.memory_space<vmem>>
          %dma_wait3A_398 = tpu.memref_slice %arg2[%add3A_332] : memref<327680xi32, #tpu.memory_space<hbm>> -> memref<128xi32, #tpu.memory_space<hbm>>
          tpu.wait_dma2 semaphore(%run_scoped3A_382 : memref<!tpu.dma_semaphore, #tpu.memory_space<semaphore_mem>>) src(%dma_wait3A_398 : memref<128xi32, #tpu.memory_space<hbm>>) dst(%dma_wait3A_397 : memref<128xi32, #tpu.memory_space<vmem>>)
          tpu.yield
        }) : () -> ()
        %run_scoped3A_334 = arith.constant 0 : i32
        "tpu.region"() ({
          %run_scoped3A_382 = tpu.sem_alloc : memref<!tpu.dma_semaphore, #tpu.memory_space<semaphore_mem>>
          %dma_start3A_383 = arith.constant 0 : i32
          %dma_start3A_384 = tpu.memref_slice %arg15[%run_scoped3A_334, %dma_start3A_383] : memref<2x128xi32, #tpu.memory_space<vmem>> -> memref<1x128xi32, #tpu.memory_space<vmem>>
          %dma_start3A_385 = tpu.memref_squeeze %dma_start3A_384 : memref<1x128xi32, #tpu.memory_space<vmem>> -> memref<128xi32, #tpu.memory_space<vmem>>
          %dma_start3A_386 = tpu.memref_slice %arg3[%add3A_332] : memref<327680xi32, #tpu.memory_space<hbm>> -> memref<128xi32, #tpu.memory_space<hbm>>
          %dma_start3A_387 = arith.constant 0 : i32
          %dma_start3A_388 = tpu.memref_slice %arg15[%run_scoped3A_334, %dma_start3A_387] : memref<2x128xi32, #tpu.memory_space<vmem>> -> memref<1x128xi32, #tpu.memory_space<vmem>>
          %dma_start3A_389 = tpu.memref_squeeze %dma_start3A_388 : memref<1x128xi32, #tpu.memory_space<vmem>> -> memref<128xi32, #tpu.memory_space<vmem>>
          %dma_start3A_390 = tpu.memref_slice %arg3[%add3A_332] : memref<327680xi32, #tpu.memory_space<hbm>> -> memref<128xi32, #tpu.memory_space<hbm>>
          tpu.enqueue_dma source(%dma_start3A_390 : memref<128xi32, #tpu.memory_space<hbm>>) target(%dma_start3A_389 : memref<128xi32, #tpu.memory_space<vmem>>) target_semaphore(%run_scoped3A_382 : memref<!tpu.dma_semaphore, #tpu.memory_space<semaphore_mem>>)
          %dma_wait3A_391 = arith.constant 0 : i32
          %dma_wait3A_392 = tpu.memref_slice %arg15[%run_scoped3A_334, %dma_wait3A_391] : memref<2x128xi32, #tpu.memory_space<vmem>> -> memref<1x128xi32, #tpu.memory_space<vmem>>
          %dma_wait3A_393 = tpu.memref_squeeze %dma_wait3A_392 : memref<1x128xi32, #tpu.memory_space<vmem>> -> memref<128xi32, #tpu.memory_space<vmem>>
          %dma_wait3A_394 = tpu.memref_slice %arg3[%add3A_332] : memref<327680xi32, #tpu.memory_space<hbm>> -> memref<128xi32, #tpu.memory_space<hbm>>
          %dma_wait3A_395 = arith.constant 0 : i32
          %dma_wait3A_396 = tpu.memref_slice %arg15[%run_scoped3A_334, %dma_wait3A_395] : memref<2x128xi32, #tpu.memory_space<vmem>> -> memref<1x128xi32, #tpu.memory_space<vmem>>
          %dma_wait3A_397 = tpu.memref_squeeze %dma_wait3A_396 : memref<1x128xi32, #tpu.memory_space<vmem>> -> memref<128xi32, #tpu.memory_space<vmem>>
          %dma_wait3A_398 = tpu.memref_slice %arg3[%add3A_332] : memref<327680xi32, #tpu.memory_space<hbm>> -> memref<128xi32, #tpu.memory_space<hbm>>
          tpu.wait_dma2 semaphore(%run_scoped3A_382 : memref<!tpu.dma_semaphore, #tpu.memory_space<semaphore_mem>>) src(%dma_wait3A_398 : memref<128xi32, #tpu.memory_space<hbm>>) dst(%dma_wait3A_397 : memref<128xi32, #tpu.memory_space<vmem>>)
          tpu.yield
        }) : () -> ()
        %mul3A_335 = arith.constant 256 : i32
        %mul3A_336 = arith.muli %add3A_327, %mul3A_335 : i32
        %add3A_337 = arith.addi %mul3A_2, %mul3A_336 : i32
        %add3A_338 = arith.constant 128 : i32
        %add3A_339 = arith.addi %add3A_337, %add3A_338 : i32
        %run_scoped3A_340 = arith.constant 1 : i32
        "tpu.region"() ({
          %run_scoped3A_382 = tpu.sem_alloc : memref<!tpu.dma_semaphore, #tpu.memory_space<semaphore_mem>>
          %dma_start3A_383 = arith.constant 0 : i32
          %dma_start3A_384 = tpu.memref_slice %arg14[%run_scoped3A_340, %dma_start3A_383] : memref<2x128xi32, #tpu.memory_space<vmem>> -> memref<1x128xi32, #tpu.memory_space<vmem>>
          %dma_start3A_385 = tpu.memref_squeeze %dma_start3A_384 : memref<1x128xi32, #tpu.memory_space<vmem>> -> memref<128xi32, #tpu.memory_space<vmem>>
          %dma_start3A_386 = tpu.memref_slice %arg2[%add3A_339] : memref<327680xi32, #tpu.memory_space<hbm>> -> memref<128xi32, #tpu.memory_space<hbm>>
          %dma_start3A_387 = arith.constant 0 : i32
          %dma_start3A_388 = tpu.memref_slice %arg14[%run_scoped3A_340, %dma_start3A_387] : memref<2x128xi32, #tpu.memory_space<vmem>> -> memref<1x128xi32, #tpu.memory_space<vmem>>
          %dma_start3A_389 = tpu.memref_squeeze %dma_start3A_388 : memref<1x128xi32, #tpu.memory_space<vmem>> -> memref<128xi32, #tpu.memory_space<vmem>>
          %dma_start3A_390 = tpu.memref_slice %arg2[%add3A_339] : memref<327680xi32, #tpu.memory_space<hbm>> -> memref<128xi32, #tpu.memory_space<hbm>>
          tpu.enqueue_dma source(%dma_start3A_390 : memref<128xi32, #tpu.memory_space<hbm>>) target(%dma_start3A_389 : memref<128xi32, #tpu.memory_space<vmem>>) target_semaphore(%run_scoped3A_382 : memref<!tpu.dma_semaphore, #tpu.memory_space<semaphore_mem>>)
          %dma_wait3A_391 = arith.constant 0 : i32
          %dma_wait3A_392 = tpu.memref_slice %arg14[%run_scoped3A_340, %dma_wait3A_391] : memref<2x128xi32, #tpu.memory_space<vmem>> -> memref<1x128xi32, #tpu.memory_space<vmem>>
          %dma_wait3A_393 = tpu.memref_squeeze %dma_wait3A_392 : memref<1x128xi32, #tpu.memory_space<vmem>> -> memref<128xi32, #tpu.memory_space<vmem>>
          %dma_wait3A_394 = tpu.memref_slice %arg2[%add3A_339] : memref<327680xi32, #tpu.memory_space<hbm>> -> memref<128xi32, #tpu.memory_space<hbm>>
          %dma_wait3A_395 = arith.constant 0 : i32
          %dma_wait3A_396 = tpu.memref_slice %arg14[%run_scoped3A_340, %dma_wait3A_395] : memref<2x128xi32, #tpu.memory_space<vmem>> -> memref<1x128xi32, #tpu.memory_space<vmem>>
          %dma_wait3A_397 = tpu.memref_squeeze %dma_wait3A_396 : memref<1x128xi32, #tpu.memory_space<vmem>> -> memref<128xi32, #tpu.memory_space<vmem>>
          %dma_wait3A_398 = tpu.memref_slice %arg2[%add3A_339] : memref<327680xi32, #tpu.memory_space<hbm>> -> memref<128xi32, #tpu.memory_space<hbm>>
          tpu.wait_dma2 semaphore(%run_scoped3A_382 : memref<!tpu.dma_semaphore, #tpu.memory_space<semaphore_mem>>) src(%dma_wait3A_398 : memref<128xi32, #tpu.memory_space<hbm>>) dst(%dma_wait3A_397 : memref<128xi32, #tpu.memory_space<vmem>>)
          tpu.yield
        }) : () -> ()
        %run_scoped3A_341 = arith.constant 1 : i32
        "tpu.region"() ({
          %run_scoped3A_382 = tpu.sem_alloc : memref<!tpu.dma_semaphore, #tpu.memory_space<semaphore_mem>>
          %dma_start3A_383 = arith.constant 0 : i32
          %dma_start3A_384 = tpu.memref_slice %arg15[%run_scoped3A_341, %dma_start3A_383] : memref<2x128xi32, #tpu.memory_space<vmem>> -> memref<1x128xi32, #tpu.memory_space<vmem>>
          %dma_start3A_385 = tpu.memref_squeeze %dma_start3A_384 : memref<1x128xi32, #tpu.memory_space<vmem>> -> memref<128xi32, #tpu.memory_space<vmem>>
          %dma_start3A_386 = tpu.memref_slice %arg3[%add3A_339] : memref<327680xi32, #tpu.memory_space<hbm>> -> memref<128xi32, #tpu.memory_space<hbm>>
          %dma_start3A_387 = arith.constant 0 : i32
          %dma_start3A_388 = tpu.memref_slice %arg15[%run_scoped3A_341, %dma_start3A_387] : memref<2x128xi32, #tpu.memory_space<vmem>> -> memref<1x128xi32, #tpu.memory_space<vmem>>
          %dma_start3A_389 = tpu.memref_squeeze %dma_start3A_388 : memref<1x128xi32, #tpu.memory_space<vmem>> -> memref<128xi32, #tpu.memory_space<vmem>>
          %dma_start3A_390 = tpu.memref_slice %arg3[%add3A_339] : memref<327680xi32, #tpu.memory_space<hbm>> -> memref<128xi32, #tpu.memory_space<hbm>>
          tpu.enqueue_dma source(%dma_start3A_390 : memref<128xi32, #tpu.memory_space<hbm>>) target(%dma_start3A_389 : memref<128xi32, #tpu.memory_space<vmem>>) target_semaphore(%run_scoped3A_382 : memref<!tpu.dma_semaphore, #tpu.memory_space<semaphore_mem>>)
          %dma_wait3A_391 = arith.constant 0 : i32
          %dma_wait3A_392 = tpu.memref_slice %arg15[%run_scoped3A_341, %dma_wait3A_391] : memref<2x128xi32, #tpu.memory_space<vmem>> -> memref<1x128xi32, #tpu.memory_space<vmem>>
          %dma_wait3A_393 = tpu.memref_squeeze %dma_wait3A_392 : memref<1x128xi32, #tpu.memory_space<vmem>> -> memref<128xi32, #tpu.memory_space<vmem>>
          %dma_wait3A_394 = tpu.memref_slice %arg3[%add3A_339] : memref<327680xi32, #tpu.memory_space<hbm>> -> memref<128xi32, #tpu.memory_space<hbm>>
          %dma_wait3A_395 = arith.constant 0 : i32
          %dma_wait3A_396 = tpu.memref_slice %arg15[%run_scoped3A_341, %dma_wait3A_395] : memref<2x128xi32, #tpu.memory_space<vmem>> -> memref<1x128xi32, #tpu.memory_space<vmem>>
          %dma_wait3A_397 = tpu.memref_squeeze %dma_wait3A_396 : memref<1x128xi32, #tpu.memory_space<vmem>> -> memref<128xi32, #tpu.memory_space<vmem>>
          %dma_wait3A_398 = tpu.memref_slice %arg3[%add3A_339] : memref<327680xi32, #tpu.memory_space<hbm>> -> memref<128xi32, #tpu.memory_space<hbm>>
          tpu.wait_dma2 semaphore(%run_scoped3A_382 : memref<!tpu.dma_semaphore, #tpu.memory_space<semaphore_mem>>) src(%dma_wait3A_398 : memref<128xi32, #tpu.memory_space<hbm>>) dst(%dma_wait3A_397 : memref<128xi32, #tpu.memory_space<vmem>>)
          tpu.yield
        }) : () -> ()
        %dma_start3A_342 = arith.constant 0 : i32
        %dma_start3A_343 = arith.constant 0 : i32
        %dma_start3A_344 = arith.constant 0 : i32
        %dma_start3A_345 = tpu.memref_slice %arg16[%dma_start3A_343, %dma_start3A_344] : memref<256x80xbf16, #tpu.memory_space<vmem>> -> memref<128x80xbf16, #tpu.memory_space<vmem>>
        %dma_start3A_346 = arith.constant 0 : i32
        %dma_start3A_347 = tpu.memref_slice %arg14[%dma_start3A_342, %dma_start3A_346] : memref<2x128xi32, #tpu.memory_space<vmem>> -> memref<1x128xi32, #tpu.memory_space<vmem>>
        %dma_start3A_348 = tpu.memref_squeeze %dma_start3A_347 : memref<1x128xi32, #tpu.memory_space<vmem>> -> memref<128xi32, #tpu.memory_space<vmem>>
        %dma_start3A_349 = arith.constant 0 : i32
        %dma_start3A_350 = arith.constant 0 : i32
        %dma_start3A_351 = tpu.memref_slice %arg4[%dma_start3A_349, %dma_start3A_350] : memref<10240x80xbf16, #tpu.memory_space<hbm>> -> memref<10240x80xbf16, #tpu.memory_space<hbm>>
        tpu.enqueue_indirect_dma source(%dma_start3A_351 : memref<10240x80xbf16, #tpu.memory_space<hbm>>) target(%dma_start3A_345 : memref<128x80xbf16, #tpu.memory_space<vmem>>) offsets(%dma_start3A_348 : memref<128xi32, #tpu.memory_space<vmem>>) semaphore(%arg23 : memref<!tpu.dma_semaphore, #tpu.memory_space<semaphore_mem>>)
        %dma_start3A_352 = arith.constant 0 : i32
        %dma_start3A_353 = arith.constant 0 : i32
        %dma_start3A_354 = arith.constant 0 : i32
        %dma_start3A_355 = tpu.memref_slice %arg17[%dma_start3A_353, %dma_start3A_354] : memref<256x16xf32, #tpu.memory_space<vmem>> -> memref<128x16xf32, #tpu.memory_space<vmem>>
        %dma_start3A_356 = arith.constant 0 : i32
        %dma_start3A_357 = tpu.memref_slice %arg15[%dma_start3A_352, %dma_start3A_356] : memref<2x128xi32, #tpu.memory_space<vmem>> -> memref<1x128xi32, #tpu.memory_space<vmem>>
        %dma_start3A_358 = tpu.memref_squeeze %dma_start3A_357 : memref<1x128xi32, #tpu.memory_space<vmem>> -> memref<128xi32, #tpu.memory_space<vmem>>
        %dma_start3A_359 = arith.constant 0 : i32
        %dma_start3A_360 = arith.constant 0 : i32
        %dma_start3A_361 = tpu.memref_slice %arg5[%dma_start3A_359, %dma_start3A_360] : memref<10240x16xf32, #tpu.memory_space<hbm>> -> memref<10240x16xf32, #tpu.memory_space<hbm>>
        tpu.enqueue_indirect_dma source(%dma_start3A_361 : memref<10240x16xf32, #tpu.memory_space<hbm>>) target(%dma_start3A_355 : memref<128x16xf32, #tpu.memory_space<vmem>>) offsets(%dma_start3A_358 : memref<128xi32, #tpu.memory_space<vmem>>) semaphore(%arg23 : memref<!tpu.dma_semaphore, #tpu.memory_space<semaphore_mem>>)
        %dma_start3A_362 = arith.constant 1 : i32
        %dma_start3A_363 = arith.constant 128 : i32
        %dma_start3A_364 = arith.constant 0 : i32
        %dma_start3A_365 = tpu.memref_slice %arg16[%dma_start3A_363, %dma_start3A_364] : memref<256x80xbf16, #tpu.memory_space<vmem>> -> memref<128x80xbf16, #tpu.memory_space<vmem>>
        %dma_start3A_366 = arith.constant 0 : i32
        %dma_start3A_367 = tpu.memref_slice %arg14[%dma_start3A_362, %dma_start3A_366] : memref<2x128xi32, #tpu.memory_space<vmem>> -> memref<1x128xi32, #tpu.memory_space<vmem>>
        %dma_start3A_368 = tpu.memref_squeeze %dma_start3A_367 : memref<1x128xi32, #tpu.memory_space<vmem>> -> memref<128xi32, #tpu.memory_space<vmem>>
        %dma_start3A_369 = arith.constant 0 : i32
        %dma_start3A_370 = arith.constant 0 : i32
        %dma_start3A_371 = tpu.memref_slice %arg4[%dma_start3A_369, %dma_start3A_370] : memref<10240x80xbf16, #tpu.memory_space<hbm>> -> memref<10240x80xbf16, #tpu.memory_space<hbm>>
        tpu.enqueue_indirect_dma source(%dma_start3A_371 : memref<10240x80xbf16, #tpu.memory_space<hbm>>) target(%dma_start3A_365 : memref<128x80xbf16, #tpu.memory_space<vmem>>) offsets(%dma_start3A_368 : memref<128xi32, #tpu.memory_space<vmem>>) semaphore(%arg23 : memref<!tpu.dma_semaphore, #tpu.memory_space<semaphore_mem>>)
        %dma_start3A_372 = arith.constant 1 : i32
        %dma_start3A_373 = arith.constant 128 : i32
        %dma_start3A_374 = arith.constant 0 : i32
        %dma_start3A_375 = tpu.memref_slice %arg17[%dma_start3A_373, %dma_start3A_374] : memref<256x16xf32, #tpu.memory_space<vmem>> -> memref<128x16xf32, #tpu.memory_space<vmem>>
        %dma_start3A_376 = arith.constant 0 : i32
        %dma_start3A_377 = tpu.memref_slice %arg15[%dma_start3A_372, %dma_start3A_376] : memref<2x128xi32, #tpu.memory_space<vmem>> -> memref<1x128xi32, #tpu.memory_space<vmem>>
        %dma_start3A_378 = tpu.memref_squeeze %dma_start3A_377 : memref<1x128xi32, #tpu.memory_space<vmem>> -> memref<128xi32, #tpu.memory_space<vmem>>
        %dma_start3A_379 = arith.constant 0 : i32
        %dma_start3A_380 = arith.constant 0 : i32
        %dma_start3A_381 = tpu.memref_slice %arg5[%dma_start3A_379, %dma_start3A_380] : memref<10240x16xf32, #tpu.memory_space<hbm>> -> memref<10240x16xf32, #tpu.memory_space<hbm>>
        tpu.enqueue_indirect_dma source(%dma_start3A_381 : memref<10240x16xf32, #tpu.memory_space<hbm>>) target(%dma_start3A_375 : memref<128x16xf32, #tpu.memory_space<vmem>>) offsets(%dma_start3A_378 : memref<128xi32, #tpu.memory_space<vmem>>) semaphore(%arg23 : memref<!tpu.dma_semaphore, #tpu.memory_space<semaphore_mem>>)
      } else {
      }
      %dma_wait3A_143 = arith.constant 0 : i32
      %dma_wait3A_144 = arith.constant 0 : i32
      %dma_wait3A_145 = arith.constant 0 : i32
      %dma_wait3A_146 = tpu.memref_slice %arg10[%dma_wait3A_144, %dma_wait3A_145] : memref<256x80xbf16, #tpu.memory_space<vmem>> -> memref<128x80xbf16, #tpu.memory_space<vmem>>
      %dma_wait3A_147 = arith.constant 0 : i32
      %dma_wait3A_148 = tpu.memref_slice %arg8[%dma_wait3A_143, %dma_wait3A_147] : memref<2x128xi32, #tpu.memory_space<vmem>> -> memref<1x128xi32, #tpu.memory_space<vmem>>
      %dma_wait3A_149 = tpu.memref_squeeze %dma_wait3A_148 : memref<1x128xi32, #tpu.memory_space<vmem>> -> memref<128xi32, #tpu.memory_space<vmem>>
      %dma_wait3A_150 = arith.constant 0 : i32
      %dma_wait3A_151 = arith.constant 0 : i32
      %dma_wait3A_152 = tpu.memref_slice %arg4[%dma_wait3A_150, %dma_wait3A_151] : memref<10240x80xbf16, #tpu.memory_space<hbm>> -> memref<10240x80xbf16, #tpu.memory_space<hbm>>
      tpu.wait_indirect_dma semaphore(%arg22 : memref<!tpu.dma_semaphore, #tpu.memory_space<semaphore_mem>>) src(%dma_wait3A_152 : memref<10240x80xbf16, #tpu.memory_space<hbm>>) dst(%dma_wait3A_146 : memref<128x80xbf16, #tpu.memory_space<vmem>>)
      %dma_wait3A_153 = arith.constant 0 : i32
      %dma_wait3A_154 = arith.constant 0 : i32
      %dma_wait3A_155 = arith.constant 0 : i32
      %dma_wait3A_156 = tpu.memref_slice %arg11[%dma_wait3A_154, %dma_wait3A_155] : memref<256x16xf32, #tpu.memory_space<vmem>> -> memref<128x16xf32, #tpu.memory_space<vmem>>
      %dma_wait3A_157 = arith.constant 0 : i32
      %dma_wait3A_158 = tpu.memref_slice %arg9[%dma_wait3A_153, %dma_wait3A_157] : memref<2x128xi32, #tpu.memory_space<vmem>> -> memref<1x128xi32, #tpu.memory_space<vmem>>
      %dma_wait3A_159 = tpu.memref_squeeze %dma_wait3A_158 : memref<1x128xi32, #tpu.memory_space<vmem>> -> memref<128xi32, #tpu.memory_space<vmem>>
      %dma_wait3A_160 = arith.constant 0 : i32
      %dma_wait3A_161 = arith.constant 0 : i32
      %dma_wait3A_162 = tpu.memref_slice %arg5[%dma_wait3A_160, %dma_wait3A_161] : memref<10240x16xf32, #tpu.memory_space<hbm>> -> memref<10240x16xf32, #tpu.memory_space<hbm>>
      tpu.wait_indirect_dma semaphore(%arg22 : memref<!tpu.dma_semaphore, #tpu.memory_space<semaphore_mem>>) src(%dma_wait3A_162 : memref<10240x16xf32, #tpu.memory_space<hbm>>) dst(%dma_wait3A_156 : memref<128x16xf32, #tpu.memory_space<vmem>>)
      %dma_wait3A_163 = arith.constant 1 : i32
      %dma_wait3A_164 = arith.constant 128 : i32
      %dma_wait3A_165 = arith.constant 0 : i32
      %dma_wait3A_166 = tpu.memref_slice %arg10[%dma_wait3A_164, %dma_wait3A_165] : memref<256x80xbf16, #tpu.memory_space<vmem>> -> memref<128x80xbf16, #tpu.memory_space<vmem>>
      %dma_wait3A_167 = arith.constant 0 : i32
      %dma_wait3A_168 = tpu.memref_slice %arg8[%dma_wait3A_163, %dma_wait3A_167] : memref<2x128xi32, #tpu.memory_space<vmem>> -> memref<1x128xi32, #tpu.memory_space<vmem>>
      %dma_wait3A_169 = tpu.memref_squeeze %dma_wait3A_168 : memref<1x128xi32, #tpu.memory_space<vmem>> -> memref<128xi32, #tpu.memory_space<vmem>>
      %dma_wait3A_170 = arith.constant 0 : i32
      %dma_wait3A_171 = arith.constant 0 : i32
      %dma_wait3A_172 = tpu.memref_slice %arg4[%dma_wait3A_170, %dma_wait3A_171] : memref<10240x80xbf16, #tpu.memory_space<hbm>> -> memref<10240x80xbf16, #tpu.memory_space<hbm>>
      tpu.wait_indirect_dma semaphore(%arg22 : memref<!tpu.dma_semaphore, #tpu.memory_space<semaphore_mem>>) src(%dma_wait3A_172 : memref<10240x80xbf16, #tpu.memory_space<hbm>>) dst(%dma_wait3A_166 : memref<128x80xbf16, #tpu.memory_space<vmem>>)
      %dma_wait3A_173 = arith.constant 1 : i32
      %dma_wait3A_174 = arith.constant 128 : i32
      %dma_wait3A_175 = arith.constant 0 : i32
      %dma_wait3A_176 = tpu.memref_slice %arg11[%dma_wait3A_174, %dma_wait3A_175] : memref<256x16xf32, #tpu.memory_space<vmem>> -> memref<128x16xf32, #tpu.memory_space<vmem>>
      %dma_wait3A_177 = arith.constant 0 : i32
      %dma_wait3A_178 = tpu.memref_slice %arg9[%dma_wait3A_173, %dma_wait3A_177] : memref<2x128xi32, #tpu.memory_space<vmem>> -> memref<1x128xi32, #tpu.memory_space<vmem>>
      %dma_wait3A_179 = tpu.memref_squeeze %dma_wait3A_178 : memref<1x128xi32, #tpu.memory_space<vmem>> -> memref<128xi32, #tpu.memory_space<vmem>>
      %dma_wait3A_180 = arith.constant 0 : i32
      %dma_wait3A_181 = arith.constant 0 : i32
      %dma_wait3A_182 = tpu.memref_slice %arg5[%dma_wait3A_180, %dma_wait3A_181] : memref<10240x16xf32, #tpu.memory_space<hbm>> -> memref<10240x16xf32, #tpu.memory_space<hbm>>
      tpu.wait_indirect_dma semaphore(%arg22 : memref<!tpu.dma_semaphore, #tpu.memory_space<semaphore_mem>>) src(%dma_wait3A_182 : memref<10240x16xf32, #tpu.memory_space<hbm>>) dst(%dma_wait3A_176 : memref<128x16xf32, #tpu.memory_space<vmem>>)
      %parallel_loop3A_183 = arith.constant 0 : i32
      %parallel_loop3A_184 = arith.constant 256 : i32
      %parallel_loop3A_185 = arith.constant 1 : i32
      scf.for %parallel_loop3A_326 = %parallel_loop3A_183 to %parallel_loop3A_184 step %parallel_loop3A_185  : i32 {
        %parallel_loop3A_327 = arith.index_cast %parallel_loop3A_326 : i32 to index
        %parallel_loop3A_328 = arith.constant 48 : index
        %parallel_loop3A_329 = tpu.vector_load %arg10[%parallel_loop3A_327, %parallel_loop3A_328] {strides = array<i32>} : memref<256x80xbf16, #tpu.memory_space<vmem>>, vector<32xbf16>,
        %parallel_loop3A_330 = tpu.unpack_subelements %parallel_loop3A_329, 0 {pack_format = #tpu.pack_format<interleaved>} : vector<32xbf16> -> vector<16xf32>
        %parallel_loop3A_331 = tpu.unpack_subelements %parallel_loop3A_329, 1 {pack_format = #tpu.pack_format<interleaved>} : vector<32xbf16> -> vector<16xf32>
        %parallel_loop3A_332 = arith.index_cast %parallel_loop3A_326 : i32 to index
        %parallel_loop3A_333 = arith.constant 0 : index
        %parallel_loop3A_334 = tpu.vector_load %arg11[%parallel_loop3A_332, %parallel_loop3A_333] {strides = array<i32>} : memref<256x16xf32, #tpu.memory_space<vmem>>, vector<16xf32>,
        %parallel_loop3A_335 = arith.addf %parallel_loop3A_330, %parallel_loop3A_334 : vector<16xf32>
        %parallel_loop3A_336 = arith.constant 0.000000e+00 : f32
        %parallel_loop3A_337 = vector.broadcast %parallel_loop3A_336 : f32 to vector<16xf32>
        %parallel_loop3A_338 = arith.cmpf ogt, %parallel_loop3A_335, %parallel_loop3A_337 : vector<16xf32>
        %parallel_loop3A_339 = arith.constant 2.000000e-01 : f32
        %parallel_loop3A_340 = vector.broadcast %parallel_loop3A_339 : f32 to vector<16xf32>
        %parallel_loop3A_341 = arith.mulf %parallel_loop3A_340, %parallel_loop3A_335 : vector<16xf32>
        %parallel_loop3A_342 = arith.select %parallel_loop3A_338, %parallel_loop3A_335, %parallel_loop3A_341 : vector<16xi1>, vector<16xf32>
        %parallel_loop3A_343 = math.exp %parallel_loop3A_342 : vector<16xf32>
        %parallel_loop3A_344 = arith.index_cast %parallel_loop3A_326 : i32 to index
        %parallel_loop3A_345 = arith.constant 0 : index
        %parallel_loop3A_346 = tpu.vector_load %arg12[%parallel_loop3A_344, %parallel_loop3A_345] {strides = array<i32>} : memref<256x16xf32, #tpu.memory_space<vmem>>, vector<16xf32>,
        tpu.vector_store %arg12[%parallel_loop3A_344, %parallel_loop3A_345], %parallel_loop3A_343 {strides = array<i32>} : memref<256x16xf32, #tpu.memory_space<vmem>>, vector<16xf32>,
        %parallel_loop3A_347 = arith.index_cast %parallel_loop3A_326 : i32 to index
        %parallel_loop3A_348 = arith.constant 0 : index
        %parallel_loop3A_349 = tpu.vector_load %arg10[%parallel_loop3A_347, %parallel_loop3A_348] {strides = array<i32>} : memref<256x80xbf16, #tpu.memory_space<vmem>>, vector<32xbf16>,
        %parallel_loop3A_350 = tpu.unpack_subelements %parallel_loop3A_349, 0 {pack_format = #tpu.pack_format<interleaved>} : vector<32xbf16> -> vector<16xf32>
        %parallel_loop3A_351 = tpu.unpack_subelements %parallel_loop3A_349, 1 {pack_format = #tpu.pack_format<interleaved>} : vector<32xbf16> -> vector<16xf32>
        %parallel_loop3A_352 = arith.constant 0 : i32
        %parallel_loop3A_353 = vector.broadcast %parallel_loop3A_352 : i32 to vector<16xi32>
        %parallel_loop3A_354 = arith.cmpi slt, %add3A_8, %parallel_loop3A_353 : vector<16xi32>
        %parallel_loop3A_355 = arith.constant 16 : i32
        %parallel_loop3A_356 = vector.broadcast %parallel_loop3A_355 : i32 to vector<16xi32>
        %parallel_loop3A_357 = arith.addi %add3A_8, %parallel_loop3A_356 : vector<16xi32>
        %parallel_loop3A_358 = arith.select %parallel_loop3A_354, %parallel_loop3A_357, %add3A_8 : vector<16xi1>, vector<16xi32>
        %parallel_loop3A_359 = vector.shape_cast %parallel_loop3A_358 : vector<16xi32> to vector<16x1xi32>
        %parallel_loop3A_360 = vector.shape_cast %parallel_loop3A_359 : vector<16x1xi32> to vector<16xi32>
        %parallel_loop3A_361 = tpu.dynamic_gather %parallel_loop3A_343[%parallel_loop3A_360] in [0] : vector<16xf32>, vector<16xi32> -> vector<16xf32>
        %parallel_loop3A_362 = arith.mulf %parallel_loop3A_350, %parallel_loop3A_361 : vector<16xf32>
        %parallel_loop3A_363 = arith.index_cast %parallel_loop3A_326 : i32 to index
        %parallel_loop3A_364 = arith.constant 0 : index
        %parallel_loop3A_365 = tpu.vector_load %arg13[%parallel_loop3A_363, %parallel_loop3A_364] {strides = array<i32>} : memref<256x64xf32, #tpu.memory_space<vmem>>, vector<16xf32>,
        tpu.vector_store %arg13[%parallel_loop3A_363, %parallel_loop3A_364], %parallel_loop3A_362 {strides = array<i32>} : memref<256x64xf32, #tpu.memory_space<vmem>>, vector<16xf32>,
        %parallel_loop3A_366 = arith.mulf %parallel_loop3A_351, %parallel_loop3A_361 : vector<16xf32>
        %parallel_loop3A_367 = arith.index_cast %parallel_loop3A_326 : i32 to index
        %parallel_loop3A_368 = arith.constant 16 : index
        %parallel_loop3A_369 = tpu.vector_load %arg13[%parallel_loop3A_367, %parallel_loop3A_368] {strides = array<i32>} : memref<256x64xf32, #tpu.memory_space<vmem>>, vector<16xf32>,
        tpu.vector_store %arg13[%parallel_loop3A_367, %parallel_loop3A_368], %parallel_loop3A_366 {strides = array<i32>} : memref<256x64xf32, #tpu.memory_space<vmem>>, vector<16xf32>,
        %parallel_loop3A_370 = arith.index_cast %parallel_loop3A_326 : i32 to index
        %parallel_loop3A_371 = arith.constant 32 : index
        %parallel_loop3A_372 = tpu.vector_load %arg10[%parallel_loop3A_370, %parallel_loop3A_371] {strides = array<i32>} : memref<256x80xbf16, #tpu.memory_space<vmem>>, vector<32xbf16>,
        %parallel_loop3A_373 = tpu.unpack_subelements %parallel_loop3A_372, 0 {pack_format = #tpu.pack_format<interleaved>} : vector<32xbf16> -> vector<16xf32>
        %parallel_loop3A_374 = tpu.unpack_subelements %parallel_loop3A_372, 1 {pack_format = #tpu.pack_format<interleaved>} : vector<32xbf16> -> vector<16xf32>
        %parallel_loop3A_375 = arith.constant 0 : i32
        %parallel_loop3A_376 = vector.broadcast %parallel_loop3A_375 : i32 to vector<16xi32>
        %parallel_loop3A_377 = arith.cmpi slt, %add3A_13, %parallel_loop3A_376 : vector<16xi32>
        %parallel_loop3A_378 = arith.constant 16 : i32
        %parallel_loop3A_379 = vector.broadcast %parallel_loop3A_378 : i32 to vector<16xi32>
        %parallel_loop3A_380 = arith.addi %add3A_13, %parallel_loop3A_379 : vector<16xi32>
        %parallel_loop3A_381 = arith.select %parallel_loop3A_377, %parallel_loop3A_380, %add3A_13 : vector<16xi1>, vector<16xi32>
        %parallel_loop3A_382 = vector.shape_cast %parallel_loop3A_381 : vector<16xi32> to vector<16x1xi32>
        %parallel_loop3A_383 = vector.shape_cast %parallel_loop3A_382 : vector<16x1xi32> to vector<16xi32>
        %parallel_loop3A_384 = tpu.dynamic_gather %parallel_loop3A_343[%parallel_loop3A_383] in [0] : vector<16xf32>, vector<16xi32> -> vector<16xf32>
        %parallel_loop3A_385 = arith.mulf %parallel_loop3A_373, %parallel_loop3A_384 : vector<16xf32>
        %parallel_loop3A_386 = arith.index_cast %parallel_loop3A_326 : i32 to index
        %parallel_loop3A_387 = arith.constant 32 : index
        %parallel_loop3A_388 = tpu.vector_load %arg13[%parallel_loop3A_386, %parallel_loop3A_387] {strides = array<i32>} : memref<256x64xf32, #tpu.memory_space<vmem>>, vector<16xf32>,
        tpu.vector_store %arg13[%parallel_loop3A_386, %parallel_loop3A_387], %parallel_loop3A_385 {strides = array<i32>} : memref<256x64xf32, #tpu.memory_space<vmem>>, vector<16xf32>,
        %parallel_loop3A_389 = arith.mulf %parallel_loop3A_374, %parallel_loop3A_384 : vector<16xf32>
        %parallel_loop3A_390 = arith.index_cast %parallel_loop3A_326 : i32 to index
        %parallel_loop3A_391 = arith.constant 48 : index
        %parallel_loop3A_392 = tpu.vector_load %arg13[%parallel_loop3A_390, %parallel_loop3A_391] {strides = array<i32>} : memref<256x64xf32, #tpu.memory_space<vmem>>, vector<16xf32>,
        tpu.vector_store %arg13[%parallel_loop3A_390, %parallel_loop3A_391], %parallel_loop3A_389 {strides = array<i32>} : memref<256x64xf32, #tpu.memory_space<vmem>>, vector<16xf32>,
      } {sc.loop_unroll_factor = 4 : i64, sc.parallel_access}
      %dma_start3A_186 = arith.constant 0 : i32
      %dma_start3A_187 = arith.constant 0 : i32
      %dma_start3A_188 = arith.constant 0 : i32
      %dma_start3A_189 = tpu.memref_slice %arg13[%dma_start3A_187, %dma_start3A_188] : memref<256x64xf32, #tpu.memory_space<vmem>> -> memref<128x64xf32, #tpu.memory_space<vmem>>
      %dma_start3A_190 = arith.constant 0 : i32
      %dma_start3A_191 = tpu.memref_slice %arg9[%dma_start3A_186, %dma_start3A_190] : memref<2x128xi32, #tpu.memory_space<vmem>> -> memref<1x128xi32, #tpu.memory_space<vmem>>
      %dma_start3A_192 = tpu.memref_squeeze %dma_start3A_191 : memref<1x128xi32, #tpu.memory_space<vmem>> -> memref<128xi32, #tpu.memory_space<vmem>>
      %dma_start3A_193 = arith.constant 0 : i32
      %dma_start3A_194 = arith.constant 0 : i32
      %dma_start3A_195 = tpu.memref_slice %arg20[%dma_start3A_193, %dma_start3A_194] : memref<10240x64xf32, #tpu.memory_space<vmem_shared>> -> memref<10240x64xf32, #tpu.memory_space<vmem_shared>>
      tpu.enqueue_indirect_dma source(%dma_start3A_189 : memref<128x64xf32, #tpu.memory_space<vmem>>) target(%dma_start3A_195 : memref<10240x64xf32, #tpu.memory_space<vmem_shared>>) offsets(%dma_start3A_192 : memref<128xi32, #tpu.memory_space<vmem>>) semaphore(%arg24 : memref<!tpu.dma_semaphore, #tpu.memory_space<semaphore_mem>>) {add = true}
      %dma_start3A_196 = arith.constant 0 : i32
      %dma_start3A_197 = arith.constant 0 : i32
      %dma_start3A_198 = arith.constant 0 : i32
      %dma_start3A_199 = tpu.memref_slice %arg12[%dma_start3A_197, %dma_start3A_198] : memref<256x16xf32, #tpu.memory_space<vmem>> -> memref<128x16xf32, #tpu.memory_space<vmem>>
      %dma_start3A_200 = arith.constant 0 : i32
      %dma_start3A_201 = tpu.memref_slice %arg9[%dma_start3A_196, %dma_start3A_200] : memref<2x128xi32, #tpu.memory_space<vmem>> -> memref<1x128xi32, #tpu.memory_space<vmem>>
      %dma_start3A_202 = tpu.memref_squeeze %dma_start3A_201 : memref<1x128xi32, #tpu.memory_space<vmem>> -> memref<128xi32, #tpu.memory_space<vmem>>
      %dma_start3A_203 = arith.constant 0 : i32
      %dma_start3A_204 = arith.constant 0 : i32
      %dma_start3A_205 = tpu.memref_slice %arg21[%dma_start3A_203, %dma_start3A_204] : memref<10240x16xf32, #tpu.memory_space<vmem_shared>> -> memref<10240x16xf32, #tpu.memory_space<vmem_shared>>
      tpu.enqueue_indirect_dma source(%dma_start3A_199 : memref<128x16xf32, #tpu.memory_space<vmem>>) target(%dma_start3A_205 : memref<10240x16xf32, #tpu.memory_space<vmem_shared>>) offsets(%dma_start3A_202 : memref<128xi32, #tpu.memory_space<vmem>>) semaphore(%arg24 : memref<!tpu.dma_semaphore, #tpu.memory_space<semaphore_mem>>) {add = true}
      %dma_start3A_206 = arith.constant 1 : i32
      %dma_start3A_207 = arith.constant 128 : i32
      %dma_start3A_208 = arith.constant 0 : i32
      %dma_start3A_209 = tpu.memref_slice %arg13[%dma_start3A_207, %dma_start3A_208] : memref<256x64xf32, #tpu.memory_space<vmem>> -> memref<128x64xf32, #tpu.memory_space<vmem>>
      %dma_start3A_210 = arith.constant 0 : i32
      %dma_start3A_211 = tpu.memref_slice %arg9[%dma_start3A_206, %dma_start3A_210] : memref<2x128xi32, #tpu.memory_space<vmem>> -> memref<1x128xi32, #tpu.memory_space<vmem>>
      %dma_start3A_212 = tpu.memref_squeeze %dma_start3A_211 : memref<1x128xi32, #tpu.memory_space<vmem>> -> memref<128xi32, #tpu.memory_space<vmem>>
      %dma_start3A_213 = arith.constant 0 : i32
      %dma_start3A_214 = arith.constant 0 : i32
      %dma_start3A_215 = tpu.memref_slice %arg20[%dma_start3A_213, %dma_start3A_214] : memref<10240x64xf32, #tpu.memory_space<vmem_shared>> -> memref<10240x64xf32, #tpu.memory_space<vmem_shared>>
      tpu.enqueue_indirect_dma source(%dma_start3A_209 : memref<128x64xf32, #tpu.memory_space<vmem>>) target(%dma_start3A_215 : memref<10240x64xf32, #tpu.memory_space<vmem_shared>>) offsets(%dma_start3A_212 : memref<128xi32, #tpu.memory_space<vmem>>) semaphore(%arg24 : memref<!tpu.dma_semaphore, #tpu.memory_space<semaphore_mem>>) {add = true}
      %dma_start3A_216 = arith.constant 1 : i32
      %dma_start3A_217 = arith.constant 128 : i32
      %dma_start3A_218 = arith.constant 0 : i32
      %dma_start3A_219 = tpu.memref_slice %arg12[%dma_start3A_217, %dma_start3A_218] : memref<256x16xf32, #tpu.memory_space<vmem>> -> memref<128x16xf32, #tpu.memory_space<vmem>>
      %dma_start3A_220 = arith.constant 0 : i32
      %dma_start3A_221 = tpu.memref_slice %arg9[%dma_start3A_216, %dma_start3A_220] : memref<2x128xi32, #tpu.memory_space<vmem>> -> memref<1x128xi32, #tpu.memory_space<vmem>>
      %dma_start3A_222 = tpu.memref_squeeze %dma_start3A_221 : memref<1x128xi32, #tpu.memory_space<vmem>> -> memref<128xi32, #tpu.memory_space<vmem>>
      %dma_start3A_223 = arith.constant 0 : i32
      %dma_start3A_224 = arith.constant 0 : i32
      %dma_start3A_225 = tpu.memref_slice %arg21[%dma_start3A_223, %dma_start3A_224] : memref<10240x16xf32, #tpu.memory_space<vmem_shared>> -> memref<10240x16xf32, #tpu.memory_space<vmem_shared>>
      tpu.enqueue_indirect_dma source(%dma_start3A_219 : memref<128x16xf32, #tpu.memory_space<vmem>>) target(%dma_start3A_225 : memref<10240x16xf32, #tpu.memory_space<vmem_shared>>) offsets(%dma_start3A_222 : memref<128xi32, #tpu.memory_space<vmem>>) semaphore(%arg24 : memref<!tpu.dma_semaphore, #tpu.memory_space<semaphore_mem>>) {add = true}
      %mul3A_226 = arith.constant 2 : i32
      %mul3A_227 = arith.muli %mul3A_226, %scan3A_129 : i32
      %add3A_228 = arith.constant 1 : i32
      %add3A_229 = arith.addi %mul3A_227, %add3A_228 : i32
      %ge3A_230 = arith.constant 1 : i32
      %ge3A_231 = arith.cmpi sge, %add3A_229, %ge3A_230 : i32
      %convert_element_type3A_232 = arith.extui %ge3A_231 : i1 to i32
      %cond3A_233 = arith.constant 0 : i32
      %cond3A_234 = arith.cmpi ne, %convert_element_type3A_232, %cond3A_233 : i32
      scf.if %cond3A_234 {
        %dma_wait3A_326 = arith.constant 0 : i32
        %dma_wait3A_327 = arith.constant 0 : i32
        %dma_wait3A_328 = arith.constant 0 : i32
        %dma_wait3A_329 = tpu.memref_slice %arg13[%dma_wait3A_327, %dma_wait3A_328] : memref<256x64xf32, #tpu.memory_space<vmem>> -> memref<128x64xf32, #tpu.memory_space<vmem>>
        %dma_wait3A_330 = arith.constant 0 : i32
        %dma_wait3A_331 = tpu.memref_slice %arg9[%dma_wait3A_326, %dma_wait3A_330] : memref<2x128xi32, #tpu.memory_space<vmem>> -> memref<1x128xi32, #tpu.memory_space<vmem>>
        %dma_wait3A_332 = tpu.memref_squeeze %dma_wait3A_331 : memref<1x128xi32, #tpu.memory_space<vmem>> -> memref<128xi32, #tpu.memory_space<vmem>>
        %dma_wait3A_333 = arith.constant 0 : i32
        %dma_wait3A_334 = arith.constant 0 : i32
        %dma_wait3A_335 = tpu.memref_slice %arg20[%dma_wait3A_333, %dma_wait3A_334] : memref<10240x64xf32, #tpu.memory_space<vmem_shared>> -> memref<10240x64xf32, #tpu.memory_space<vmem_shared>>
        tpu.wait_indirect_dma semaphore(%arg24 : memref<!tpu.dma_semaphore, #tpu.memory_space<semaphore_mem>>) src(%dma_wait3A_329 : memref<128x64xf32, #tpu.memory_space<vmem>>) dst(%dma_wait3A_335 : memref<10240x64xf32, #tpu.memory_space<vmem_shared>>)
        %dma_wait3A_336 = arith.constant 0 : i32
        %dma_wait3A_337 = arith.constant 0 : i32
        %dma_wait3A_338 = arith.constant 0 : i32
        %dma_wait3A_339 = tpu.memref_slice %arg12[%dma_wait3A_337, %dma_wait3A_338] : memref<256x16xf32, #tpu.memory_space<vmem>> -> memref<128x16xf32, #tpu.memory_space<vmem>>
        %dma_wait3A_340 = arith.constant 0 : i32
        %dma_wait3A_341 = tpu.memref_slice %arg9[%dma_wait3A_336, %dma_wait3A_340] : memref<2x128xi32, #tpu.memory_space<vmem>> -> memref<1x128xi32, #tpu.memory_space<vmem>>
        %dma_wait3A_342 = tpu.memref_squeeze %dma_wait3A_341 : memref<1x128xi32, #tpu.memory_space<vmem>> -> memref<128xi32, #tpu.memory_space<vmem>>
        %dma_wait3A_343 = arith.constant 0 : i32
        %dma_wait3A_344 = arith.constant 0 : i32
        %dma_wait3A_345 = tpu.memref_slice %arg21[%dma_wait3A_343, %dma_wait3A_344] : memref<10240x16xf32, #tpu.memory_space<vmem_shared>> -> memref<10240x16xf32, #tpu.memory_space<vmem_shared>>
        tpu.wait_indirect_dma semaphore(%arg24 : memref<!tpu.dma_semaphore, #tpu.memory_space<semaphore_mem>>) src(%dma_wait3A_339 : memref<128x16xf32, #tpu.memory_space<vmem>>) dst(%dma_wait3A_345 : memref<10240x16xf32, #tpu.memory_space<vmem_shared>>)
        %dma_wait3A_346 = arith.constant 1 : i32
        %dma_wait3A_347 = arith.constant 128 : i32
        %dma_wait3A_348 = arith.constant 0 : i32
        %dma_wait3A_349 = tpu.memref_slice %arg13[%dma_wait3A_347, %dma_wait3A_348] : memref<256x64xf32, #tpu.memory_space<vmem>> -> memref<128x64xf32, #tpu.memory_space<vmem>>
        %dma_wait3A_350 = arith.constant 0 : i32
        %dma_wait3A_351 = tpu.memref_slice %arg9[%dma_wait3A_346, %dma_wait3A_350] : memref<2x128xi32, #tpu.memory_space<vmem>> -> memref<1x128xi32, #tpu.memory_space<vmem>>
        %dma_wait3A_352 = tpu.memref_squeeze %dma_wait3A_351 : memref<1x128xi32, #tpu.memory_space<vmem>> -> memref<128xi32, #tpu.memory_space<vmem>>
        %dma_wait3A_353 = arith.constant 0 : i32
        %dma_wait3A_354 = arith.constant 0 : i32
        %dma_wait3A_355 = tpu.memref_slice %arg20[%dma_wait3A_353, %dma_wait3A_354] : memref<10240x64xf32, #tpu.memory_space<vmem_shared>> -> memref<10240x64xf32, #tpu.memory_space<vmem_shared>>
        tpu.wait_indirect_dma semaphore(%arg24 : memref<!tpu.dma_semaphore, #tpu.memory_space<semaphore_mem>>) src(%dma_wait3A_349 : memref<128x64xf32, #tpu.memory_space<vmem>>) dst(%dma_wait3A_355 : memref<10240x64xf32, #tpu.memory_space<vmem_shared>>)
        %dma_wait3A_356 = arith.constant 1 : i32
        %dma_wait3A_357 = arith.constant 128 : i32
        %dma_wait3A_358 = arith.constant 0 : i32
        %dma_wait3A_359 = tpu.memref_slice %arg12[%dma_wait3A_357, %dma_wait3A_358] : memref<256x16xf32, #tpu.memory_space<vmem>> -> memref<128x16xf32, #tpu.memory_space<vmem>>
        %dma_wait3A_360 = arith.constant 0 : i32
        %dma_wait3A_361 = tpu.memref_slice %arg9[%dma_wait3A_356, %dma_wait3A_360] : memref<2x128xi32, #tpu.memory_space<vmem>> -> memref<1x128xi32, #tpu.memory_space<vmem>>
        %dma_wait3A_362 = tpu.memref_squeeze %dma_wait3A_361 : memref<1x128xi32, #tpu.memory_space<vmem>> -> memref<128xi32, #tpu.memory_space<vmem>>
        %dma_wait3A_363 = arith.constant 0 : i32
        %dma_wait3A_364 = arith.constant 0 : i32
        %dma_wait3A_365 = tpu.memref_slice %arg21[%dma_wait3A_363, %dma_wait3A_364] : memref<10240x16xf32, #tpu.memory_space<vmem_shared>> -> memref<10240x16xf32, #tpu.memory_space<vmem_shared>>
        tpu.wait_indirect_dma semaphore(%arg24 : memref<!tpu.dma_semaphore, #tpu.memory_space<semaphore_mem>>) src(%dma_wait3A_359 : memref<128x16xf32, #tpu.memory_space<vmem>>) dst(%dma_wait3A_365 : memref<10240x16xf32, #tpu.memory_space<vmem_shared>>)
      } else {
      }
      %add3A_235 = arith.constant 1 : i32
      %add3A_236 = arith.addi %add3A_229, %add3A_235 : i32
      %lt3A_237 = arith.constant 40 : i32
      %lt3A_238 = arith.cmpi slt, %add3A_236, %lt3A_237 : i32
      %convert_element_type3A_239 = arith.extui %lt3A_238 : i1 to i32
      %cond3A_240 = arith.constant 0 : i32
      %cond3A_241 = arith.cmpi ne, %convert_element_type3A_239, %cond3A_240 : i32
      scf.if %cond3A_241 {
        %add3A_326 = arith.constant 1 : i32
        %add3A_327 = arith.addi %add3A_229, %add3A_326 : i32
        %mul3A_328 = arith.constant 256 : i32
        %mul3A_329 = arith.muli %add3A_327, %mul3A_328 : i32
        %add3A_330 = arith.addi %mul3A_2, %mul3A_329 : i32
        %add3A_331 = arith.constant 0 : i32
        %add3A_332 = arith.addi %add3A_330, %add3A_331 : i32
        %run_scoped3A_333 = arith.constant 0 : i32
        "tpu.region"() ({
          %run_scoped3A_382 = tpu.sem_alloc : memref<!tpu.dma_semaphore, #tpu.memory_space<semaphore_mem>>
          %dma_start3A_383 = arith.constant 0 : i32
          %dma_start3A_384 = tpu.memref_slice %arg8[%run_scoped3A_333, %dma_start3A_383] : memref<2x128xi32, #tpu.memory_space<vmem>> -> memref<1x128xi32, #tpu.memory_space<vmem>>
          %dma_start3A_385 = tpu.memref_squeeze %dma_start3A_384 : memref<1x128xi32, #tpu.memory_space<vmem>> -> memref<128xi32, #tpu.memory_space<vmem>>
          %dma_start3A_386 = tpu.memref_slice %arg2[%add3A_332] : memref<327680xi32, #tpu.memory_space<hbm>> -> memref<128xi32, #tpu.memory_space<hbm>>
          %dma_start3A_387 = arith.constant 0 : i32
          %dma_start3A_388 = tpu.memref_slice %arg8[%run_scoped3A_333, %dma_start3A_387] : memref<2x128xi32, #tpu.memory_space<vmem>> -> memref<1x128xi32, #tpu.memory_space<vmem>>
          %dma_start3A_389 = tpu.memref_squeeze %dma_start3A_388 : memref<1x128xi32, #tpu.memory_space<vmem>> -> memref<128xi32, #tpu.memory_space<vmem>>
          %dma_start3A_390 = tpu.memref_slice %arg2[%add3A_332] : memref<327680xi32, #tpu.memory_space<hbm>> -> memref<128xi32, #tpu.memory_space<hbm>>
          tpu.enqueue_dma source(%dma_start3A_390 : memref<128xi32, #tpu.memory_space<hbm>>) target(%dma_start3A_389 : memref<128xi32, #tpu.memory_space<vmem>>) target_semaphore(%run_scoped3A_382 : memref<!tpu.dma_semaphore, #tpu.memory_space<semaphore_mem>>)
          %dma_wait3A_391 = arith.constant 0 : i32
          %dma_wait3A_392 = tpu.memref_slice %arg8[%run_scoped3A_333, %dma_wait3A_391] : memref<2x128xi32, #tpu.memory_space<vmem>> -> memref<1x128xi32, #tpu.memory_space<vmem>>
          %dma_wait3A_393 = tpu.memref_squeeze %dma_wait3A_392 : memref<1x128xi32, #tpu.memory_space<vmem>> -> memref<128xi32, #tpu.memory_space<vmem>>
          %dma_wait3A_394 = tpu.memref_slice %arg2[%add3A_332] : memref<327680xi32, #tpu.memory_space<hbm>> -> memref<128xi32, #tpu.memory_space<hbm>>
          %dma_wait3A_395 = arith.constant 0 : i32
          %dma_wait3A_396 = tpu.memref_slice %arg8[%run_scoped3A_333, %dma_wait3A_395] : memref<2x128xi32, #tpu.memory_space<vmem>> -> memref<1x128xi32, #tpu.memory_space<vmem>>
          %dma_wait3A_397 = tpu.memref_squeeze %dma_wait3A_396 : memref<1x128xi32, #tpu.memory_space<vmem>> -> memref<128xi32, #tpu.memory_space<vmem>>
          %dma_wait3A_398 = tpu.memref_slice %arg2[%add3A_332] : memref<327680xi32, #tpu.memory_space<hbm>> -> memref<128xi32, #tpu.memory_space<hbm>>
          tpu.wait_dma2 semaphore(%run_scoped3A_382 : memref<!tpu.dma_semaphore, #tpu.memory_space<semaphore_mem>>) src(%dma_wait3A_398 : memref<128xi32, #tpu.memory_space<hbm>>) dst(%dma_wait3A_397 : memref<128xi32, #tpu.memory_space<vmem>>)
          tpu.yield
        }) : () -> ()
        %run_scoped3A_334 = arith.constant 0 : i32
        "tpu.region"() ({
          %run_scoped3A_382 = tpu.sem_alloc : memref<!tpu.dma_semaphore, #tpu.memory_space<semaphore_mem>>
          %dma_start3A_383 = arith.constant 0 : i32
          %dma_start3A_384 = tpu.memref_slice %arg9[%run_scoped3A_334, %dma_start3A_383] : memref<2x128xi32, #tpu.memory_space<vmem>> -> memref<1x128xi32, #tpu.memory_space<vmem>>
          %dma_start3A_385 = tpu.memref_squeeze %dma_start3A_384 : memref<1x128xi32, #tpu.memory_space<vmem>> -> memref<128xi32, #tpu.memory_space<vmem>>
          %dma_start3A_386 = tpu.memref_slice %arg3[%add3A_332] : memref<327680xi32, #tpu.memory_space<hbm>> -> memref<128xi32, #tpu.memory_space<hbm>>
          %dma_start3A_387 = arith.constant 0 : i32
          %dma_start3A_388 = tpu.memref_slice %arg9[%run_scoped3A_334, %dma_start3A_387] : memref<2x128xi32, #tpu.memory_space<vmem>> -> memref<1x128xi32, #tpu.memory_space<vmem>>
          %dma_start3A_389 = tpu.memref_squeeze %dma_start3A_388 : memref<1x128xi32, #tpu.memory_space<vmem>> -> memref<128xi32, #tpu.memory_space<vmem>>
          %dma_start3A_390 = tpu.memref_slice %arg3[%add3A_332] : memref<327680xi32, #tpu.memory_space<hbm>> -> memref<128xi32, #tpu.memory_space<hbm>>
          tpu.enqueue_dma source(%dma_start3A_390 : memref<128xi32, #tpu.memory_space<hbm>>) target(%dma_start3A_389 : memref<128xi32, #tpu.memory_space<vmem>>) target_semaphore(%run_scoped3A_382 : memref<!tpu.dma_semaphore, #tpu.memory_space<semaphore_mem>>)
          %dma_wait3A_391 = arith.constant 0 : i32
          %dma_wait3A_392 = tpu.memref_slice %arg9[%run_scoped3A_334, %dma_wait3A_391] : memref<2x128xi32, #tpu.memory_space<vmem>> -> memref<1x128xi32, #tpu.memory_space<vmem>>
          %dma_wait3A_393 = tpu.memref_squeeze %dma_wait3A_392 : memref<1x128xi32, #tpu.memory_space<vmem>> -> memref<128xi32, #tpu.memory_space<vmem>>
          %dma_wait3A_394 = tpu.memref_slice %arg3[%add3A_332] : memref<327680xi32, #tpu.memory_space<hbm>> -> memref<128xi32, #tpu.memory_space<hbm>>
          %dma_wait3A_395 = arith.constant 0 : i32
          %dma_wait3A_396 = tpu.memref_slice %arg9[%run_scoped3A_334, %dma_wait3A_395] : memref<2x128xi32, #tpu.memory_space<vmem>> -> memref<1x128xi32, #tpu.memory_space<vmem>>
          %dma_wait3A_397 = tpu.memref_squeeze %dma_wait3A_396 : memref<1x128xi32, #tpu.memory_space<vmem>> -> memref<128xi32, #tpu.memory_space<vmem>>
          %dma_wait3A_398 = tpu.memref_slice %arg3[%add3A_332] : memref<327680xi32, #tpu.memory_space<hbm>> -> memref<128xi32, #tpu.memory_space<hbm>>
          tpu.wait_dma2 semaphore(%run_scoped3A_382 : memref<!tpu.dma_semaphore, #tpu.memory_space<semaphore_mem>>) src(%dma_wait3A_398 : memref<128xi32, #tpu.memory_space<hbm>>) dst(%dma_wait3A_397 : memref<128xi32, #tpu.memory_space<vmem>>)
          tpu.yield
        }) : () -> ()
        %mul3A_335 = arith.constant 256 : i32
        %mul3A_336 = arith.muli %add3A_327, %mul3A_335 : i32
        %add3A_337 = arith.addi %mul3A_2, %mul3A_336 : i32
        %add3A_338 = arith.constant 128 : i32
        %add3A_339 = arith.addi %add3A_337, %add3A_338 : i32
        %run_scoped3A_340 = arith.constant 1 : i32
        "tpu.region"() ({
          %run_scoped3A_382 = tpu.sem_alloc : memref<!tpu.dma_semaphore, #tpu.memory_space<semaphore_mem>>
          %dma_start3A_383 = arith.constant 0 : i32
          %dma_start3A_384 = tpu.memref_slice %arg8[%run_scoped3A_340, %dma_start3A_383] : memref<2x128xi32, #tpu.memory_space<vmem>> -> memref<1x128xi32, #tpu.memory_space<vmem>>
          %dma_start3A_385 = tpu.memref_squeeze %dma_start3A_384 : memref<1x128xi32, #tpu.memory_space<vmem>> -> memref<128xi32, #tpu.memory_space<vmem>>
          %dma_start3A_386 = tpu.memref_slice %arg2[%add3A_339] : memref<327680xi32, #tpu.memory_space<hbm>> -> memref<128xi32, #tpu.memory_space<hbm>>
          %dma_start3A_387 = arith.constant 0 : i32
          %dma_start3A_388 = tpu.memref_slice %arg8[%run_scoped3A_340, %dma_start3A_387] : memref<2x128xi32, #tpu.memory_space<vmem>> -> memref<1x128xi32, #tpu.memory_space<vmem>>
          %dma_start3A_389 = tpu.memref_squeeze %dma_start3A_388 : memref<1x128xi32, #tpu.memory_space<vmem>> -> memref<128xi32, #tpu.memory_space<vmem>>
          %dma_start3A_390 = tpu.memref_slice %arg2[%add3A_339] : memref<327680xi32, #tpu.memory_space<hbm>> -> memref<128xi32, #tpu.memory_space<hbm>>
          tpu.enqueue_dma source(%dma_start3A_390 : memref<128xi32, #tpu.memory_space<hbm>>) target(%dma_start3A_389 : memref<128xi32, #tpu.memory_space<vmem>>) target_semaphore(%run_scoped3A_382 : memref<!tpu.dma_semaphore, #tpu.memory_space<semaphore_mem>>)
          %dma_wait3A_391 = arith.constant 0 : i32
          %dma_wait3A_392 = tpu.memref_slice %arg8[%run_scoped3A_340, %dma_wait3A_391] : memref<2x128xi32, #tpu.memory_space<vmem>> -> memref<1x128xi32, #tpu.memory_space<vmem>>
          %dma_wait3A_393 = tpu.memref_squeeze %dma_wait3A_392 : memref<1x128xi32, #tpu.memory_space<vmem>> -> memref<128xi32, #tpu.memory_space<vmem>>
          %dma_wait3A_394 = tpu.memref_slice %arg2[%add3A_339] : memref<327680xi32, #tpu.memory_space<hbm>> -> memref<128xi32, #tpu.memory_space<hbm>>
          %dma_wait3A_395 = arith.constant 0 : i32
          %dma_wait3A_396 = tpu.memref_slice %arg8[%run_scoped3A_340, %dma_wait3A_395] : memref<2x128xi32, #tpu.memory_space<vmem>> -> memref<1x128xi32, #tpu.memory_space<vmem>>
          %dma_wait3A_397 = tpu.memref_squeeze %dma_wait3A_396 : memref<1x128xi32, #tpu.memory_space<vmem>> -> memref<128xi32, #tpu.memory_space<vmem>>
          %dma_wait3A_398 = tpu.memref_slice %arg2[%add3A_339] : memref<327680xi32, #tpu.memory_space<hbm>> -> memref<128xi32, #tpu.memory_space<hbm>>
          tpu.wait_dma2 semaphore(%run_scoped3A_382 : memref<!tpu.dma_semaphore, #tpu.memory_space<semaphore_mem>>) src(%dma_wait3A_398 : memref<128xi32, #tpu.memory_space<hbm>>) dst(%dma_wait3A_397 : memref<128xi32, #tpu.memory_space<vmem>>)
          tpu.yield
        }) : () -> ()
        %run_scoped3A_341 = arith.constant 1 : i32
        "tpu.region"() ({
          %run_scoped3A_382 = tpu.sem_alloc : memref<!tpu.dma_semaphore, #tpu.memory_space<semaphore_mem>>
          %dma_start3A_383 = arith.constant 0 : i32
          %dma_start3A_384 = tpu.memref_slice %arg9[%run_scoped3A_341, %dma_start3A_383] : memref<2x128xi32, #tpu.memory_space<vmem>> -> memref<1x128xi32, #tpu.memory_space<vmem>>
          %dma_start3A_385 = tpu.memref_squeeze %dma_start3A_384 : memref<1x128xi32, #tpu.memory_space<vmem>> -> memref<128xi32, #tpu.memory_space<vmem>>
          %dma_start3A_386 = tpu.memref_slice %arg3[%add3A_339] : memref<327680xi32, #tpu.memory_space<hbm>> -> memref<128xi32, #tpu.memory_space<hbm>>
          %dma_start3A_387 = arith.constant 0 : i32
          %dma_start3A_388 = tpu.memref_slice %arg9[%run_scoped3A_341, %dma_start3A_387] : memref<2x128xi32, #tpu.memory_space<vmem>> -> memref<1x128xi32, #tpu.memory_space<vmem>>
          %dma_start3A_389 = tpu.memref_squeeze %dma_start3A_388 : memref<1x128xi32, #tpu.memory_space<vmem>> -> memref<128xi32, #tpu.memory_space<vmem>>
          %dma_start3A_390 = tpu.memref_slice %arg3[%add3A_339] : memref<327680xi32, #tpu.memory_space<hbm>> -> memref<128xi32, #tpu.memory_space<hbm>>
          tpu.enqueue_dma source(%dma_start3A_390 : memref<128xi32, #tpu.memory_space<hbm>>) target(%dma_start3A_389 : memref<128xi32, #tpu.memory_space<vmem>>) target_semaphore(%run_scoped3A_382 : memref<!tpu.dma_semaphore, #tpu.memory_space<semaphore_mem>>)
          %dma_wait3A_391 = arith.constant 0 : i32
          %dma_wait3A_392 = tpu.memref_slice %arg9[%run_scoped3A_341, %dma_wait3A_391] : memref<2x128xi32, #tpu.memory_space<vmem>> -> memref<1x128xi32, #tpu.memory_space<vmem>>
          %dma_wait3A_393 = tpu.memref_squeeze %dma_wait3A_392 : memref<1x128xi32, #tpu.memory_space<vmem>> -> memref<128xi32, #tpu.memory_space<vmem>>
          %dma_wait3A_394 = tpu.memref_slice %arg3[%add3A_339] : memref<327680xi32, #tpu.memory_space<hbm>> -> memref<128xi32, #tpu.memory_space<hbm>>
          %dma_wait3A_395 = arith.constant 0 : i32
          %dma_wait3A_396 = tpu.memref_slice %arg9[%run_scoped3A_341, %dma_wait3A_395] : memref<2x128xi32, #tpu.memory_space<vmem>> -> memref<1x128xi32, #tpu.memory_space<vmem>>
          %dma_wait3A_397 = tpu.memref_squeeze %dma_wait3A_396 : memref<1x128xi32, #tpu.memory_space<vmem>> -> memref<128xi32, #tpu.memory_space<vmem>>
          %dma_wait3A_398 = tpu.memref_slice %arg3[%add3A_339] : memref<327680xi32, #tpu.memory_space<hbm>> -> memref<128xi32, #tpu.memory_space<hbm>>
          tpu.wait_dma2 semaphore(%run_scoped3A_382 : memref<!tpu.dma_semaphore, #tpu.memory_space<semaphore_mem>>) src(%dma_wait3A_398 : memref<128xi32, #tpu.memory_space<hbm>>) dst(%dma_wait3A_397 : memref<128xi32, #tpu.memory_space<vmem>>)
          tpu.yield
        }) : () -> ()
        %dma_start3A_342 = arith.constant 0 : i32
        %dma_start3A_343 = arith.constant 0 : i32
        %dma_start3A_344 = arith.constant 0 : i32
        %dma_start3A_345 = tpu.memref_slice %arg10[%dma_start3A_343, %dma_start3A_344] : memref<256x80xbf16, #tpu.memory_space<vmem>> -> memref<128x80xbf16, #tpu.memory_space<vmem>>
        %dma_start3A_346 = arith.constant 0 : i32
        %dma_start3A_347 = tpu.memref_slice %arg8[%dma_start3A_342, %dma_start3A_346] : memref<2x128xi32, #tpu.memory_space<vmem>> -> memref<1x128xi32, #tpu.memory_space<vmem>>
        %dma_start3A_348 = tpu.memref_squeeze %dma_start3A_347 : memref<1x128xi32, #tpu.memory_space<vmem>> -> memref<128xi32, #tpu.memory_space<vmem>>
        %dma_start3A_349 = arith.constant 0 : i32
        %dma_start3A_350 = arith.constant 0 : i32
        %dma_start3A_351 = tpu.memref_slice %arg4[%dma_start3A_349, %dma_start3A_350] : memref<10240x80xbf16, #tpu.memory_space<hbm>> -> memref<10240x80xbf16, #tpu.memory_space<hbm>>
        tpu.enqueue_indirect_dma source(%dma_start3A_351 : memref<10240x80xbf16, #tpu.memory_space<hbm>>) target(%dma_start3A_345 : memref<128x80xbf16, #tpu.memory_space<vmem>>) offsets(%dma_start3A_348 : memref<128xi32, #tpu.memory_space<vmem>>) semaphore(%arg22 : memref<!tpu.dma_semaphore, #tpu.memory_space<semaphore_mem>>)
        %dma_start3A_352 = arith.constant 0 : i32
        %dma_start3A_353 = arith.constant 0 : i32
        %dma_start3A_354 = arith.constant 0 : i32
        %dma_start3A_355 = tpu.memref_slice %arg11[%dma_start3A_353, %dma_start3A_354] : memref<256x16xf32, #tpu.memory_space<vmem>> -> memref<128x16xf32, #tpu.memory_space<vmem>>
        %dma_start3A_356 = arith.constant 0 : i32
        %dma_start3A_357 = tpu.memref_slice %arg9[%dma_start3A_352, %dma_start3A_356] : memref<2x128xi32, #tpu.memory_space<vmem>> -> memref<1x128xi32, #tpu.memory_space<vmem>>
        %dma_start3A_358 = tpu.memref_squeeze %dma_start3A_357 : memref<1x128xi32, #tpu.memory_space<vmem>> -> memref<128xi32, #tpu.memory_space<vmem>>
        %dma_start3A_359 = arith.constant 0 : i32
        %dma_start3A_360 = arith.constant 0 : i32
        %dma_start3A_361 = tpu.memref_slice %arg5[%dma_start3A_359, %dma_start3A_360] : memref<10240x16xf32, #tpu.memory_space<hbm>> -> memref<10240x16xf32, #tpu.memory_space<hbm>>
        tpu.enqueue_indirect_dma source(%dma_start3A_361 : memref<10240x16xf32, #tpu.memory_space<hbm>>) target(%dma_start3A_355 : memref<128x16xf32, #tpu.memory_space<vmem>>) offsets(%dma_start3A_358 : memref<128xi32, #tpu.memory_space<vmem>>) semaphore(%arg22 : memref<!tpu.dma_semaphore, #tpu.memory_space<semaphore_mem>>)
        %dma_start3A_362 = arith.constant 1 : i32
        %dma_start3A_363 = arith.constant 128 : i32
        %dma_start3A_364 = arith.constant 0 : i32
        %dma_start3A_365 = tpu.memref_slice %arg10[%dma_start3A_363, %dma_start3A_364] : memref<256x80xbf16, #tpu.memory_space<vmem>> -> memref<128x80xbf16, #tpu.memory_space<vmem>>
        %dma_start3A_366 = arith.constant 0 : i32
        %dma_start3A_367 = tpu.memref_slice %arg8[%dma_start3A_362, %dma_start3A_366] : memref<2x128xi32, #tpu.memory_space<vmem>> -> memref<1x128xi32, #tpu.memory_space<vmem>>
        %dma_start3A_368 = tpu.memref_squeeze %dma_start3A_367 : memref<1x128xi32, #tpu.memory_space<vmem>> -> memref<128xi32, #tpu.memory_space<vmem>>
        %dma_start3A_369 = arith.constant 0 : i32
        %dma_start3A_370 = arith.constant 0 : i32
        %dma_start3A_371 = tpu.memref_slice %arg4[%dma_start3A_369, %dma_start3A_370] : memref<10240x80xbf16, #tpu.memory_space<hbm>> -> memref<10240x80xbf16, #tpu.memory_space<hbm>>
        tpu.enqueue_indirect_dma source(%dma_start3A_371 : memref<10240x80xbf16, #tpu.memory_space<hbm>>) target(%dma_start3A_365 : memref<128x80xbf16, #tpu.memory_space<vmem>>) offsets(%dma_start3A_368 : memref<128xi32, #tpu.memory_space<vmem>>) semaphore(%arg22 : memref<!tpu.dma_semaphore, #tpu.memory_space<semaphore_mem>>)
        %dma_start3A_372 = arith.constant 1 : i32
        %dma_start3A_373 = arith.constant 128 : i32
        %dma_start3A_374 = arith.constant 0 : i32
        %dma_start3A_375 = tpu.memref_slice %arg11[%dma_start3A_373, %dma_start3A_374] : memref<256x16xf32, #tpu.memory_space<vmem>> -> memref<128x16xf32, #tpu.memory_space<vmem>>
        %dma_start3A_376 = arith.constant 0 : i32
        %dma_start3A_377 = tpu.memref_slice %arg9[%dma_start3A_372, %dma_start3A_376] : memref<2x128xi32, #tpu.memory_space<vmem>> -> memref<1x128xi32, #tpu.memory_space<vmem>>
        %dma_start3A_378 = tpu.memref_squeeze %dma_start3A_377 : memref<1x128xi32, #tpu.memory_space<vmem>> -> memref<128xi32, #tpu.memory_space<vmem>>
        %dma_start3A_379 = arith.constant 0 : i32
        %dma_start3A_380 = arith.constant 0 : i32
        %dma_start3A_381 = tpu.memref_slice %arg5[%dma_start3A_379, %dma_start3A_380] : memref<10240x16xf32, #tpu.memory_space<hbm>> -> memref<10240x16xf32, #tpu.memory_space<hbm>>
        tpu.enqueue_indirect_dma source(%dma_start3A_381 : memref<10240x16xf32, #tpu.memory_space<hbm>>) target(%dma_start3A_375 : memref<128x16xf32, #tpu.memory_space<vmem>>) offsets(%dma_start3A_378 : memref<128xi32, #tpu.memory_space<vmem>>) semaphore(%arg22 : memref<!tpu.dma_semaphore, #tpu.memory_space<semaphore_mem>>)
      } else {
      }
      %dma_wait3A_242 = arith.constant 0 : i32
      %dma_wait3A_243 = arith.constant 0 : i32
      %dma_wait3A_244 = arith.constant 0 : i32
      %dma_wait3A_245 = tpu.memref_slice %arg16[%dma_wait3A_243, %dma_wait3A_244] : memref<256x80xbf16, #tpu.memory_space<vmem>> -> memref<128x80xbf16, #tpu.memory_space<vmem>>
      %dma_wait3A_246 = arith.constant 0 : i32
      %dma_wait3A_247 = tpu.memref_slice %arg14[%dma_wait3A_242, %dma_wait3A_246] : memref<2x128xi32, #tpu.memory_space<vmem>> -> memref<1x128xi32, #tpu.memory_space<vmem>>
      %dma_wait3A_248 = tpu.memref_squeeze %dma_wait3A_247 : memref<1x128xi32, #tpu.memory_space<vmem>> -> memref<128xi32, #tpu.memory_space<vmem>>
      %dma_wait3A_249 = arith.constant 0 : i32
      %dma_wait3A_250 = arith.constant 0 : i32
      %dma_wait3A_251 = tpu.memref_slice %arg4[%dma_wait3A_249, %dma_wait3A_250] : memref<10240x80xbf16, #tpu.memory_space<hbm>> -> memref<10240x80xbf16, #tpu.memory_space<hbm>>
      tpu.wait_indirect_dma semaphore(%arg23 : memref<!tpu.dma_semaphore, #tpu.memory_space<semaphore_mem>>) src(%dma_wait3A_251 : memref<10240x80xbf16, #tpu.memory_space<hbm>>) dst(%dma_wait3A_245 : memref<128x80xbf16, #tpu.memory_space<vmem>>)
      %dma_wait3A_252 = arith.constant 0 : i32
      %dma_wait3A_253 = arith.constant 0 : i32
      %dma_wait3A_254 = arith.constant 0 : i32
      %dma_wait3A_255 = tpu.memref_slice %arg17[%dma_wait3A_253, %dma_wait3A_254] : memref<256x16xf32, #tpu.memory_space<vmem>> -> memref<128x16xf32, #tpu.memory_space<vmem>>
      %dma_wait3A_256 = arith.constant 0 : i32
      %dma_wait3A_257 = tpu.memref_slice %arg15[%dma_wait3A_252, %dma_wait3A_256] : memref<2x128xi32, #tpu.memory_space<vmem>> -> memref<1x128xi32, #tpu.memory_space<vmem>>
      %dma_wait3A_258 = tpu.memref_squeeze %dma_wait3A_257 : memref<1x128xi32, #tpu.memory_space<vmem>> -> memref<128xi32, #tpu.memory_space<vmem>>
      %dma_wait3A_259 = arith.constant 0 : i32
      %dma_wait3A_260 = arith.constant 0 : i32
      %dma_wait3A_261 = tpu.memref_slice %arg5[%dma_wait3A_259, %dma_wait3A_260] : memref<10240x16xf32, #tpu.memory_space<hbm>> -> memref<10240x16xf32, #tpu.memory_space<hbm>>
      tpu.wait_indirect_dma semaphore(%arg23 : memref<!tpu.dma_semaphore, #tpu.memory_space<semaphore_mem>>) src(%dma_wait3A_261 : memref<10240x16xf32, #tpu.memory_space<hbm>>) dst(%dma_wait3A_255 : memref<128x16xf32, #tpu.memory_space<vmem>>)
      %dma_wait3A_262 = arith.constant 1 : i32
      %dma_wait3A_263 = arith.constant 128 : i32
      %dma_wait3A_264 = arith.constant 0 : i32
      %dma_wait3A_265 = tpu.memref_slice %arg16[%dma_wait3A_263, %dma_wait3A_264] : memref<256x80xbf16, #tpu.memory_space<vmem>> -> memref<128x80xbf16, #tpu.memory_space<vmem>>
      %dma_wait3A_266 = arith.constant 0 : i32
      %dma_wait3A_267 = tpu.memref_slice %arg14[%dma_wait3A_262, %dma_wait3A_266] : memref<2x128xi32, #tpu.memory_space<vmem>> -> memref<1x128xi32, #tpu.memory_space<vmem>>
      %dma_wait3A_268 = tpu.memref_squeeze %dma_wait3A_267 : memref<1x128xi32, #tpu.memory_space<vmem>> -> memref<128xi32, #tpu.memory_space<vmem>>
      %dma_wait3A_269 = arith.constant 0 : i32
      %dma_wait3A_270 = arith.constant 0 : i32
      %dma_wait3A_271 = tpu.memref_slice %arg4[%dma_wait3A_269, %dma_wait3A_270] : memref<10240x80xbf16, #tpu.memory_space<hbm>> -> memref<10240x80xbf16, #tpu.memory_space<hbm>>
      tpu.wait_indirect_dma semaphore(%arg23 : memref<!tpu.dma_semaphore, #tpu.memory_space<semaphore_mem>>) src(%dma_wait3A_271 : memref<10240x80xbf16, #tpu.memory_space<hbm>>) dst(%dma_wait3A_265 : memref<128x80xbf16, #tpu.memory_space<vmem>>)
      %dma_wait3A_272 = arith.constant 1 : i32
      %dma_wait3A_273 = arith.constant 128 : i32
      %dma_wait3A_274 = arith.constant 0 : i32
      %dma_wait3A_275 = tpu.memref_slice %arg17[%dma_wait3A_273, %dma_wait3A_274] : memref<256x16xf32, #tpu.memory_space<vmem>> -> memref<128x16xf32, #tpu.memory_space<vmem>>
      %dma_wait3A_276 = arith.constant 0 : i32
      %dma_wait3A_277 = tpu.memref_slice %arg15[%dma_wait3A_272, %dma_wait3A_276] : memref<2x128xi32, #tpu.memory_space<vmem>> -> memref<1x128xi32, #tpu.memory_space<vmem>>
      %dma_wait3A_278 = tpu.memref_squeeze %dma_wait3A_277 : memref<1x128xi32, #tpu.memory_space<vmem>> -> memref<128xi32, #tpu.memory_space<vmem>>
      %dma_wait3A_279 = arith.constant 0 : i32
      %dma_wait3A_280 = arith.constant 0 : i32
      %dma_wait3A_281 = tpu.memref_slice %arg5[%dma_wait3A_279, %dma_wait3A_280] : memref<10240x16xf32, #tpu.memory_space<hbm>> -> memref<10240x16xf32, #tpu.memory_space<hbm>>
      tpu.wait_indirect_dma semaphore(%arg23 : memref<!tpu.dma_semaphore, #tpu.memory_space<semaphore_mem>>) src(%dma_wait3A_281 : memref<10240x16xf32, #tpu.memory_space<hbm>>) dst(%dma_wait3A_275 : memref<128x16xf32, #tpu.memory_space<vmem>>)
      %parallel_loop3A_282 = arith.constant 0 : i32
      %parallel_loop3A_283 = arith.constant 256 : i32
      %parallel_loop3A_284 = arith.constant 1 : i32
      scf.for %parallel_loop3A_326 = %parallel_loop3A_282 to %parallel_loop3A_283 step %parallel_loop3A_284  : i32 {
        %parallel_loop3A_327 = arith.index_cast %parallel_loop3A_326 : i32 to index
        %parallel_loop3A_328 = arith.constant 48 : index
        %parallel_loop3A_329 = tpu.vector_load %arg16[%parallel_loop3A_327, %parallel_loop3A_328] {strides = array<i32>} : memref<256x80xbf16, #tpu.memory_space<vmem>>, vector<32xbf16>,
        %parallel_loop3A_330 = tpu.unpack_subelements %parallel_loop3A_329, 0 {pack_format = #tpu.pack_format<interleaved>} : vector<32xbf16> -> vector<16xf32>
        %parallel_loop3A_331 = tpu.unpack_subelements %parallel_loop3A_329, 1 {pack_format = #tpu.pack_format<interleaved>} : vector<32xbf16> -> vector<16xf32>
        %parallel_loop3A_332 = arith.index_cast %parallel_loop3A_326 : i32 to index
        %parallel_loop3A_333 = arith.constant 0 : index
        %parallel_loop3A_334 = tpu.vector_load %arg17[%parallel_loop3A_332, %parallel_loop3A_333] {strides = array<i32>} : memref<256x16xf32, #tpu.memory_space<vmem>>, vector<16xf32>,
        %parallel_loop3A_335 = arith.addf %parallel_loop3A_330, %parallel_loop3A_334 : vector<16xf32>
        %parallel_loop3A_336 = arith.constant 0.000000e+00 : f32
        %parallel_loop3A_337 = vector.broadcast %parallel_loop3A_336 : f32 to vector<16xf32>
        %parallel_loop3A_338 = arith.cmpf ogt, %parallel_loop3A_335, %parallel_loop3A_337 : vector<16xf32>
        %parallel_loop3A_339 = arith.constant 2.000000e-01 : f32
        %parallel_loop3A_340 = vector.broadcast %parallel_loop3A_339 : f32 to vector<16xf32>
        %parallel_loop3A_341 = arith.mulf %parallel_loop3A_340, %parallel_loop3A_335 : vector<16xf32>
        %parallel_loop3A_342 = arith.select %parallel_loop3A_338, %parallel_loop3A_335, %parallel_loop3A_341 : vector<16xi1>, vector<16xf32>
        %parallel_loop3A_343 = math.exp %parallel_loop3A_342 : vector<16xf32>
        %parallel_loop3A_344 = arith.index_cast %parallel_loop3A_326 : i32 to index
        %parallel_loop3A_345 = arith.constant 0 : index
        %parallel_loop3A_346 = tpu.vector_load %arg18[%parallel_loop3A_344, %parallel_loop3A_345] {strides = array<i32>} : memref<256x16xf32, #tpu.memory_space<vmem>>, vector<16xf32>,
        tpu.vector_store %arg18[%parallel_loop3A_344, %parallel_loop3A_345], %parallel_loop3A_343 {strides = array<i32>} : memref<256x16xf32, #tpu.memory_space<vmem>>, vector<16xf32>,
        %parallel_loop3A_347 = arith.index_cast %parallel_loop3A_326 : i32 to index
        %parallel_loop3A_348 = arith.constant 0 : index
        %parallel_loop3A_349 = tpu.vector_load %arg16[%parallel_loop3A_347, %parallel_loop3A_348] {strides = array<i32>} : memref<256x80xbf16, #tpu.memory_space<vmem>>, vector<32xbf16>,
        %parallel_loop3A_350 = tpu.unpack_subelements %parallel_loop3A_349, 0 {pack_format = #tpu.pack_format<interleaved>} : vector<32xbf16> -> vector<16xf32>
        %parallel_loop3A_351 = tpu.unpack_subelements %parallel_loop3A_349, 1 {pack_format = #tpu.pack_format<interleaved>} : vector<32xbf16> -> vector<16xf32>
        %parallel_loop3A_352 = arith.constant 0 : i32
        %parallel_loop3A_353 = vector.broadcast %parallel_loop3A_352 : i32 to vector<16xi32>
        %parallel_loop3A_354 = arith.cmpi slt, %add3A_8, %parallel_loop3A_353 : vector<16xi32>
        %parallel_loop3A_355 = arith.constant 16 : i32
        %parallel_loop3A_356 = vector.broadcast %parallel_loop3A_355 : i32 to vector<16xi32>
        %parallel_loop3A_357 = arith.addi %add3A_8, %parallel_loop3A_356 : vector<16xi32>
        %parallel_loop3A_358 = arith.select %parallel_loop3A_354, %parallel_loop3A_357, %add3A_8 : vector<16xi1>, vector<16xi32>
        %parallel_loop3A_359 = vector.shape_cast %parallel_loop3A_358 : vector<16xi32> to vector<16x1xi32>
        %parallel_loop3A_360 = vector.shape_cast %parallel_loop3A_359 : vector<16x1xi32> to vector<16xi32>
        %parallel_loop3A_361 = tpu.dynamic_gather %parallel_loop3A_343[%parallel_loop3A_360] in [0] : vector<16xf32>, vector<16xi32> -> vector<16xf32>
        %parallel_loop3A_362 = arith.mulf %parallel_loop3A_350, %parallel_loop3A_361 : vector<16xf32>
        %parallel_loop3A_363 = arith.index_cast %parallel_loop3A_326 : i32 to index
        %parallel_loop3A_364 = arith.constant 0 : index
        %parallel_loop3A_365 = tpu.vector_load %arg19[%parallel_loop3A_363, %parallel_loop3A_364] {strides = array<i32>} : memref<256x64xf32, #tpu.memory_space<vmem>>, vector<16xf32>,
        tpu.vector_store %arg19[%parallel_loop3A_363, %parallel_loop3A_364], %parallel_loop3A_362 {strides = array<i32>} : memref<256x64xf32, #tpu.memory_space<vmem>>, vector<16xf32>,
        %parallel_loop3A_366 = arith.mulf %parallel_loop3A_351, %parallel_loop3A_361 : vector<16xf32>
        %parallel_loop3A_367 = arith.index_cast %parallel_loop3A_326 : i32 to index
        %parallel_loop3A_368 = arith.constant 16 : index
        %parallel_loop3A_369 = tpu.vector_load %arg19[%parallel_loop3A_367, %parallel_loop3A_368] {strides = array<i32>} : memref<256x64xf32, #tpu.memory_space<vmem>>, vector<16xf32>,
        tpu.vector_store %arg19[%parallel_loop3A_367, %parallel_loop3A_368], %parallel_loop3A_366 {strides = array<i32>} : memref<256x64xf32, #tpu.memory_space<vmem>>, vector<16xf32>,
        %parallel_loop3A_370 = arith.index_cast %parallel_loop3A_326 : i32 to index
        %parallel_loop3A_371 = arith.constant 32 : index
        %parallel_loop3A_372 = tpu.vector_load %arg16[%parallel_loop3A_370, %parallel_loop3A_371] {strides = array<i32>} : memref<256x80xbf16, #tpu.memory_space<vmem>>, vector<32xbf16>,
        %parallel_loop3A_373 = tpu.unpack_subelements %parallel_loop3A_372, 0 {pack_format = #tpu.pack_format<interleaved>} : vector<32xbf16> -> vector<16xf32>
        %parallel_loop3A_374 = tpu.unpack_subelements %parallel_loop3A_372, 1 {pack_format = #tpu.pack_format<interleaved>} : vector<32xbf16> -> vector<16xf32>
        %parallel_loop3A_375 = arith.constant 0 : i32
        %parallel_loop3A_376 = vector.broadcast %parallel_loop3A_375 : i32 to vector<16xi32>
        %parallel_loop3A_377 = arith.cmpi slt, %add3A_13, %parallel_loop3A_376 : vector<16xi32>
        %parallel_loop3A_378 = arith.constant 16 : i32
        %parallel_loop3A_379 = vector.broadcast %parallel_loop3A_378 : i32 to vector<16xi32>
        %parallel_loop3A_380 = arith.addi %add3A_13, %parallel_loop3A_379 : vector<16xi32>
        %parallel_loop3A_381 = arith.select %parallel_loop3A_377, %parallel_loop3A_380, %add3A_13 : vector<16xi1>, vector<16xi32>
        %parallel_loop3A_382 = vector.shape_cast %parallel_loop3A_381 : vector<16xi32> to vector<16x1xi32>
        %parallel_loop3A_383 = vector.shape_cast %parallel_loop3A_382 : vector<16x1xi32> to vector<16xi32>
        %parallel_loop3A_384 = tpu.dynamic_gather %parallel_loop3A_343[%parallel_loop3A_383] in [0] : vector<16xf32>, vector<16xi32> -> vector<16xf32>
        %parallel_loop3A_385 = arith.mulf %parallel_loop3A_373, %parallel_loop3A_384 : vector<16xf32>
        %parallel_loop3A_386 = arith.index_cast %parallel_loop3A_326 : i32 to index
        %parallel_loop3A_387 = arith.constant 32 : index
        %parallel_loop3A_388 = tpu.vector_load %arg19[%parallel_loop3A_386, %parallel_loop3A_387] {strides = array<i32>} : memref<256x64xf32, #tpu.memory_space<vmem>>, vector<16xf32>,
        tpu.vector_store %arg19[%parallel_loop3A_386, %parallel_loop3A_387], %parallel_loop3A_385 {strides = array<i32>} : memref<256x64xf32, #tpu.memory_space<vmem>>, vector<16xf32>,
        %parallel_loop3A_389 = arith.mulf %parallel_loop3A_374, %parallel_loop3A_384 : vector<16xf32>
        %parallel_loop3A_390 = arith.index_cast %parallel_loop3A_326 : i32 to index
        %parallel_loop3A_391 = arith.constant 48 : index
        %parallel_loop3A_392 = tpu.vector_load %arg19[%parallel_loop3A_390, %parallel_loop3A_391] {strides = array<i32>} : memref<256x64xf32, #tpu.memory_space<vmem>>, vector<16xf32>,
        tpu.vector_store %arg19[%parallel_loop3A_390, %parallel_loop3A_391], %parallel_loop3A_389 {strides = array<i32>} : memref<256x64xf32, #tpu.memory_space<vmem>>, vector<16xf32>,
      } {sc.loop_unroll_factor = 4 : i64, sc.parallel_access}
      %dma_start3A_285 = arith.constant 0 : i32
      %dma_start3A_286 = arith.constant 0 : i32
      %dma_start3A_287 = arith.constant 0 : i32
      %dma_start3A_288 = tpu.memref_slice %arg19[%dma_start3A_286, %dma_start3A_287] : memref<256x64xf32, #tpu.memory_space<vmem>> -> memref<128x64xf32, #tpu.memory_space<vmem>>
      %dma_start3A_289 = arith.constant 0 : i32
      %dma_start3A_290 = tpu.memref_slice %arg15[%dma_start3A_285, %dma_start3A_289] : memref<2x128xi32, #tpu.memory_space<vmem>> -> memref<1x128xi32, #tpu.memory_space<vmem>>
      %dma_start3A_291 = tpu.memref_squeeze %dma_start3A_290 : memref<1x128xi32, #tpu.memory_space<vmem>> -> memref<128xi32, #tpu.memory_space<vmem>>
      %dma_start3A_292 = arith.constant 0 : i32
      %dma_start3A_293 = arith.constant 0 : i32
      %dma_start3A_294 = tpu.memref_slice %arg20[%dma_start3A_292, %dma_start3A_293] : memref<10240x64xf32, #tpu.memory_space<vmem_shared>> -> memref<10240x64xf32, #tpu.memory_space<vmem_shared>>
      tpu.enqueue_indirect_dma source(%dma_start3A_288 : memref<128x64xf32, #tpu.memory_space<vmem>>) target(%dma_start3A_294 : memref<10240x64xf32, #tpu.memory_space<vmem_shared>>) offsets(%dma_start3A_291 : memref<128xi32, #tpu.memory_space<vmem>>) semaphore(%arg25 : memref<!tpu.dma_semaphore, #tpu.memory_space<semaphore_mem>>) {add = true}
      %dma_start3A_295 = arith.constant 0 : i32
      %dma_start3A_296 = arith.constant 0 : i32
      %dma_start3A_297 = arith.constant 0 : i32
      %dma_start3A_298 = tpu.memref_slice %arg18[%dma_start3A_296, %dma_start3A_297] : memref<256x16xf32, #tpu.memory_space<vmem>> -> memref<128x16xf32, #tpu.memory_space<vmem>>
      %dma_start3A_299 = arith.constant 0 : i32
      %dma_start3A_300 = tpu.memref_slice %arg15[%dma_start3A_295, %dma_start3A_299] : memref<2x128xi32, #tpu.memory_space<vmem>> -> memref<1x128xi32, #tpu.memory_space<vmem>>
      %dma_start3A_301 = tpu.memref_squeeze %dma_start3A_300 : memref<1x128xi32, #tpu.memory_space<vmem>> -> memref<128xi32, #tpu.memory_space<vmem>>
      %dma_start3A_302 = arith.constant 0 : i32
      %dma_start3A_303 = arith.constant 0 : i32
      %dma_start3A_304 = tpu.memref_slice %arg21[%dma_start3A_302, %dma_start3A_303] : memref<10240x16xf32, #tpu.memory_space<vmem_shared>> -> memref<10240x16xf32, #tpu.memory_space<vmem_shared>>
      tpu.enqueue_indirect_dma source(%dma_start3A_298 : memref<128x16xf32, #tpu.memory_space<vmem>>) target(%dma_start3A_304 : memref<10240x16xf32, #tpu.memory_space<vmem_shared>>) offsets(%dma_start3A_301 : memref<128xi32, #tpu.memory_space<vmem>>) semaphore(%arg25 : memref<!tpu.dma_semaphore, #tpu.memory_space<semaphore_mem>>) {add = true}
      %dma_start3A_305 = arith.constant 1 : i32
      %dma_start3A_306 = arith.constant 128 : i32
      %dma_start3A_307 = arith.constant 0 : i32
      %dma_start3A_308 = tpu.memref_slice %arg19[%dma_start3A_306, %dma_start3A_307] : memref<256x64xf32, #tpu.memory_space<vmem>> -> memref<128x64xf32, #tpu.memory_space<vmem>>
      %dma_start3A_309 = arith.constant 0 : i32
      %dma_start3A_310 = tpu.memref_slice %arg15[%dma_start3A_305, %dma_start3A_309] : memref<2x128xi32, #tpu.memory_space<vmem>> -> memref<1x128xi32, #tpu.memory_space<vmem>>
      %dma_start3A_311 = tpu.memref_squeeze %dma_start3A_310 : memref<1x128xi32, #tpu.memory_space<vmem>> -> memref<128xi32, #tpu.memory_space<vmem>>
      %dma_start3A_312 = arith.constant 0 : i32
      %dma_start3A_313 = arith.constant 0 : i32
      %dma_start3A_314 = tpu.memref_slice %arg20[%dma_start3A_312, %dma_start3A_313] : memref<10240x64xf32, #tpu.memory_space<vmem_shared>> -> memref<10240x64xf32, #tpu.memory_space<vmem_shared>>
      tpu.enqueue_indirect_dma source(%dma_start3A_308 : memref<128x64xf32, #tpu.memory_space<vmem>>) target(%dma_start3A_314 : memref<10240x64xf32, #tpu.memory_space<vmem_shared>>) offsets(%dma_start3A_311 : memref<128xi32, #tpu.memory_space<vmem>>) semaphore(%arg25 : memref<!tpu.dma_semaphore, #tpu.memory_space<semaphore_mem>>) {add = true}
      %dma_start3A_315 = arith.constant 1 : i32
      %dma_start3A_316 = arith.constant 128 : i32
      %dma_start3A_317 = arith.constant 0 : i32
      %dma_start3A_318 = tpu.memref_slice %arg18[%dma_start3A_316, %dma_start3A_317] : memref<256x16xf32, #tpu.memory_space<vmem>> -> memref<128x16xf32, #tpu.memory_space<vmem>>
      %dma_start3A_319 = arith.constant 0 : i32
      %dma_start3A_320 = tpu.memref_slice %arg15[%dma_start3A_315, %dma_start3A_319] : memref<2x128xi32, #tpu.memory_space<vmem>> -> memref<1x128xi32, #tpu.memory_space<vmem>>
      %dma_start3A_321 = tpu.memref_squeeze %dma_start3A_320 : memref<1x128xi32, #tpu.memory_space<vmem>> -> memref<128xi32, #tpu.memory_space<vmem>>
      %dma_start3A_322 = arith.constant 0 : i32
      %dma_start3A_323 = arith.constant 0 : i32
      %dma_start3A_324 = tpu.memref_slice %arg21[%dma_start3A_322, %dma_start3A_323] : memref<10240x16xf32, #tpu.memory_space<vmem_shared>> -> memref<10240x16xf32, #tpu.memory_space<vmem_shared>>
      tpu.enqueue_indirect_dma source(%dma_start3A_318 : memref<128x16xf32, #tpu.memory_space<vmem>>) target(%dma_start3A_324 : memref<10240x16xf32, #tpu.memory_space<vmem_shared>>) offsets(%dma_start3A_321 : memref<128xi32, #tpu.memory_space<vmem>>) semaphore(%arg25 : memref<!tpu.dma_semaphore, #tpu.memory_space<semaphore_mem>>) {add = true}
      %scan3A_325 = arith.constant 0 : i32
      scf.yield %scan3A_325 : i32
    }
    %scan3A_88 = arith.constant 20 : i32
    %dma_wait3A = arith.constant 0 : i32
    %dma_wait3A_89 = arith.constant 0 : i32
    %dma_wait3A_90 = arith.constant 0 : i32
    %dma_wait3A_91 = tpu.memref_slice %arg19[%dma_wait3A_89, %dma_wait3A_90] : memref<256x64xf32, #tpu.memory_space<vmem>> -> memref<128x64xf32, #tpu.memory_space<vmem>>
    %dma_wait3A_92 = arith.constant 0 : i32
    %dma_wait3A_93 = tpu.memref_slice %arg15[%dma_wait3A, %dma_wait3A_92] : memref<2x128xi32, #tpu.memory_space<vmem>> -> memref<1x128xi32, #tpu.memory_space<vmem>>
    %dma_wait3A_94 = tpu.memref_squeeze %dma_wait3A_93 : memref<1x128xi32, #tpu.memory_space<vmem>> -> memref<128xi32, #tpu.memory_space<vmem>>
    %dma_wait3A_95 = arith.constant 0 : i32
    %dma_wait3A_96 = arith.constant 0 : i32
    %dma_wait3A_97 = tpu.memref_slice %arg20[%dma_wait3A_95, %dma_wait3A_96] : memref<10240x64xf32, #tpu.memory_space<vmem_shared>> -> memref<10240x64xf32, #tpu.memory_space<vmem_shared>>
    tpu.wait_indirect_dma semaphore(%arg25 : memref<!tpu.dma_semaphore, #tpu.memory_space<semaphore_mem>>) src(%dma_wait3A_91 : memref<128x64xf32, #tpu.memory_space<vmem>>) dst(%dma_wait3A_97 : memref<10240x64xf32, #tpu.memory_space<vmem_shared>>)
    %dma_wait3A_98 = arith.constant 0 : i32
    %dma_wait3A_99 = arith.constant 0 : i32
    %dma_wait3A_100 = arith.constant 0 : i32
    %dma_wait3A_101 = tpu.memref_slice %arg18[%dma_wait3A_99, %dma_wait3A_100] : memref<256x16xf32, #tpu.memory_space<vmem>> -> memref<128x16xf32, #tpu.memory_space<vmem>>
    %dma_wait3A_102 = arith.constant 0 : i32
    %dma_wait3A_103 = tpu.memref_slice %arg15[%dma_wait3A_98, %dma_wait3A_102] : memref<2x128xi32, #tpu.memory_space<vmem>> -> memref<1x128xi32, #tpu.memory_space<vmem>>
    %dma_wait3A_104 = tpu.memref_squeeze %dma_wait3A_103 : memref<1x128xi32, #tpu.memory_space<vmem>> -> memref<128xi32, #tpu.memory_space<vmem>>
    %dma_wait3A_105 = arith.constant 0 : i32
    %dma_wait3A_106 = arith.constant 0 : i32
    %dma_wait3A_107 = tpu.memref_slice %arg21[%dma_wait3A_105, %dma_wait3A_106] : memref<10240x16xf32, #tpu.memory_space<vmem_shared>> -> memref<10240x16xf32, #tpu.memory_space<vmem_shared>>
    tpu.wait_indirect_dma semaphore(%arg25 : memref<!tpu.dma_semaphore, #tpu.memory_space<semaphore_mem>>) src(%dma_wait3A_101 : memref<128x16xf32, #tpu.memory_space<vmem>>) dst(%dma_wait3A_107 : memref<10240x16xf32, #tpu.memory_space<vmem_shared>>)
    %dma_wait3A_108 = arith.constant 1 : i32
    %dma_wait3A_109 = arith.constant 128 : i32
    %dma_wait3A_110 = arith.constant 0 : i32
    %dma_wait3A_111 = tpu.memref_slice %arg19[%dma_wait3A_109, %dma_wait3A_110] : memref<256x64xf32, #tpu.memory_space<vmem>> -> memref<128x64xf32, #tpu.memory_space<vmem>>
    %dma_wait3A_112 = arith.constant 0 : i32
    %dma_wait3A_113 = tpu.memref_slice %arg15[%dma_wait3A_108, %dma_wait3A_112] : memref<2x128xi32, #tpu.memory_space<vmem>> -> memref<1x128xi32, #tpu.memory_space<vmem>>
    %dma_wait3A_114 = tpu.memref_squeeze %dma_wait3A_113 : memref<1x128xi32, #tpu.memory_space<vmem>> -> memref<128xi32, #tpu.memory_space<vmem>>
    %dma_wait3A_115 = arith.constant 0 : i32
    %dma_wait3A_116 = arith.constant 0 : i32
    %dma_wait3A_117 = tpu.memref_slice %arg20[%dma_wait3A_115, %dma_wait3A_116] : memref<10240x64xf32, #tpu.memory_space<vmem_shared>> -> memref<10240x64xf32, #tpu.memory_space<vmem_shared>>
    tpu.wait_indirect_dma semaphore(%arg25 : memref<!tpu.dma_semaphore, #tpu.memory_space<semaphore_mem>>) src(%dma_wait3A_111 : memref<128x64xf32, #tpu.memory_space<vmem>>) dst(%dma_wait3A_117 : memref<10240x64xf32, #tpu.memory_space<vmem_shared>>)
    %dma_wait3A_118 = arith.constant 1 : i32
    %dma_wait3A_119 = arith.constant 128 : i32
    %dma_wait3A_120 = arith.constant 0 : i32
    %dma_wait3A_121 = tpu.memref_slice %arg18[%dma_wait3A_119, %dma_wait3A_120] : memref<256x16xf32, #tpu.memory_space<vmem>> -> memref<128x16xf32, #tpu.memory_space<vmem>>
    %dma_wait3A_122 = arith.constant 0 : i32
    %dma_wait3A_123 = tpu.memref_slice %arg15[%dma_wait3A_118, %dma_wait3A_122] : memref<2x128xi32, #tpu.memory_space<vmem>> -> memref<1x128xi32, #tpu.memory_space<vmem>>
    %dma_wait3A_124 = tpu.memref_squeeze %dma_wait3A_123 : memref<1x128xi32, #tpu.memory_space<vmem>> -> memref<128xi32, #tpu.memory_space<vmem>>
    %dma_wait3A_125 = arith.constant 0 : i32
    %dma_wait3A_126 = arith.constant 0 : i32
    %dma_wait3A_127 = tpu.memref_slice %arg21[%dma_wait3A_125, %dma_wait3A_126] : memref<10240x16xf32, #tpu.memory_space<vmem_shared>> -> memref<10240x16xf32, #tpu.memory_space<vmem_shared>>
    tpu.wait_indirect_dma semaphore(%arg25 : memref<!tpu.dma_semaphore, #tpu.memory_space<semaphore_mem>>) src(%dma_wait3A_121 : memref<128x16xf32, #tpu.memory_space<vmem>>) dst(%dma_wait3A_127 : memref<10240x16xf32, #tpu.memory_space<vmem_shared>>)
    %barrier3A_128 = arith.constant 0 : index
    tpu.barrier barrier_id(%barrier3A_128)
    "tpu.region"() ({
      %run_scoped3A_129 = tpu.sem_alloc : memref<!tpu.dma_semaphore, #tpu.memory_space<semaphore_mem>>
      %dma_start3A_130 = arith.constant 0 : i32
      %dma_start3A_131 = tpu.memref_slice %arg6[%arg0, %mul3A_20, %dma_start3A_130] : memref<2x10240x64xf32, #tpu.memory_space<hbm>> -> memref<1x640x64xf32, #tpu.memory_space<hbm>>
      %dma_start3A_132 = tpu.memref_squeeze %dma_start3A_131 : memref<1x640x64xf32, #tpu.memory_space<hbm>> -> memref<640x64xf32, #tpu.memory_space<hbm>>
      %dma_start3A_133 = arith.constant 0 : i32
      %dma_start3A_134 = tpu.memref_slice %arg20[%mul3A_20, %dma_start3A_133] : memref<10240x64xf32, #tpu.memory_space<vmem_shared>> -> memref<640x64xf32, #tpu.memory_space<vmem_shared>>
      tpu.enqueue_dma source(%dma_start3A_134 : memref<640x64xf32, #tpu.memory_space<vmem_shared>>) target(%dma_start3A_132 : memref<640x64xf32, #tpu.memory_space<hbm>>) target_semaphore(%run_scoped3A_129 : memref<!tpu.dma_semaphore, #tpu.memory_space<semaphore_mem>>)
      %dma_wait3A_135 = arith.constant 0 : i32
      %dma_wait3A_136 = tpu.memref_slice %arg6[%arg0, %mul3A_20, %dma_wait3A_135] : memref<2x10240x64xf32, #tpu.memory_space<hbm>> -> memref<1x640x64xf32, #tpu.memory_space<hbm>>
      %dma_wait3A_137 = tpu.memref_squeeze %dma_wait3A_136 : memref<1x640x64xf32, #tpu.memory_space<hbm>> -> memref<640x64xf32, #tpu.memory_space<hbm>>
      %dma_wait3A_138 = arith.constant 0 : i32
      %dma_wait3A_139 = tpu.memref_slice %arg20[%mul3A_20, %dma_wait3A_138] : memref<10240x64xf32, #tpu.memory_space<vmem_shared>> -> memref<640x64xf32, #tpu.memory_space<vmem_shared>>
      tpu.wait_dma2 semaphore(%run_scoped3A_129 : memref<!tpu.dma_semaphore, #tpu.memory_space<semaphore_mem>>) src(%dma_wait3A_139 : memref<640x64xf32, #tpu.memory_space<vmem_shared>>) dst(%dma_wait3A_137 : memref<640x64xf32, #tpu.memory_space<hbm>>)
      tpu.yield
    }) : () -> ()
    "tpu.region"() ({
      %run_scoped3A_129 = tpu.sem_alloc : memref<!tpu.dma_semaphore, #tpu.memory_space<semaphore_mem>>
      %dma_start3A_130 = arith.constant 0 : i32
      %dma_start3A_131 = tpu.memref_slice %arg7[%arg0, %mul3A_20, %dma_start3A_130] : memref<2x10240x16xf32, #tpu.memory_space<hbm>> -> memref<1x640x16xf32, #tpu.memory_space<hbm>>
      %dma_start3A_132 = tpu.memref_squeeze %dma_start3A_131 : memref<1x640x16xf32, #tpu.memory_space<hbm>> -> memref<640x16xf32, #tpu.memory_space<hbm>>
      %dma_start3A_133 = arith.constant 0 : i32
      %dma_start3A_134 = tpu.memref_slice %arg21[%mul3A_20, %dma_start3A_133] : memref<10240x16xf32, #tpu.memory_space<vmem_shared>> -> memref<640x16xf32, #tpu.memory_space<vmem_shared>>
      tpu.enqueue_dma source(%dma_start3A_134 : memref<640x16xf32, #tpu.memory_space<vmem_shared>>) target(%dma_start3A_132 : memref<640x16xf32, #tpu.memory_space<hbm>>) target_semaphore(%run_scoped3A_129 : memref<!tpu.dma_semaphore, #tpu.memory_space<semaphore_mem>>)
      %dma_wait3A_135 = arith.constant 0 : i32
      %dma_wait3A_136 = tpu.memref_slice %arg7[%arg0, %mul3A_20, %dma_wait3A_135] : memref<2x10240x16xf32, #tpu.memory_space<hbm>> -> memref<1x640x16xf32, #tpu.memory_space<hbm>>
      %dma_wait3A_137 = tpu.memref_squeeze %dma_wait3A_136 : memref<1x640x16xf32, #tpu.memory_space<hbm>> -> memref<640x16xf32, #tpu.memory_space<hbm>>
      %dma_wait3A_138 = arith.constant 0 : i32
      %dma_wait3A_139 = tpu.memref_slice %arg21[%mul3A_20, %dma_wait3A_138] : memref<10240x16xf32, #tpu.memory_space<vmem_shared>> -> memref<640x16xf32, #tpu.memory_space<vmem_shared>>
      tpu.wait_dma2 semaphore(%run_scoped3A_129 : memref<!tpu.dma_semaphore, #tpu.memory_space<semaphore_mem>>) src(%dma_wait3A_139 : memref<640x16xf32, #tpu.memory_space<vmem_shared>>) dst(%dma_wait3A_137 : memref<640x16xf32, #tpu.memory_space<hbm>>)
      tpu.yield
    }) : () -> ()
    return
  }
}

module attributes {stable_mosaic.version = 14 : i64} {
  func.func @body(%arg0: i32, %arg1: memref<1024x128xf32, #tpu.memory_space<vmem>>, %arg2: memref<128x64xf32, #tpu.memory_space<vmem>>, %arg3: memref<64x8xf32, #tpu.memory_space<vmem>>, %arg4: memref<64x16xf32, #tpu.memory_space<vmem>>, %arg5: memref<8x16xf32, #tpu.memory_space<vmem>>, %arg6: memref<1024x80xbf16, #tpu.memory_space<vmem>>, %arg7: memref<1024x16xf32, #tpu.memory_space<vmem>>) attributes {dimension_semantics = [#tpu.dimension_semantics<arbitrary>], iteration_bounds = array<i64: 10>, scalar_prefetch = 0 : i64, scratch_operands = 0 : i64, tpu.core_type = #tpu.core_type<tc>, window_params = [{transform_indices = @transform_0, window_bounds = array<i64: 1024, 128>}, {pipeline_mode = #tpu.pipeline_mode<synchronous>, transform_indices = @transform_1, window_bounds = array<i64: 128, 64>}, {pipeline_mode = #tpu.pipeline_mode<synchronous>, transform_indices = @transform_2, window_bounds = array<i64: 64, 8>}, {pipeline_mode = #tpu.pipeline_mode<synchronous>, transform_indices = @transform_3, window_bounds = array<i64: 64, 16>}, {pipeline_mode = #tpu.pipeline_mode<synchronous>, transform_indices = @transform_4, window_bounds = array<i64: 8, 16>}, {transform_indices = @transform_5, window_bounds = array<i64: 1024, 80>}, {transform_indices = @transform_6, window_bounds = array<i64: 1024, 16>}]} {
    %get3A = arith.constant 0 : index
    %get3A_0 = arith.constant 0 : index
    %get3A_1 = vector.load %arg1[%get3A, %get3A_0] : memref<1024x128xf32, #tpu.memory_space<vmem>>, vector<1024x128xf32>
    %get3A_2 = arith.constant 0 : index
    %get3A_3 = arith.constant 0 : index
    %get3A_4 = vector.load %arg2[%get3A_2, %get3A_3] : memref<128x64xf32, #tpu.memory_space<vmem>>, vector<128x64xf32>
    %dot_general3A = arith.constant dense<0.000000e+00> : vector<1024x64xf32>
    %dot_general3A_5 = tpu.matmul %get3A_1, %get3A_4, %dot_general3A {dimension_numbers = #tpu.dot_dimension_numbers<[1], [0], [0], [1], [0, 0, 1, 1], [], []>, transpose_lhs_hint = false} : vector<1024x128xf32>, vector<128x64xf32>, vector<1024x64xf32> -> vector<1024x64xf32>
    %get3A_6 = arith.constant 0 : index
    %get3A_7 = arith.constant 0 : index
    %get3A_8 = vector.load %arg3[%get3A_6, %get3A_7] : memref<64x8xf32, #tpu.memory_space<vmem>>, vector<64x8xf32>
    %dot_general3A_9 = arith.constant dense<0.000000e+00> : vector<1024x8xf32>
    %dot_general3A_10 = tpu.matmul %dot_general3A_5, %get3A_8, %dot_general3A_9 {dimension_numbers = #tpu.dot_dimension_numbers<[1], [0], [0], [1], [0, 0, 1, 1], [], []>, transpose_lhs_hint = false} : vector<1024x64xf32>, vector<64x8xf32>, vector<1024x8xf32> -> vector<1024x8xf32>
    %get3A_11 = arith.constant 0 : index
    %get3A_12 = arith.constant 0 : index
    %get3A_13 = vector.load %arg4[%get3A_11, %get3A_12] : memref<64x16xf32, #tpu.memory_space<vmem>>, vector<64x16xf32>
    %dot_general3A_14 = arith.constant dense<0.000000e+00> : vector<1024x16xf32>
    %dot_general3A_15 = tpu.matmul %dot_general3A_5, %get3A_13, %dot_general3A_14 {dimension_numbers = #tpu.dot_dimension_numbers<[1], [0], [0], [1], [0, 0, 1, 1], [], []>, transpose_lhs_hint = false} : vector<1024x64xf32>, vector<64x16xf32>, vector<1024x16xf32> -> vector<1024x16xf32>
    %get3A_16 = arith.constant 0 : index
    %get3A_17 = arith.constant 0 : index
    %get3A_18 = vector.load %arg5[%get3A_16, %get3A_17] : memref<8x16xf32, #tpu.memory_space<vmem>>, vector<8x16xf32>
    %dot_general3A_19 = arith.constant dense<0.000000e+00> : vector<1024x16xf32>
    %dot_general3A_20 = tpu.matmul %dot_general3A_10, %get3A_18, %dot_general3A_19 {dimension_numbers = #tpu.dot_dimension_numbers<[1], [0], [0], [1], [0, 0, 1, 1], [], []>, transpose_lhs_hint = false} : vector<1024x8xf32>, vector<8x16xf32>, vector<1024x16xf32> -> vector<1024x16xf32>
    %concatenate3A = tpu.concatenate %dot_general3A_5, %dot_general3A_20 in 1 : vector<1024x64xf32>, vector<1024x16xf32> -> vector<1024x80xf32>
    %convert_element_type3A = arith.truncf %concatenate3A : vector<1024x80xf32> to vector<1024x80xbf16>
    %swap3A = arith.constant 0 : index
    %swap3A_21 = arith.constant 0 : index
    %swap3A_22 = vector.load %arg6[%swap3A, %swap3A_21] : memref<1024x80xbf16, #tpu.memory_space<vmem>>, vector<1024x80xbf16>
    tpu.vector_store %arg6[%swap3A, %swap3A_21], %convert_element_type3A {strides = array<i32>} : memref<1024x80xbf16, #tpu.memory_space<vmem>>, vector<1024x80xbf16>,
    %swap3A_23 = arith.constant 0 : index
    %swap3A_24 = arith.constant 0 : index
    %swap3A_25 = vector.load %arg7[%swap3A_23, %swap3A_24] : memref<1024x16xf32, #tpu.memory_space<vmem>>, vector<1024x16xf32>
    tpu.vector_store %arg7[%swap3A_23, %swap3A_24], %dot_general3A_15 {strides = array<i32>} : memref<1024x16xf32, #tpu.memory_space<vmem>>, vector<1024x16xf32>,
    return
  }
  func.func @transform_0(%arg0: i32) -> (i32, i32) {
    %c0_i32 = arith.constant 0 : i32
    %c0_i32_0 = arith.constant 0 : i32
    return %arg0, %c0_i32 : i32, i32
  }
  func.func @transform_1(%arg0: i32) -> (i32, i32) {
    %c0_i32 = arith.constant 0 : i32
    %c0_i32_0 = arith.constant 0 : i32
    %c0_i32_1 = arith.constant 0 : i32
    return %c0_i32, %c0_i32_0 : i32, i32
  }
  func.func @transform_2(%arg0: i32) -> (i32, i32) {
    %c0_i32 = arith.constant 0 : i32
    %c0_i32_0 = arith.constant 0 : i32
    %c0_i32_1 = arith.constant 0 : i32
    return %c0_i32, %c0_i32_0 : i32, i32
  }
  func.func @transform_3(%arg0: i32) -> (i32, i32) {
    %c0_i32 = arith.constant 0 : i32
    %c0_i32_0 = arith.constant 0 : i32
    %c0_i32_1 = arith.constant 0 : i32
    return %c0_i32, %c0_i32_0 : i32, i32
  }
  func.func @transform_4(%arg0: i32) -> (i32, i32) {
    %c0_i32 = arith.constant 0 : i32
    %c0_i32_0 = arith.constant 0 : i32
    %c0_i32_1 = arith.constant 0 : i32
    return %c0_i32, %c0_i32_0 : i32, i32
  }
  func.func @transform_5(%arg0: i32) -> (i32, i32) {
    %c0_i32 = arith.constant 0 : i32
    %c0_i32_0 = arith.constant 0 : i32
    return %arg0, %c0_i32 : i32, i32
  }
  func.func @transform_6(%arg0: i32) -> (i32, i32) {
    %c0_i32 = arith.constant 0 : i32
    %c0_i32_0 = arith.constant 0 : i32
    return %arg0, %c0_i32 : i32, i32
  }
}

module attributes {stable_mosaic.version = 14 : i64} {
  func.func @body(%arg0: i32, %arg1: memref<2x1024x64xf32, #tpu.memory_space<vmem>>, %arg2: memref<2x1024x16xf32, #tpu.memory_space<vmem>>, %arg3: memref<1x64xf32, #tpu.memory_space<vmem>>, %arg4: memref<16x64xf32, #tpu.memory_space<vmem>>, %arg5: memref<64x64xf32, #tpu.memory_space<vmem>>, %arg6: memref<64x64xf32, #tpu.memory_space<vmem>>, %arg7: memref<64x8xf32, #tpu.memory_space<vmem>>, %arg8: memref<64x16xf32, #tpu.memory_space<vmem>>, %arg9: memref<8x16xf32, #tpu.memory_space<vmem>>, %arg10: memref<1024x80xbf16, #tpu.memory_space<vmem>>, %arg11: memref<1024x16xf32, #tpu.memory_space<vmem>>) attributes {dimension_semantics = [#tpu.dimension_semantics<arbitrary>], iteration_bounds = array<i64: 10>, scalar_prefetch = 0 : i64, scratch_operands = 0 : i64, tpu.core_type = #tpu.core_type<tc>, window_params = [{transform_indices = @transform_0, window_bounds = array<i64: 2, 1024, 64>}, {transform_indices = @transform_1, window_bounds = array<i64: 2, 1024, 16>}, {pipeline_mode = #tpu.pipeline_mode<synchronous>, transform_indices = @transform_2, window_bounds = array<i64: 1, 64>}, {pipeline_mode = #tpu.pipeline_mode<synchronous>, transform_indices = @transform_3, window_bounds = array<i64: 16, 64>}, {pipeline_mode = #tpu.pipeline_mode<synchronous>, transform_indices = @transform_4, window_bounds = array<i64: 64, 64>}, {pipeline_mode = #tpu.pipeline_mode<synchronous>, transform_indices = @transform_5, window_bounds = array<i64: 64, 64>}, {pipeline_mode = #tpu.pipeline_mode<synchronous>, transform_indices = @transform_6, window_bounds = array<i64: 64, 8>}, {pipeline_mode = #tpu.pipeline_mode<synchronous>, transform_indices = @transform_7, window_bounds = array<i64: 64, 16>}, {pipeline_mode = #tpu.pipeline_mode<synchronous>, transform_indices = @transform_8, window_bounds = array<i64: 8, 16>}, {transform_indices = @transform_9, window_bounds = array<i64: 1024, 80>}, {transform_indices = @transform_10, window_bounds = array<i64: 1024, 16>}]} {
    %get3A = arith.constant 0 : index
    %get3A_0 = arith.constant 0 : index
    %get3A_1 = arith.constant 0 : index
    %get3A_2 = vector.load %arg1[%get3A, %get3A_0, %get3A_1] : memref<2x1024x64xf32, #tpu.memory_space<vmem>>, vector<1x1024x64xf32>
    %get3A_3 = vector.shape_cast %get3A_2 : vector<1x1024x64xf32> to vector<1024x64xf32>
    %get3A_4 = arith.constant 1 : index
    %get3A_5 = arith.constant 0 : index
    %get3A_6 = arith.constant 0 : index
    %get3A_7 = vector.load %arg1[%get3A_4, %get3A_5, %get3A_6] : memref<2x1024x64xf32, #tpu.memory_space<vmem>>, vector<1x1024x64xf32>
    %get3A_8 = vector.shape_cast %get3A_7 : vector<1x1024x64xf32> to vector<1024x64xf32>
    %add3A = arith.addf %get3A_3, %get3A_8 : vector<1024x64xf32>
    %get3A_9 = arith.constant 0 : index
    %get3A_10 = arith.constant 0 : index
    %get3A_11 = arith.constant 0 : index
    %get3A_12 = vector.load %arg2[%get3A_9, %get3A_10, %get3A_11] : memref<2x1024x16xf32, #tpu.memory_space<vmem>>, vector<1x1024x16xf32>
    %get3A_13 = vector.shape_cast %get3A_12 : vector<1x1024x16xf32> to vector<1024x16xf32>
    %get3A_14 = arith.constant 1 : index
    %get3A_15 = arith.constant 0 : index
    %get3A_16 = arith.constant 0 : index
    %get3A_17 = vector.load %arg2[%get3A_14, %get3A_15, %get3A_16] : memref<2x1024x16xf32, #tpu.memory_space<vmem>>, vector<1x1024x16xf32>
    %get3A_18 = vector.shape_cast %get3A_17 : vector<1x1024x16xf32> to vector<1024x16xf32>
    %add3A_19 = arith.addf %get3A_13, %get3A_18 : vector<1024x16xf32>
    %get3A_20 = arith.constant 0 : index
    %get3A_21 = arith.constant 0 : index
    %get3A_22 = vector.load %arg5[%get3A_20, %get3A_21] : memref<64x64xf32, #tpu.memory_space<vmem>>, vector<64x64xf32>
    %dot_general3A = arith.constant dense<0.000000e+00> : vector<1024x64xf32>
    %dot_general3A_23 = tpu.matmul %add3A, %get3A_22, %dot_general3A {dimension_numbers = #tpu.dot_dimension_numbers<[1], [0], [0], [1], [0, 0, 1, 1], [], []>, transpose_lhs_hint = false} : vector<1024x64xf32>, vector<64x64xf32>, vector<1024x64xf32> -> vector<1024x64xf32>
    %get3A_24 = arith.constant 0 : index
    %get3A_25 = arith.constant 0 : index
    %get3A_26 = vector.load %arg4[%get3A_24, %get3A_25] : memref<16x64xf32, #tpu.memory_space<vmem>>, vector<16x64xf32>
    %dot_general3A_27 = arith.constant dense<0.000000e+00> : vector<1024x64xf32>
    %dot_general3A_28 = tpu.matmul %add3A_19, %get3A_26, %dot_general3A_27 {dimension_numbers = #tpu.dot_dimension_numbers<[1], [0], [0], [1], [0, 0, 1, 1], [], []>, transpose_lhs_hint = false} : vector<1024x16xf32>, vector<16x64xf32>, vector<1024x64xf32> -> vector<1024x64xf32>
    %add3A_29 = arith.constant 9.99999971E-10 : f32
    %add3A_30 = vector.broadcast %add3A_29 : f32 to vector<1024x64xf32>
    %add3A_31 = arith.addf %dot_general3A_28, %add3A_30 : vector<1024x64xf32>
    %div3A = arith.divf %dot_general3A_23, %add3A_31 : vector<1024x64xf32>
    %get3A_32 = arith.constant 0 : index
    %get3A_33 = arith.constant 0 : index
    %get3A_34 = vector.load %arg3[%get3A_32, %get3A_33] : memref<1x64xf32, #tpu.memory_space<vmem>>, vector<1x64xf32>
    %add3A_35 = vector.broadcast %get3A_34 : vector<1x64xf32> to vector<1024x64xf32>
    %add3A_36 = arith.addf %div3A, %add3A_35 : vector<1024x64xf32>
    %gt3A = arith.constant 0.000000e+00 : f32
    %gt3A_37 = vector.broadcast %gt3A : f32 to vector<1024x64xf32>
    %gt3A_38 = arith.cmpf ogt, %add3A_36, %gt3A_37 : vector<1024x64xf32>
    %exp3A = math.exp %add3A_36 : vector<1024x64xf32>
    %sub3A = arith.constant 1.000000e+00 : f32
    %sub3A_39 = vector.broadcast %sub3A : f32 to vector<1024x64xf32>
    %sub3A_40 = arith.subf %exp3A, %sub3A_39 : vector<1024x64xf32>
    %select_n3A = arith.select %gt3A_38, %add3A_36, %sub3A_40 : vector<1024x64xi1>, vector<1024x64xf32>
    %get3A_41 = arith.constant 0 : index
    %get3A_42 = arith.constant 0 : index
    %get3A_43 = vector.load %arg6[%get3A_41, %get3A_42] : memref<64x64xf32, #tpu.memory_space<vmem>>, vector<64x64xf32>
    %dot_general3A_44 = arith.constant dense<0.000000e+00> : vector<1024x64xf32>
    %dot_general3A_45 = tpu.matmul %select_n3A, %get3A_43, %dot_general3A_44 {dimension_numbers = #tpu.dot_dimension_numbers<[1], [0], [0], [1], [0, 0, 1, 1], [], []>, transpose_lhs_hint = false} : vector<1024x64xf32>, vector<64x64xf32>, vector<1024x64xf32> -> vector<1024x64xf32>
    %get3A_46 = arith.constant 0 : index
    %get3A_47 = arith.constant 0 : index
    %get3A_48 = vector.load %arg7[%get3A_46, %get3A_47] : memref<64x8xf32, #tpu.memory_space<vmem>>, vector<64x8xf32>
    %dot_general3A_49 = arith.constant dense<0.000000e+00> : vector<1024x8xf32>
    %dot_general3A_50 = tpu.matmul %dot_general3A_45, %get3A_48, %dot_general3A_49 {dimension_numbers = #tpu.dot_dimension_numbers<[1], [0], [0], [1], [0, 0, 1, 1], [], []>, transpose_lhs_hint = false} : vector<1024x64xf32>, vector<64x8xf32>, vector<1024x8xf32> -> vector<1024x8xf32>
    %get3A_51 = arith.constant 0 : index
    %get3A_52 = arith.constant 0 : index
    %get3A_53 = vector.load %arg8[%get3A_51, %get3A_52] : memref<64x16xf32, #tpu.memory_space<vmem>>, vector<64x16xf32>
    %dot_general3A_54 = arith.constant dense<0.000000e+00> : vector<1024x16xf32>
    %dot_general3A_55 = tpu.matmul %dot_general3A_45, %get3A_53, %dot_general3A_54 {dimension_numbers = #tpu.dot_dimension_numbers<[1], [0], [0], [1], [0, 0, 1, 1], [], []>, transpose_lhs_hint = false} : vector<1024x64xf32>, vector<64x16xf32>, vector<1024x16xf32> -> vector<1024x16xf32>
    %get3A_56 = arith.constant 0 : index
    %get3A_57 = arith.constant 0 : index
    %get3A_58 = vector.load %arg9[%get3A_56, %get3A_57] : memref<8x16xf32, #tpu.memory_space<vmem>>, vector<8x16xf32>
    %dot_general3A_59 = arith.constant dense<0.000000e+00> : vector<1024x16xf32>
    %dot_general3A_60 = tpu.matmul %dot_general3A_50, %get3A_58, %dot_general3A_59 {dimension_numbers = #tpu.dot_dimension_numbers<[1], [0], [0], [1], [0, 0, 1, 1], [], []>, transpose_lhs_hint = false} : vector<1024x8xf32>, vector<8x16xf32>, vector<1024x16xf32> -> vector<1024x16xf32>
    %concatenate3A = tpu.concatenate %dot_general3A_45, %dot_general3A_60 in 1 : vector<1024x64xf32>, vector<1024x16xf32> -> vector<1024x80xf32>
    %convert_element_type3A = arith.truncf %concatenate3A : vector<1024x80xf32> to vector<1024x80xbf16>
    %swap3A = arith.constant 0 : index
    %swap3A_61 = arith.constant 0 : index
    %swap3A_62 = vector.load %arg10[%swap3A, %swap3A_61] : memref<1024x80xbf16, #tpu.memory_space<vmem>>, vector<1024x80xbf16>
    tpu.vector_store %arg10[%swap3A, %swap3A_61], %convert_element_type3A {strides = array<i32>} : memref<1024x80xbf16, #tpu.memory_space<vmem>>, vector<1024x80xbf16>,
    %swap3A_63 = arith.constant 0 : index
    %swap3A_64 = arith.constant 0 : index
    %swap3A_65 = vector.load %arg11[%swap3A_63, %swap3A_64] : memref<1024x16xf32, #tpu.memory_space<vmem>>, vector<1024x16xf32>
    tpu.vector_store %arg11[%swap3A_63, %swap3A_64], %dot_general3A_55 {strides = array<i32>} : memref<1024x16xf32, #tpu.memory_space<vmem>>, vector<1024x16xf32>,
    return
  }
  func.func @transform_0(%arg0: i32) -> (i32, i32, i32) {
    %c0_i32 = arith.constant 0 : i32
    %c0_i32_0 = arith.constant 0 : i32
    %c0_i32_1 = arith.constant 0 : i32
    return %c0_i32, %arg0, %c0_i32_0 : i32, i32, i32
  }
  func.func @transform_1(%arg0: i32) -> (i32, i32, i32) {
    %c0_i32 = arith.constant 0 : i32
    %c0_i32_0 = arith.constant 0 : i32
    %c0_i32_1 = arith.constant 0 : i32
    return %c0_i32, %arg0, %c0_i32_0 : i32, i32, i32
  }
  func.func @transform_2(%arg0: i32) -> (i32, i32) {
    %c0_i32 = arith.constant 0 : i32
    %c0_i32_0 = arith.constant 0 : i32
    %c0_i32_1 = arith.constant 0 : i32
    return %c0_i32, %c0_i32_0 : i32, i32
  }
  func.func @transform_3(%arg0: i32) -> (i32, i32) {
    %c0_i32 = arith.constant 0 : i32
    %c0_i32_0 = arith.constant 0 : i32
    %c0_i32_1 = arith.constant 0 : i32
    return %c0_i32, %c0_i32_0 : i32, i32
  }
  func.func @transform_4(%arg0: i32) -> (i32, i32) {
    %c0_i32 = arith.constant 0 : i32
    %c0_i32_0 = arith.constant 0 : i32
    %c0_i32_1 = arith.constant 0 : i32
    return %c0_i32, %c0_i32_0 : i32, i32
  }
  func.func @transform_5(%arg0: i32) -> (i32, i32) {
    %c0_i32 = arith.constant 0 : i32
    %c0_i32_0 = arith.constant 0 : i32
    %c0_i32_1 = arith.constant 0 : i32
    return %c0_i32, %c0_i32_0 : i32, i32
  }
  func.func @transform_6(%arg0: i32) -> (i32, i32) {
    %c0_i32 = arith.constant 0 : i32
    %c0_i32_0 = arith.constant 0 : i32
    %c0_i32_1 = arith.constant 0 : i32
    return %c0_i32, %c0_i32_0 : i32, i32
  }
  func.func @transform_7(%arg0: i32) -> (i32, i32) {
    %c0_i32 = arith.constant 0 : i32
    %c0_i32_0 = arith.constant 0 : i32
    %c0_i32_1 = arith.constant 0 : i32
    return %c0_i32, %c0_i32_0 : i32, i32
  }
  func.func @transform_8(%arg0: i32) -> (i32, i32) {
    %c0_i32 = arith.constant 0 : i32
    %c0_i32_0 = arith.constant 0 : i32
    %c0_i32_1 = arith.constant 0 : i32
    return %c0_i32, %c0_i32_0 : i32, i32
  }
  func.func @transform_9(%arg0: i32) -> (i32, i32) {
    %c0_i32 = arith.constant 0 : i32
    %c0_i32_0 = arith.constant 0 : i32
    return %arg0, %c0_i32 : i32, i32
  }
  func.func @transform_10(%arg0: i32) -> (i32, i32) {
    %c0_i32 = arith.constant 0 : i32
    %c0_i32_0 = arith.constant 0 : i32
    return %arg0, %c0_i32 : i32, i32
  }
}

module attributes {stable_mosaic.version = 14 : i64} {
  func.func @body(%arg0: i32, %arg1: memref<2x1024x64xf32, #tpu.memory_space<vmem>>, %arg2: memref<2x1024x16xf32, #tpu.memory_space<vmem>>, %arg3: memref<1x64xf32, #tpu.memory_space<vmem>>, %arg4: memref<16x64xf32, #tpu.memory_space<vmem>>, %arg5: memref<64x64xf32, #tpu.memory_space<vmem>>, %arg6: memref<1024x64xf32, #tpu.memory_space<vmem>>) attributes {dimension_semantics = [#tpu.dimension_semantics<arbitrary>], iteration_bounds = array<i64: 10>, scalar_prefetch = 0 : i64, scratch_operands = 0 : i64, tpu.core_type = #tpu.core_type<tc>, window_params = [{transform_indices = @transform_0, window_bounds = array<i64: 2, 1024, 64>}, {transform_indices = @transform_1, window_bounds = array<i64: 2, 1024, 16>}, {pipeline_mode = #tpu.pipeline_mode<synchronous>, transform_indices = @transform_2, window_bounds = array<i64: 1, 64>}, {pipeline_mode = #tpu.pipeline_mode<synchronous>, transform_indices = @transform_3, window_bounds = array<i64: 16, 64>}, {pipeline_mode = #tpu.pipeline_mode<synchronous>, transform_indices = @transform_4, window_bounds = array<i64: 64, 64>}, {transform_indices = @transform_5, window_bounds = array<i64: 1024, 64>}]} {
    %get3A = arith.constant 0 : index
    %get3A_0 = arith.constant 0 : index
    %get3A_1 = arith.constant 0 : index
    %get3A_2 = vector.load %arg1[%get3A, %get3A_0, %get3A_1] : memref<2x1024x64xf32, #tpu.memory_space<vmem>>, vector<1x1024x64xf32>
    %get3A_3 = vector.shape_cast %get3A_2 : vector<1x1024x64xf32> to vector<1024x64xf32>
    %get3A_4 = arith.constant 1 : index
    %get3A_5 = arith.constant 0 : index
    %get3A_6 = arith.constant 0 : index
    %get3A_7 = vector.load %arg1[%get3A_4, %get3A_5, %get3A_6] : memref<2x1024x64xf32, #tpu.memory_space<vmem>>, vector<1x1024x64xf32>
    %get3A_8 = vector.shape_cast %get3A_7 : vector<1x1024x64xf32> to vector<1024x64xf32>
    %add3A = arith.addf %get3A_3, %get3A_8 : vector<1024x64xf32>
    %get3A_9 = arith.constant 0 : index
    %get3A_10 = arith.constant 0 : index
    %get3A_11 = arith.constant 0 : index
    %get3A_12 = vector.load %arg2[%get3A_9, %get3A_10, %get3A_11] : memref<2x1024x16xf32, #tpu.memory_space<vmem>>, vector<1x1024x16xf32>
    %get3A_13 = vector.shape_cast %get3A_12 : vector<1x1024x16xf32> to vector<1024x16xf32>
    %get3A_14 = arith.constant 1 : index
    %get3A_15 = arith.constant 0 : index
    %get3A_16 = arith.constant 0 : index
    %get3A_17 = vector.load %arg2[%get3A_14, %get3A_15, %get3A_16] : memref<2x1024x16xf32, #tpu.memory_space<vmem>>, vector<1x1024x16xf32>
    %get3A_18 = vector.shape_cast %get3A_17 : vector<1x1024x16xf32> to vector<1024x16xf32>
    %add3A_19 = arith.addf %get3A_13, %get3A_18 : vector<1024x16xf32>
    %get3A_20 = arith.constant 0 : index
    %get3A_21 = arith.constant 0 : index
    %get3A_22 = vector.load %arg5[%get3A_20, %get3A_21] : memref<64x64xf32, #tpu.memory_space<vmem>>, vector<64x64xf32>
    %dot_general3A = arith.constant dense<0.000000e+00> : vector<1024x64xf32>
    %dot_general3A_23 = tpu.matmul %add3A, %get3A_22, %dot_general3A {dimension_numbers = #tpu.dot_dimension_numbers<[1], [0], [0], [1], [0, 0, 1, 1], [], []>, transpose_lhs_hint = false} : vector<1024x64xf32>, vector<64x64xf32>, vector<1024x64xf32> -> vector<1024x64xf32>
    %get3A_24 = arith.constant 0 : index
    %get3A_25 = arith.constant 0 : index
    %get3A_26 = vector.load %arg4[%get3A_24, %get3A_25] : memref<16x64xf32, #tpu.memory_space<vmem>>, vector<16x64xf32>
    %dot_general3A_27 = arith.constant dense<0.000000e+00> : vector<1024x64xf32>
    %dot_general3A_28 = tpu.matmul %add3A_19, %get3A_26, %dot_general3A_27 {dimension_numbers = #tpu.dot_dimension_numbers<[1], [0], [0], [1], [0, 0, 1, 1], [], []>, transpose_lhs_hint = false} : vector<1024x16xf32>, vector<16x64xf32>, vector<1024x64xf32> -> vector<1024x64xf32>
    %add3A_29 = arith.constant 9.99999971E-10 : f32
    %add3A_30 = vector.broadcast %add3A_29 : f32 to vector<1024x64xf32>
    %add3A_31 = arith.addf %dot_general3A_28, %add3A_30 : vector<1024x64xf32>
    %div3A = arith.divf %dot_general3A_23, %add3A_31 : vector<1024x64xf32>
    %get3A_32 = arith.constant 0 : index
    %get3A_33 = arith.constant 0 : index
    %get3A_34 = vector.load %arg3[%get3A_32, %get3A_33] : memref<1x64xf32, #tpu.memory_space<vmem>>, vector<1x64xf32>
    %add3A_35 = vector.broadcast %get3A_34 : vector<1x64xf32> to vector<1024x64xf32>
    %add3A_36 = arith.addf %div3A, %add3A_35 : vector<1024x64xf32>
    %swap3A = arith.constant 0 : index
    %swap3A_37 = arith.constant 0 : index
    %swap3A_38 = vector.load %arg6[%swap3A, %swap3A_37] : memref<1024x64xf32, #tpu.memory_space<vmem>>, vector<1024x64xf32>
    tpu.vector_store %arg6[%swap3A, %swap3A_37], %add3A_36 {strides = array<i32>} : memref<1024x64xf32, #tpu.memory_space<vmem>>, vector<1024x64xf32>,
    return
  }
  func.func @transform_0(%arg0: i32) -> (i32, i32, i32) {
    %c0_i32 = arith.constant 0 : i32
    %c0_i32_0 = arith.constant 0 : i32
    %c0_i32_1 = arith.constant 0 : i32
    return %c0_i32, %arg0, %c0_i32_0 : i32, i32, i32
  }
  func.func @transform_1(%arg0: i32) -> (i32, i32, i32) {
    %c0_i32 = arith.constant 0 : i32
    %c0_i32_0 = arith.constant 0 : i32
    %c0_i32_1 = arith.constant 0 : i32
    return %c0_i32, %arg0, %c0_i32_0 : i32, i32, i32
  }
  func.func @transform_2(%arg0: i32) -> (i32, i32) {
    %c0_i32 = arith.constant 0 : i32
    %c0_i32_0 = arith.constant 0 : i32
    %c0_i32_1 = arith.constant 0 : i32
    return %c0_i32, %c0_i32_0 : i32, i32
  }
  func.func @transform_3(%arg0: i32) -> (i32, i32) {
    %c0_i32 = arith.constant 0 : i32
    %c0_i32_0 = arith.constant 0 : i32
    %c0_i32_1 = arith.constant 0 : i32
    return %c0_i32, %c0_i32_0 : i32, i32
  }
  func.func @transform_4(%arg0: i32) -> (i32, i32) {
    %c0_i32 = arith.constant 0 : i32
    %c0_i32_0 = arith.constant 0 : i32
    %c0_i32_1 = arith.constant 0 : i32
    return %c0_i32, %c0_i32_0 : i32, i32
  }
  func.func @transform_5(%arg0: i32) -> (i32, i32) {
    %c0_i32 = arith.constant 0 : i32
    %c0_i32_0 = arith.constant 0 : i32
    return %arg0, %c0_i32 : i32, i32
  }
}

</mosaic_0001>

<sc_bundles>
// kernel: kernel.10.cloned.1.call-start
scs
__scs_entry_jumppad:
0x0: {  	(pc) =	sbr.rel $0x88, $3  }
0x1: {  	(tag) =	ssettag $0x0;
	lr =	simm.s32 $0x1  }
0x2: {  	[smem:$0x3F97] =	sst lr;
	_ =	strace $0xD0000000  }
0x3: {  	_ = 	snop  }
0x4: {  	_ = 	snop  }
0x5: {  	_ = 	snop  }
0x6: {  	_ = 	snop  }
0x7: {  	_ = 	snop  }
__scs_overlays_trampoline_lowered:
0x8: {  	[smem:$0x3FA6] =	sst s0  }
0x9: {  	[smem:$0x3FA7] =	sst s1  }
0xa: {  	[smem:$0x3FA8] =	sst s2  }
0xb: {  	[smem:$0x3FA9] =	sst s3  }
0xc: {  	[smem:$0x3FAA] =	sst s4  }
0xd: {  	[smem:$0x3FAB] =	sst s5  }
0xe: {  	[smem:$0x3FAC] =	sst s6  }
0xf: {  	[smem:$0x3FAD] =	sst s7  }
0x10: {  	[smem:$0x3FAE] =	sst s8  }
0x11: {  	[smem:$0x3FAF] =	sst s9;
	s0 =	simm.s32 @!p0 $0x0  }
0x12: {  	s1 =	sld [smem:$0x3F95];
	s0 =	simm.s32 @p0 $0x1  }
0x13: {  	[smem:$0x3FB0] =	sst s0;
	s0 =	simm.s32 @!p1 $0x0  }
0x14: {  	s2 =	sld [smem:$0x3F94];
	s0 =	simm.s32 @p1 $0x1  }
0x15: {  	[smem:$0x3FB1] =	sst s0;
	s0 =	simm.s32 @!p2 $0x0  }
0x16: {  	s3 =	sld [smem:$0x3FDB];
	s0 =	simm.s32 @p2 $0x1  }
0x17: {  	s4 =	simm.s32 $0x1BF5;
	[smem:$0x3FB3] =	sst s0  }
0x18: {  	s0 =	sld [smem:$0x3F96];
	_ =	swait.ge [sflag:s4], $0x0  }
0x19: {  	s7 =	sld [smem:$0x3F97]  }
0x1a: {  	s8 =	sadd.s32 $0xFFFFE003, lr  }
0x1b: {  	s9 =	sadd.s32 $0xFFFFFEF7, lr;
	s5 =	simm.s32 $0xFFFFFFFF;
	p2 =	slt.u32 s8, $0xFFFFF086  }
0x1c: {  	p1 =	slt.u32 s9, $0xF7A;
	s5 =	simm.s32 @!p2 $0x0  }
0x1d: {  	s5 =	simm.s32 @p1 $0x1;
	p0 =	seq.s32 s7, s2  }
0x1e: {  	s7 =	smul.u32 @!p0 $0xF7A, s2;
	p2 =	seq.s32 @!p0 s5, $0x0  }
0x1f: {  	s9 =	smul.u32 $0xF7A, s1;
	s8 =	simm.s32 @!p0 $0x1BF5;
	p2 =	por !p2, p0  }
0x20: {  	[sflag:s8] =	ssyncset.s32 @!p0 $0xFFFFF086;
	s6 =	sadd.s32 @!p0 s3, s7;
	s7 =	simm.s32 @!p0 $0x108  }
0x21: {  	s3 =	sadd.s32 s3, s9;
	s6 =	sadd.s32 @!p0 $0x88, s6;
	s7 =	simm.s32 @p2 $0x1082  }
0x22: {  	[simem:s7], [sflag:s8] =	dma.local @!p0 [hbm:s6], $0xF7A  }
0x23: {  	s9 =	sor.u32 $0xD0000000, s2;
	s6 =	simm.s32 $0x108;
	_ =	swait.ge @!p0 [sflag:s8], $0x0  }
0x24: {  	s3 =	sadd.s32 $0x88, s3;
	s6 =	simm.s32 @!p1 $0x1082;
	[sflag:s4] =	ssyncset.s32 $0xFFFFF086  }
0x25: {  	[simem:s6], [sflag:s4] =	dma.local [hbm:s3], $0xF7A  }
0x26: {  	[smem:$0x3F97] =	sst s1;
	(tag) =	ssettag s2;
	_ =	strace s9  }
0x27: {  	s1 =	sld [smem:$0x3FA7]  }
0x28: {  	s2 =	sld [smem:$0x3FA8]  }
0x29: {  	s4 =	sld [smem:$0x3FAA]  }
0x2a: {  	p0 =	seq.s32 s5, $0x0;
	s5 =	sld [smem:$0x3FAB]  }
0x2b: {  	s6 =	sld [smem:$0x3FAC]  }
0x2c: {  	s7 =	sld [smem:$0x3FAD]  }
0x2d: {  	s3 =	simm.s32 $0x108;
	s8 =	sld [smem:$0x3FAE]  }
0x2e: {  	s3 =	simm.s32 @!p0 $0x1082;
	s9 =	sld [smem:$0x3FAF]  }
0x2f: {  	lr =	sadd.s32 s0, s3;
	s0 =	sld [smem:$0x3FA6]  }
0x30: {  	s3 =	sld [smem:$0x3FA9]  }
0x31: {  	[smem:$0x3FB2] =	sst s10  }
0x32: {  	s10 =	sld [smem:$0x3FB0];
	_ =	sdelay $0x3  }
0x33: {  	p0 =	seq.s32 s10, $0x1;
	s10 =	sld [smem:$0x3FB2];
	_ =	sdelay $0x3  }
0x34: {  	[smem:$0x3FB2] =	sst s10  }
0x35: {  	s10 =	sld [smem:$0x3FB1];
	_ =	sdelay $0x3  }
0x36: {  	p1 =	seq.s32 s10, $0x1;
	s10 =	sld [smem:$0x3FB2];
	_ =	sdelay $0x3  }
0x37: {  	[smem:$0x3FB2] =	sst s10  }
0x38: {  	s10 =	sld [smem:$0x3FB3]  }
0x39: {  	_ = 	snop;
	(pc) =	sbr.ind lr, $3  }
0x3a: {  	_ = 	snop  }
0x3b: {  	_ = 	snop  }
0x3c: {  	p2 =	seq.s32 s10, $0x1;
	s10 =	sld [smem:$0x3FB2]  }
0x3d: {  	_ =	shalt  }
0x3e: {  	_ =	shalt  }
0x3f: {  	_ =	shalt  }
0x40: {  	_ =	shalt  }
0x41: {  	_ =	shalt  }
0x42: {  	_ =	shalt  }
0x43: {  	_ =	shalt  }
0x44: {  	_ =	shalt  }
0x45: {  	_ =	shalt  }
0x46: {  	_ =	shalt  }
0x47: {  	_ =	shalt  }
0x48: {  	_ =	shalt  }
0x49: {  	_ =	shalt  }
0x4a: {  	_ =	shalt  }
0x4b: {  	_ =	shalt  }
0x4c: {  	_ =	shalt  }
0x4d: {  	_ =	shalt  }
0x4e: {  	_ =	shalt  }
0x4f: {  	_ =	shalt  }
0x50: {  	_ =	shalt  }
0x51: {  	_ =	shalt  }
0x52: {  	_ =	shalt  }
0x53: {  	_ =	shalt  }
0x54: {  	_ =	shalt  }
0x55: {  	_ =	shalt  }
0x56: {  	_ =	shalt  }
0x57: {  	_ =	shalt  }
0x58: {  	_ =	shalt  }
0x59: {  	_ =	shalt  }
0x5a: {  	_ =	shalt  }
0x5b: {  	_ =	shalt  }
0x5c: {  	_ =	shalt  }
0x5d: {  	_ =	shalt  }
0x5e: {  	_ =	shalt  }
0x5f: {  	_ =	shalt  }
0x60: {  	_ =	shalt  }
0x61: {  	_ =	shalt  }
0x62: {  	_ =	shalt  }
0x63: {  	_ =	shalt  }
0x64: {  	_ =	shalt  }
0x65: {  	_ =	shalt  }
0x66: {  	_ =	shalt  }
0x67: {  	_ =	shalt  }
0x68: {  	_ =	shalt  }
0x69: {  	_ =	shalt  }
0x6a: {  	_ =	shalt  }
0x6b: {  	_ =	shalt  }
0x6c: {  	_ =	shalt  }
0x6d: {  	_ =	shalt  }
0x6e: {  	_ =	shalt  }
0x6f: {  	_ =	shalt  }
0x70: {  	_ =	shalt  }
0x71: {  	_ =	shalt  }
0x72: {  	_ =	shalt  }
0x73: {  	_ =	shalt  }
0x74: {  	_ =	shalt  }
0x75: {  	_ =	shalt  }
0x76: {  	_ =	shalt  }
0x77: {  	_ =	shalt  }
0x78: {  	_ =	shalt  }
0x79: {  	_ =	shalt  }
0x7a: {  	_ =	shalt  }
0x7b: {  	_ =	shalt  }
0x7c: {  	_ =	shalt  }
0x7d: {  	_ =	shalt  }
0x7e: {  	_ =	shalt  }
0x7f: {  	_ =	shalt  }
0x80: {  	_ =	shalt  }
0x81: {  	_ =	shalt  }
0x82: {  	_ =	shalt  }
0x83: {  	_ =	shalt  }
0x84: {  	_ =	shalt  }
0x85: {  	_ =	shalt  }
0x86: {  	_ =	shalt  }
0x87: {  	_ =	shalt  }
.Lfunc_end0:
.L_simem_size_0:
called_computation.1_lowered:
.L_overlay_start_0:
0x88: {  	s2 =	sld [smem:$0x3FD9]  }
0x89: {  	s3 =	sld [smem:$0x3FFE];
	_ =	sdelay $0x1  }
0x8a: {  	s1 =	srdreg.scid  }
0x8b: {  	s0 =	sand.u32 $0x1, s1  }
0x8c: {  	s17 =	sshll.u32 s0, $0xA;
	s2 =	sadd.s32 s3, s2  }
0x8d: {  	s2 =	sadd.s32 s2, s17  }
0x8e: {  	[smem:$0x3FBE] =	sst s2  }
0x8f: {  	_ = 	snop  }
0x90: {  	s2 =	sld [smem:$0x3FD0];
	(tm) =	ssettm $0x1  }
0x91: {  	s18 =	sld [smem:$0x3FFB];
	_ =	sdelay $0x3  }
0x92: {  	_ =	strace s18  }
0x93: {  	s3 =	sld [smem:$0x3FFC];
	_ =	sdelay $0x3  }
0x94: {  	_ =	strace s3  }
0x95: {  	s3 =	sld [smem:$0x3FFD];
	_ =	sdelay $0x3  }
0x96: {  	_ =	strace s3  }
0x97: {  	_ =	strace $0x8FFFFFFF  }
0x98: {  	s19 =	sld [smem:$0x3FDB];
	_ =	sdelay $0x1  }
0x99: {  	s4 =	simm.s32 $_scs_section_size  }
0x9a: {  	s5 =	simm.s32 $_size__tile_overlayer_lowered;
	s6 =	simm.s32 $_tile_overlayer_lowered  }
0x9b: {  	s22 =	simm.s32 $0x1BFF;
	s21 =	sshll.u32 s6, $0x1;
	s3 =	sadd.s32 s4, s19  }
0x9c: {  	s7 =	simm.s32 $0x0;
	s20 =	sshll.u32 s5, $0x1;
	s5 =	sadd.s32 s21, s3  }
0x9d: {  	[timem:s7], [sflag:s22] =	dma.local [hbm:s5], s20  }
0x9e: {  	_ =	swait.ge [sflag:s22], s20  }
0x9f: {  	s4 =	ssub.s32 $0x0, s20;
	[sflag:s22] =	ssyncset.done $0x0  }
0xa0: {  	[sflag:s22] =	ssyncadd.s32 s4;
	_ =	sdelay $0x1  }
0xa1: {  	s23 =	simm.s32 $0x1B8B  }
0xa2: {  	_ =	swait.ge [sflag:s23], $0x1  }
0xa3: {  	[sflag:s23] =	ssyncset.done $0x0  }
0xa4: {  	s25 =	simm.s32 $0x1B8E;
	s24 =	sld [smem:$0x3FFE];
	[sflag:s23] =	ssyncadd.s32 $0xFFFFFFFF  }
0xa5: {  	s26 =	simm.s32 $execute0_lowered;
	[smem:$0x3FD2] =	sst s25  }
0xa6: {  	s5 =	sshll.u32 s26, $0x1;
	_ =	strace $0x80000049;
	[dreg:$0x1] =	wrdreg $0xFFFFFFFF  }
0xa7: {  	s28 =	simm.s32 $_size_execute0_lowered;
	s3 =	sadd.s32 s3, s5;
	[dreg:$0x0] =	wrdreg $0x0  }
0xa8: {  	s5 =	sshll.u32 s28, $0x1;
	[dreg:$0x2] =	wrdreg s3  }
0xa9: {  	[dreg:$0x3] =	wrdreg s5  }
0xaa: {  	[dreg:$0x4] =	wrdreg $0xC0  }
0xab: {  	_ =	task [dreg:s7], $0x5FFFF  }
0xac: {  	[dreg:$0x1] =	wrdreg $0xFFFFFFFF  }
0xad: {  	[dreg:$0x0] =	wrdreg $0x60  }
0xae: {  	[dreg:$0x2] =	wrdreg s24  }
0xaf: {  	[dreg:$0x3] =	wrdreg s2  }
0xb0: {  	[dreg:$0x4] =	wrdreg $0x114000  }
0xb1: {  	[dreg:$0x5] =	wrdreg $0x1B4000  }
0xb2: {  	[dreg:$0x6] =	wrdreg $0x9  }
0xb3: {  	_ =	task.clear_ibuf [dreg:s7], $0x7FFFF;
	_ =	strace $0x90000049  }
0xb4: {  	s29 =	simm.s32 $0x9;
	_ =	strace $0x8000004B  }
0xb5: {  	_ =	swait.ge [sflag:s29], $0x1  }
0xb6: {  	[sflag:s29] =	ssyncadd.s32 $0xFFFFFFFF  }
0xb7: {  	_ =	strace $0x9000004B  }
0xb8: {  	_ =	sfence  }
0xb9: {  	s30 =	sld [smem:$0x0];
	_ =	sdelay $0x2  }
0xba: {  	s31 =	sshll.u32 s1, $0xD;
	s1 =	sshrl.u32 s1, $0x2  }
0xbb: {  	s3 =	sand.u32 $0x4000, s31;
	s1 =	sadd.s32 s1, s30  }
0xbc: {  	s0 =	sor.u32 s3, s0;
	s1 =	sshll.u32 s1, $0x11  }
0xbd: {  	s0 =	sor.u32 s1, s0  }
0xbe: {  	s0 =	sadd.s32 $0x8F2B, s0  }
0xbf: {  	[sflag:s0] =	ssyncadd.remote.s32 $0x1  }
0xc0: {  	_ =	sfence.sel $0xFFFF  }
0xc1: {  	[dreg:$0x0] =	wrdreg $0xFFFFFFFF;
	(pc) =	sbr.abs _section_cstart, $3  }
0xc2: {  	[dreg:$0x1] =	wrdreg $0xFFFFFFFF  }
0xc3: {  	_ =	task.clear_ibuf [dreg:s7], $0x2FFFF;
	_ =	strace $0x9FFFFFFF  }
0xc4: {  	(tm) =	ssettm $0x7FFFFFFF  }
0xc5: {  	_ =	shalt  }
tec
execute0_lowered:
.L_overlay_start_1:
0x0: {  	(tag) =	ssettag $0x1  }
0x1: {  	s0 =	rddreg [dreg:$0x0]  }
0x2: {  	s1 =	rddreg [dreg:$0x1]  }
0x3: {  	s2 =	srdreg.scid;
	s3 =	rddreg [dreg:$0x2]  }
0x4: {  	s15 =	stileid.u32;
	s4 =	rddreg [dreg:$0x3]  }
0x5: {  	s5 =	simm.s32 $0x0;
	s28 =	simm.s32 $0x100;
	s9 =	smul.u32 $0xA000, s15  }
0x6: {  	s29 =	simm.s32 $0x80;
	s30 =	simm.s32 $0x180;
	s10 =	smul.u32 $0x2800, s15  }
0x7: {  	s2 =	sand.u32 $0x1, s2;
	s14 =	sshll.u32 s15, $0x1;
	s15 =	smul.u32 $0x280, s15  }
0x8: {  	s31 =	simm.s32 $0x8A00;
	[smem:$0x7FF] =	sst s5;
	s7 =	smul.u32 $0xA0000, s2  }
0x9: {  	s6 =	sadd.s32 $0xCC00, s0;
	s8 =	smul.u32 $0x28000, s2;
	s13 =	ssub.s32 $0x2, s2  }
0xa: {  	_ =	strace $0x8000004A;
	s2 =	sor.u32 s2, s14;
	s25 =	sshrl.u32 s13, $0x1  }
0xb: {  	s2 =	smul.u32 $0x2800, s2;
	s26 =	sadd.s32 $0x100, s15;
	s14 =	sadd.s32 s9, s3  }
0xc: {  	s17 =	sadd.s32 s10, s4;
	s18 =	sadd.s32 $0x200, s15;
	s11 =	sadd.s32 s9, s7  }
0xd: {  	s7 =	sadd.s32 $0x2C00, s0;
	s12 =	sadd.s32 s10, s8;
	s8 =	sadd.s32 $0x16C00, s0  }
0xe: {  	s10 =	sshll.u32 s26, $0x6;
	s16 =	sshll.u32 s26, $0x4;
	[dreg:$0x5] =	wrdreg s14  }
0xf: {  	s19 =	sshll.u32 s18, $0x6;
	[dreg:$0x6] =	wrdreg s17;
	s11 =	sshrl.u32 s11, $0x3  }
0x10: {  	s12 =	sshrl.u32 s12, $0x3;
	s9 =	sadd.s32 s10, s3;
	s10 =	sshll.u32 s18, $0x4  }
0x11: {  	s21 =	sshrl.u32 s2, $0x3;
	s11 =	sadd.s32 s11, s0;
	s0 =	sadd.s32 s12, s0  }
0x12: {  	s12 =	ssub.s32 s13, s25;
	[dreg:$0x7] =	wrdreg s9;
	s9 =	sadd.s32 s16, s4  }
0x13: {  	s20 =	sadd.s32 s10, s4;
	s22 =	sadd.s32 s6, s21;
	[dreg:$0x8] =	wrdreg s9  }
0x14: {  	s23 =	sadd.s32 s7, s21;
	s16 =	simm.s32 $0x1;
	[dreg:$0xa] =	wrdreg s20  }
0x15: {  	s10 =	simm.s32 $0x0;
	s9 =	sadd.s32 s19, s3;
	[dreg:$0xb] =	wrdreg s22  }
0x16: {  	[dreg:$0xc] =	wrdreg s23;
	s19 =	sor.u32 $0x100, s2;
	s20 =	sor.u32 $0x200, s2  }
0x17: {  	s25 =	sadd.s32 $0x1BC00, s11;
	s0 =	sadd.s32 $0x43C00, s0;
	[dreg:$0x9] =	wrdreg s9  }
0x18: {  	s26 =	smax.u32 s12, $0x1;
	s2 =	simm.s32 $0x8B00;
	[dreg:$0xf] =	wrdreg s25  }
0x19: {  	s11 =	simm.s32 $0x8B80;
	s9 =	sor.u32 $0x10, s21;
	[dreg:$0x10] =	wrdreg s0  }
0x1a: {  	s22 =	simm.s32 $0x2;
	[dreg:$0x11] =	wrdreg s26;
	s24 =	sadd.s32 s6, s9  }
0x1b: {  	s25 =	simm.s32 $0x5;
	s9 =	sadd.s32 s7, s9;
	[dreg:$0xd] =	wrdreg s24  }
0x1c: {  	v0 =	vimm.f32 $0.0e+00;
	v1 =	vimm.s32 $0x8;
	s0 =	simm.s32 $0x8A80;
	s21 =	simm.s32 $0x3;
	[dreg:$0xe] =	wrdreg s9  }
.LBB2_1:
0x1d: {  	[dreg:$0x12] =	wrdreg s10;
	s10 =	simm.s32 $0x4A40  }
0x1e: {  	[tilespmem:s10+$0xFFFFFFC0] =	vst v0  }
0x1f: {  	[tilespmem:s10+$0x30] =	vst v0  }
0x20: {  	[tilespmem:s10+$0x20] =	vst v0  }
0x21: {  	[tilespmem:s10+$0x10] =	vst v0  }
0x22: {  	[tilespmem:s10+$0x0] =	vst v0  }
0x23: {  	[tilespmem:s10+$0xFFFFFFF0] =	vst v0  }
0x24: {  	s12 =	simm.s32 $0x0;
	[tilespmem:s10+$0xFFFFFFE0] =	vst v0  }
.LBB2_2:
0x25: {  	s12 =	sadd.s32 $0x8, s12;
	[tilespmem:s10+$0xFFFFFFD0] =	vst v0;
	s10 =	sadd.s32 $0x80, s10;
	s9 =	simm.s32 $0x3A40  }
0x26: {  	[tilespmem:s10+$0xFFFFFFC0] =	vst v0;
	p0 =	slt.u32 s12, $0x3F8  }
0x27: {  	[tilespmem:s10+$0x30] =	vst v0  }
.Ltmp0:
0x28: {  	[tilespmem:s10+$0x20] =	vst v0;
	(pc) =	sbr.rel @p0 .LBB2_2-.Ltmp0, $4  }
0x29: {  	[tilespmem:s10+$0x10] =	vst v0  }
0x2a: {  	[tilespmem:s10+$0x0] =	vst v0  }
0x2b: {  	[tilespmem:s10+$0xFFFFFFF0] =	vst v0  }
0x2c: {  	[tilespmem:s10+$0xFFFFFFE0] =	vst v0  }
0x2d: {  	[tilespmem:s10+$0xFFFFFFD0] =	vst v0  }
0x2e: {  	[tilespmem:s9+$0xFFFFFFC0] =	vst v0  }
0x2f: {  	[tilespmem:s9+$0x30] =	vst v0  }
0x30: {  	[tilespmem:s9+$0x20] =	vst v0  }
0x31: {  	[tilespmem:s9+$0x10] =	vst v0  }
0x32: {  	[tilespmem:s9+$0x0] =	vst v0  }
0x33: {  	[tilespmem:s9+$0xFFFFFFF0] =	vst v0  }
0x34: {  	s10 =	simm.s32 $0x0;
	[tilespmem:s9+$0xFFFFFFE0] =	vst v0  }
.LBB2_4:
0x35: {  	s10 =	sadd.s32 $0x8, s10;
	[tilespmem:s9+$0xFFFFFFD0] =	vst v0;
	s9 =	sadd.s32 $0x80, s9  }
0x36: {  	[tilespmem:s9+$0xFFFFFFC0] =	vst v0;
	p0 =	slt.u32 s10, $0xF8  }
0x37: {  	[tilespmem:s9+$0x30] =	vst v0  }
.Ltmp1:
0x38: {  	[tilespmem:s9+$0x20] =	vst v0;
	(pc) =	sbr.rel @p0 .LBB2_4-.Ltmp1, $4  }
0x39: {  	[tilespmem:s9+$0x10] =	vst v0  }
0x3a: {  	[tilespmem:s9+$0x0] =	vst v0  }
0x3b: {  	[tilespmem:s9+$0xFFFFFFF0] =	vst v0  }
0x3c: {  	[tilespmem:s9+$0xFFFFFFE0] =	vst v0  }
0x3d: {  	[tilespmem:s9+$0xFFFFFFD0] =	vst v0;
	s10 =	simm.s32 $0x4A00  }
0x3e: {  	[spmem:s14] =	stream.linear.scatter [tilespmem:s10], [sflag:$0x5], $0x4000, $0x38;
	[tilespmem:$0x1DC00] =	vst v63  }
0x3f: {  	_ =	swait.ge [sflag:s25], $0x4000  }
0x40: {  	[sflag:s25] =	ssyncset.done $0x0  }
0x41: {  	s12 =	simm.s32 $0x3A00;
	[sflag:s25] =	ssyncadd.s32 $0xFFFFC000  }
0x42: {  	[spmem:s17] =	stream.linear.scatter [tilespmem:s12], [sflag:$0x5], $0x1000, $0x38;
	[tilespmem:$0x1DC00] =	vst v63  }
0x43: {  	_ =	swait.ge [sflag:s25], $0x1000  }
0x44: {  	[sflag:s25] =	ssyncset.done $0x0  }
0x45: {  	s23 =	rddreg [dreg:$0x7];
	[sflag:s25] =	ssyncadd.s32 $0xFFFFF000  }
0x46: {  	[spmem:s23] =	stream.linear.scatter [tilespmem:s10], [sflag:$0x5], $0x4000, $0x38;
	[tilespmem:$0x1DC00] =	vst v63  }
0x47: {  	_ =	swait.ge [sflag:s25], $0x4000  }
0x48: {  	[sflag:s25] =	ssyncset.done $0x0  }
0x49: {  	s24 =	rddreg [dreg:$0x8];
	[sflag:s25] =	ssyncadd.s32 $0xFFFFC000  }
0x4a: {  	[spmem:s24] =	stream.linear.scatter [tilespmem:s12], [sflag:$0x5], $0x1000, $0x38;
	[tilespmem:$0x1DC00] =	vst v63  }
0x4b: {  	_ =	swait.ge [sflag:s25], $0x1000  }
0x4c: {  	[sflag:s25] =	ssyncset.done $0x0  }
0x4d: {  	s26 =	rddreg [dreg:$0x9];
	[sflag:s25] =	ssyncadd.s32 $0xFFFFF000  }
0x4e: {  	[spmem:s26] =	stream.linear.scatter [tilespmem:s10], [sflag:$0x5], $0x2000, $0x38;
	[tilespmem:$0x1DC00] =	vst v63  }
0x4f: {  	_ =	swait.ge [sflag:s25], $0x2000  }
0x50: {  	[sflag:s25] =	ssyncset.done $0x0  }
0x51: {  	s10 =	rddreg [dreg:$0xa];
	[sflag:s25] =	ssyncadd.s32 $0xFFFFE000  }
0x52: {  	[spmem:s10] =	stream.linear.scatter [tilespmem:s12], [sflag:$0x5], $0x800, $0x38;
	[tilespmem:$0x1DC00] =	vst v63  }
0x53: {  	_ =	swait.ge [sflag:s25], $0x800  }
0x54: {  	[sflag:s25] =	ssyncset.done $0x0  }
0x55: {  	[sflag:s25] =	ssyncadd.s32 $0xFFFFF800  }
0x56: {  	[bflag:$0x0] =	sbarrier.arrive $0xFFFF  }
0x57: {  	s13 =	simm.s32 $0x0;
	s12 =	rddreg [dreg:$0xb]  }
0x58: {  	[tilespmem:s13], [sflag:$0x5] =	stream.linear.gather [hbm4b:s12+s13], $0x80, $0x38;
	[tilespmem:$0x1DC00] =	vst v63  }
0x59: {  	_ =	swait.ge [sflag:s25], $0x80  }
0x5a: {  	[sflag:s25] =	ssyncset.done $0x0  }
0x5b: {  	s14 =	rddreg [dreg:$0xc];
	[sflag:s25] =	ssyncadd.s32 $0xFFFFFF80  }
0x5c: {  	[tilespmem:s28], [sflag:$0x5] =	stream.linear.gather [hbm4b:s14+s13], $0x80, $0x38;
	[tilespmem:$0x1DC00] =	vst v63  }
0x5d: {  	_ =	swait.ge [sflag:s25], $0x80  }
0x5e: {  	[sflag:s25] =	ssyncset.done $0x0  }
0x5f: {  	s15 =	rddreg [dreg:$0xd];
	[sflag:s25] =	ssyncadd.s32 $0xFFFFFF80  }
0x60: {  	[tilespmem:s29], [sflag:$0x5] =	stream.linear.gather [hbm4b:s15+s13], $0x80, $0x38;
	[tilespmem:$0x1DC00] =	vst v63  }
0x61: {  	_ =	swait.ge [sflag:s25], $0x80  }
0x62: {  	[sflag:s25] =	ssyncset.done $0x0  }
0x63: {  	s17 =	rddreg [dreg:$0xe];
	[sflag:s25] =	ssyncadd.s32 $0xFFFFFF80  }
0x64: {  	[tilespmem:s30], [sflag:$0x5] =	stream.linear.gather [hbm4b:s17+s13], $0x80, $0x38;
	[tilespmem:$0x1DC00] =	vst v63  }
0x65: {  	_ =	swait.ge [sflag:s25], $0x80  }
0x66: {  	[sflag:s25] =	ssyncset.done $0x0  }
0x67: {  	s18 =	simm.s32 $0x200;
	[sflag:s25] =	ssyncadd.s32 $0xFFFFFF80  }
0x68: {  	[tilespmem:s18], [sflag:$0x1] =	stream.indirect.gather [hbm4b:s1+s29], $0x28, s13, s29, $0xb8;
	[tilespmem:$0x1DC00] =	vst v63  }
0x69: {  	s23 =	simm.s32 $0x2A00  }
0x6a: {  	[tilespmem:s23], [sflag:$0x1] =	stream.indirect.gather [hbm4b:s8+s29], $0x10, s28, s29, $0xb8;
	[tilespmem:$0x1DC00] =	vst v63  }
0x6b: {  	s24 =	simm.s32 $0x1600  }
0x6c: {  	[tilespmem:s24], [sflag:$0x1] =	stream.indirect.gather [hbm4b:s1+s29], $0x28, s29, s29, $0xb8;
	[tilespmem:$0x1DC00] =	vst v63  }
0x6d: {  	s26 =	simm.s32 $0x3200  }
0x6e: {  	[tilespmem:s26], [sflag:$0x1] =	stream.indirect.gather [hbm4b:s8+s29], $0x10, s30, s29, $0xb8;
	[tilespmem:$0x1DC00] =	vst v63  }
.LBB2_6:
0x6f: {  	p0 =	seq.s32 s13, $0x0  }
0x70: {  	s9 =	simm.s32 @!p0 $0x4  }
0x71: {  	_ =	swait.ge @!p0 [sflag:s9], $0x2000  }
0x72: {  	[sflag:s9] =	ssyncset.done @!p0 $0x0  }
0x73: {  	[sflag:s9] =	ssyncadd.s32 @!p0 $0xFFFFE000  }
0x74: {  	_ =	swait.ge @!p0 [sflag:s9], $0x800  }
0x75: {  	[sflag:s9] =	ssyncset.done @!p0 $0x0  }
0x76: {  	[sflag:s9] =	ssyncadd.s32 @!p0 $0xFFFFF800  }
0x77: {  	_ =	swait.ge @!p0 [sflag:s9], $0x2000  }
0x78: {  	[sflag:s9] =	ssyncset.done @!p0 $0x0  }
0x79: {  	s14 =	sshll.u32 s13, $0x9;
	[sflag:s9] =	ssyncadd.s32 @!p0 $0xFFFFE000  }
0x7a: {  	s10 =	sadd.s32 s14, s19;
	_ =	swait.ge @!p0 [sflag:s9], $0x800  }
0x7b: {  	s10 =	sshrl.u32 s10, $0x3;
	[sflag:s9] =	ssyncset.done @!p0 $0x0  }
0x7c: {  	s23 =	sadd.s32 s6, s10;
	[sflag:s9] =	ssyncadd.s32 @!p0 $0xFFFFF800  }
0x7d: {  	[tilespmem:s31], [sflag:$0x5] =	stream.linear.gather [hbm4b:s23+s5], $0x80, $0x38;
	[tilespmem:$0x1DC00] =	vst v63  }
0x7e: {  	_ =	swait.ge [sflag:s25], $0x80  }
0x7f: {  	[sflag:s25] =	ssyncset.done $0x0  }
0x80: {  	s24 =	sadd.s32 s7, s10;
	[sflag:s25] =	ssyncadd.s32 $0xFFFFFF80  }
0x81: {  	[tilespmem:s2], [sflag:$0x5] =	stream.linear.gather [hbm4b:s24+s5], $0x80, $0x38;
	[tilespmem:$0x1DC00] =	vst v63  }
0x82: {  	_ =	swait.ge [sflag:s25], $0x80  }
0x83: {  	s26 =	sor.u32 $0x10, s10;
	[sflag:s25] =	ssyncset.done $0x0  }
0x84: {  	s10 =	sadd.s32 s6, s26;
	[sflag:s25] =	ssyncadd.s32 $0xFFFFFF80  }
0x85: {  	[tilespmem:s0], [sflag:$0x5] =	stream.linear.gather [hbm4b:s10+s5], $0x80, $0x38;
	[tilespmem:$0x1DC00] =	vst v63  }
0x86: {  	_ =	swait.ge [sflag:s25], $0x80  }
0x87: {  	[sflag:s25] =	ssyncset.done $0x0  }
0x88: {  	s9 =	sadd.s32 s7, s26;
	[sflag:s25] =	ssyncadd.s32 $0xFFFFFF80  }
0x89: {  	[tilespmem:s11], [sflag:$0x5] =	stream.linear.gather [hbm4b:s9+s5], $0x80, $0x38;
	[tilespmem:$0x1DC00] =	vst v63  }
0x8a: {  	_ =	swait.ge [sflag:s25], $0x80  }
0x8b: {  	[sflag:s25] =	ssyncset.done $0x0  }
0x8c: {  	s10 =	simm.s32 $0x8C00;
	[sflag:s25] =	ssyncadd.s32 $0xFFFFFF80  }
0x8d: {  	[tilespmem:s10], [sflag:$0x2] =	stream.indirect.gather [hbm4b:s1+s29], $0x28, s31, s29, $0xb8;
	[tilespmem:$0x1DC00] =	vst v63  }
0x8e: {  	s12 =	simm.s32 $0xB400  }
0x8f: {  	[tilespmem:s12], [sflag:$0x2] =	stream.indirect.gather [hbm4b:s8+s29], $0x10, s2, s29, $0xb8;
	[tilespmem:$0x1DC00] =	vst v63  }
0x90: {  	s15 =	simm.s32 $0xA000  }
0x91: {  	[tilespmem:s15], [sflag:$0x2] =	stream.indirect.gather [hbm4b:s1+s29], $0x28, s0, s29, $0xb8;
	[tilespmem:$0x1DC00] =	vst v63  }
0x92: {  	s17 =	simm.s32 $0xBC00  }
0x93: {  	[tilespmem:s17], [sflag:$0x2] =	stream.indirect.gather [hbm4b:s8+s29], $0x10, s11, s29, $0xb8;
	[tilespmem:$0x1DC00] =	vst v63  }
0x94: {  	_ =	swait.ge [sflag:s16], $0x1400  }
0x95: {  	[sflag:s16] =	ssyncset.done $0x0  }
0x96: {  	[sflag:s16] =	ssyncadd.s32 $0xFFFFEC00  }
0x97: {  	_ =	swait.ge [sflag:s16], $0x800  }
0x98: {  	[sflag:s16] =	ssyncset.done $0x0  }
0x99: {  	[sflag:s16] =	ssyncadd.s32 $0xFFFFF800  }
0x9a: {  	_ =	swait.ge [sflag:s16], $0x1400  }
0x9b: {  	[sflag:s16] =	ssyncset.done $0x0  }
0x9c: {  	[sflag:s16] =	ssyncadd.s32 $0xFFFFEC00  }
0x9d: {  	_ =	swait.ge [sflag:s16], $0x800  }
0x9e: {  	[sflag:s16] =	ssyncset.done $0x0  }
0x9f: {  	s23 =	simm.s32 $0x250;
	[sflag:s16] =	ssyncadd.s32 $0xFFFFF800  }
0xa0: {  	s18 =	simm.s32 $0x2A20;
	v2 =	vld [tilespmem:s23+$0x40]  }
0xa1: {  	v3 =	vld [tilespmem:s18+$0x10];
	_ =	sdelay $0x3  }
0xa2: {  	v2 =	vunpack.i.l.bf16.f32 v2  }
0xa3: {  	v2 =	vadd.f32 v3, v2;
	_ =	sdelay $0x1  }
0xa4: {  	v4 =	vld [tilespmem:s23+$0xFFFFFFC8];
	v3 =	vmul.f32 $2.000000030e-01, v2  }
0xa5: {  	v5 =	vld [tilespmem:s18+$0xFFFFFFE0];
	vm0 =	vgt.f32 v2, $0.0e+00  }
0xa6: {  	v2 =	vsel vm0, v2, v3  }
0xa7: {  	v2 =	vmul.f32 $1.442695020e+00, v2  }
0xa8: {  	v3 =	vld [tilespmem:s23+$0xFFFFFFF0]  }
0xa9: {  	v4 =	vunpack.i.l.bf16.f32 v4;
	(erf) = vpow2.f32 v2;
	v2 =	vld [tilespmem:s18+$0xFFFFFFF0]  }
0xaa: {  	v6 =	vld [tilespmem:s23+$0x18];
	v4 =	vadd.f32 v5, v4  }
0xab: {  	v7 =	vld [tilespmem:s18+$0x0]  }
0xac: {  	v5 =	vmul.f32 $2.000000030e-01, v4  }
0xad: {  	s15 =	simm.s32 $0x2F0;
	vm6 =	vgt.f32 v4, $0.0e+00;
	v3 =	vunpack.i.l.bf16.f32 v3  }
0xae: {  	s24 =	simm.s32 $0x2A60;
	v8 =	vld [tilespmem:s15+$0x40];
	v2 =	vadd.f32 v2, v3;
	v3 =	vsel vm6, v4, v5  }
0xaf: {  	v6 =	vunpack.i.l.bf16.f32 v6;
	v4 =	vld [tilespmem:s24+$0x10];
	v3 =	vmul.f32 $1.442695020e+00, v3  }
0xb0: {  	v5 =	vadd.f32 v7, v6  }
0xb1: {  	v6 =	vmul.f32 $2.000000030e-01, v2  }
0xb2: {  	vm7 =	vgt.f32 v2, $0.0e+00;
	v7 =	vmul.f32 $2.000000030e-01, v5;
	vm1 =	vgt.f32 v5, $0.0e+00  }
0xb3: {  	s26 =	simm.s32 $0x3A20;
	v9 =	vld [tilespmem:s15+$0x18];
	(erf) = vpow2.f32 v3;
	v2 =	vsel vm7, v2, v6;
	v6 =	vunpack.i.l.bf16.f32 v8;
	v3 =	vpop (erf)  }
0xb4: {  	v5 =	vsel vm1, v5, v7;
	v2 =	vmul.f32 $1.442695020e+00, v2;
	v4 =	vadd.f32 v4, v6;
	v6 =	vld [tilespmem:s15+$0xFFFFFFF0];
	[tilespmem:s26+$0x10] =	vst v3  }
0xb5: {  	v5 =	vmul.f32 $1.442695020e+00, v5;
	v7 =	vld [tilespmem:s23+$0x28]  }
0xb6: {  	(erf) = vpow2.f32 v2;
	v2 =	vld [tilespmem:s15+$0xFFFFFFC8];
	v8 =	vmul.f32 $2.000000030e-01, v4  }
0xb7: {  	vm8 =	vgt.f32 v4, $0.0e+00;
	(erf) = vpow2.f32 v5;
	v5 =	vld [tilespmem:s24+$0xFFFFFFE0]  }
0xb8: {  	v4 =	vsel vm8, v4, v8;
	v8 =	vperm.xlane v3, v1;
	v3 =	vld [tilespmem:s24+$0xFFFFFFF0]  }
0xb9: {  	v11 =	vld [tilespmem:s24+$0x0];
	v4 =	vmul.f32 $1.442695020e+00, v4  }
0xba: {  	v10 =	vunpack.i.l.bf16.f32 v7  }
0xbb: {  	v7 =	vunpack.i.u.bf16.f32 v7;
	v2 =	vunpack.i.l.bf16.f32 v2;
	(erf) = vpow2.f32 v4  }
0xbc: {  	v12 =	vpop (erf);
	v4 =	vmul.f32 v8, v7;
	v5 =	vadd.f32 v5, v2;
	v2 =	vunpack.i.l.bf16.f32 v6  }
0xbd: {  	s18 =	simm.s32 $0x4A80;
	v10 =	vmul.f32 v8, v10;
	[tilespmem:s26+$0xFFFFFFE0] =	vst v12;
	v7 =	vunpack.i.l.bf16.f32 v9;
	v9 =	vadd.f32 v3, v2  }
0xbe: {  	v6 =	vld [tilespmem:s23+$0xFFFFFFB0];
	v7 =	vadd.f32 v11, v7;
	[tilespmem:s18+$0x50] =	vst v4;
	v4 =	vmul.f32 $2.000000030e-01, v5  }
0xbf: {  	v3 =	vperm.xlane v12, v1;
	[tilespmem:s18+$0x40] =	vst v10;
	vm9 =	vgt.f32 v5, $0.0e+00;
	v2 =	vpop (erf);
	v12 =	vmul.f32 $2.000000030e-01, v9  }
0xc0: {  	v10 =	vld [tilespmem:s23+$0x38];
	vm10 =	vgt.f32 v9, $0.0e+00;
	v13 =	vmul.f32 $2.000000030e-01, v7;
	[tilespmem:s26+$0xFFFFFFF0] =	vst v2;
	v4 =	vsel vm9, v5, v4  }
0xc1: {  	s17 =	simm.s32 $0x390;
	vm11 =	vgt.f32 v7, $0.0e+00;
	v11 =	vpop (erf);
	v5 =	vld [tilespmem:s23+$0xFFFFFFD8];
	v14 =	vmul.f32 $1.442695020e+00, v4;
	v9 =	vsel vm10, v9, v12  }
0xc2: {  	[tilespmem:s26+$0x0] =	vst v11;
	v7 =	vsel vm11, v7, v13;
	v13 =	vld [tilespmem:s17+$0x40];
	v9 =	vmul.f32 $1.442695020e+00, v9  }
0xc3: {  	s10 =	simm.s32 $0x2AA0;
	v4 =	vperm.xlane v11, v1;
	v15 =	vld [tilespmem:s23+$0x0];
	v11 =	vunpack.i.u.bf16.f32 v6;
	(erf) = vpow2.f32 v14  }
0xc4: {  	v7 =	vmul.f32 $1.442695020e+00, v7;
	v6 =	vunpack.i.l.bf16.f32 v6;
	(erf) = vpow2.f32 v9;
	v9 =	vld [tilespmem:s10+$0x10]  }
0xc5: {  	s9 =	simm.s32 $0x3A60;
	v2 =	vperm.xlane v2, v1;
	v6 =	vmul.f32 v3, v6;
	v14 =	vpop (erf)  }
0xc6: {  	v18 =	vld [tilespmem:s17+$0xFFFFFFC8];
	v11 =	vmul.f32 v3, v11;
	v12 =	vunpack.i.u.bf16.f32 v10;
	(erf) = vpow2.f32 v7;
	[tilespmem:s9+$0x10] =	vst v14  }
0xc7: {  	v16 =	vunpack.i.u.bf16.f32 v5;
	v5 =	vunpack.i.l.bf16.f32 v5;
	v13 =	vunpack.i.l.bf16.f32 v13;
	v17 =	vld [tilespmem:s15+$0x28]  }
0xc8: {  	v7 =	vunpack.i.u.bf16.f32 v15;
	v15 =	vunpack.i.l.bf16.f32 v15;
	v19 =	vmul.f32 v2, v5;
	v5 =	vld [tilespmem:s10+$0xFFFFFFE0]  }
0xc9: {  	v12 =	vmul.f32 v12, v8;
	v20 =	vmul.f32 v4, v15;
	v15 =	vld [tilespmem:s17+$0xFFFFFFF0];
	v9 =	vadd.f32 v9, v13  }
0xca: {  	v10 =	vunpack.i.l.bf16.f32 v10;
	v21 =	vmul.f32 v4, v7;
	v7 =	vperm.xlane v14, v1;
	v14 =	vld [tilespmem:s10+$0xFFFFFFF0]  }
0xcb: {  	v22 =	vld [tilespmem:s17+$0x18];
	v18 =	vunpack.i.l.bf16.f32 v18;
	v10 =	vmul.f32 v10, v8;
	[tilespmem:s18+$0xFFFFFF80] =	vst v6;
	v23 =	vmul.f32 $2.000000030e-01, v9  }
0xcc: {  	[tilespmem:s18+$0x70] =	vst v12;
	v12 =	vld [tilespmem:s10+$0x0];
	vm12 =	vgt.f32 v9, $0.0e+00;
	v13 =	vunpack.i.l.bf16.f32 v17;
	v17 =	vunpack.i.u.bf16.f32 v17  }
0xcd: {  	[tilespmem:s18+$0xFFFFFF90] =	vst v11;
	v8 =	vpop (erf);
	v18 =	vadd.f32 v5, v18;
	v13 =	vmul.f32 v7, v13;
	v17 =	vmul.f32 v7, v17  }
0xce: {  	s12 =	simm.s32 $0x4B80;
	[tilespmem:s9+$0xFFFFFFE0] =	vst v8;
	v5 =	vperm.xlane v8, v1;
	v8 =	vunpack.i.l.bf16.f32 v15;
	v9 =	vsel vm12, v9, v23  }
0xcf: {  	v16 =	vmul.f32 v2, v16;
	v14 =	vadd.f32 v14, v8;
	[tilespmem:s12+$0x50] =	vst v17;
	v17 =	vmul.f32 $1.442695020e+00, v9  }
0xd0: {  	v6 =	vpop (erf);
	v15 =	vunpack.i.l.bf16.f32 v22;
	v8 =	vmul.f32 $2.000000030e-01, v18;
	vm13 =	vgt.f32 v18, $0.0e+00;
	[tilespmem:s12+$0x40] =	vst v13;
	v13 =	vld [tilespmem:s15+$0xFFFFFFB0]  }
0xd1: {  	[tilespmem:s9+$0xFFFFFFF0] =	vst v6;
	v61 =	vpop (erf);
	v12 =	vadd.f32 v12, v15;
	v9 =	vld [tilespmem:s15+$0x38];
	v15 =	vmul.f32 $2.000000030e-01, v14;
	(erf) = vpow2.f32 v17  }
0xd2: {  	[tilespmem:s9+$0x0] =	vst v61;
	v62 =	vld [tilespmem:s15+$0xFFFFFFD8];
	v18 =	vsel vm13, v18, v8;
	v8 =	vperm.xlane v6, v1;
	vm14 =	vgt.f32 v14, $0.0e+00  }
0xd3: {  	[tilespmem:s18+$0xFFFFFFC0] =	vst v19;
	v63 =	vld [tilespmem:s15+$0x0];
	v17 =	vmul.f32 $2.000000030e-01, v12;
	v18 =	vmul.f32 $1.442695020e+00, v18;
	v14 =	vsel vm14, v14, v15  }
0xd4: {  	v11 =	vld [tilespmem:s23+$0xFFFFFFC0];
	[tilespmem:s18+$0xFFFFFFD0] =	vst v16;
	v6 =	vperm.xlane v61, v1;
	vm15 =	vgt.f32 v12, $0.0e+00;
	v14 =	vmul.f32 $1.442695020e+00, v14  }
0xd5: {  	[tilespmem:s18+$0x0] =	vst v20;
	v12 =	vsel vm15, v12, v17;
	(erf) = vpow2.f32 v18;
	v15 =	vunpack.i.u.bf16.f32 v13  }
0xd6: {  	[tilespmem:s18+$0x10] =	vst v21;
	v19 =	vmul.f32 $1.442695020e+00, v12;
	v13 =	vunpack.i.l.bf16.f32 v13;
	v12 =	vld [tilespmem:s23+$0xFFFFFFE8];
	v16 =	vunpack.i.u.bf16.f32 v9  }
0xd7: {  	[tilespmem:s18+$0x60] =	vst v10;
	v10 =	vld [tilespmem:s23+$0x10];
	v18 =	vunpack.i.l.bf16.f32 v62;
	(erf) = vpow2.f32 v14;
	v20 =	vmul.f32 v16, v7  }
0xd8: {  	v14 =	vunpack.i.u.bf16.f32 v63;
	v17 =	vunpack.i.l.bf16.f32 v63;
	v16 =	vunpack.i.u.bf16.f32 v62  }
0xd9: {  	s24 =	simm.s32 $0x8;
	s26 =	simm.s32 $0x430;
	s23 =	simm.s32 $0x4B80;
	(erf) = vpow2.f32 v19;
	v19 =	vmul.f32 v5, v13;
	v13 =	vunpack.i.u.bf16.f32 v11;
	[tilespmem:s12+$0x70] =	vst v20  }
.LBB2_7:
0xda: {  	v20 =	vld [tilespmem:s26+$0x40];
	s10 =	sadd.s32 $0x40, s10;
	v21 =	vpop (erf);
	v15 =	vmul.f32 v5, v15;
	v18 =	vmul.f32 v8, v18;
	s9 =	sadd.s32 $0x40, s9;
	v11 =	vunpack.i.l.bf16.f32 v11  }
0xdb: {  	s24 =	sadd.s32 $0x4, s24;
	v16 =	vmul.f32 v8, v16;
	v17 =	vmul.f32 v6, v17;
	v23 =	vunpack.i.u.bf16.f32 v12;
	v22 =	vld [tilespmem:s10+$0x10];
	[tilespmem:s9+$0x10] =	vst v21  }
0xdc: {  	v14 =	vmul.f32 v6, v14;
	v12 =	vunpack.i.l.bf16.f32 v12;
	p0 =	slt.u32 s24, $0xFC;
	v24 =	vld [tilespmem:s17+$0x28];
	[tilespmem:s12+$0xFFFFFF80] =	vst v19;
	v19 =	vunpack.i.u.bf16.f32 v10  }
0xdd: {  	v9 =	vunpack.i.l.bf16.f32 v9;
	v10 =	vunpack.i.l.bf16.f32 v10;
	v25 =	vld [tilespmem:s26+$0xFFFFFFF0];
	[tilespmem:s12+$0xFFFFFF90] =	vst v15;
	v15 =	vmul.f32 v11, v3  }
0xde: {  	v13 =	vmul.f32 v13, v3;
	v3 =	vmov v5;
	v11 =	vld [tilespmem:s26+$0x18];
	[tilespmem:s12+$0xFFFFFFC0] =	vst v18;
	v18 =	vmul.f32 v12, v2  }
0xdf: {  	v12 =	vld [tilespmem:s26+$0xFFFFFFC8];
	v26 =	vunpack.i.l.bf16.f32 v20;
	[tilespmem:s12+$0xFFFFFFD0] =	vst v16;
	v16 =	vmul.f32 v23, v2;
	v20 =	vmul.f32 v10, v4;
	v2 =	vmovc v8  }
0xe0: {  	v21 =	vperm.xlane v21, v1;
	v8 =	vld [tilespmem:s10+$0xFFFFFFE0];
	v10 =	vadd.f32 v22, v26;
	v5 =	vpop (erf);
	[tilespmem:s12+$0x0] =	vst v17;
	v17 =	vmul.f32 v19, v4  }
0xe1: {  	v23 =	vmul.f32 v9, v7;
	v19 =	vld [tilespmem:s10+$0xFFFFFFF0];
	[tilespmem:s9+$0xFFFFFFE0] =	vst v5;
	v5 =	vperm.xlane v5, v1;
	v31 =	vunpack.i.l.bf16.f32 v24;
	v22 =	vpop (erf)  }
0xe2: {  	v30 =	vunpack.i.u.bf16.f32 v24;
	v26 =	vld [tilespmem:s10+$0x0];
	v9 =	vmul.f32 $2.000000030e-01, v10;
	[tilespmem:s9+$0xFFFFFFF0] =	vst v22;
	v24 =	vmul.f32 v21, v31;
	v27 =	vpop (erf)  }
0xe3: {  	v7 =	vmovc v21;
	s12 =	sadd.s32 $0x100, s12;
	v4 =	vmovc v6;
	v25 =	vunpack.i.l.bf16.f32 v25;
	vm0 =	vgt.f32 v10, $0.0e+00;
	v29 =	vmul.f32 v21, v30;
	v28 =	vld [tilespmem:s17+$0xFFFFFFB0];
	[tilespmem:s9+$0x0] =	vst v27  }
0xe4: {  	v11 =	vunpack.i.l.bf16.f32 v11;
	v6 =	vunpack.i.l.bf16.f32 v12;
	v9 =	vsel vm0, v10, v9;
	v21 =	vld [tilespmem:s17+$0xFFFFFFD8];
	[tilespmem:s12+$0x40] =	vst v24  }
0xe5: {  	v10 =	vadd.f32 v8, v6;
	v12 =	vmul.f32 $1.442695020e+00, v9;
	v8 =	vperm.xlane v22, v1;
	v22 =	vld [tilespmem:s17+$0x0];
	[tilespmem:s12+$0x50] =	vst v29  }
0xe6: {  	v6 =	vperm.xlane v27, v1;
	v19 =	vadd.f32 v19, v25;
	v9 =	vld [tilespmem:s17+$0x38];
	[tilespmem:s23+$0x10] =	vst v14  }
0xe7: {  	v14 =	vmul.f32 $2.000000030e-01, v10;
	v24 =	vadd.f32 v26, v11;
	(erf) = vpow2.f32 v12;
	v11 =	vld [tilespmem:s15+$0xFFFFFFC0];
	[tilespmem:s18+$0xFFFFFFA0] =	vst v15  }
0xe8: {  	vm0 =	vgt.f32 v10, $0.0e+00;
	vm1 =	vgt.f32 v19, $0.0e+00;
	v15 =	vmul.f32 $2.000000030e-01, v19;
	v12 =	vld [tilespmem:s15+$0xFFFFFFE8];
	[tilespmem:s18+$0xFFFFFFB0] =	vst v13  }
0xe9: {  	v13 =	vsel vm0, v10, v14;
	vm0 =	vgt.f32 v24, $0.0e+00;
	v14 =	vmul.f32 $2.000000030e-01, v24;
	v10 =	vld [tilespmem:s15+$0x10];
	[tilespmem:s18+$0xFFFFFFE0] =	vst v18;
	s15 =	smov.u32 s17;
	s17 =	smov.u32 s26  }
0xea: {  	v13 =	vmul.f32 $1.442695020e+00, v13;
	v18 =	vsel vm1, v19, v15;
	v15 =	vunpack.i.u.bf16.f32 v28;
	[tilespmem:s18+$0xFFFFFFF0] =	vst v16  }
.Ltmp2:
0xeb: {  	v19 =	vmul.f32 $1.442695020e+00, v18;
	v14 =	vsel vm0, v24, v14;
	v16 =	vunpack.i.u.bf16.f32 v9;
	[tilespmem:s18+$0x20] =	vst v20;
	(pc) =	sbr.rel @p0 .LBB2_7-.Ltmp2, $4  }
0xec: {  	v24 =	vunpack.i.l.bf16.f32 v28;
	v20 =	vmul.f32 $1.442695020e+00, v14;
	v25 =	vmul.f32 v16, v7;
	[tilespmem:s18+$0x30] =	vst v17;
	s18 =	smov.u32 s23;
	s23 =	smov.u32 s12  }
0xed: {  	v18 =	vunpack.i.l.bf16.f32 v21;
	v16 =	vunpack.i.u.bf16.f32 v21;
	(erf) = vpow2.f32 v13;
	[tilespmem:s18+$0x60] =	vst v23  }
0xee: {  	v14 =	vunpack.i.u.bf16.f32 v22;
	v17 =	vunpack.i.l.bf16.f32 v22;
	(erf) = vpow2.f32 v19;
	[tilespmem:s12+$0x70] =	vst v25  }
0xef: {  	s26 =	sadd.s32 $0xA0, s26;
	v13 =	vunpack.i.u.bf16.f32 v11;
	v19 =	vmul.f32 v5, v24;
	(erf) = vpow2.f32 v20  }
0xf0: {  	v20 =	vpop (erf);
	s9 =	sadd.s32 $0x40, s9  }
0xf1: {  	v15 =	vmul.f32 v5, v15;
	[tilespmem:s9+$0x10] =	vst v20  }
0xf2: {  	v18 =	vmul.f32 v8, v18;
	[tilespmem:s12+$0xFFFFFF80] =	vst v19;
	v21 =	vld [tilespmem:s17+$0x28]  }
0xf3: {  	v16 =	vmul.f32 v8, v16;
	v11 =	vunpack.i.l.bf16.f32 v11;
	[tilespmem:s12+$0xFFFFFF90] =	vst v15  }
0xf4: {  	v11 =	vmul.f32 v11, v3;
	[tilespmem:s12+$0xFFFFFFC0] =	vst v18  }
0xf5: {  	v15 =	vmul.f32 v6, v17;
	[tilespmem:s12+$0xFFFFFFD0] =	vst v16  }
0xf6: {  	v3 =	vmul.f32 v13, v3;
	v16 =	vperm.xlane v20, v1;
	[tilespmem:s18+$0xFFFFFFA0] =	vst v11  }
0xf7: {  	v14 =	vmul.f32 v6, v14;
	[tilespmem:s12+$0x0] =	vst v15;
	v15 =	vunpack.i.l.bf16.f32 v21  }
0xf8: {  	[tilespmem:s18+$0xFFFFFFB0] =	vst v3;
	v19 =	vunpack.i.u.bf16.f32 v21;
	v15 =	vmul.f32 v16, v15  }
0xf9: {  	s10 =	sadd.s32 $0x100, s12;
	[tilespmem:s23+$0x10] =	vst v14;
	v19 =	vmul.f32 v16, v19  }
0xfa: {  	[tilespmem:s10+$0x40] =	vst v15  }
0xfb: {  	v11 =	vunpack.i.l.bf16.f32 v10;
	v17 =	vpop (erf);
	[tilespmem:s10+$0x50] =	vst v19  }
0xfc: {  	v3 =	vunpack.i.u.bf16.f32 v10;
	v10 =	vmul.f32 v11, v4;
	[tilespmem:s9+$0xFFFFFFE0] =	vst v17;
	v18 =	vpop (erf);
	v15 =	vunpack.i.l.bf16.f32 v12;
	v13 =	vld [tilespmem:s17+$0x38]  }
0xfd: {  	v3 =	vmul.f32 v3, v4;
	[tilespmem:s9+$0xFFFFFFF0] =	vst v18;
	v14 =	vmul.f32 v15, v2;
	v15 =	vld [tilespmem:s17+$0xFFFFFFB0]  }
0xfe: {  	[tilespmem:s18+$0x20] =	vst v10;
	v11 =	vld [tilespmem:s17+$0xFFFFFFD8];
	v12 =	vunpack.i.u.bf16.f32 v12  }
0xff: {  	v9 =	vunpack.i.l.bf16.f32 v9;
	[tilespmem:s18+$0x30] =	vst v3;
	v20 =	vpop (erf);
	v2 =	vmul.f32 v12, v2  }
0x100: {  	v4 =	vmul.f32 v9, v7;
	[tilespmem:s9+$0x0] =	vst v20  }
0x101: {  	v7 =	vld [tilespmem:s17+$0x0];
	[tilespmem:s18+$0xFFFFFFF0] =	vst v2;
	v2 =	vperm.xlane v17, v1;
	v9 =	vunpack.i.u.bf16.f32 v13  }
0x102: {  	[tilespmem:s23+$0x60] =	vst v4;
	v3 =	vperm.xlane v18, v1;
	v10 =	vunpack.i.l.bf16.f32 v15;
	v9 =	vmul.f32 v9, v16  }
0x103: {  	v12 =	vld [tilespmem:s15+$0xFFFFFFC0];
	[tilespmem:s18+$0xFFFFFFE0] =	vst v14;
	v4 =	vmul.f32 v2, v10;
	v10 =	vunpack.i.l.bf16.f32 v11  }
0x104: {  	v14 =	vunpack.i.u.bf16.f32 v15;
	v10 =	vmul.f32 v3, v10;
	[tilespmem:s10+$0x70] =	vst v9  }
0x105: {  	v15 =	vld [tilespmem:s15+$0xFFFFFFE8];
	v11 =	vunpack.i.u.bf16.f32 v11;
	v9 =	vmul.f32 v2, v14;
	v14 =	vperm.xlane v20, v1;
	[tilespmem:s10+$0xFFFFFF80] =	vst v4  }
0x106: {  	v11 =	vmul.f32 v3, v11;
	v4 =	vunpack.i.l.bf16.f32 v7;
	[tilespmem:s10+$0xFFFFFFC0] =	vst v10  }
0x107: {  	v7 =	vunpack.i.u.bf16.f32 v7;
	[tilespmem:s10+$0xFFFFFF90] =	vst v9;
	v9 =	vld [tilespmem:s15+$0x10];
	v4 =	vmul.f32 v14, v4  }
0x108: {  	v10 =	vunpack.i.l.bf16.f32 v12;
	[tilespmem:s10+$0xFFFFFFD0] =	vst v11;
	v7 =	vmul.f32 v14, v7  }
0x109: {  	v11 =	vunpack.i.u.bf16.f32 v12;
	v10 =	vmul.f32 v10, v5;
	[tilespmem:s10+$0x0] =	vst v4  }
0x10a: {  	v5 =	vmul.f32 v11, v5;
	v4 =	vunpack.i.l.bf16.f32 v15;
	[tilespmem:s10+$0x10] =	vst v7;
	v7 =	vld [tilespmem:s17+$0xFFFFFFC0]  }
0x10b: {  	v11 =	vunpack.i.u.bf16.f32 v15;
	[tilespmem:s23+$0xFFFFFFA0] =	vst v10;
	v4 =	vmul.f32 v4, v8  }
0x10c: {  	[tilespmem:s23+$0xFFFFFFB0] =	vst v5;
	v8 =	vmul.f32 v11, v8;
	v11 =	vld [tilespmem:s17+$0xFFFFFFE8];
	v10 =	vunpack.i.l.bf16.f32 v9  }
0x10d: {  	v5 =	vunpack.i.u.bf16.f32 v9;
	[tilespmem:s23+$0xFFFFFFE0] =	vst v4;
	v9 =	vmul.f32 v10, v6  }
0x10e: {  	v4 =	vunpack.i.l.bf16.f32 v13;
	[tilespmem:s23+$0xFFFFFFF0] =	vst v8;
	v5 =	vmul.f32 v5, v6;
	v6 =	vld [tilespmem:s17+$0x10]  }
0x10f: {  	v4 =	vmul.f32 v4, v16;
	v8 =	vunpack.i.l.bf16.f32 v7;
	[tilespmem:s23+$0x20] =	vst v9  }
0x110: {  	[tilespmem:s23+$0x30] =	vst v5;
	v5 =	vunpack.i.u.bf16.f32 v7;
	v7 =	vmul.f32 v8, v2  }
0x111: {  	[tilespmem:s10+$0x60] =	vst v4;
	v4 =	vunpack.i.l.bf16.f32 v11;
	v2 =	vmul.f32 v5, v2  }
0x112: {  	v5 =	vunpack.i.u.bf16.f32 v11;
	v4 =	vmul.f32 v4, v3;
	[tilespmem:s10+$0xFFFFFFA0] =	vst v7  }
0x113: {  	v3 =	vmul.f32 v5, v3;
	v7 =	vunpack.i.l.bf16.f32 v6;
	[tilespmem:s10+$0xFFFFFFB0] =	vst v2  }
0x114: {  	v2 =	vunpack.i.u.bf16.f32 v6;
	[tilespmem:s10+$0xFFFFFFE0] =	vst v4;
	v5 =	vmul.f32 v7, v14  }
0x115: {  	v2 =	vmul.f32 v2, v14;
	[tilespmem:s10+$0xFFFFFFF0] =	vst v3  }
0x116: {  	[tilespmem:s10+$0x20] =	vst v5  }
0x117: {  	s12 =	simm.s32 $0x4A00;
	[tilespmem:s10+$0x30] =	vst v2  }
0x118: {  	[spmem:s3] =	stream.indirect.scatter.add.f32 [tilespmem:s12], [sflag:$0x3], $0x40, s28, s29, $0xb8;
	[tilespmem:$0x1DC00] =	vst v63  }
0x119: {  	s15 =	simm.s32 $0x3A00  }
0x11a: {  	[spmem:s4] =	stream.indirect.scatter.add.f32 [tilespmem:s15], [sflag:$0x3], $0x10, s28, s29, $0xb8;
	[tilespmem:$0x1DC00] =	vst v63  }
0x11b: {  	s17 =	simm.s32 $0x6A00  }
0x11c: {  	[spmem:s3] =	stream.indirect.scatter.add.f32 [tilespmem:s17], [sflag:$0x3], $0x40, s30, s29, $0xb8;
	[tilespmem:$0x1DC00] =	vst v63  }
0x11d: {  	s18 =	simm.s32 $0x4200  }
0x11e: {  	[spmem:s4] =	stream.indirect.scatter.add.f32 [tilespmem:s18], [sflag:$0x3], $0x10, s30, s29, $0xb8;
	[tilespmem:$0x1DC00] =	vst v63  }
0x11f: {  	_ =	swait.ge [sflag:s21], $0x2000  }
0x120: {  	[sflag:s21] =	ssyncset.done $0x0  }
0x121: {  	[sflag:s21] =	ssyncadd.s32 $0xFFFFE000  }
0x122: {  	_ =	swait.ge [sflag:s21], $0x800  }
0x123: {  	[sflag:s21] =	ssyncset.done $0x0  }
0x124: {  	[sflag:s21] =	ssyncadd.s32 $0xFFFFF800  }
0x125: {  	_ =	swait.ge [sflag:s21], $0x2000  }
0x126: {  	[sflag:s21] =	ssyncset.done $0x0  }
0x127: {  	p0 =	seq.s32 s13, $0x13;
	[sflag:s21] =	ssyncadd.s32 $0xFFFFE000  }
0x128: {  	s9 =	sadd.s32 @!p0 s14, s20;
	_ =	swait.ge [sflag:s21], $0x800  }
0x129: {  	s9 =	sshrl.u32 @!p0 s9, $0x3;
	[sflag:s21] =	ssyncset.done $0x0  }
0x12a: {  	s10 =	sadd.s32 @!p0 s6, s9;
	s12 =	simm.s32 @!p0 $0x0;
	[sflag:s21] =	ssyncadd.s32 $0xFFFFF800  }
0x12b: {  	[tilespmem:s12], [sflag:$0x5] =	stream.linear.gather @!p0 [hbm4b:s10+s12], $0x80, $0x38;
	[tilespmem:$0x1DC00] =	vst v63  }
0x12c: {  	s10 =	simm.s32 @!p0 $0x5  }
0x12d: {  	_ =	swait.ge @!p0 [sflag:s10], $0x80  }
0x12e: {  	[sflag:s10] =	ssyncset.done @!p0 $0x0  }
0x12f: {  	s14 =	sadd.s32 @!p0 s7, s9;
	s15 =	simm.s32 @!p0 $0x100;
	[sflag:s10] =	ssyncadd.s32 @!p0 $0xFFFFFF80  }
0x130: {  	[tilespmem:s15], [sflag:$0x5] =	stream.linear.gather @!p0 [hbm4b:s14+s12], $0x80, $0x38;
	[tilespmem:$0x1DC00] =	vst v63  }
0x131: {  	_ =	swait.ge @!p0 [sflag:s10], $0x80  }
0x132: {  	s9 =	sor.u32 @!p0 $0x10, s9;
	[sflag:s10] =	ssyncset.done @!p0 $0x0  }
0x133: {  	s17 =	simm.s32 @!p0 $0x80;
	s14 =	sadd.s32 @!p0 s6, s9;
	[sflag:s10] =	ssyncadd.s32 @!p0 $0xFFFFFF80  }
0x134: {  	[tilespmem:s17], [sflag:$0x5] =	stream.linear.gather @!p0 [hbm4b:s14+s12], $0x80, $0x38;
	[tilespmem:$0x1DC00] =	vst v63  }
0x135: {  	_ =	swait.ge @!p0 [sflag:s10], $0x80  }
0x136: {  	[sflag:s10] =	ssyncset.done @!p0 $0x0  }
0x137: {  	s9 =	sadd.s32 @!p0 s7, s9;
	s14 =	simm.s32 @!p0 $0x180;
	[sflag:s10] =	ssyncadd.s32 @!p0 $0xFFFFFF80  }
0x138: {  	[tilespmem:s14], [sflag:$0x5] =	stream.linear.gather @!p0 [hbm4b:s9+s12], $0x80, $0x38;
	[tilespmem:$0x1DC00] =	vst v63  }
0x139: {  	_ =	swait.ge @!p0 [sflag:s10], $0x80  }
0x13a: {  	[sflag:s10] =	ssyncset.done @!p0 $0x0  }
0x13b: {  	s9 =	simm.s32 @!p0 $0x200;
	[sflag:s10] =	ssyncadd.s32 @!p0 $0xFFFFFF80  }
0x13c: {  	[tilespmem:s9], [sflag:$0x1] =	stream.indirect.gather @!p0 [hbm4b:s1+s17], $0x28, s12, s17, $0xb8;
	[tilespmem:$0x1DC00] =	vst v63  }
0x13d: {  	s9 =	simm.s32 @!p0 $0x2A00  }
0x13e: {  	[tilespmem:s9], [sflag:$0x1] =	stream.indirect.gather @!p0 [hbm4b:s8+s17], $0x10, s15, s17, $0xb8;
	[tilespmem:$0x1DC00] =	vst v63  }
0x13f: {  	s9 =	simm.s32 @!p0 $0x1600  }
0x140: {  	[tilespmem:s9], [sflag:$0x1] =	stream.indirect.gather @!p0 [hbm4b:s1+s17], $0x28, s17, s17, $0xb8;
	[tilespmem:$0x1DC00] =	vst v63  }
0x141: {  	s9 =	simm.s32 @!p0 $0x3200  }
0x142: {  	[tilespmem:s9], [sflag:$0x1] =	stream.indirect.gather @!p0 [hbm4b:s8+s17], $0x10, s14, s17, $0xb8;
	[tilespmem:$0x1DC00] =	vst v63  }
0x143: {  	_ =	swait.ge [sflag:s22], $0x1400  }
0x144: {  	[sflag:s22] =	ssyncset.done $0x0  }
0x145: {  	[sflag:s22] =	ssyncadd.s32 $0xFFFFEC00  }
0x146: {  	_ =	swait.ge [sflag:s22], $0x800  }
0x147: {  	[sflag:s22] =	ssyncset.done $0x0  }
0x148: {  	[sflag:s22] =	ssyncadd.s32 $0xFFFFF800  }
0x149: {  	_ =	swait.ge [sflag:s22], $0x1400  }
0x14a: {  	[sflag:s22] =	ssyncset.done $0x0  }
0x14b: {  	[sflag:s22] =	ssyncadd.s32 $0xFFFFEC00  }
0x14c: {  	_ =	swait.ge [sflag:s22], $0x800  }
0x14d: {  	[sflag:s22] =	ssyncset.done $0x0  }
0x14e: {  	s18 =	simm.s32 $0x8C50;
	[sflag:s22] =	ssyncadd.s32 $0xFFFFF800  }
0x14f: {  	s23 =	simm.s32 $0xB420;
	v2 =	vld [tilespmem:s18+$0x40]  }
0x150: {  	v3 =	vld [tilespmem:s23+$0x10];
	_ =	sdelay $0x3  }
0x151: {  	v2 =	vunpack.i.l.bf16.f32 v2  }
0x152: {  	v2 =	vadd.f32 v3, v2;
	_ =	sdelay $0x1  }
0x153: {  	v4 =	vld [tilespmem:s18+$0xFFFFFFC8];
	v3 =	vmul.f32 $2.000000030e-01, v2  }
0x154: {  	v5 =	vld [tilespmem:s23+$0xFFFFFFE0];
	vm0 =	vgt.f32 v2, $0.0e+00  }
0x155: {  	v2 =	vsel vm0, v2, v3  }
0x156: {  	v2 =	vmul.f32 $1.442695020e+00, v2  }
0x157: {  	v3 =	vld [tilespmem:s18+$0xFFFFFFF0]  }
0x158: {  	v4 =	vunpack.i.l.bf16.f32 v4;
	(erf) = vpow2.f32 v2;
	v2 =	vld [tilespmem:s23+$0xFFFFFFF0]  }
0x159: {  	v6 =	vld [tilespmem:s18+$0x18];
	v4 =	vadd.f32 v5, v4  }
0x15a: {  	v7 =	vld [tilespmem:s23+$0x0]  }
0x15b: {  	v5 =	vmul.f32 $2.000000030e-01, v4  }
0x15c: {  	s14 =	simm.s32 $0x8CF0;
	vm6 =	vgt.f32 v4, $0.0e+00;
	v3 =	vunpack.i.l.bf16.f32 v3  }
0x15d: {  	s24 =	simm.s32 $0xB460;
	v8 =	vld [tilespmem:s14+$0x40];
	v2 =	vadd.f32 v2, v3;
	v3 =	vsel vm6, v4, v5  }
0x15e: {  	v6 =	vunpack.i.l.bf16.f32 v6;
	v4 =	vld [tilespmem:s24+$0x10];
	v3 =	vmul.f32 $1.442695020e+00, v3  }
0x15f: {  	v5 =	vadd.f32 v7, v6  }
0x160: {  	v6 =	vmul.f32 $2.000000030e-01, v2  }
0x161: {  	vm7 =	vgt.f32 v2, $0.0e+00;
	v7 =	vmul.f32 $2.000000030e-01, v5;
	(erf) = vpow2.f32 v3  }
0x162: {  	s26 =	simm.s32 $0xC420;
	v9 =	vld [tilespmem:s14+$0x18];
	vm1 =	vgt.f32 v5, $0.0e+00;
	v2 =	vsel vm7, v2, v6;
	v6 =	vunpack.i.l.bf16.f32 v8;
	v3 =	vpop (erf)  }
0x163: {  	v5 =	vsel vm1, v5, v7;
	v2 =	vmul.f32 $1.442695020e+00, v2;
	v4 =	vadd.f32 v4, v6;
	v6 =	vld [tilespmem:s14+$0xFFFFFFF0];
	[tilespmem:s26+$0x10] =	vst v3  }
0x164: {  	v5 =	vmul.f32 $1.442695020e+00, v5;
	v7 =	vld [tilespmem:s18+$0x28]  }
0x165: {  	(erf) = vpow2.f32 v2;
	v2 =	vld [tilespmem:s14+$0xFFFFFFC8];
	v8 =	vmul.f32 $2.000000030e-01, v4  }
0x166: {  	vm8 =	vgt.f32 v4, $0.0e+00;
	(erf) = vpow2.f32 v5;
	v5 =	vld [tilespmem:s24+$0xFFFFFFE0]  }
0x167: {  	v4 =	vsel vm8, v4, v8;
	v8 =	vperm.xlane v3, v1;
	v3 =	vld [tilespmem:s24+$0xFFFFFFF0]  }
0x168: {  	v11 =	vld [tilespmem:s24+$0x0];
	v4 =	vmul.f32 $1.442695020e+00, v4  }
0x169: {  	v10 =	vunpack.i.l.bf16.f32 v7  }
0x16a: {  	v7 =	vunpack.i.u.bf16.f32 v7;
	v12 =	vpop (erf);
	v2 =	vunpack.i.l.bf16.f32 v2;
	(erf) = vpow2.f32 v4  }
0x16b: {  	v4 =	vmul.f32 v8, v7;
	v5 =	vadd.f32 v5, v2;
	v2 =	vunpack.i.l.bf16.f32 v6  }
0x16c: {  	s17 =	simm.s32 $0xD480;
	v10 =	vmul.f32 v8, v10;
	[tilespmem:s26+$0xFFFFFFE0] =	vst v12;
	v7 =	vunpack.i.l.bf16.f32 v9;
	v9 =	vadd.f32 v3, v2  }
0x16d: {  	v6 =	vld [tilespmem:s18+$0xFFFFFFB0];
	v7 =	vadd.f32 v11, v7;
	[tilespmem:s17+$0x50] =	vst v4;
	v4 =	vmul.f32 $2.000000030e-01, v5  }
0x16e: {  	v3 =	vperm.xlane v12, v1;
	[tilespmem:s17+$0x40] =	vst v10;
	vm9 =	vgt.f32 v5, $0.0e+00;
	v2 =	vpop (erf);
	v12 =	vmul.f32 $2.000000030e-01, v9  }
0x16f: {  	v10 =	vld [tilespmem:s18+$0x38];
	vm10 =	vgt.f32 v9, $0.0e+00;
	v13 =	vmul.f32 $2.000000030e-01, v7;
	[tilespmem:s26+$0xFFFFFFF0] =	vst v2;
	v4 =	vsel vm9, v5, v4  }
0x170: {  	s15 =	simm.s32 $0x8D90;
	vm11 =	vgt.f32 v7, $0.0e+00;
	v11 =	vpop (erf);
	v5 =	vld [tilespmem:s18+$0xFFFFFFD8];
	v14 =	vmul.f32 $1.442695020e+00, v4;
	v9 =	vsel vm10, v9, v12  }
0x171: {  	[tilespmem:s26+$0x0] =	vst v11;
	v7 =	vsel vm11, v7, v13;
	v13 =	vld [tilespmem:s15+$0x40];
	v9 =	vmul.f32 $1.442695020e+00, v9  }
0x172: {  	s10 =	simm.s32 $0xB4A0;
	v4 =	vperm.xlane v11, v1;
	v15 =	vld [tilespmem:s18+$0x0];
	v11 =	vunpack.i.u.bf16.f32 v6;
	(erf) = vpow2.f32 v14  }
0x173: {  	v7 =	vmul.f32 $1.442695020e+00, v7;
	v6 =	vunpack.i.l.bf16.f32 v6;
	(erf) = vpow2.f32 v9;
	v9 =	vld [tilespmem:s10+$0x10]  }
0x174: {  	s9 =	simm.s32 $0xC460;
	v2 =	vperm.xlane v2, v1;
	v6 =	vmul.f32 v3, v6;
	v14 =	vpop (erf)  }
0x175: {  	v18 =	vld [tilespmem:s15+$0xFFFFFFC8];
	v11 =	vmul.f32 v3, v11;
	v12 =	vunpack.i.u.bf16.f32 v10;
	(erf) = vpow2.f32 v7;
	[tilespmem:s9+$0x10] =	vst v14  }
0x176: {  	v16 =	vunpack.i.u.bf16.f32 v5;
	v5 =	vunpack.i.l.bf16.f32 v5;
	v13 =	vunpack.i.l.bf16.f32 v13;
	v17 =	vld [tilespmem:s14+$0x28]  }
0x177: {  	v7 =	vunpack.i.u.bf16.f32 v15;
	v15 =	vunpack.i.l.bf16.f32 v15;
	v19 =	vmul.f32 v2, v5;
	v5 =	vld [tilespmem:s10+$0xFFFFFFE0]  }
0x178: {  	v12 =	vmul.f32 v12, v8;
	v20 =	vmul.f32 v4, v15;
	v15 =	vld [tilespmem:s15+$0xFFFFFFF0];
	v9 =	vadd.f32 v9, v13  }
0x179: {  	v10 =	vunpack.i.l.bf16.f32 v10;
	v60 =	vmul.f32 v4, v7;
	v7 =	vperm.xlane v14, v1;
	v14 =	vld [tilespmem:s10+$0xFFFFFFF0]  }
0x17a: {  	v22 =	vld [tilespmem:s15+$0x18];
	v18 =	vunpack.i.l.bf16.f32 v18;
	v10 =	vmul.f32 v10, v8;
	[tilespmem:s17+$0xFFFFFF80] =	vst v6;
	v23 =	vmul.f32 $2.000000030e-01, v9  }
0x17b: {  	[tilespmem:s17+$0x70] =	vst v12;
	v12 =	vld [tilespmem:s10+$0x0];
	vm12 =	vgt.f32 v9, $0.0e+00;
	v13 =	vunpack.i.l.bf16.f32 v17;
	v17 =	vunpack.i.u.bf16.f32 v17  }
0x17c: {  	[tilespmem:s17+$0xFFFFFF90] =	vst v11;
	v8 =	vpop (erf);
	v18 =	vadd.f32 v5, v18;
	v13 =	vmul.f32 v7, v13;
	v17 =	vmul.f32 v7, v17  }
0x17d: {  	s12 =	simm.s32 $0xD580;
	[tilespmem:s9+$0xFFFFFFE0] =	vst v8;
	v5 =	vperm.xlane v8, v1;
	v8 =	vunpack.i.l.bf16.f32 v15;
	v9 =	vsel vm12, v9, v23  }
0x17e: {  	v16 =	vmul.f32 v2, v16;
	v14 =	vadd.f32 v14, v8;
	[tilespmem:s12+$0x50] =	vst v17;
	v17 =	vmul.f32 $1.442695020e+00, v9  }
0x17f: {  	v6 =	vpop (erf);
	v15 =	vunpack.i.l.bf16.f32 v22;
	v8 =	vmul.f32 $2.000000030e-01, v18;
	vm13 =	vgt.f32 v18, $0.0e+00;
	[tilespmem:s12+$0x40] =	vst v13;
	v13 =	vld [tilespmem:s14+$0xFFFFFFB0]  }
0x180: {  	[tilespmem:s9+$0xFFFFFFF0] =	vst v6;
	v61 =	vpop (erf);
	v12 =	vadd.f32 v12, v15;
	v9 =	vld [tilespmem:s14+$0x38];
	v15 =	vmul.f32 $2.000000030e-01, v14;
	(erf) = vpow2.f32 v17  }
0x181: {  	[tilespmem:s9+$0x0] =	vst v61;
	v62 =	vld [tilespmem:s14+$0xFFFFFFD8];
	v18 =	vsel vm13, v18, v8;
	v8 =	vperm.xlane v6, v1;
	vm14 =	vgt.f32 v14, $0.0e+00  }
0x182: {  	[tilespmem:s17+$0xFFFFFFC0] =	vst v19;
	v63 =	vld [tilespmem:s14+$0x0];
	v17 =	vmul.f32 $2.000000030e-01, v12;
	v18 =	vmul.f32 $1.442695020e+00, v18;
	v14 =	vsel vm14, v14, v15  }
0x183: {  	v11 =	vld [tilespmem:s18+$0xFFFFFFC0];
	[tilespmem:s17+$0xFFFFFFD0] =	vst v16;
	v6 =	vperm.xlane v61, v1;
	vm15 =	vgt.f32 v12, $0.0e+00;
	v14 =	vmul.f32 $1.442695020e+00, v14  }
0x184: {  	[tilespmem:s17+$0x0] =	vst v20;
	v12 =	vsel vm15, v12, v17;
	(erf) = vpow2.f32 v18;
	v15 =	vunpack.i.u.bf16.f32 v13  }
0x185: {  	[tilespmem:s17+$0x10] =	vst v60;
	v19 =	vmul.f32 $1.442695020e+00, v12;
	v13 =	vunpack.i.l.bf16.f32 v13;
	v12 =	vld [tilespmem:s18+$0xFFFFFFE8];
	v16 =	vunpack.i.u.bf16.f32 v9  }
0x186: {  	[tilespmem:s17+$0x60] =	vst v10;
	v10 =	vld [tilespmem:s18+$0x10];
	v18 =	vunpack.i.l.bf16.f32 v62;
	(erf) = vpow2.f32 v14;
	v20 =	vmul.f32 v16, v7  }
0x187: {  	v14 =	vunpack.i.u.bf16.f32 v63;
	v17 =	vunpack.i.l.bf16.f32 v63;
	v16 =	vunpack.i.u.bf16.f32 v62  }
0x188: {  	s23 =	simm.s32 $0x8;
	s24 =	simm.s32 $0x8E30;
	s18 =	simm.s32 $0xD580;
	(erf) = vpow2.f32 v19;
	v19 =	vmul.f32 v5, v13;
	v13 =	vunpack.i.u.bf16.f32 v11;
	[tilespmem:s12+$0x70] =	vst v20  }
.LBB2_9:
0x189: {  	v20 =	vld [tilespmem:s24+$0x40];
	s10 =	sadd.s32 $0x40, s10;
	v21 =	vpop (erf);
	v15 =	vmul.f32 v5, v15;
	v18 =	vmul.f32 v8, v18;
	s9 =	sadd.s32 $0x40, s9;
	v11 =	vunpack.i.l.bf16.f32 v11  }
0x18a: {  	s23 =	sadd.s32 $0x4, s23;
	v16 =	vmul.f32 v8, v16;
	v17 =	vmul.f32 v6, v17;
	v23 =	vunpack.i.u.bf16.f32 v12;
	v22 =	vld [tilespmem:s10+$0x10];
	[tilespmem:s9+$0x10] =	vst v21  }
0x18b: {  	v14 =	vmul.f32 v6, v14;
	v12 =	vunpack.i.l.bf16.f32 v12;
	p0 =	slt.u32 s23, $0xFC;
	v24 =	vld [tilespmem:s15+$0x28];
	[tilespmem:s12+$0xFFFFFF80] =	vst v19;
	v19 =	vunpack.i.u.bf16.f32 v10  }
0x18c: {  	v9 =	vunpack.i.l.bf16.f32 v9;
	v10 =	vunpack.i.l.bf16.f32 v10;
	v25 =	vld [tilespmem:s24+$0xFFFFFFF0];
	[tilespmem:s12+$0xFFFFFF90] =	vst v15;
	v15 =	vmul.f32 v11, v3  }
0x18d: {  	v13 =	vmul.f32 v13, v3;
	v3 =	vmov v5;
	v11 =	vld [tilespmem:s24+$0x18];
	[tilespmem:s12+$0xFFFFFFC0] =	vst v18;
	v18 =	vmul.f32 v12, v2  }
0x18e: {  	v12 =	vld [tilespmem:s24+$0xFFFFFFC8];
	v26 =	vunpack.i.l.bf16.f32 v20;
	[tilespmem:s12+$0xFFFFFFD0] =	vst v16;
	v16 =	vmul.f32 v23, v2;
	v20 =	vmul.f32 v10, v4;
	v2 =	vmovc v8  }
0x18f: {  	v21 =	vperm.xlane v21, v1;
	v8 =	vld [tilespmem:s10+$0xFFFFFFE0];
	v10 =	vadd.f32 v22, v26;
	v5 =	vpop (erf);
	[tilespmem:s12+$0x0] =	vst v17;
	v17 =	vmul.f32 v19, v4  }
0x190: {  	v23 =	vmul.f32 v9, v7;
	v19 =	vld [tilespmem:s10+$0xFFFFFFF0];
	[tilespmem:s9+$0xFFFFFFE0] =	vst v5;
	v5 =	vperm.xlane v5, v1;
	v31 =	vunpack.i.l.bf16.f32 v24;
	v22 =	vpop (erf)  }
0x191: {  	v30 =	vunpack.i.u.bf16.f32 v24;
	v26 =	vld [tilespmem:s10+$0x0];
	v9 =	vmul.f32 $2.000000030e-01, v10;
	[tilespmem:s9+$0xFFFFFFF0] =	vst v22;
	v24 =	vmul.f32 v21, v31;
	v27 =	vpop (erf)  }
0x192: {  	v7 =	vmovc v21;
	s12 =	sadd.s32 $0x100, s12;
	v4 =	vmovc v6;
	v25 =	vunpack.i.l.bf16.f32 v25;
	vm0 =	vgt.f32 v10, $0.0e+00;
	v29 =	vmul.f32 v21, v30;
	v28 =	vld [tilespmem:s15+$0xFFFFFFB0];
	[tilespmem:s9+$0x0] =	vst v27  }
0x193: {  	v11 =	vunpack.i.l.bf16.f32 v11;
	v6 =	vunpack.i.l.bf16.f32 v12;
	v9 =	vsel vm0, v10, v9;
	v21 =	vld [tilespmem:s15+$0xFFFFFFD8];
	[tilespmem:s12+$0x40] =	vst v24  }
0x194: {  	v10 =	vadd.f32 v8, v6;
	v12 =	vmul.f32 $1.442695020e+00, v9;
	v8 =	vperm.xlane v22, v1;
	v22 =	vld [tilespmem:s15+$0x0];
	[tilespmem:s12+$0x50] =	vst v29  }
0x195: {  	v6 =	vperm.xlane v27, v1;
	v19 =	vadd.f32 v19, v25;
	v9 =	vld [tilespmem:s15+$0x38];
	[tilespmem:s18+$0x10] =	vst v14  }
0x196: {  	v14 =	vmul.f32 $2.000000030e-01, v10;
	v24 =	vadd.f32 v26, v11;
	(erf) = vpow2.f32 v12;
	v11 =	vld [tilespmem:s14+$0xFFFFFFC0];
	[tilespmem:s17+$0xFFFFFFA0] =	vst v15  }
0x197: {  	vm0 =	vgt.f32 v10, $0.0e+00;
	vm1 =	vgt.f32 v19, $0.0e+00;
	v15 =	vmul.f32 $2.000000030e-01, v19;
	v12 =	vld [tilespmem:s14+$0xFFFFFFE8];
	[tilespmem:s17+$0xFFFFFFB0] =	vst v13  }
0x198: {  	v13 =	vsel vm0, v10, v14;
	vm0 =	vgt.f32 v24, $0.0e+00;
	v14 =	vmul.f32 $2.000000030e-01, v24;
	v10 =	vld [tilespmem:s14+$0x10];
	[tilespmem:s17+$0xFFFFFFE0] =	vst v18;
	s14 =	smov.u32 s15;
	s15 =	smov.u32 s24  }
0x199: {  	v13 =	vmul.f32 $1.442695020e+00, v13;
	v18 =	vsel vm1, v19, v15;
	v15 =	vunpack.i.u.bf16.f32 v28;
	[tilespmem:s17+$0xFFFFFFF0] =	vst v16  }
.Ltmp3:
0x19a: {  	v19 =	vmul.f32 $1.442695020e+00, v18;
	v14 =	vsel vm0, v24, v14;
	v16 =	vunpack.i.u.bf16.f32 v9;
	[tilespmem:s17+$0x20] =	vst v20;
	(pc) =	sbr.rel @p0 .LBB2_9-.Ltmp3, $4  }
0x19b: {  	v24 =	vunpack.i.l.bf16.f32 v28;
	v20 =	vmul.f32 $1.442695020e+00, v14;
	v25 =	vmul.f32 v16, v7;
	[tilespmem:s17+$0x30] =	vst v17;
	s17 =	smov.u32 s18;
	s18 =	smov.u32 s12  }
0x19c: {  	v18 =	vunpack.i.l.bf16.f32 v21;
	v16 =	vunpack.i.u.bf16.f32 v21;
	(erf) = vpow2.f32 v13;
	[tilespmem:s17+$0x60] =	vst v23  }
0x19d: {  	v14 =	vunpack.i.u.bf16.f32 v22;
	v17 =	vunpack.i.l.bf16.f32 v22;
	(erf) = vpow2.f32 v19;
	[tilespmem:s12+$0x70] =	vst v25  }
0x19e: {  	s24 =	sadd.s32 $0xA0, s24;
	v13 =	vunpack.i.u.bf16.f32 v11;
	v19 =	vmul.f32 v5, v24;
	(erf) = vpow2.f32 v20  }
0x19f: {  	v20 =	vpop (erf);
	s9 =	sadd.s32 $0x40, s9  }
0x1a0: {  	v15 =	vmul.f32 v5, v15;
	[tilespmem:s9+$0x10] =	vst v20  }
0x1a1: {  	v18 =	vmul.f32 v8, v18;
	[tilespmem:s12+$0xFFFFFF80] =	vst v19  }
0x1a2: {  	v16 =	vmul.f32 v8, v16;
	[tilespmem:s12+$0xFFFFFF90] =	vst v15  }
0x1a3: {  	v57 =	vmul.f32 v6, v17;
	[tilespmem:s12+$0xFFFFFFC0] =	vst v18  }
0x1a4: {  	v11 =	vunpack.i.l.bf16.f32 v11;
	v14 =	vmul.f32 v6, v14;
	[tilespmem:s12+$0xFFFFFFD0] =	vst v16  }
0x1a5: {  	v11 =	vmul.f32 v11, v3;
	[tilespmem:s12+$0x0] =	vst v57  }
0x1a6: {  	v23 =	vunpack.i.l.bf16.f32 v12;
	v3 =	vmul.f32 v13, v3;
	[tilespmem:s18+$0x10] =	vst v14  }
0x1a7: {  	v25 =	vunpack.i.u.bf16.f32 v12;
	v26 =	vmul.f32 v23, v2;
	[tilespmem:s17+$0xFFFFFFA0] =	vst v11  }
0x1a8: {  	v28 =	vunpack.i.l.bf16.f32 v10;
	v2 =	vmul.f32 v25, v2;
	[tilespmem:s17+$0xFFFFFFB0] =	vst v3  }
0x1a9: {  	v9 =	vunpack.i.l.bf16.f32 v9;
	v29 =	vmul.f32 v28, v4;
	v21 =	vld [tilespmem:s15+$0x28];
	[tilespmem:s17+$0xFFFFFFE0] =	vst v26  }
0x1aa: {  	v31 =	vmul.f32 v9, v7;
	[tilespmem:s17+$0xFFFFFFF0] =	vst v2  }
0x1ab: {  	v3 =	vunpack.i.u.bf16.f32 v10;
	[tilespmem:s17+$0x20] =	vst v29;
	v35 =	vld [tilespmem:s14+$0xFFFFFFC0]  }
0x1ac: {  	[tilespmem:s18+$0x60] =	vst v31;
	v41 =	vld [tilespmem:s14+$0xFFFFFFE8];
	v3 =	vmul.f32 v3, v4;
	v59 =	vpop (erf)  }
0x1ad: {  	v58 =	vperm.xlane v20, v1;
	v43 =	vld [tilespmem:s14+$0x10];
	[tilespmem:s9+$0xFFFFFFE0] =	vst v59  }
0x1ae: {  	[tilespmem:s17+$0x30] =	vst v3;
	v60 =	vunpack.i.l.bf16.f32 v21;
	v61 =	vpop (erf);
	v27 =	vld [tilespmem:s15+$0xFFFFFFB0]  }
0x1af: {  	v62 =	vunpack.i.u.bf16.f32 v21;
	[tilespmem:s9+$0xFFFFFFF0] =	vst v61;
	v15 =	vmul.f32 v58, v60;
	v63 =	vpop (erf)  }
0x1b0: {  	s12 =	sadd.s32 $0x100, s12;
	v19 =	vmul.f32 v58, v62;
	v45 =	vunpack.i.u.bf16.f32 v35;
	[tilespmem:s9+$0x0] =	vst v63;
	v30 =	vld [tilespmem:s15+$0xFFFFFFD8]  }
0x1b1: {  	v49 =	vunpack.i.u.bf16.f32 v41;
	v47 =	vmul.f32 v45, v5;
	[tilespmem:s12+$0x40] =	vst v15  }
0x1b2: {  	v2 =	vperm.xlane v59, v1;
	v50 =	vunpack.i.l.bf16.f32 v43;
	v51 =	vmul.f32 v49, v8;
	[tilespmem:s12+$0x50] =	vst v19;
	v32 =	vld [tilespmem:s15+$0x0]  }
0x1b3: {  	v54 =	vmul.f32 v50, v6;
	[tilespmem:s18+$0xFFFFFFB0] =	vst v47;
	v34 =	vunpack.i.l.bf16.f32 v27  }
0x1b4: {  	v3 =	vperm.xlane v61, v1;
	v24 =	vld [tilespmem:s15+$0x38];
	[tilespmem:s18+$0xFFFFFFF0] =	vst v51;
	v36 =	vunpack.i.u.bf16.f32 v27;
	v37 =	vmul.f32 v2, v34  }
0x1b5: {  	[tilespmem:s18+$0x20] =	vst v54;
	v38 =	vunpack.i.l.bf16.f32 v30;
	v39 =	vmul.f32 v2, v36  }
0x1b6: {  	v40 =	vperm.xlane v63, v1;
	v11 =	vunpack.i.u.bf16.f32 v30;
	v10 =	vmul.f32 v3, v38;
	[tilespmem:s12+$0xFFFFFF80] =	vst v37  }
0x1b7: {  	v42 =	vunpack.i.l.bf16.f32 v32;
	v11 =	vmul.f32 v3, v11;
	[tilespmem:s12+$0xFFFFFF90] =	vst v39  }
0x1b8: {  	v7 =	vunpack.i.u.bf16.f32 v32;
	v4 =	vmul.f32 v40, v42;
	[tilespmem:s12+$0xFFFFFFC0] =	vst v10  }
0x1b9: {  	v33 =	vunpack.i.u.bf16.f32 v24;
	v7 =	vmul.f32 v40, v7;
	[tilespmem:s12+$0xFFFFFFD0] =	vst v11;
	v48 =	vld [tilespmem:s15+$0xFFFFFFC0]  }
0x1ba: {  	v44 =	vunpack.i.l.bf16.f32 v35;
	v9 =	vmul.f32 v33, v58;
	[tilespmem:s12+$0x0] =	vst v4  }
0x1bb: {  	v46 =	vunpack.i.l.bf16.f32 v41;
	v10 =	vmul.f32 v44, v5;
	[tilespmem:s12+$0x10] =	vst v7;
	v52 =	vld [tilespmem:s15+$0xFFFFFFE8]  }
0x1bc: {  	v53 =	vunpack.i.u.bf16.f32 v43;
	v4 =	vmul.f32 v46, v8;
	[tilespmem:s12+$0x70] =	vst v9  }
0x1bd: {  	v55 =	vunpack.i.l.bf16.f32 v24;
	v5 =	vmul.f32 v53, v6;
	[tilespmem:s18+$0xFFFFFFA0] =	vst v10;
	v56 =	vld [tilespmem:s15+$0x10]  }
0x1be: {  	[tilespmem:s18+$0xFFFFFFE0] =	vst v4;
	v4 =	vmul.f32 v55, v58;
	v57 =	vunpack.i.l.bf16.f32 v48  }
0x1bf: {  	[tilespmem:s18+$0x30] =	vst v5;
	v58 =	vunpack.i.u.bf16.f32 v48;
	v59 =	vmul.f32 v57, v2  }
0x1c0: {  	[tilespmem:s12+$0x60] =	vst v4;
	v60 =	vunpack.i.l.bf16.f32 v52;
	v2 =	vmul.f32 v58, v2  }
0x1c1: {  	v61 =	vunpack.i.u.bf16.f32 v52;
	v4 =	vmul.f32 v60, v3;
	[tilespmem:s12+$0xFFFFFFA0] =	vst v59  }
0x1c2: {  	v62 =	vunpack.i.l.bf16.f32 v56;
	v3 =	vmul.f32 v61, v3;
	[tilespmem:s12+$0xFFFFFFB0] =	vst v2  }
0x1c3: {  	v2 =	vunpack.i.u.bf16.f32 v56;
	v63 =	vmul.f32 v62, v40;
	[tilespmem:s12+$0xFFFFFFE0] =	vst v4  }
0x1c4: {  	v2 =	vmul.f32 v2, v40;
	[tilespmem:s12+$0xFFFFFFF0] =	vst v3  }
0x1c5: {  	[tilespmem:s12+$0x20] =	vst v63  }
0x1c6: {  	s13 =	sadd.s32 $0x1, s13;
	s18 =	simm.s32 $0xD400;
	[tilespmem:s12+$0x30] =	vst v2  }
0x1c7: {  	[spmem:s3] =	stream.indirect.scatter.add.f32 [tilespmem:s18], [sflag:$0x4], $0x40, s2, s29, $0xb8;
	[tilespmem:$0x1DC00] =	vst v63  }
0x1c8: {  	s23 =	simm.s32 $0xC400;
	p0 =	sne.s32 s13, $0x14  }
0x1c9: {  	[spmem:s4] =	stream.indirect.scatter.add.f32 [tilespmem:s23], [sflag:$0x4], $0x10, s2, s29, $0xb8;
	[tilespmem:$0x1DC00] =	vst v63  }
.Ltmp4:
0x1ca: {  	_ = 	snop;
	(pc) =	sbr.rel @p0 .LBB2_6-.Ltmp4, $4  }
0x1cb: {  	s24 =	simm.s32 $0xF400  }
0x1cc: {  	[spmem:s3] =	stream.indirect.scatter.add.f32 [tilespmem:s24], [sflag:$0x4], $0x40, s11, s29, $0xb8;
	[tilespmem:$0x1DC00] =	vst v63  }
0x1cd: {  	s26 =	simm.s32 $0xCC00  }
0x1ce: {  	[spmem:s4] =	stream.indirect.scatter.add.f32 [tilespmem:s26], [sflag:$0x4], $0x10, s11, s29, $0xb8;
	[tilespmem:$0x1DC00] =	vst v63  }
0x1cf: {  	s9 =	simm.s32 $0x4  }
0x1d0: {  	_ =	swait.ge [sflag:s9], $0x2000  }
0x1d1: {  	[sflag:s9] =	ssyncset.done $0x0  }
0x1d2: {  	[sflag:s9] =	ssyncadd.s32 $0xFFFFE000  }
0x1d3: {  	_ =	swait.ge [sflag:s9], $0x800  }
0x1d4: {  	[sflag:s9] =	ssyncset.done $0x0  }
0x1d5: {  	[sflag:s9] =	ssyncadd.s32 $0xFFFFF800  }
0x1d6: {  	_ =	swait.ge [sflag:s9], $0x2000  }
0x1d7: {  	[sflag:s9] =	ssyncset.done $0x0  }
0x1d8: {  	[sflag:s9] =	ssyncadd.s32 $0xFFFFE000  }
0x1d9: {  	_ =	swait.ge [sflag:s9], $0x800  }
0x1da: {  	[sflag:s9] =	ssyncset.done $0x0  }
0x1db: {  	[sflag:s9] =	ssyncadd.s32 $0xFFFFF800  }
0x1dc: {  	s17 =	stileid.u32;
	[bflag:$0x0] =	sbarrier.arrive $0xFFFF  }
0x1dd: {  	s9 =	sshll.u32 s17, $0x6;
	s14 =	rddreg [dreg:$0x5]  }
0x1de: {  	s9 =	sor.u32 $0x1C05, s9;
	s12 =	rddreg [dreg:$0xf];
	s10 =	sshrl.u32 s14, $0x3  }
0x1df: {  	[hbm:s12], [sflag:s9] =	dma.local [spmem:s10], $0x1400  }
0x1e0: {  	_ =	swait.ge [sflag:s25], $0x1400  }
0x1e1: {  	[sflag:s25] =	ssyncset.done $0x0;
	s17 =	rddreg [dreg:$0x6]  }
0x1e2: {  	s23 =	rddreg [dreg:$0x10];
	[sflag:s25] =	ssyncadd.s32 $0xFFFFEC00;
	s18 =	sshrl.u32 s17, $0x3  }
0x1e3: {  	[hbm:s23], [sflag:s9] =	dma.local [spmem:s18], $0x500  }
0x1e4: {  	_ =	swait.ge [sflag:s25], $0x500  }
0x1e5: {  	s24 =	rddreg [dreg:$0x12]  }
0x1e6: {  	s26 =	rddreg [dreg:$0x11];
	s10 =	sadd.s32 $0x1, s24  }
0x1e7: {  	p0 =	sne.s32 s10, s26  }
.Ltmp5:
0x1e8: {  	_ = 	snop;
	(pc) =	sbr.rel @p0 .LBB2_1-.Ltmp5, $3  }
0x1e9: {  	_ =	sdelay $0x1  }
0x1ea: {  	[sflag:s25] =	ssyncset.done $0x0  }
0x1eb: {  	[sflag:s25] =	ssyncadd.s32 $0xFFFFFB00  }
0x1ec: {  	_ =	sfence.sel $0x180000  }
0x1ed: {  	[bflag:$0x0] =	sbarrier.arrive $0xFFFF  }
0x1ee: {  	_ =	strace $0x9000004A  }
0x1ef: {  	s0 =	stileid.u32;
	[bflag:$0x2] =	sbarrier.arrive $0xFFFF  }
0x1f0: {  	p0 =	sne.s32 s0, $0x0;
	s0 =	rddreg [dreg:$0x4]  }
0x1f1: {  	s0 =	sadd.s32 @!p0 $0x100000, s0  }
0x1f2: {  	[sflag:s0] =	ssyncadd.tile.s32 @!p0 $0x1;
	_ =	shalt  }
.Lfunc_end2:
_tile_overlayer_lowered:
.L_overlay_start_2:
0x1f3: {  	(tag) =	ssettag $0x2  }
0x1f4: {  	s0 =	rddreg [dreg:$0x0];
	s2 =	stileid.u32  }
0x1f5: {  	s1 =	rddreg [dreg:$0x1];
	p0 =	sne.s32 s2, $0x0  }
0x1f6: {  	s3 =	rddreg [dreg:$0x2];
	[bflag:$0x3] =	sbarrier.arrive $0xFFFF;
	s2 =	simm.s32 @!p0 $0x1C05  }
0x1f7: {  	[timem:s3], [sflag:s2] =	dma.local @!p0 [hbm:s0], s1  }
0x1f8: {  	s0 =	simm.s32 @!p0 $0x5  }
0x1f9: {  	_ =	swait.ge @!p0 [sflag:s0], s1  }
0x1fa: {  	s1 =	ssub.s32 @!p0 $0x0, s1;
	[sflag:s0] =	ssyncset.done @!p0 $0x0  }
0x1fb: {  	[sflag:s0] =	ssyncadd.s32 @!p0 s1  }
0x1fc: {  	[bflag:$0x3] =	sbarrier.arrive $0xFFFF  }
0x1fd: {  	_ =	shalt  }

// kernel: kernel.7.cloned.1.call-start
scs
__scs_entry_jumppad:
0x0: {  	(pc) =	sbr.rel $0x88, $3  }
0x1: {  	(tag) =	ssettag $0x0;
	lr =	simm.s32 $0x1  }
0x2: {  	[smem:$0x3F97] =	sst lr;
	_ =	strace $0xD0000000  }
0x3: {  	_ = 	snop  }
0x4: {  	_ = 	snop  }
0x5: {  	_ = 	snop  }
0x6: {  	_ = 	snop  }
0x7: {  	_ = 	snop  }
__scs_overlays_trampoline_lowered:
0x8: {  	[smem:$0x3FA6] =	sst s0  }
0x9: {  	[smem:$0x3FA7] =	sst s1  }
0xa: {  	[smem:$0x3FA8] =	sst s2  }
0xb: {  	[smem:$0x3FA9] =	sst s3  }
0xc: {  	[smem:$0x3FAA] =	sst s4  }
0xd: {  	[smem:$0x3FAB] =	sst s5  }
0xe: {  	[smem:$0x3FAC] =	sst s6  }
0xf: {  	[smem:$0x3FAD] =	sst s7  }
0x10: {  	[smem:$0x3FAE] =	sst s8  }
0x11: {  	[smem:$0x3FAF] =	sst s9;
	s0 =	simm.s32 @!p0 $0x0  }
0x12: {  	s1 =	sld [smem:$0x3F95];
	s0 =	simm.s32 @p0 $0x1  }
0x13: {  	[smem:$0x3FB0] =	sst s0;
	s0 =	simm.s32 @!p1 $0x0  }
0x14: {  	s2 =	sld [smem:$0x3F94];
	s0 =	simm.s32 @p1 $0x1  }
0x15: {  	[smem:$0x3FB1] =	sst s0;
	s0 =	simm.s32 @!p2 $0x0  }
0x16: {  	s3 =	sld [smem:$0x3FDB];
	s0 =	simm.s32 @p2 $0x1  }
0x17: {  	s4 =	simm.s32 $0x1BF5;
	[smem:$0x3FB3] =	sst s0  }
0x18: {  	s0 =	sld [smem:$0x3F96];
	_ =	swait.ge [sflag:s4], $0x0  }
0x19: {  	s7 =	sld [smem:$0x3F97]  }
0x1a: {  	s8 =	sadd.s32 $0xFFFFE003, lr  }
0x1b: {  	s9 =	sadd.s32 $0xFFFFFEF7, lr;
	s5 =	simm.s32 $0xFFFFFFFF;
	p2 =	slt.u32 s8, $0xFFFFF086  }
0x1c: {  	p1 =	slt.u32 s9, $0xF7A;
	s5 =	simm.s32 @!p2 $0x0  }
0x1d: {  	s5 =	simm.s32 @p1 $0x1;
	p0 =	seq.s32 s7, s2  }
0x1e: {  	s7 =	smul.u32 @!p0 $0xF7A, s2;
	p2 =	seq.s32 @!p0 s5, $0x0  }
0x1f: {  	s9 =	smul.u32 $0xF7A, s1;
	s8 =	simm.s32 @!p0 $0x1BF5;
	p2 =	por !p2, p0  }
0x20: {  	[sflag:s8] =	ssyncset.s32 @!p0 $0xFFFFF086;
	s6 =	sadd.s32 @!p0 s3, s7;
	s7 =	simm.s32 @!p0 $0x108  }
0x21: {  	s3 =	sadd.s32 s3, s9;
	s6 =	sadd.s32 @!p0 $0x88, s6;
	s7 =	simm.s32 @p2 $0x1082  }
0x22: {  	[simem:s7], [sflag:s8] =	dma.local @!p0 [hbm:s6], $0xF7A  }
0x23: {  	s9 =	sor.u32 $0xD0000000, s2;
	s6 =	simm.s32 $0x108;
	_ =	swait.ge @!p0 [sflag:s8], $0x0  }
0x24: {  	s3 =	sadd.s32 $0x88, s3;
	s6 =	simm.s32 @!p1 $0x1082;
	[sflag:s4] =	ssyncset.s32 $0xFFFFF086  }
0x25: {  	[simem:s6], [sflag:s4] =	dma.local [hbm:s3], $0xF7A  }
0x26: {  	[smem:$0x3F97] =	sst s1;
	(tag) =	ssettag s2;
	_ =	strace s9  }
0x27: {  	s1 =	sld [smem:$0x3FA7]  }
0x28: {  	s2 =	sld [smem:$0x3FA8]  }
0x29: {  	s4 =	sld [smem:$0x3FAA]  }
0x2a: {  	p0 =	seq.s32 s5, $0x0;
	s5 =	sld [smem:$0x3FAB]  }
0x2b: {  	s6 =	sld [smem:$0x3FAC]  }
0x2c: {  	s7 =	sld [smem:$0x3FAD]  }
0x2d: {  	s3 =	simm.s32 $0x108;
	s8 =	sld [smem:$0x3FAE]  }
0x2e: {  	s3 =	simm.s32 @!p0 $0x1082;
	s9 =	sld [smem:$0x3FAF]  }
0x2f: {  	lr =	sadd.s32 s0, s3;
	s0 =	sld [smem:$0x3FA6]  }
0x30: {  	s3 =	sld [smem:$0x3FA9]  }
0x31: {  	[smem:$0x3FB2] =	sst s10  }
0x32: {  	s10 =	sld [smem:$0x3FB0];
	_ =	sdelay $0x3  }
0x33: {  	p0 =	seq.s32 s10, $0x1;
	s10 =	sld [smem:$0x3FB2];
	_ =	sdelay $0x3  }
0x34: {  	[smem:$0x3FB2] =	sst s10  }
0x35: {  	s10 =	sld [smem:$0x3FB1];
	_ =	sdelay $0x3  }
0x36: {  	p1 =	seq.s32 s10, $0x1;
	s10 =	sld [smem:$0x3FB2];
	_ =	sdelay $0x3  }
0x37: {  	[smem:$0x3FB2] =	sst s10  }
0x38: {  	s10 =	sld [smem:$0x3FB3]  }
0x39: {  	_ = 	snop;
	(pc) =	sbr.ind lr, $3  }
0x3a: {  	_ = 	snop  }
0x3b: {  	_ = 	snop  }
0x3c: {  	p2 =	seq.s32 s10, $0x1;
	s10 =	sld [smem:$0x3FB2]  }
0x3d: {  	_ =	shalt  }
0x3e: {  	_ =	shalt  }
0x3f: {  	_ =	shalt  }
0x40: {  	_ =	shalt  }
0x41: {  	_ =	shalt  }
0x42: {  	_ =	shalt  }
0x43: {  	_ =	shalt  }
0x44: {  	_ =	shalt  }
0x45: {  	_ =	shalt  }
0x46: {  	_ =	shalt  }
0x47: {  	_ =	shalt  }
0x48: {  	_ =	shalt  }
0x49: {  	_ =	shalt  }
0x4a: {  	_ =	shalt  }
0x4b: {  	_ =	shalt  }
0x4c: {  	_ =	shalt  }
0x4d: {  	_ =	shalt  }
0x4e: {  	_ =	shalt  }
0x4f: {  	_ =	shalt  }
0x50: {  	_ =	shalt  }
0x51: {  	_ =	shalt  }
0x52: {  	_ =	shalt  }
0x53: {  	_ =	shalt  }
0x54: {  	_ =	shalt  }
0x55: {  	_ =	shalt  }
0x56: {  	_ =	shalt  }
0x57: {  	_ =	shalt  }
0x58: {  	_ =	shalt  }
0x59: {  	_ =	shalt  }
0x5a: {  	_ =	shalt  }
0x5b: {  	_ =	shalt  }
0x5c: {  	_ =	shalt  }
0x5d: {  	_ =	shalt  }
0x5e: {  	_ =	shalt  }
0x5f: {  	_ =	shalt  }
0x60: {  	_ =	shalt  }
0x61: {  	_ =	shalt  }
0x62: {  	_ =	shalt  }
0x63: {  	_ =	shalt  }
0x64: {  	_ =	shalt  }
0x65: {  	_ =	shalt  }
0x66: {  	_ =	shalt  }
0x67: {  	_ =	shalt  }
0x68: {  	_ =	shalt  }
0x69: {  	_ =	shalt  }
0x6a: {  	_ =	shalt  }
0x6b: {  	_ =	shalt  }
0x6c: {  	_ =	shalt  }
0x6d: {  	_ =	shalt  }
0x6e: {  	_ =	shalt  }
0x6f: {  	_ =	shalt  }
0x70: {  	_ =	shalt  }
0x71: {  	_ =	shalt  }
0x72: {  	_ =	shalt  }
0x73: {  	_ =	shalt  }
0x74: {  	_ =	shalt  }
0x75: {  	_ =	shalt  }
0x76: {  	_ =	shalt  }
0x77: {  	_ =	shalt  }
0x78: {  	_ =	shalt  }
0x79: {  	_ =	shalt  }
0x7a: {  	_ =	shalt  }
0x7b: {  	_ =	shalt  }
0x7c: {  	_ =	shalt  }
0x7d: {  	_ =	shalt  }
0x7e: {  	_ =	shalt  }
0x7f: {  	_ =	shalt  }
0x80: {  	_ =	shalt  }
0x81: {  	_ =	shalt  }
0x82: {  	_ =	shalt  }
0x83: {  	_ =	shalt  }
0x84: {  	_ =	shalt  }
0x85: {  	_ =	shalt  }
0x86: {  	_ =	shalt  }
0x87: {  	_ =	shalt  }
.Lfunc_end0:
.L_simem_size_0:
called_computation_lowered:
.L_overlay_start_0:
0x88: {  	s2 =	sld [smem:$0x3FD9]  }
0x89: {  	s3 =	sld [smem:$0x3FFE];
	_ =	sdelay $0x1  }
0x8a: {  	s1 =	srdreg.scid  }
0x8b: {  	s0 =	sand.u32 $0x1, s1  }
0x8c: {  	s17 =	sshll.u32 s0, $0xA;
	s2 =	sadd.s32 s3, s2  }
0x8d: {  	s2 =	sadd.s32 s2, s17  }
0x8e: {  	[smem:$0x3FBE] =	sst s2  }
0x8f: {  	_ = 	snop  }
0x90: {  	s2 =	sld [smem:$0x3FD0];
	(tm) =	ssettm $0x1  }
0x91: {  	s18 =	sld [smem:$0x3FFB];
	_ =	sdelay $0x3  }
0x92: {  	_ =	strace s18  }
0x93: {  	s3 =	sld [smem:$0x3FFC];
	_ =	sdelay $0x3  }
0x94: {  	_ =	strace s3  }
0x95: {  	s3 =	sld [smem:$0x3FFD];
	_ =	sdelay $0x3  }
0x96: {  	_ =	strace s3  }
0x97: {  	_ =	strace $0x8FFFFFFF  }
0x98: {  	s19 =	sld [smem:$0x3FDB];
	_ =	sdelay $0x1  }
0x99: {  	s4 =	simm.s32 $_scs_section_size  }
0x9a: {  	s5 =	simm.s32 $_size__tile_overlayer_lowered;
	s6 =	simm.s32 $_tile_overlayer_lowered  }
0x9b: {  	s22 =	simm.s32 $0x1BFF;
	s21 =	sshll.u32 s6, $0x1;
	s3 =	sadd.s32 s4, s19  }
0x9c: {  	s7 =	simm.s32 $0x0;
	s20 =	sshll.u32 s5, $0x1;
	s5 =	sadd.s32 s21, s3  }
0x9d: {  	[timem:s7], [sflag:s22] =	dma.local [hbm:s5], s20  }
0x9e: {  	_ =	swait.ge [sflag:s22], s20  }
0x9f: {  	s4 =	ssub.s32 $0x0, s20;
	[sflag:s22] =	ssyncset.done $0x0  }
0xa0: {  	[sflag:s22] =	ssyncadd.s32 s4;
	_ =	sdelay $0x1  }
0xa1: {  	s23 =	simm.s32 $0x1B8B  }
0xa2: {  	_ =	swait.ge [sflag:s23], $0x1  }
0xa3: {  	[sflag:s23] =	ssyncset.done $0x0  }
0xa4: {  	s25 =	simm.s32 $0x1B8E;
	s24 =	sld [smem:$0x3FFE];
	[sflag:s23] =	ssyncadd.s32 $0xFFFFFFFF  }
0xa5: {  	s26 =	simm.s32 $execute0_lowered;
	[smem:$0x3FD2] =	sst s25  }
0xa6: {  	s5 =	sshll.u32 s26, $0x1;
	_ =	strace $0x80000046;
	[dreg:$0x1] =	wrdreg $0xFFFFFFFF  }
0xa7: {  	s28 =	simm.s32 $_size_execute0_lowered;
	s3 =	sadd.s32 s3, s5;
	[dreg:$0x0] =	wrdreg $0x0  }
0xa8: {  	s5 =	sshll.u32 s28, $0x1;
	[dreg:$0x2] =	wrdreg s3  }
0xa9: {  	[dreg:$0x3] =	wrdreg s5  }
0xaa: {  	[dreg:$0x4] =	wrdreg $0xC0  }
0xab: {  	_ =	task [dreg:s7], $0x5FFFF  }
0xac: {  	[dreg:$0x1] =	wrdreg $0xFFFFFFFF  }
0xad: {  	[dreg:$0x0] =	wrdreg $0x60  }
0xae: {  	[dreg:$0x2] =	wrdreg s24  }
0xaf: {  	[dreg:$0x3] =	wrdreg s2  }
0xb0: {  	[dreg:$0x4] =	wrdreg $0x114000  }
0xb1: {  	[dreg:$0x5] =	wrdreg $0x1B4000  }
0xb2: {  	[dreg:$0x6] =	wrdreg $0x9  }
0xb3: {  	_ =	task.clear_ibuf [dreg:s7], $0x7FFFF;
	_ =	strace $0x90000046  }
0xb4: {  	s29 =	simm.s32 $0x9;
	_ =	strace $0x80000048  }
0xb5: {  	_ =	swait.ge [sflag:s29], $0x1  }
0xb6: {  	[sflag:s29] =	ssyncadd.s32 $0xFFFFFFFF  }
0xb7: {  	_ =	strace $0x90000048  }
0xb8: {  	_ =	sfence  }
0xb9: {  	s30 =	sld [smem:$0x0];
	_ =	sdelay $0x2  }
0xba: {  	s31 =	sshll.u32 s1, $0xD;
	s1 =	sshrl.u32 s1, $0x2  }
0xbb: {  	s3 =	sand.u32 $0x4000, s31;
	s1 =	sadd.s32 s1, s30  }
0xbc: {  	s0 =	sor.u32 s3, s0;
	s1 =	sshll.u32 s1, $0x11  }
0xbd: {  	s0 =	sor.u32 s1, s0  }
0xbe: {  	s0 =	sadd.s32 $0x8F2B, s0  }
0xbf: {  	[sflag:s0] =	ssyncadd.remote.s32 $0x1  }
0xc0: {  	_ =	sfence.sel $0xFFFF  }
0xc1: {  	[dreg:$0x0] =	wrdreg $0xFFFFFFFF;
	(pc) =	sbr.abs _section_cstart, $3  }
0xc2: {  	[dreg:$0x1] =	wrdreg $0xFFFFFFFF  }
0xc3: {  	_ =	task.clear_ibuf [dreg:s7], $0x2FFFF;
	_ =	strace $0x9FFFFFFF  }
0xc4: {  	(tm) =	ssettm $0x7FFFFFFF  }
0xc5: {  	_ =	shalt  }
tec
execute0_lowered:
.L_overlay_start_1:
0x0: {  	(tag) =	ssettag $0x1  }
0x1: {  	s0 =	rddreg [dreg:$0x0]  }
0x2: {  	s1 =	rddreg [dreg:$0x1];
	s2 =	srdreg.scid  }
0x3: {  	s15 =	stileid.u32;
	s3 =	rddreg [dreg:$0x2]  }
0x4: {  	s4 =	rddreg [dreg:$0x3];
	s5 =	simm.s32 $0x0;
	s9 =	smul.u32 $0xA000, s15  }
0x5: {  	s28 =	simm.s32 $0x100;
	s29 =	simm.s32 $0x80;
	s10 =	smul.u32 $0x2800, s15  }
0x6: {  	s2 =	sand.u32 $0x1, s2;
	s14 =	sshll.u32 s15, $0x1;
	s15 =	smul.u32 $0x280, s15  }
0x7: {  	s30 =	simm.s32 $0x180;
	s31 =	simm.s32 $0x8A00;
	s7 =	smul.u32 $0xA0000, s2  }
0x8: {  	[smem:$0x7FF] =	sst s5;
	s6 =	sadd.s32 $0xCC00, s0;
	s8 =	smul.u32 $0x28000, s2  }
0x9: {  	_ =	strace $0x80000047;
	s13 =	ssub.s32 $0x2, s2;
	s2 =	sor.u32 s2, s14  }
0xa: {  	s25 =	sshrl.u32 s13, $0x1;
	s2 =	smul.u32 $0x2800, s2;
	s26 =	sadd.s32 $0x100, s15  }
0xb: {  	s14 =	sadd.s32 s9, s3;
	s17 =	sadd.s32 s10, s4;
	s16 =	sadd.s32 $0x200, s15  }
0xc: {  	s11 =	sadd.s32 s9, s7;
	s7 =	sadd.s32 $0x2C00, s0;
	s12 =	sadd.s32 s10, s8  }
0xd: {  	s8 =	sadd.s32 $0x16C00, s0;
	s10 =	sshll.u32 s26, $0x6;
	[dreg:$0x5] =	wrdreg s14  }
0xe: {  	s18 =	sshll.u32 s16, $0x6;
	[dreg:$0x6] =	wrdreg s17;
	s11 =	sshrl.u32 s11, $0x3  }
0xf: {  	s12 =	sshrl.u32 s12, $0x3;
	s9 =	sadd.s32 s10, s3;
	s10 =	sshll.u32 s16, $0x4  }
0x10: {  	s20 =	sshrl.u32 s2, $0x3;
	s24 =	sor.u32 $0x100, s2;
	[dreg:$0x7] =	wrdreg s9  }
0x11: {  	s2 =	sor.u32 $0x200, s2;
	s11 =	sadd.s32 s11, s0;
	[dreg:$0xf] =	wrdreg s24  }
0x12: {  	s0 =	sadd.s32 s12, s0;
	s19 =	sadd.s32 s10, s4;
	[dreg:$0x10] =	wrdreg s2  }
0x13: {  	s12 =	ssub.s32 s13, s25;
	s21 =	sadd.s32 s6, s20;
	[dreg:$0xa] =	wrdreg s19  }
0x14: {  	s13 =	sshll.u32 s26, $0x4;
	s22 =	sadd.s32 s7, s20;
	[dreg:$0xb] =	wrdreg s21  }
0x15: {  	s16 =	simm.s32 $0x1;
	s9 =	sadd.s32 s13, s4;
	[dreg:$0xc] =	wrdreg s22  }
0x16: {  	s2 =	simm.s32 $0x8B00;
	s25 =	sadd.s32 $0x1BC00, s11;
	[dreg:$0x8] =	wrdreg s9  }
0x17: {  	s10 =	simm.s32 $0x0;
	s0 =	sadd.s32 $0x43C00, s0;
	[dreg:$0x11] =	wrdreg s25  }
0x18: {  	s26 =	smax.u32 s12, $0x1;
	s9 =	sadd.s32 s18, s3;
	[dreg:$0x12] =	wrdreg s0  }
0x19: {  	s11 =	simm.s32 $0x8B80;
	[dreg:$0x9] =	wrdreg s9;
	s9 =	sor.u32 $0x10, s20  }
0x1a: {  	v0 =	vlaneseq.u32;
	s21 =	simm.s32 $0x3;
	[dreg:$0x13] =	wrdreg s26;
	s23 =	sadd.s32 s6, s9  }
0x1b: {  	v2 =	vshrl.u32 v0, $0x2;
	s22 =	simm.s32 $0x2;
	s9 =	sadd.s32 s7, s9;
	[dreg:$0xd] =	wrdreg s23  }
0x1c: {  	v0 =	vimm.f32 $0.0e+00;
	v1 =	vor.u32 $0x8, v2;
	v2 =	vor.u32 $0xC, v2;
	s25 =	simm.s32 $0x5;
	s0 =	simm.s32 $0x8A80;
	[dreg:$0xe] =	wrdreg s9  }
.LBB2_1:
0x1d: {  	[dreg:$0x14] =	wrdreg s10;
	s10 =	simm.s32 $0x4A40  }
0x1e: {  	[tilespmem:s10+$0xFFFFFFC0] =	vst v0  }
0x1f: {  	[tilespmem:s10+$0x30] =	vst v0  }
0x20: {  	[tilespmem:s10+$0x20] =	vst v0  }
0x21: {  	[tilespmem:s10+$0x10] =	vst v0  }
0x22: {  	[tilespmem:s10+$0x0] =	vst v0  }
0x23: {  	[tilespmem:s10+$0xFFFFFFF0] =	vst v0  }
0x24: {  	s12 =	simm.s32 $0x0;
	[tilespmem:s10+$0xFFFFFFE0] =	vst v0  }
.LBB2_2:
0x25: {  	s12 =	sadd.s32 $0x8, s12;
	[tilespmem:s10+$0xFFFFFFD0] =	vst v0;
	s10 =	sadd.s32 $0x80, s10;
	s9 =	simm.s32 $0x3A40  }
0x26: {  	[tilespmem:s10+$0xFFFFFFC0] =	vst v0;
	p0 =	slt.u32 s12, $0x3F8  }
0x27: {  	[tilespmem:s10+$0x30] =	vst v0  }
.Ltmp0:
0x28: {  	[tilespmem:s10+$0x20] =	vst v0;
	(pc) =	sbr.rel @p0 .LBB2_2-.Ltmp0, $4  }
0x29: {  	[tilespmem:s10+$0x10] =	vst v0  }
0x2a: {  	[tilespmem:s10+$0x0] =	vst v0  }
0x2b: {  	[tilespmem:s10+$0xFFFFFFF0] =	vst v0  }
0x2c: {  	[tilespmem:s10+$0xFFFFFFE0] =	vst v0  }
0x2d: {  	[tilespmem:s10+$0xFFFFFFD0] =	vst v0  }
0x2e: {  	[tilespmem:s9+$0xFFFFFFC0] =	vst v0  }
0x2f: {  	[tilespmem:s9+$0x30] =	vst v0  }
0x30: {  	[tilespmem:s9+$0x20] =	vst v0  }
0x31: {  	[tilespmem:s9+$0x10] =	vst v0  }
0x32: {  	[tilespmem:s9+$0x0] =	vst v0  }
0x33: {  	[tilespmem:s9+$0xFFFFFFF0] =	vst v0  }
0x34: {  	s10 =	simm.s32 $0x0;
	[tilespmem:s9+$0xFFFFFFE0] =	vst v0  }
.LBB2_4:
0x35: {  	s10 =	sadd.s32 $0x8, s10;
	[tilespmem:s9+$0xFFFFFFD0] =	vst v0;
	s9 =	sadd.s32 $0x80, s9  }
0x36: {  	[tilespmem:s9+$0xFFFFFFC0] =	vst v0;
	p0 =	slt.u32 s10, $0xF8  }
0x37: {  	[tilespmem:s9+$0x30] =	vst v0  }
.Ltmp1:
0x38: {  	[tilespmem:s9+$0x20] =	vst v0;
	(pc) =	sbr.rel @p0 .LBB2_4-.Ltmp1, $4  }
0x39: {  	[tilespmem:s9+$0x10] =	vst v0  }
0x3a: {  	[tilespmem:s9+$0x0] =	vst v0  }
0x3b: {  	[tilespmem:s9+$0xFFFFFFF0] =	vst v0  }
0x3c: {  	[tilespmem:s9+$0xFFFFFFE0] =	vst v0  }
0x3d: {  	[tilespmem:s9+$0xFFFFFFD0] =	vst v0;
	s10 =	simm.s32 $0x4A00  }
0x3e: {  	[spmem:s14] =	stream.linear.scatter [tilespmem:s10], [sflag:$0x5], $0x4000, $0x38;
	[tilespmem:$0x1DC00] =	vst v63  }
0x3f: {  	_ =	swait.ge [sflag:s25], $0x4000  }
0x40: {  	[sflag:s25] =	ssyncset.done $0x0  }
0x41: {  	s12 =	simm.s32 $0x3A00;
	[sflag:s25] =	ssyncadd.s32 $0xFFFFC000  }
0x42: {  	[spmem:s17] =	stream.linear.scatter [tilespmem:s12], [sflag:$0x5], $0x1000, $0x38;
	[tilespmem:$0x1DC00] =	vst v63  }
0x43: {  	_ =	swait.ge [sflag:s25], $0x1000  }
0x44: {  	[sflag:s25] =	ssyncset.done $0x0  }
0x45: {  	s24 =	rddreg [dreg:$0x7];
	[sflag:s25] =	ssyncadd.s32 $0xFFFFF000  }
0x46: {  	[spmem:s24] =	stream.linear.scatter [tilespmem:s10], [sflag:$0x5], $0x4000, $0x38;
	[tilespmem:$0x1DC00] =	vst v63  }
0x47: {  	_ =	swait.ge [sflag:s25], $0x4000  }
0x48: {  	[sflag:s25] =	ssyncset.done $0x0  }
0x49: {  	s26 =	rddreg [dreg:$0x8];
	[sflag:s25] =	ssyncadd.s32 $0xFFFFC000  }
0x4a: {  	[spmem:s26] =	stream.linear.scatter [tilespmem:s12], [sflag:$0x5], $0x1000, $0x38;
	[tilespmem:$0x1DC00] =	vst v63  }
0x4b: {  	_ =	swait.ge [sflag:s25], $0x1000  }
0x4c: {  	[sflag:s25] =	ssyncset.done $0x0  }
0x4d: {  	s13 =	rddreg [dreg:$0x9];
	[sflag:s25] =	ssyncadd.s32 $0xFFFFF000  }
0x4e: {  	[spmem:s13] =	stream.linear.scatter [tilespmem:s10], [sflag:$0x5], $0x2000, $0x38;
	[tilespmem:$0x1DC00] =	vst v63  }
0x4f: {  	_ =	swait.ge [sflag:s25], $0x2000  }
0x50: {  	[sflag:s25] =	ssyncset.done $0x0  }
0x51: {  	s14 =	rddreg [dreg:$0xa];
	[sflag:s25] =	ssyncadd.s32 $0xFFFFE000  }
0x52: {  	[spmem:s14] =	stream.linear.scatter [tilespmem:s12], [sflag:$0x5], $0x800, $0x38;
	[tilespmem:$0x1DC00] =	vst v63  }
0x53: {  	_ =	swait.ge [sflag:s25], $0x800  }
0x54: {  	[sflag:s25] =	ssyncset.done $0x0  }
0x55: {  	[sflag:s25] =	ssyncadd.s32 $0xFFFFF800  }
0x56: {  	[bflag:$0x0] =	sbarrier.arrive $0xFFFF  }
0x57: {  	s13 =	simm.s32 $0x0;
	s15 =	rddreg [dreg:$0xb]  }
0x58: {  	[tilespmem:s13], [sflag:$0x5] =	stream.linear.gather [hbm4b:s15+s13], $0x80, $0x38;
	[tilespmem:$0x1DC00] =	vst v63  }
0x59: {  	_ =	swait.ge [sflag:s25], $0x80  }
0x5a: {  	[sflag:s25] =	ssyncset.done $0x0  }
0x5b: {  	s17 =	rddreg [dreg:$0xc];
	[sflag:s25] =	ssyncadd.s32 $0xFFFFFF80  }
0x5c: {  	[tilespmem:s28], [sflag:$0x5] =	stream.linear.gather [hbm4b:s17+s13], $0x80, $0x38;
	[tilespmem:$0x1DC00] =	vst v63  }
0x5d: {  	_ =	swait.ge [sflag:s25], $0x80  }
0x5e: {  	[sflag:s25] =	ssyncset.done $0x0  }
0x5f: {  	s18 =	rddreg [dreg:$0xd];
	[sflag:s25] =	ssyncadd.s32 $0xFFFFFF80  }
0x60: {  	[tilespmem:s29], [sflag:$0x5] =	stream.linear.gather [hbm4b:s18+s13], $0x80, $0x38;
	[tilespmem:$0x1DC00] =	vst v63  }
0x61: {  	_ =	swait.ge [sflag:s25], $0x80  }
0x62: {  	[sflag:s25] =	ssyncset.done $0x0  }
0x63: {  	s19 =	rddreg [dreg:$0xe];
	[sflag:s25] =	ssyncadd.s32 $0xFFFFFF80  }
0x64: {  	[tilespmem:s30], [sflag:$0x5] =	stream.linear.gather [hbm4b:s19+s13], $0x80, $0x38;
	[tilespmem:$0x1DC00] =	vst v63  }
0x65: {  	_ =	swait.ge [sflag:s25], $0x80  }
0x66: {  	[sflag:s25] =	ssyncset.done $0x0  }
0x67: {  	s20 =	simm.s32 $0x200;
	[sflag:s25] =	ssyncadd.s32 $0xFFFFFF80  }
0x68: {  	[tilespmem:s20], [sflag:$0x1] =	stream.indirect.gather [hbm4b:s1+s29], $0x28, s13, s29, $0xb8;
	[tilespmem:$0x1DC00] =	vst v63  }
0x69: {  	s23 =	simm.s32 $0x2A00  }
0x6a: {  	[tilespmem:s23], [sflag:$0x1] =	stream.indirect.gather [hbm4b:s8+s29], $0x10, s28, s29, $0xb8;
	[tilespmem:$0x1DC00] =	vst v63  }
0x6b: {  	s24 =	simm.s32 $0x1600  }
0x6c: {  	[tilespmem:s24], [sflag:$0x1] =	stream.indirect.gather [hbm4b:s1+s29], $0x28, s29, s29, $0xb8;
	[tilespmem:$0x1DC00] =	vst v63  }
0x6d: {  	s26 =	simm.s32 $0x3200  }
0x6e: {  	[tilespmem:s26], [sflag:$0x1] =	stream.indirect.gather [hbm4b:s8+s29], $0x10, s30, s29, $0xb8;
	[tilespmem:$0x1DC00] =	vst v63  }
.LBB2_6:
0x6f: {  	p0 =	seq.s32 s13, $0x0  }
0x70: {  	s9 =	simm.s32 @!p0 $0x4  }
0x71: {  	_ =	swait.ge @!p0 [sflag:s9], $0x2000  }
0x72: {  	[sflag:s9] =	ssyncset.done @!p0 $0x0  }
0x73: {  	[sflag:s9] =	ssyncadd.s32 @!p0 $0xFFFFE000  }
0x74: {  	_ =	swait.ge @!p0 [sflag:s9], $0x800  }
0x75: {  	[sflag:s9] =	ssyncset.done @!p0 $0x0  }
0x76: {  	[sflag:s9] =	ssyncadd.s32 @!p0 $0xFFFFF800  }
0x77: {  	_ =	swait.ge @!p0 [sflag:s9], $0x2000  }
0x78: {  	[sflag:s9] =	ssyncset.done @!p0 $0x0  }
0x79: {  	[sflag:s9] =	ssyncadd.s32 @!p0 $0xFFFFE000  }
0x7a: {  	_ =	swait.ge @!p0 [sflag:s9], $0x800  }
0x7b: {  	s14 =	sshll.u32 s13, $0x9;
	s10 =	rddreg [dreg:$0xf]  }
0x7c: {  	s10 =	sadd.s32 s14, s10  }
0x7d: {  	[sflag:s9] =	ssyncset.done @!p0 $0x0;
	s10 =	sshrl.u32 s10, $0x3  }
0x7e: {  	[sflag:s9] =	ssyncadd.s32 @!p0 $0xFFFFF800;
	s23 =	sadd.s32 s6, s10  }
0x7f: {  	[tilespmem:s31], [sflag:$0x5] =	stream.linear.gather [hbm4b:s23+s5], $0x80, $0x38;
	[tilespmem:$0x1DC00] =	vst v63  }
0x80: {  	_ =	swait.ge [sflag:s25], $0x80  }
0x81: {  	[sflag:s25] =	ssyncset.done $0x0  }
0x82: {  	s24 =	sadd.s32 s7, s10;
	[sflag:s25] =	ssyncadd.s32 $0xFFFFFF80  }
0x83: {  	[tilespmem:s2], [sflag:$0x5] =	stream.linear.gather [hbm4b:s24+s5], $0x80, $0x38;
	[tilespmem:$0x1DC00] =	vst v63  }
0x84: {  	_ =	swait.ge [sflag:s25], $0x80  }
0x85: {  	s26 =	sor.u32 $0x10, s10;
	[sflag:s25] =	ssyncset.done $0x0  }
0x86: {  	s10 =	sadd.s32 s6, s26;
	[sflag:s25] =	ssyncadd.s32 $0xFFFFFF80  }
0x87: {  	[tilespmem:s0], [sflag:$0x5] =	stream.linear.gather [hbm4b:s10+s5], $0x80, $0x38;
	[tilespmem:$0x1DC00] =	vst v63  }
0x88: {  	_ =	swait.ge [sflag:s25], $0x80  }
0x89: {  	[sflag:s25] =	ssyncset.done $0x0  }
0x8a: {  	s9 =	sadd.s32 s7, s26;
	[sflag:s25] =	ssyncadd.s32 $0xFFFFFF80  }
0x8b: {  	[tilespmem:s11], [sflag:$0x5] =	stream.linear.gather [hbm4b:s9+s5], $0x80, $0x38;
	[tilespmem:$0x1DC00] =	vst v63  }
0x8c: {  	_ =	swait.ge [sflag:s25], $0x80  }
0x8d: {  	[sflag:s25] =	ssyncset.done $0x0  }
0x8e: {  	s12 =	simm.s32 $0x8C00;
	[sflag:s25] =	ssyncadd.s32 $0xFFFFFF80  }
0x8f: {  	[tilespmem:s12], [sflag:$0x2] =	stream.indirect.gather [hbm4b:s1+s29], $0x28, s31, s29, $0xb8;
	[tilespmem:$0x1DC00] =	vst v63  }
0x90: {  	s15 =	simm.s32 $0xB400  }
0x91: {  	[tilespmem:s15], [sflag:$0x2] =	stream.indirect.gather [hbm4b:s8+s29], $0x10, s2, s29, $0xb8;
	[tilespmem:$0x1DC00] =	vst v63  }
0x92: {  	s17 =	simm.s32 $0xA000  }
0x93: {  	[tilespmem:s17], [sflag:$0x2] =	stream.indirect.gather [hbm4b:s1+s29], $0x28, s0, s29, $0xb8;
	[tilespmem:$0x1DC00] =	vst v63  }
0x94: {  	s18 =	simm.s32 $0xBC00  }
0x95: {  	[tilespmem:s18], [sflag:$0x2] =	stream.indirect.gather [hbm4b:s8+s29], $0x10, s11, s29, $0xb8;
	[tilespmem:$0x1DC00] =	vst v63  }
0x96: {  	_ =	swait.ge [sflag:s16], $0x1400  }
0x97: {  	[sflag:s16] =	ssyncset.done $0x0  }
0x98: {  	[sflag:s16] =	ssyncadd.s32 $0xFFFFEC00  }
0x99: {  	_ =	swait.ge [sflag:s16], $0x800  }
0x9a: {  	[sflag:s16] =	ssyncset.done $0x0  }
0x9b: {  	[sflag:s16] =	ssyncadd.s32 $0xFFFFF800  }
0x9c: {  	_ =	swait.ge [sflag:s16], $0x1400  }
0x9d: {  	[sflag:s16] =	ssyncset.done $0x0  }
0x9e: {  	[sflag:s16] =	ssyncadd.s32 $0xFFFFEC00  }
0x9f: {  	_ =	swait.ge [sflag:s16], $0x800  }
0xa0: {  	[sflag:s16] =	ssyncset.done $0x0  }
0xa1: {  	s18 =	simm.s32 $0x250;
	[sflag:s16] =	ssyncadd.s32 $0xFFFFF800  }
0xa2: {  	v3 =	vld [tilespmem:s18+$0xFFFFFFF0]  }
0xa3: {  	s19 =	simm.s32 $0x2A20;
	v4 =	vld [tilespmem:s18+$0x18]  }
0xa4: {  	v5 =	vld [tilespmem:s19+$0x0]  }
0xa5: {  	v6 =	vld [tilespmem:s19+$0xFFFFFFF0];
	_ =	sdelay $0x2  }
0xa6: {  	v7 =	vld [tilespmem:s18+$0x40];
	v4 =	vunpack.i.l.bf16.f32 v4  }
0xa7: {  	v3 =	vunpack.i.l.bf16.f32 v3;
	v4 =	vadd.f32 v5, v4;
	v5 =	vld [tilespmem:s19+$0x10]  }
0xa8: {  	v3 =	vadd.f32 v6, v3  }
0xa9: {  	v6 =	vmul.f32 $2.000000030e-01, v4  }
0xaa: {  	vm0 =	vgt.f32 v4, $0.0e+00;
	v8 =	vmul.f32 $2.000000030e-01, v3  }
0xab: {  	vm7 =	vgt.f32 v3, $0.0e+00;
	v4 =	vsel vm0, v4, v6;
	v6 =	vunpack.i.l.bf16.f32 v7  }
0xac: {  	v3 =	vsel vm7, v3, v8;
	v4 =	vmul.f32 $1.442695020e+00, v4;
	v5 =	vadd.f32 v5, v6  }
0xad: {  	v3 =	vmul.f32 $1.442695020e+00, v3;
	v6 =	vld [tilespmem:s18+$0xFFFFFFC8]  }
0xae: {  	s15 =	simm.s32 $0x2F0;
	(erf) = vpow2.f32 v4;
	v4 =	vld [tilespmem:s19+$0xFFFFFFE0];
	v7 =	vmul.f32 $2.000000030e-01, v5  }
0xaf: {  	s20 =	simm.s32 $0x2A60;
	vm8 =	vgt.f32 v5, $0.0e+00;
	(erf) = vpow2.f32 v3;
	v3 =	vld [tilespmem:s15+$0x18]  }
0xb0: {  	v5 =	vsel vm8, v5, v7;
	v7 =	vld [tilespmem:s20+$0x0];
	_ =	sdelay $0x1  }
0xb1: {  	v9 =	vld [tilespmem:s15+$0x40]  }
0xb2: {  	v11 =	vld [tilespmem:s20+$0x10];
	v5 =	vmul.f32 $1.442695020e+00, v5;
	v6 =	vunpack.i.l.bf16.f32 v6  }
0xb3: {  	v8 =	vld [tilespmem:s15+$0xFFFFFFF0];
	v4 =	vadd.f32 v4, v6;
	v3 =	vunpack.i.l.bf16.f32 v3  }
0xb4: {  	(erf) = vpow2.f32 v5;
	v5 =	vld [tilespmem:s20+$0xFFFFFFF0];
	v3 =	vadd.f32 v7, v3  }
0xb5: {  	v10 =	vmul.f32 $2.000000030e-01, v4  }
0xb6: {  	s23 =	simm.s32 $0x3A20;
	v6 =	vld [tilespmem:s15+$0xFFFFFFC8];
	vm9 =	vgt.f32 v4, $0.0e+00;
	v7 =	vpop (erf);
	v12 =	vmul.f32 $2.000000030e-01, v3  }
0xb7: {  	v4 =	vsel vm9, v4, v10;
	v10 =	vld [tilespmem:s20+$0xFFFFFFE0];
	vm10 =	vgt.f32 v3, $0.0e+00;
	v13 =	vpop (erf);
	[tilespmem:s23+$0x0] =	vst v7  }
0xb8: {  	v9 =	vunpack.i.l.bf16.f32 v9;
	v8 =	vunpack.i.l.bf16.f32 v8;
	[tilespmem:s23+$0xFFFFFFF0] =	vst v13;
	v3 =	vsel vm10, v3, v12;
	v12 =	vld [tilespmem:s18+$0x0]  }
0xb9: {  	v9 =	vadd.f32 v11, v9;
	v5 =	vadd.f32 v5, v8;
	v8 =	vld [tilespmem:s18+$0xFFFFFFD8]  }
0xba: {  	v3 =	vmul.f32 $1.442695020e+00, v3  }
0xbb: {  	vm1 =	vgt.f32 v9, $0.0e+00;
	v11 =	vmul.f32 $1.442695020e+00, v4;
	v15 =	vperm.xlane v13, v1  }
0xbc: {  	s17 =	simm.s32 $0x390;
	v6 =	vunpack.i.l.bf16.f32 v6;
	v4 =	vmul.f32 $2.000000030e-01, v5;
	(erf) = vpow2.f32 v3  }
0xbd: {  	s12 =	simm.s32 $0x2AA0;
	v16 =	vld [tilespmem:s17+$0xFFFFFFF0];
	v6 =	vadd.f32 v10, v6;
	v10 =	vmul.f32 $2.000000030e-01, v9;
	(erf) = vpow2.f32 v11  }
0xbe: {  	v3 =	vpop (erf);
	v20 =	vunpack.i.u.bf16.f32 v12;
	v11 =	vunpack.i.l.bf16.f32 v12;
	v12 =	vld [tilespmem:s12+$0x0];
	v18 =	vunpack.i.u.bf16.f32 v8  }
0xbf: {  	vm11 =	vgt.f32 v5, $0.0e+00;
	v9 =	vsel vm1, v9, v10;
	[tilespmem:s23+$0x10] =	vst v3;
	v10 =	vmul.f32 v15, v18;
	v18 =	vld [tilespmem:s17+$0x18]  }
0xc0: {  	v14 =	vperm.xlane v7, v1;
	v5 =	vsel vm11, v5, v4;
	v19 =	vld [tilespmem:s18+$0x28]  }
0xc1: {  	v5 =	vmul.f32 $1.442695020e+00, v5  }
0xc2: {  	v17 =	vmul.f32 $2.000000030e-01, v6;
	v8 =	vunpack.i.l.bf16.f32 v8;
	v20 =	vmul.f32 v14, v20  }
0xc3: {  	s9 =	simm.s32 $0x4A80;
	v16 =	vunpack.i.l.bf16.f32 v16;
	(erf) = vpow2.f32 v5;
	v5 =	vld [tilespmem:s12+$0xFFFFFFF0];
	v8 =	vmul.f32 v15, v8  }
0xc4: {  	v21 =	vmul.f32 v14, v11;
	v14 =	vld [tilespmem:s17+$0xFFFFFFC8];
	[tilespmem:s9+$0xFFFFFFD0] =	vst v10;
	v10 =	vperm.xlane v3, v1;
	v18 =	vunpack.i.l.bf16.f32 v18  }
0xc5: {  	vm12 =	vgt.f32 v6, $0.0e+00;
	[tilespmem:s9+$0xFFFFFFC0] =	vst v8;
	v8 =	vunpack.i.l.bf16.f32 v19;
	v18 =	vadd.f32 v12, v18  }
0xc6: {  	v11 =	vld [tilespmem:s17+$0x40];
	v9 =	vmul.f32 $1.442695020e+00, v9;
	v19 =	vunpack.i.u.bf16.f32 v19;
	v8 =	vmul.f32 v10, v8  }
0xc7: {  	v15 =	vld [tilespmem:s12+$0x10];
	v6 =	vsel vm12, v6, v17;
	v10 =	vmul.f32 v10, v19;
	v19 =	vmul.f32 $2.000000030e-01, v18  }
0xc8: {  	v17 =	vld [tilespmem:s12+$0xFFFFFFE0];
	(erf) = vpow2.f32 v9;
	[tilespmem:s9+$0x40] =	vst v8;
	vm13 =	vgt.f32 v18, $0.0e+00;
	v8 =	vadd.f32 v5, v16  }
0xc9: {  	v5 =	vunpack.i.l.bf16.f32 v14;
	v14 =	vmul.f32 $1.442695020e+00, v6;
	v6 =	vsel vm13, v18, v19;
	_ =	sdelay $0x1  }
0xca: {  	v4 =	vperm.xlane v3, v2;
	v11 =	vunpack.i.l.bf16.f32 v11;
	v3 =	vpop (erf);
	v12 =	vld [tilespmem:s18+$0xFFFFFFE8]  }
0xcb: {  	v7 =	vperm.xlane v7, v2;
	[tilespmem:s9+$0x50] =	vst v10;
	v16 =	vadd.f32 v15, v11;
	v10 =	vmul.f32 $1.442695020e+00, v6;
	v6 =	vpop (erf)  }
0xcc: {  	s24 =	simm.s32 $0x3A60;
	[tilespmem:s9+$0x0] =	vst v21;
	v9 =	vperm.xlane v3, v1;
	v11 =	vld [tilespmem:s18+$0x38];
	v22 =	vadd.f32 v17, v5;
	v15 =	vmul.f32 $2.000000030e-01, v8;
	v5 =	vpop (erf)  }
0xcd: {  	vm14 =	vgt.f32 v8, $0.0e+00;
	vm15 =	vgt.f32 v16, $0.0e+00;
	(erf) = vpow2.f32 v10;
	[tilespmem:s24+$0xFFFFFFF0] =	vst v5  }
0xce: {  	[tilespmem:s24+$0x0] =	vst v3;
	v18 =	vmul.f32 $2.000000030e-01, v16;
	v23 =	vsel vm14, v8, v15;
	v15 =	vperm.xlane v13, v2;
	v21 =	vld [tilespmem:s15+$0xFFFFFFD8]  }
0xcf: {  	[tilespmem:s9+$0x10] =	vst v20;
	v19 =	vld [tilespmem:s15+$0x0];
	v20 =	vunpack.i.u.bf16.f32 v12;
	vm2 =	vgt.f32 v22, $0.0e+00;
	v13 =	vmul.f32 $2.000000030e-01, v22  }
0xd0: {  	v16 =	vsel vm15, v16, v18;
	v10 =	vld [tilespmem:s18+$0x10];
	v18 =	vmul.f32 $1.442695020e+00, v23;
	[tilespmem:s23+$0xFFFFFFE0] =	vst v6;
	v23 =	vmul.f32 v15, v20  }
0xd1: {  	s26 =	simm.s32 $0x8;
	s10 =	simm.s32 $0x3AA0;
	s19 =	simm.s32 $0x2AE0;
	v24 =	vunpack.i.u.bf16.f32 v11;
	v13 =	vsel vm2, v22, v13;
	v17 =	vpop (erf);
	v20 =	vld [tilespmem:s18+$0xFFFFFFB0];
	v22 =	vperm.xlane v5, v1  }
0xd2: {  	s20 =	simm.s32 $0x430;
	s12 =	simm.s32 $0x4B80;
	s23 =	simm.s32 $0x4B80;
	v24 =	vmul.f32 v4, v24;
	v8 =	vperm.xlane v17, v2  }
.LBB2_7:
0xd3: {  	s26 =	sadd.s32 $0x4, s26;
	v25 =	vunpack.i.u.bf16.f32 v21;
	v21 =	vunpack.i.l.bf16.f32 v21;
	s12 =	sadd.s32 $0x100, s12;
	v12 =	vunpack.i.l.bf16.f32 v12  }
0xd4: {  	v26 =	vld [tilespmem:s20+$0xFFFFFFF0];
	p0 =	slt.u32 s26, $0xFC;
	v25 =	vmul.f32 v22, v25;
	v27 =	vunpack.i.u.bf16.f32 v19;
	[tilespmem:s24+$0x10] =	vst v17;
	(erf) = vpow2.f32 v14  }
0xd5: {  	v28 =	vperm.xlane v6, v1;
	v14 =	vunpack.i.l.bf16.f32 v19;
	v19 =	vmul.f32 v9, v27;
	v27 =	vld [tilespmem:s15+$0x28];
	[tilespmem:s9+$0x70] =	vst v24  }
0xd6: {  	v14 =	vmul.f32 v9, v14;
	v9 =	vunpack.i.l.bf16.f32 v20;
	v24 =	vld [tilespmem:s20+$0x18];
	v29 =	vpop (erf);
	[tilespmem:s9+$0xFFFFFFF0] =	vst v23;
	v23 =	vunpack.i.l.bf16.f32 v10  }
0xd7: {  	v17 =	vperm.xlane v17, v1;
	v20 =	vunpack.i.u.bf16.f32 v20;
	v9 =	vmul.f32 v28, v9;
	v30 =	vld [tilespmem:s20+$0x40];
	[tilespmem:s23+$0xFFFFFFD0] =	vst v25  }
0xd8: {  	v11 =	vunpack.i.l.bf16.f32 v11;
	v25 =	vld [tilespmem:s19+$0x0];
	(erf) = vpow2.f32 v18;
	v18 =	vmul.f32 v22, v21;
	[tilespmem:s23+$0x10] =	vst v19  }
0xd9: {  	v21 =	vmul.f32 v4, v11;
	v4 =	vmovc v8;
	v19 =	vld [tilespmem:s20+$0xFFFFFFC8];
	[tilespmem:s9+$0xFFFFFF80] =	vst v9;
	v9 =	vmul.f32 v28, v20;
	v20 =	vunpack.i.u.bf16.f32 v10  }
0xda: {  	v15 =	vmul.f32 v15, v12;
	v8 =	vld [tilespmem:s19+$0x10];
	[tilespmem:s23+$0xFFFFFFC0] =	vst v18;
	v11 =	vunpack.i.u.bf16.f32 v27;
	v10 =	vunpack.i.l.bf16.f32 v27  }
0xdb: {  	v12 =	vmul.f32 $1.442695020e+00, v16;
	v18 =	vld [tilespmem:s19+$0xFFFFFFF0];
	v27 =	vmul.f32 v17, v10;
	[tilespmem:s9+$0xFFFFFF90] =	vst v9  }
0xdc: {  	v23 =	vmul.f32 v7, v23;
	v10 =	vunpack.i.l.bf16.f32 v24;
	v9 =	vperm.xlane v29, v1;
	[tilespmem:s23+$0x0] =	vst v14;
	v22 =	vld [tilespmem:s18+$0xFFFFFFC0];
	s18 =	smov.u32 s15;
	s15 =	smov.u32 s17;
	s17 =	smov.u32 s20  }
0xdd: {  	v11 =	vmul.f32 v17, v11;
	v24 =	vadd.f32 v25, v10;
	(erf) = vpow2.f32 v12;
	v10 =	vld [tilespmem:s18+$0x10];
	[tilespmem:s23+$0x40] =	vst v27;
	v16 =	vpop (erf)  }
0xde: {  	v17 =	vunpack.i.l.bf16.f32 v26;
	v25 =	vunpack.i.l.bf16.f32 v30;
	v12 =	vld [tilespmem:s18+$0xFFFFFFE8];
	[tilespmem:s9+$0xFFFFFFE0] =	vst v15;
	v15 =	vmul.f32 v7, v20  }
0xdf: {  	v7 =	vperm.xlane v3, v2;
	v3 =	vmovc v29;
	v20 =	vld [tilespmem:s19+$0xFFFFFFE0];
	vm0 =	vgt.f32 v24, $0.0e+00;
	v26 =	vmul.f32 $2.000000030e-01, v24;
	[tilespmem:s23+$0x50] =	vst v11  }
0xe0: {  	v14 =	vmul.f32 $1.442695020e+00, v13;
	v13 =	vperm.xlane v6, v2;
	v19 =	vunpack.i.l.bf16.f32 v19;
	v6 =	vmovc v16;
	[tilespmem:s9+$0x20] =	vst v23  }
0xe1: {  	v16 =	vadd.f32 v18, v17;
	v11 =	vsel vm0, v24, v26;
	v18 =	vpop (erf);
	v17 =	vunpack.i.u.bf16.f32 v22;
	[tilespmem:s9+$0x30] =	vst v15  }
0xe2: {  	v8 =	vadd.f32 v8, v25;
	v22 =	vunpack.i.l.bf16.f32 v22;
	v15 =	vmul.f32 $1.442695020e+00, v11;
	[tilespmem:s10+$0xFFFFFFF0] =	vst v18  }
0xe3: {  	vm0 =	vgt.f32 v16, $0.0e+00;
	v23 =	vmul.f32 $2.000000030e-01, v16;
	[tilespmem:s24+$0xFFFFFFE0] =	vst v6;
	v24 =	vunpack.i.u.bf16.f32 v12;
	v11 =	vld [tilespmem:s18+$0x38];
	s24 =	smov.u32 s10  }
0xe4: {  	v25 =	vadd.f32 v20, v19;
	(erf) = vpow2.f32 v15;
	v20 =	vmul.f32 v13, v22;
	[tilespmem:s9+$0x60] =	vst v21  }
.Ltmp2:
0xe5: {  	vm1 =	vgt.f32 v8, $0.0e+00;
	v22 =	vmul.f32 $2.000000030e-01, v8;
	v13 =	vmul.f32 v13, v17;
	v21 =	vld [tilespmem:s15+$0xFFFFFFD8];
	[tilespmem:s10+$0x0] =	vst v3;
	(pc) =	sbr.rel @p0 .LBB2_7-.Ltmp2, $4  }
0xe6: {  	v23 =	vsel vm0, v16, v23;
	v15 =	vperm.xlane v5, v2;
	vm2 =	vgt.f32 v25, $0.0e+00;
	v19 =	vld [tilespmem:s15+$0x0];
	v17 =	vpop (erf);
	[tilespmem:s9+$0xFFFFFFA0] =	vst v20  }
0xe7: {  	v5 =	vmovc v18;
	v26 =	vmul.f32 $2.000000030e-01, v25;
	v16 =	vsel vm1, v8, v22;
	v8 =	vperm.xlane v17, v2;
	v20 =	vld [tilespmem:s18+$0xFFFFFFB0];
	[tilespmem:s9+$0xFFFFFFB0] =	vst v13;
	s9 =	smov.u32 s23;
	s23 =	smov.u32 s12  }
0xe8: {  	v18 =	vmul.f32 $1.442695020e+00, v23;
	v23 =	vmul.f32 v15, v24;
	v24 =	vunpack.i.u.bf16.f32 v11  }
0xe9: {  	s20 =	sadd.s32 $0xA0, s20;
	s19 =	sadd.s32 $0x40, s19;
	s10 =	sadd.s32 $0x40, s10;
	v22 =	vperm.xlane v5, v1;
	v13 =	vsel vm2, v25, v26;
	v24 =	vmul.f32 v4, v24  }
0xea: {  	v25 =	vunpack.i.u.bf16.f32 v21;
	[tilespmem:s24+$0x10] =	vst v17;
	v21 =	vunpack.i.l.bf16.f32 v21  }
0xeb: {  	[tilespmem:s9+$0xFFFFFFF0] =	vst v23;
	(erf) = vpow2.f32 v14;
	v12 =	vunpack.i.l.bf16.f32 v12;
	v25 =	vmul.f32 v22, v25  }
0xec: {  	v26 =	vunpack.i.u.bf16.f32 v19;
	[tilespmem:s9+$0x70] =	vst v24;
	(erf) = vpow2.f32 v18;
	v18 =	vmul.f32 v22, v21  }
0xed: {  	v24 =	vperm.xlane v6, v1;
	v19 =	vunpack.i.l.bf16.f32 v19;
	v12 =	vmul.f32 v15, v12;
	[tilespmem:s23+$0xFFFFFFD0] =	vst v25  }
0xee: {  	v27 =	vld [tilespmem:s15+$0x28];
	v26 =	vmul.f32 v9, v26;
	v23 =	vunpack.i.l.bf16.f32 v20;
	v9 =	vmul.f32 v9, v19;
	[tilespmem:s23+$0xFFFFFFC0] =	vst v18  }
0xef: {  	v14 =	vmul.f32 v24, v23;
	[tilespmem:s9+$0xFFFFFFE0] =	vst v12  }
0xf0: {  	v20 =	vunpack.i.u.bf16.f32 v20;
	[tilespmem:s23+$0x0] =	vst v9  }
0xf1: {  	v17 =	vperm.xlane v17, v1;
	v9 =	vunpack.i.l.bf16.f32 v10;
	[tilespmem:s9+$0xFFFFFF80] =	vst v14;
	v14 =	vmul.f32 v24, v20;
	v12 =	vpop (erf)  }
0xf2: {  	v15 =	vmul.f32 $1.442695020e+00, v16;
	v10 =	vunpack.i.u.bf16.f32 v10;
	v9 =	vmul.f32 v7, v9;
	[tilespmem:s10+$0x0] =	vst v12  }
0xf3: {  	v7 =	vmul.f32 v7, v10;
	v18 =	vunpack.i.l.bf16.f32 v27;
	[tilespmem:s9+$0xFFFFFF90] =	vst v14  }
0xf4: {  	(erf) = vpow2.f32 v15;
	v18 =	vmul.f32 v17, v18;
	v14 =	vunpack.i.u.bf16.f32 v27;
	[tilespmem:s9+$0x20] =	vst v9;
	v16 =	vld [tilespmem:s18+$0xFFFFFFC0]  }
0xf5: {  	[tilespmem:s9+$0x30] =	vst v7;
	v14 =	vmul.f32 v17, v14  }
0xf6: {  	v11 =	vunpack.i.l.bf16.f32 v11;
	v17 =	vld [tilespmem:s17+$0x0];
	[tilespmem:s23+$0x40] =	vst v18;
	v10 =	vpop (erf)  }
0xf7: {  	v4 =	vmul.f32 v4, v11;
	[tilespmem:s23+$0x50] =	vst v14;
	v9 =	vpop (erf);
	v14 =	vld [tilespmem:s15+$0xFFFFFFE8]  }
0xf8: {  	v6 =	vperm.xlane v6, v2;
	v7 =	vld [tilespmem:s15+$0x38];
	[tilespmem:s10+$0xFFFFFFF0] =	vst v9  }
0xf9: {  	v5 =	vperm.xlane v5, v2;
	v11 =	vmul.f32 $1.442695020e+00, v13;
	[tilespmem:s9+$0x60] =	vst v4;
	v15 =	vld [tilespmem:s17+$0xFFFFFFD8];
	v13 =	vunpack.i.l.bf16.f32 v16  }
0xfa: {  	v18 =	vperm.xlane v12, v1;
	[tilespmem:s24+$0xFFFFFFE0] =	vst v10;
	v16 =	vunpack.i.u.bf16.f32 v16;
	v13 =	vmul.f32 v6, v13  }
0xfb: {  	[tilespmem:s23+$0x10] =	vst v26;
	(erf) = vpow2.f32 v11;
	v4 =	vmul.f32 v6, v16;
	v6 =	vld [tilespmem:s15+$0xFFFFFFB0]  }
0xfc: {  	v21 =	vperm.xlane v10, v1;
	v20 =	vunpack.i.u.bf16.f32 v17;
	[tilespmem:s9+$0xFFFFFFA0] =	vst v13;
	v13 =	vunpack.i.u.bf16.f32 v14  }
0xfd: {  	v11 =	vunpack.i.u.bf16.f32 v7;
	v16 =	vpop (erf);
	[tilespmem:s9+$0xFFFFFFB0] =	vst v4;
	v4 =	vperm.xlane v9, v1;
	v13 =	vmul.f32 v5, v13  }
0xfe: {  	v14 =	vunpack.i.l.bf16.f32 v14;
	v11 =	vmul.f32 v8, v11;
	v19 =	vunpack.i.u.bf16.f32 v15;
	[tilespmem:s10+$0x10] =	vst v16  }
0xff: {  	v5 =	vmul.f32 v5, v14;
	v19 =	vmul.f32 v4, v19;
	[tilespmem:s23+$0xFFFFFFF0] =	vst v13;
	v13 =	vunpack.i.l.bf16.f32 v15  }
0x100: {  	[tilespmem:s23+$0x70] =	vst v11;
	v11 =	vmul.f32 v18, v20;
	v20 =	vld [tilespmem:s17+$0x28];
	v22 =	vunpack.i.l.bf16.f32 v6;
	v4 =	vmul.f32 v4, v13  }
0x101: {  	s26 =	sadd.s32 $0x100, s12;
	[tilespmem:s23+$0xFFFFFFE0] =	vst v5;
	v15 =	vmul.f32 v21, v22  }
0x102: {  	[tilespmem:s26+$0x10] =	vst v11  }
0x103: {  	v6 =	vunpack.i.u.bf16.f32 v6;
	v11 =	vld [tilespmem:s15+$0x10];
	[tilespmem:s23+$0xFFFFFF80] =	vst v15  }
0x104: {  	v13 =	vunpack.i.l.bf16.f32 v17;
	v6 =	vmul.f32 v21, v6;
	v15 =	vperm.xlane v16, v1;
	[tilespmem:s26+$0xFFFFFFC0] =	vst v4;
	v4 =	vpop (erf)  }
0x105: {  	v13 =	vmul.f32 v18, v13;
	v17 =	vunpack.i.l.bf16.f32 v20;
	[tilespmem:s10+$0xFFFFFFE0] =	vst v4  }
0x106: {  	[tilespmem:s23+$0xFFFFFF90] =	vst v6;
	v18 =	vunpack.i.u.bf16.f32 v20;
	v17 =	vmul.f32 v15, v17;
	v6 =	vld [tilespmem:s17+$0xFFFFFFB0]  }
0x107: {  	v3 =	vperm.xlane v3, v2;
	[tilespmem:s26+$0x0] =	vst v13;
	v13 =	vmul.f32 v15, v18  }
0x108: {  	v7 =	vunpack.i.l.bf16.f32 v7;
	v14 =	vld [tilespmem:s15+$0xFFFFFFC0];
	v15 =	vunpack.i.l.bf16.f32 v11;
	[tilespmem:s26+$0x40] =	vst v17  }
0x109: {  	v7 =	vmul.f32 v8, v7;
	v11 =	vunpack.i.u.bf16.f32 v11;
	v15 =	vmul.f32 v3, v15;
	[tilespmem:s26+$0x50] =	vst v13  }
0x10a: {  	[tilespmem:s26+$0xFFFFFFD0] =	vst v19;
	v3 =	vmul.f32 v3, v11;
	v11 =	vperm.xlane v4, v1;
	v5 =	vld [tilespmem:s17+$0x38]  }
0x10b: {  	[tilespmem:s23+$0x60] =	vst v7;
	v8 =	vld [tilespmem:s17+$0xFFFFFFE8];
	v13 =	vunpack.i.l.bf16.f32 v6  }
0x10c: {  	v10 =	vperm.xlane v10, v2;
	[tilespmem:s23+$0x30] =	vst v3;
	v3 =	vunpack.i.u.bf16.f32 v6;
	v6 =	vmul.f32 v11, v13  }
0x10d: {  	[tilespmem:s23+$0x20] =	vst v15;
	v15 =	vunpack.i.l.bf16.f32 v14;
	v3 =	vmul.f32 v11, v3  }
0x10e: {  	v7 =	vperm.xlane v16, v2;
	v13 =	vld [tilespmem:s17+$0x10];
	v11 =	vunpack.i.u.bf16.f32 v14;
	v14 =	vmul.f32 v10, v15;
	[tilespmem:s26+$0xFFFFFF80] =	vst v6  }
0x10f: {  	v9 =	vperm.xlane v9, v2;
	v6 =	vmul.f32 v10, v11;
	v10 =	vunpack.i.u.bf16.f32 v5;
	[tilespmem:s26+$0xFFFFFF90] =	vst v3  }
0x110: {  	v3 =	vunpack.i.u.bf16.f32 v8;
	[tilespmem:s23+$0xFFFFFFA0] =	vst v14;
	v10 =	vmul.f32 v7, v10;
	v11 =	vld [tilespmem:s17+$0xFFFFFFC0]  }
0x111: {  	v5 =	vunpack.i.l.bf16.f32 v5;
	v3 =	vmul.f32 v9, v3;
	[tilespmem:s23+$0xFFFFFFB0] =	vst v6  }
0x112: {  	v12 =	vperm.xlane v12, v2;
	v5 =	vmul.f32 v7, v5;
	v6 =	vunpack.i.l.bf16.f32 v8;
	[tilespmem:s26+$0x70] =	vst v10  }
0x113: {  	v6 =	vmul.f32 v9, v6;
	[tilespmem:s26+$0xFFFFFFF0] =	vst v3;
	v3 =	vunpack.i.u.bf16.f32 v13  }
0x114: {  	v4 =	vperm.xlane v4, v2;
	v8 =	vunpack.i.l.bf16.f32 v13;
	[tilespmem:s26+$0x60] =	vst v5;
	v3 =	vmul.f32 v12, v3  }
0x115: {  	v8 =	vmul.f32 v12, v8;
	[tilespmem:s26+$0xFFFFFFE0] =	vst v6;
	v6 =	vunpack.i.l.bf16.f32 v11  }
0x116: {  	v7 =	vunpack.i.u.bf16.f32 v11;
	[tilespmem:s26+$0x30] =	vst v3;
	v3 =	vmul.f32 v4, v6  }
0x117: {  	[tilespmem:s26+$0x20] =	vst v8;
	v4 =	vmul.f32 v4, v7  }
0x118: {  	[tilespmem:s26+$0xFFFFFFA0] =	vst v3  }
0x119: {  	s10 =	simm.s32 $0x4A00;
	[tilespmem:s26+$0xFFFFFFB0] =	vst v4  }
0x11a: {  	[spmem:s3] =	stream.indirect.scatter.add.f32 [tilespmem:s10], [sflag:$0x3], $0x40, s28, s29, $0xb8;
	[tilespmem:$0x1DC00] =	vst v63  }
0x11b: {  	s12 =	simm.s32 $0x3A00  }
0x11c: {  	[spmem:s4] =	stream.indirect.scatter.add.f32 [tilespmem:s12], [sflag:$0x3], $0x10, s28, s29, $0xb8;
	[tilespmem:$0x1DC00] =	vst v63  }
0x11d: {  	s15 =	simm.s32 $0x6A00  }
0x11e: {  	[spmem:s3] =	stream.indirect.scatter.add.f32 [tilespmem:s15], [sflag:$0x3], $0x40, s30, s29, $0xb8;
	[tilespmem:$0x1DC00] =	vst v63  }
0x11f: {  	s17 =	simm.s32 $0x4200  }
0x120: {  	[spmem:s4] =	stream.indirect.scatter.add.f32 [tilespmem:s17], [sflag:$0x3], $0x10, s30, s29, $0xb8;
	[tilespmem:$0x1DC00] =	vst v63  }
0x121: {  	_ =	swait.ge [sflag:s21], $0x2000  }
0x122: {  	[sflag:s21] =	ssyncset.done $0x0  }
0x123: {  	[sflag:s21] =	ssyncadd.s32 $0xFFFFE000  }
0x124: {  	_ =	swait.ge [sflag:s21], $0x800  }
0x125: {  	[sflag:s21] =	ssyncset.done $0x0  }
0x126: {  	[sflag:s21] =	ssyncadd.s32 $0xFFFFF800  }
0x127: {  	_ =	swait.ge [sflag:s21], $0x2000  }
0x128: {  	[sflag:s21] =	ssyncset.done $0x0  }
0x129: {  	[sflag:s21] =	ssyncadd.s32 $0xFFFFE000  }
0x12a: {  	_ =	swait.ge [sflag:s21], $0x800  }
0x12b: {  	p0 =	seq.s32 s13, $0x13;
	s9 =	rddreg [dreg:$0x10]  }
0x12c: {  	s9 =	sadd.s32 @!p0 s14, s9  }
0x12d: {  	[sflag:s21] =	ssyncset.done $0x0;
	s9 =	sshrl.u32 @!p0 s9, $0x3  }
0x12e: {  	s12 =	simm.s32 @!p0 $0x0;
	[sflag:s21] =	ssyncadd.s32 $0xFFFFF800;
	s10 =	sadd.s32 @!p0 s6, s9  }
0x12f: {  	[tilespmem:s12], [sflag:$0x5] =	stream.linear.gather @!p0 [hbm4b:s10+s12], $0x80, $0x38;
	[tilespmem:$0x1DC00] =	vst v63  }
0x130: {  	s10 =	simm.s32 @!p0 $0x5  }
0x131: {  	_ =	swait.ge @!p0 [sflag:s10], $0x80  }
0x132: {  	[sflag:s10] =	ssyncset.done @!p0 $0x0  }
0x133: {  	s15 =	simm.s32 @!p0 $0x100;
	s14 =	sadd.s32 @!p0 s7, s9;
	[sflag:s10] =	ssyncadd.s32 @!p0 $0xFFFFFF80  }
0x134: {  	[tilespmem:s15], [sflag:$0x5] =	stream.linear.gather @!p0 [hbm4b:s14+s12], $0x80, $0x38;
	[tilespmem:$0x1DC00] =	vst v63  }
0x135: {  	_ =	swait.ge @!p0 [sflag:s10], $0x80  }
0x136: {  	s9 =	sor.u32 @!p0 $0x10, s9;
	[sflag:s10] =	ssyncset.done @!p0 $0x0  }
0x137: {  	s17 =	simm.s32 @!p0 $0x80;
	s14 =	sadd.s32 @!p0 s6, s9;
	[sflag:s10] =	ssyncadd.s32 @!p0 $0xFFFFFF80  }
0x138: {  	[tilespmem:s17], [sflag:$0x5] =	stream.linear.gather @!p0 [hbm4b:s14+s12], $0x80, $0x38;
	[tilespmem:$0x1DC00] =	vst v63  }
0x139: {  	_ =	swait.ge @!p0 [sflag:s10], $0x80  }
0x13a: {  	[sflag:s10] =	ssyncset.done @!p0 $0x0  }
0x13b: {  	s9 =	sadd.s32 @!p0 s7, s9;
	s14 =	simm.s32 @!p0 $0x180;
	[sflag:s10] =	ssyncadd.s32 @!p0 $0xFFFFFF80  }
0x13c: {  	[tilespmem:s14], [sflag:$0x5] =	stream.linear.gather @!p0 [hbm4b:s9+s12], $0x80, $0x38;
	[tilespmem:$0x1DC00] =	vst v63  }
0x13d: {  	_ =	swait.ge @!p0 [sflag:s10], $0x80  }
0x13e: {  	[sflag:s10] =	ssyncset.done @!p0 $0x0  }
0x13f: {  	s9 =	simm.s32 @!p0 $0x200;
	[sflag:s10] =	ssyncadd.s32 @!p0 $0xFFFFFF80  }
0x140: {  	[tilespmem:s9], [sflag:$0x1] =	stream.indirect.gather @!p0 [hbm4b:s1+s17], $0x28, s12, s17, $0xb8;
	[tilespmem:$0x1DC00] =	vst v63  }
0x141: {  	s9 =	simm.s32 @!p0 $0x2A00  }
0x142: {  	[tilespmem:s9], [sflag:$0x1] =	stream.indirect.gather @!p0 [hbm4b:s8+s17], $0x10, s15, s17, $0xb8;
	[tilespmem:$0x1DC00] =	vst v63  }
0x143: {  	s9 =	simm.s32 @!p0 $0x1600  }
0x144: {  	[tilespmem:s9], [sflag:$0x1] =	stream.indirect.gather @!p0 [hbm4b:s1+s17], $0x28, s17, s17, $0xb8;
	[tilespmem:$0x1DC00] =	vst v63  }
0x145: {  	s9 =	simm.s32 @!p0 $0x3200  }
0x146: {  	[tilespmem:s9], [sflag:$0x1] =	stream.indirect.gather @!p0 [hbm4b:s8+s17], $0x10, s14, s17, $0xb8;
	[tilespmem:$0x1DC00] =	vst v63  }
0x147: {  	_ =	swait.ge [sflag:s22], $0x1400  }
0x148: {  	[sflag:s22] =	ssyncset.done $0x0  }
0x149: {  	[sflag:s22] =	ssyncadd.s32 $0xFFFFEC00  }
0x14a: {  	_ =	swait.ge [sflag:s22], $0x800  }
0x14b: {  	[sflag:s22] =	ssyncset.done $0x0  }
0x14c: {  	[sflag:s22] =	ssyncadd.s32 $0xFFFFF800  }
0x14d: {  	_ =	swait.ge [sflag:s22], $0x1400  }
0x14e: {  	[sflag:s22] =	ssyncset.done $0x0  }
0x14f: {  	[sflag:s22] =	ssyncadd.s32 $0xFFFFEC00  }
0x150: {  	_ =	swait.ge [sflag:s22], $0x800  }
0x151: {  	[sflag:s22] =	ssyncset.done $0x0  }
0x152: {  	s17 =	simm.s32 $0x8C50;
	[sflag:s22] =	ssyncadd.s32 $0xFFFFF800  }
0x153: {  	v3 =	vld [tilespmem:s17+$0xFFFFFFF0]  }
0x154: {  	s18 =	simm.s32 $0xB420;
	v4 =	vld [tilespmem:s17+$0x18]  }
0x155: {  	v5 =	vld [tilespmem:s18+$0x0]  }
0x156: {  	v6 =	vld [tilespmem:s18+$0xFFFFFFF0];
	_ =	sdelay $0x2  }
0x157: {  	v7 =	vld [tilespmem:s17+$0x40];
	v4 =	vunpack.i.l.bf16.f32 v4  }
0x158: {  	v3 =	vunpack.i.l.bf16.f32 v3;
	v4 =	vadd.f32 v5, v4;
	v5 =	vld [tilespmem:s18+$0x10]  }
0x159: {  	v3 =	vadd.f32 v6, v3  }
0x15a: {  	v6 =	vmul.f32 $2.000000030e-01, v4  }
0x15b: {  	vm0 =	vgt.f32 v4, $0.0e+00;
	v8 =	vmul.f32 $2.000000030e-01, v3  }
0x15c: {  	vm7 =	vgt.f32 v3, $0.0e+00;
	v4 =	vsel vm0, v4, v6;
	v6 =	vunpack.i.l.bf16.f32 v7  }
0x15d: {  	v3 =	vsel vm7, v3, v8;
	v4 =	vmul.f32 $1.442695020e+00, v4;
	v5 =	vadd.f32 v5, v6  }
0x15e: {  	v3 =	vmul.f32 $1.442695020e+00, v3;
	v6 =	vld [tilespmem:s17+$0xFFFFFFC8]  }
0x15f: {  	s14 =	simm.s32 $0x8CF0;
	(erf) = vpow2.f32 v4;
	v4 =	vld [tilespmem:s18+$0xFFFFFFE0];
	v7 =	vmul.f32 $2.000000030e-01, v5  }
0x160: {  	s19 =	simm.s32 $0xB460;
	vm8 =	vgt.f32 v5, $0.0e+00;
	(erf) = vpow2.f32 v3;
	v3 =	vld [tilespmem:s14+$0x18]  }
0x161: {  	v5 =	vsel vm8, v5, v7;
	v7 =	vld [tilespmem:s19+$0x0];
	_ =	sdelay $0x1  }
0x162: {  	v9 =	vld [tilespmem:s14+$0x40]  }
0x163: {  	v11 =	vld [tilespmem:s19+$0x10];
	v5 =	vmul.f32 $1.442695020e+00, v5;
	v6 =	vunpack.i.l.bf16.f32 v6  }
0x164: {  	v8 =	vld [tilespmem:s14+$0xFFFFFFF0];
	v4 =	vadd.f32 v4, v6;
	v3 =	vunpack.i.l.bf16.f32 v3  }
0x165: {  	(erf) = vpow2.f32 v5;
	v5 =	vld [tilespmem:s19+$0xFFFFFFF0];
	v3 =	vadd.f32 v7, v3  }
0x166: {  	v10 =	vmul.f32 $2.000000030e-01, v4  }
0x167: {  	s20 =	simm.s32 $0xC420;
	v6 =	vld [tilespmem:s14+$0xFFFFFFC8];
	vm9 =	vgt.f32 v4, $0.0e+00;
	v7 =	vpop (erf);
	v12 =	vmul.f32 $2.000000030e-01, v3  }
0x168: {  	v4 =	vsel vm9, v4, v10;
	v10 =	vld [tilespmem:s19+$0xFFFFFFE0];
	vm10 =	vgt.f32 v3, $0.0e+00;
	v13 =	vpop (erf);
	[tilespmem:s20+$0x0] =	vst v7  }
0x169: {  	v9 =	vunpack.i.l.bf16.f32 v9;
	v8 =	vunpack.i.l.bf16.f32 v8;
	[tilespmem:s20+$0xFFFFFFF0] =	vst v13;
	v3 =	vsel vm10, v3, v12;
	v12 =	vld [tilespmem:s17+$0x0]  }
0x16a: {  	v9 =	vadd.f32 v11, v9;
	v5 =	vadd.f32 v5, v8;
	v8 =	vld [tilespmem:s17+$0xFFFFFFD8]  }
0x16b: {  	v3 =	vmul.f32 $1.442695020e+00, v3  }
0x16c: {  	vm1 =	vgt.f32 v9, $0.0e+00;
	v11 =	vmul.f32 $1.442695020e+00, v4;
	v15 =	vperm.xlane v13, v1  }
0x16d: {  	s15 =	simm.s32 $0x8D90;
	v6 =	vunpack.i.l.bf16.f32 v6;
	v4 =	vmul.f32 $2.000000030e-01, v5;
	(erf) = vpow2.f32 v3  }
0x16e: {  	s26 =	simm.s32 $0xB4A0;
	v16 =	vld [tilespmem:s15+$0xFFFFFFF0];
	v6 =	vadd.f32 v10, v6;
	v10 =	vmul.f32 $2.000000030e-01, v9;
	(erf) = vpow2.f32 v11  }
0x16f: {  	v3 =	vpop (erf);
	v20 =	vunpack.i.u.bf16.f32 v12;
	v11 =	vunpack.i.l.bf16.f32 v12;
	v12 =	vld [tilespmem:s26+$0x0];
	v18 =	vunpack.i.u.bf16.f32 v8  }
0x170: {  	vm11 =	vgt.f32 v5, $0.0e+00;
	v9 =	vsel vm1, v9, v10;
	[tilespmem:s20+$0x10] =	vst v3;
	v10 =	vmul.f32 v15, v18;
	v18 =	vld [tilespmem:s15+$0x18]  }
0x171: {  	v14 =	vperm.xlane v7, v1;
	v5 =	vsel vm11, v5, v4;
	v19 =	vld [tilespmem:s17+$0x28]  }
0x172: {  	v5 =	vmul.f32 $1.442695020e+00, v5  }
0x173: {  	v17 =	vmul.f32 $2.000000030e-01, v6;
	v8 =	vunpack.i.l.bf16.f32 v8;
	v20 =	vmul.f32 v14, v20  }
0x174: {  	s9 =	simm.s32 $0xD480;
	v16 =	vunpack.i.l.bf16.f32 v16;
	(erf) = vpow2.f32 v5;
	v5 =	vld [tilespmem:s26+$0xFFFFFFF0];
	v8 =	vmul.f32 v15, v8  }
0x175: {  	v21 =	vmul.f32 v14, v11;
	v14 =	vld [tilespmem:s15+$0xFFFFFFC8];
	[tilespmem:s9+$0xFFFFFFD0] =	vst v10;
	v10 =	vperm.xlane v3, v1;
	v18 =	vunpack.i.l.bf16.f32 v18  }
0x176: {  	vm12 =	vgt.f32 v6, $0.0e+00;
	[tilespmem:s9+$0xFFFFFFC0] =	vst v8;
	v8 =	vunpack.i.l.bf16.f32 v19;
	v18 =	vadd.f32 v12, v18  }
0x177: {  	v11 =	vld [tilespmem:s15+$0x40];
	v9 =	vmul.f32 $1.442695020e+00, v9;
	v19 =	vunpack.i.u.bf16.f32 v19;
	v8 =	vmul.f32 v10, v8  }
0x178: {  	v15 =	vld [tilespmem:s26+$0x10];
	v6 =	vsel vm12, v6, v17;
	v10 =	vmul.f32 v10, v19;
	v19 =	vmul.f32 $2.000000030e-01, v18  }
0x179: {  	v17 =	vld [tilespmem:s26+$0xFFFFFFE0];
	(erf) = vpow2.f32 v9;
	[tilespmem:s9+$0x40] =	vst v8;
	vm13 =	vgt.f32 v18, $0.0e+00;
	v8 =	vadd.f32 v5, v16  }
0x17a: {  	v5 =	vunpack.i.l.bf16.f32 v14;
	v14 =	vmul.f32 $1.442695020e+00, v6;
	v6 =	vsel vm13, v18, v19;
	_ =	sdelay $0x1  }
0x17b: {  	v4 =	vperm.xlane v3, v2;
	v11 =	vunpack.i.l.bf16.f32 v11;
	v3 =	vpop (erf);
	v12 =	vld [tilespmem:s17+$0xFFFFFFE8]  }
0x17c: {  	v7 =	vperm.xlane v7, v2;
	[tilespmem:s9+$0x50] =	vst v10;
	v16 =	vadd.f32 v15, v11;
	v10 =	vmul.f32 $1.442695020e+00, v6;
	v6 =	vpop (erf)  }
0x17d: {  	s23 =	simm.s32 $0xC460;
	[tilespmem:s9+$0x0] =	vst v21;
	v9 =	vperm.xlane v3, v1;
	v11 =	vld [tilespmem:s17+$0x38];
	v22 =	vadd.f32 v17, v5;
	v15 =	vmul.f32 $2.000000030e-01, v8;
	v5 =	vpop (erf)  }
0x17e: {  	vm14 =	vgt.f32 v8, $0.0e+00;
	vm15 =	vgt.f32 v16, $0.0e+00;
	(erf) = vpow2.f32 v10;
	[tilespmem:s23+$0xFFFFFFF0] =	vst v5  }
0x17f: {  	[tilespmem:s23+$0x0] =	vst v3;
	v18 =	vmul.f32 $2.000000030e-01, v16;
	v23 =	vsel vm14, v8, v15;
	v15 =	vperm.xlane v13, v2;
	v21 =	vld [tilespmem:s14+$0xFFFFFFD8]  }
0x180: {  	[tilespmem:s9+$0x10] =	vst v20;
	v19 =	vld [tilespmem:s14+$0x0];
	v20 =	vunpack.i.u.bf16.f32 v12;
	vm2 =	vgt.f32 v22, $0.0e+00;
	v13 =	vmul.f32 $2.000000030e-01, v22  }
0x181: {  	v16 =	vsel vm15, v16, v18;
	v10 =	vld [tilespmem:s17+$0x10];
	v18 =	vmul.f32 $1.442695020e+00, v23;
	[tilespmem:s20+$0xFFFFFFE0] =	vst v6;
	v23 =	vmul.f32 v15, v20  }
0x182: {  	s24 =	simm.s32 $0x8;
	s10 =	simm.s32 $0xC4A0;
	s12 =	simm.s32 $0xD580;
	v24 =	vunpack.i.u.bf16.f32 v11;
	v13 =	vsel vm2, v22, v13;
	v17 =	vpop (erf);
	v20 =	vld [tilespmem:s17+$0xFFFFFFB0];
	v22 =	vperm.xlane v5, v1  }
0x183: {  	s18 =	simm.s32 $0xD580;
	s19 =	simm.s32 $0xB4E0;
	s20 =	simm.s32 $0x8E30;
	v24 =	vmul.f32 v4, v24;
	v8 =	vperm.xlane v17, v2  }
.LBB2_9:
0x184: {  	s24 =	sadd.s32 $0x4, s24;
	v25 =	vunpack.i.u.bf16.f32 v21;
	v21 =	vunpack.i.l.bf16.f32 v21;
	s12 =	sadd.s32 $0x100, s12;
	v12 =	vunpack.i.l.bf16.f32 v12  }
0x185: {  	v26 =	vld [tilespmem:s20+$0xFFFFFFF0];
	p0 =	slt.u32 s24, $0xFC;
	v25 =	vmul.f32 v22, v25;
	v27 =	vunpack.i.u.bf16.f32 v19;
	[tilespmem:s23+$0x10] =	vst v17;
	(erf) = vpow2.f32 v14  }
0x186: {  	v28 =	vperm.xlane v6, v1;
	v14 =	vunpack.i.l.bf16.f32 v19;
	v19 =	vmul.f32 v9, v27;
	v27 =	vld [tilespmem:s14+$0x28];
	[tilespmem:s9+$0x70] =	vst v24  }
0x187: {  	v14 =	vmul.f32 v9, v14;
	v9 =	vunpack.i.l.bf16.f32 v20;
	v24 =	vld [tilespmem:s20+$0x18];
	v29 =	vpop (erf);
	[tilespmem:s9+$0xFFFFFFF0] =	vst v23;
	v23 =	vunpack.i.l.bf16.f32 v10  }
0x188: {  	v17 =	vperm.xlane v17, v1;
	v20 =	vunpack.i.u.bf16.f32 v20;
	v9 =	vmul.f32 v28, v9;
	v30 =	vld [tilespmem:s20+$0x40];
	[tilespmem:s18+$0xFFFFFFD0] =	vst v25  }
0x189: {  	v11 =	vunpack.i.l.bf16.f32 v11;
	v25 =	vld [tilespmem:s19+$0x0];
	(erf) = vpow2.f32 v18;
	v18 =	vmul.f32 v22, v21;
	[tilespmem:s18+$0x10] =	vst v19  }
0x18a: {  	v21 =	vmul.f32 v4, v11;
	v4 =	vmovc v8;
	v19 =	vld [tilespmem:s20+$0xFFFFFFC8];
	[tilespmem:s9+$0xFFFFFF80] =	vst v9;
	v9 =	vmul.f32 v28, v20;
	v20 =	vunpack.i.u.bf16.f32 v10  }
0x18b: {  	v15 =	vmul.f32 v15, v12;
	v8 =	vld [tilespmem:s19+$0x10];
	[tilespmem:s18+$0xFFFFFFC0] =	vst v18;
	v11 =	vunpack.i.u.bf16.f32 v27;
	v10 =	vunpack.i.l.bf16.f32 v27  }
0x18c: {  	v12 =	vmul.f32 $1.442695020e+00, v16;
	v18 =	vld [tilespmem:s19+$0xFFFFFFF0];
	v27 =	vmul.f32 v17, v10;
	[tilespmem:s9+$0xFFFFFF90] =	vst v9  }
0x18d: {  	v23 =	vmul.f32 v7, v23;
	v10 =	vunpack.i.l.bf16.f32 v24;
	v9 =	vperm.xlane v29, v1;
	[tilespmem:s18+$0x0] =	vst v14;
	v22 =	vld [tilespmem:s17+$0xFFFFFFC0];
	s17 =	smov.u32 s14;
	s14 =	smov.u32 s15;
	s15 =	smov.u32 s20  }
0x18e: {  	v11 =	vmul.f32 v17, v11;
	v24 =	vadd.f32 v25, v10;
	(erf) = vpow2.f32 v12;
	v10 =	vld [tilespmem:s17+$0x10];
	[tilespmem:s18+$0x40] =	vst v27;
	v16 =	vpop (erf)  }
0x18f: {  	v17 =	vunpack.i.l.bf16.f32 v26;
	v25 =	vunpack.i.l.bf16.f32 v30;
	v12 =	vld [tilespmem:s17+$0xFFFFFFE8];
	[tilespmem:s9+$0xFFFFFFE0] =	vst v15;
	v15 =	vmul.f32 v7, v20  }
0x190: {  	v7 =	vperm.xlane v3, v2;
	v3 =	vmovc v29;
	v20 =	vld [tilespmem:s19+$0xFFFFFFE0];
	vm0 =	vgt.f32 v24, $0.0e+00;
	v26 =	vmul.f32 $2.000000030e-01, v24;
	[tilespmem:s18+$0x50] =	vst v11  }
0x191: {  	v14 =	vmul.f32 $1.442695020e+00, v13;
	v13 =	vperm.xlane v6, v2;
	v19 =	vunpack.i.l.bf16.f32 v19;
	v6 =	vmovc v16;
	[tilespmem:s9+$0x20] =	vst v23  }
0x192: {  	v16 =	vadd.f32 v18, v17;
	v11 =	vsel vm0, v24, v26;
	v18 =	vpop (erf);
	v17 =	vunpack.i.u.bf16.f32 v22;
	[tilespmem:s9+$0x30] =	vst v15  }
0x193: {  	v8 =	vadd.f32 v8, v25;
	v22 =	vunpack.i.l.bf16.f32 v22;
	v15 =	vmul.f32 $1.442695020e+00, v11;
	[tilespmem:s10+$0xFFFFFFF0] =	vst v18  }
0x194: {  	vm0 =	vgt.f32 v16, $0.0e+00;
	v23 =	vmul.f32 $2.000000030e-01, v16;
	[tilespmem:s23+$0xFFFFFFE0] =	vst v6;
	v24 =	vunpack.i.u.bf16.f32 v12;
	v11 =	vld [tilespmem:s17+$0x38];
	s23 =	smov.u32 s10  }
0x195: {  	v25 =	vadd.f32 v20, v19;
	(erf) = vpow2.f32 v15;
	v20 =	vmul.f32 v13, v22;
	[tilespmem:s9+$0x60] =	vst v21  }
.Ltmp3:
0x196: {  	vm1 =	vgt.f32 v8, $0.0e+00;
	v22 =	vmul.f32 $2.000000030e-01, v8;
	v13 =	vmul.f32 v13, v17;
	v21 =	vld [tilespmem:s14+$0xFFFFFFD8];
	[tilespmem:s10+$0x0] =	vst v3;
	(pc) =	sbr.rel @p0 .LBB2_9-.Ltmp3, $4  }
0x197: {  	v23 =	vsel vm0, v16, v23;
	v15 =	vperm.xlane v5, v2;
	vm2 =	vgt.f32 v25, $0.0e+00;
	v19 =	vld [tilespmem:s14+$0x0];
	v17 =	vpop (erf);
	[tilespmem:s9+$0xFFFFFFA0] =	vst v20  }
0x198: {  	v5 =	vmovc v18;
	v26 =	vmul.f32 $2.000000030e-01, v25;
	v16 =	vsel vm1, v8, v22;
	v8 =	vperm.xlane v17, v2;
	v20 =	vld [tilespmem:s17+$0xFFFFFFB0];
	[tilespmem:s9+$0xFFFFFFB0] =	vst v13;
	s9 =	smov.u32 s18;
	s18 =	smov.u32 s12  }
0x199: {  	v18 =	vmul.f32 $1.442695020e+00, v23;
	v23 =	vmul.f32 v15, v24;
	v24 =	vunpack.i.u.bf16.f32 v11  }
0x19a: {  	s20 =	sadd.s32 $0xA0, s20;
	s19 =	sadd.s32 $0x40, s19;
	s10 =	sadd.s32 $0x40, s10;
	v22 =	vperm.xlane v5, v1;
	v13 =	vsel vm2, v25, v26;
	v24 =	vmul.f32 v4, v24  }
0x19b: {  	v25 =	vunpack.i.u.bf16.f32 v21;
	[tilespmem:s23+$0x10] =	vst v17  }
0x19c: {  	[tilespmem:s9+$0xFFFFFFF0] =	vst v23;
	v39 =	vunpack.i.l.bf16.f32 v21;
	v25 =	vmul.f32 v22, v25  }
0x19d: {  	v12 =	vunpack.i.l.bf16.f32 v12;
	[tilespmem:s9+$0x70] =	vst v24;
	v42 =	vmul.f32 v22, v39  }
0x19e: {  	v51 =	vunpack.i.u.bf16.f32 v10;
	v12 =	vmul.f32 v15, v12;
	[tilespmem:s18+$0xFFFFFFD0] =	vst v25  }
0x19f: {  	v37 =	vperm.xlane v6, v1;
	v11 =	vunpack.i.l.bf16.f32 v11;
	v53 =	vmul.f32 v7, v51;
	[tilespmem:s18+$0xFFFFFFC0] =	vst v42  }
0x1a0: {  	(erf) = vpow2.f32 v14;
	v26 =	vunpack.i.u.bf16.f32 v19;
	v4 =	vmul.f32 v4, v11;
	[tilespmem:s9+$0xFFFFFFE0] =	vst v12  }
0x1a1: {  	v49 =	vmul.f32 $1.442695020e+00, v16;
	v27 =	vld [tilespmem:s14+$0x28];
	v43 =	vunpack.i.l.bf16.f32 v19;
	v26 =	vmul.f32 v9, v26;
	[tilespmem:s9+$0x30] =	vst v53  }
0x1a2: {  	(erf) = vpow2.f32 v18;
	v38 =	vunpack.i.l.bf16.f32 v20;
	v46 =	vmul.f32 v9, v43;
	[tilespmem:s9+$0x60] =	vst v4  }
0x1a3: {  	v41 =	vunpack.i.u.bf16.f32 v20;
	(erf) = vpow2.f32 v49;
	v40 =	vmul.f32 v37, v38;
	[tilespmem:s18+$0x10] =	vst v26  }
0x1a4: {  	v50 =	vunpack.i.l.bf16.f32 v10;
	v45 =	vmul.f32 v37, v41;
	[tilespmem:s18+$0x0] =	vst v46  }
0x1a5: {  	v44 =	vperm.xlane v17, v1;
	v9 =	vmul.f32 v7, v50;
	[tilespmem:s9+$0xFFFFFF80] =	vst v40  }
0x1a6: {  	v58 =	vmul.f32 $1.442695020e+00, v13;
	[tilespmem:s9+$0xFFFFFF90] =	vst v45;
	v37 =	vld [tilespmem:s14+$0x10];
	v47 =	vunpack.i.l.bf16.f32 v27  }
0x1a7: {  	[tilespmem:s9+$0x20] =	vst v9;
	v12 =	vpop (erf);
	v48 =	vunpack.i.u.bf16.f32 v27;
	v52 =	vld [tilespmem:s17+$0xFFFFFFC0];
	v18 =	vmul.f32 v44, v47  }
0x1a8: {  	(erf) = vpow2.f32 v58;
	[tilespmem:s10+$0x0] =	vst v12;
	v14 =	vmul.f32 v44, v48  }
0x1a9: {  	v61 =	vld [tilespmem:s15+$0x0];
	[tilespmem:s18+$0x40] =	vst v18  }
0x1aa: {  	v3 =	vperm.xlane v3, v2;
	[tilespmem:s18+$0x50] =	vst v14;
	v54 =	vpop (erf)  }
0x1ab: {  	v57 =	vperm.xlane v6, v2;
	v56 =	vld [tilespmem:s14+$0xFFFFFFE8];
	v9 =	vpop (erf);
	[tilespmem:s23+$0xFFFFFFE0] =	vst v54;
	v45 =	vunpack.i.l.bf16.f32 v37  }
0x1ac: {  	[tilespmem:s10+$0xFFFFFFF0] =	vst v9;
	v59 =	vunpack.i.l.bf16.f32 v52;
	v26 =	vpop (erf);
	v15 =	vmul.f32 v3, v45  }
0x1ad: {  	v28 =	vperm.xlane v12, v1;
	v55 =	vld [tilespmem:s14+$0x38];
	v16 =	vunpack.i.u.bf16.f32 v52;
	v13 =	vmul.f32 v57, v59;
	[tilespmem:s10+$0x10] =	vst v26  }
0x1ae: {  	v62 =	vmul.f32 v57, v16;
	v30 =	vunpack.i.u.bf16.f32 v61;
	[tilespmem:s18+$0x20] =	vst v15  }
0x1af: {  	v5 =	vperm.xlane v5, v2;
	v63 =	vld [tilespmem:s14+$0xFFFFFFB0];
	v32 =	vmul.f32 v28, v30;
	[tilespmem:s9+$0xFFFFFFA0] =	vst v13  }
0x1b0: {  	s19 =	sadd.s32 $0x100, s12;
	v25 =	vunpack.i.u.bf16.f32 v56;
	[tilespmem:s9+$0xFFFFFFB0] =	vst v62  }
0x1b1: {  	v14 =	vunpack.i.l.bf16.f32 v56;
	v60 =	vld [tilespmem:s15+$0xFFFFFFD8];
	v13 =	vmul.f32 v5, v25;
	v40 =	vpop (erf);
	[tilespmem:s19+$0x10] =	vst v32  }
0x1b2: {  	v5 =	vmul.f32 v5, v14;
	v24 =	vunpack.i.u.bf16.f32 v55;
	[tilespmem:s10+$0xFFFFFFE0] =	vst v40  }
0x1b3: {  	v31 =	vperm.xlane v54, v1;
	v38 =	vunpack.i.l.bf16.f32 v61;
	v33 =	vld [tilespmem:s15+$0x28];
	v11 =	vmul.f32 v8, v24;
	[tilespmem:s18+$0xFFFFFFF0] =	vst v13  }
0x1b4: {  	v34 =	vunpack.i.l.bf16.f32 v63;
	v13 =	vmul.f32 v28, v38;
	[tilespmem:s18+$0xFFFFFFE0] =	vst v5  }
0x1b5: {  	v27 =	vperm.xlane v9, v1;
	v6 =	vunpack.i.u.bf16.f32 v63;
	v36 =	vmul.f32 v31, v34;
	[tilespmem:s18+$0x70] =	vst v11  }
0x1b6: {  	v29 =	vunpack.i.u.bf16.f32 v60;
	v6 =	vmul.f32 v31, v6;
	[tilespmem:s19+$0x0] =	vst v13  }
0x1b7: {  	v39 =	vperm.xlane v26, v1;
	v43 =	vld [tilespmem:s15+$0xFFFFFFB0];
	v35 =	vunpack.i.l.bf16.f32 v60;
	v19 =	vmul.f32 v27, v29;
	[tilespmem:s18+$0xFFFFFF80] =	vst v36  }
0x1b8: {  	v4 =	vmul.f32 v27, v35;
	v41 =	vunpack.i.l.bf16.f32 v33;
	[tilespmem:s18+$0xFFFFFF90] =	vst v6  }
0x1b9: {  	v42 =	vunpack.i.u.bf16.f32 v33;
	v17 =	vmul.f32 v39, v41;
	v52 =	vld [tilespmem:s15+$0x10];
	[tilespmem:s19+$0xFFFFFFD0] =	vst v19  }
0x1ba: {  	v11 =	vunpack.i.u.bf16.f32 v37;
	v44 =	vmul.f32 v39, v42;
	[tilespmem:s19+$0xFFFFFFC0] =	vst v4;
	v46 =	vld [tilespmem:s14+$0xFFFFFFC0]  }
0x1bb: {  	v7 =	vunpack.i.l.bf16.f32 v55;
	v48 =	vperm.xlane v40, v1;
	v3 =	vmul.f32 v3, v11;
	[tilespmem:s19+$0x40] =	vst v17  }
0x1bc: {  	v7 =	vmul.f32 v8, v7;
	[tilespmem:s19+$0x50] =	vst v44;
	v49 =	vld [tilespmem:s15+$0xFFFFFFE8];
	v50 =	vunpack.i.l.bf16.f32 v43  }
0x1bd: {  	v12 =	vperm.xlane v12, v2;
	[tilespmem:s18+$0x30] =	vst v3;
	v3 =	vunpack.i.u.bf16.f32 v43;
	v51 =	vmul.f32 v48, v50  }
0x1be: {  	v10 =	vperm.xlane v54, v2;
	[tilespmem:s18+$0x60] =	vst v7;
	v47 =	vld [tilespmem:s15+$0x38];
	v3 =	vmul.f32 v48, v3;
	v61 =	vunpack.i.l.bf16.f32 v52  }
0x1bf: {  	[tilespmem:s19+$0xFFFFFF80] =	vst v51;
	v53 =	vunpack.i.l.bf16.f32 v46;
	v8 =	vmul.f32 v12, v61  }
0x1c0: {  	v9 =	vperm.xlane v9, v2;
	[tilespmem:s19+$0xFFFFFF90] =	vst v3;
	v55 =	vunpack.i.u.bf16.f32 v46;
	v56 =	vmul.f32 v10, v53  }
0x1c1: {  	v59 =	vld [tilespmem:s15+$0xFFFFFFC0];
	v57 =	vmul.f32 v10, v55;
	v3 =	vunpack.i.u.bf16.f32 v49;
	[tilespmem:s19+$0x20] =	vst v8  }
0x1c2: {  	v54 =	vperm.xlane v26, v2;
	v60 =	vunpack.i.l.bf16.f32 v49;
	v3 =	vmul.f32 v9, v3;
	[tilespmem:s18+$0xFFFFFFA0] =	vst v56  }
0x1c3: {  	v58 =	vunpack.i.u.bf16.f32 v47;
	v6 =	vmul.f32 v9, v60;
	[tilespmem:s18+$0xFFFFFFB0] =	vst v57  }
0x1c4: {  	v10 =	vmul.f32 v54, v58;
	[tilespmem:s19+$0xFFFFFFF0] =	vst v3;
	v3 =	vunpack.i.u.bf16.f32 v52  }
0x1c5: {  	v4 =	vperm.xlane v40, v2;
	v5 =	vunpack.i.l.bf16.f32 v47;
	[tilespmem:s19+$0xFFFFFFE0] =	vst v6;
	v3 =	vmul.f32 v12, v3  }
0x1c6: {  	v5 =	vmul.f32 v54, v5;
	[tilespmem:s19+$0x70] =	vst v10;
	v62 =	vunpack.i.l.bf16.f32 v59  }
0x1c7: {  	v63 =	vunpack.i.u.bf16.f32 v59;
	[tilespmem:s19+$0x30] =	vst v3;
	v3 =	vmul.f32 v4, v62  }
0x1c8: {  	[tilespmem:s19+$0x60] =	vst v5;
	v4 =	vmul.f32 v4, v63  }
0x1c9: {  	[tilespmem:s19+$0xFFFFFFA0] =	vst v3  }
0x1ca: {  	s20 =	simm.s32 $0xD400;
	s13 =	sadd.s32 $0x1, s13;
	[tilespmem:s19+$0xFFFFFFB0] =	vst v4  }
0x1cb: {  	[spmem:s3] =	stream.indirect.scatter.add.f32 [tilespmem:s20], [sflag:$0x4], $0x40, s2, s29, $0xb8;
	[tilespmem:$0x1DC00] =	vst v63  }
0x1cc: {  	p0 =	sne.s32 s13, $0x14;
	s23 =	simm.s32 $0xC400  }
0x1cd: {  	[spmem:s4] =	stream.indirect.scatter.add.f32 [tilespmem:s23], [sflag:$0x4], $0x10, s2, s29, $0xb8;
	[tilespmem:$0x1DC00] =	vst v63  }
.Ltmp4:
0x1ce: {  	_ = 	snop;
	(pc) =	sbr.rel @p0 .LBB2_6-.Ltmp4, $4  }
0x1cf: {  	s24 =	simm.s32 $0xF400  }
0x1d0: {  	[spmem:s3] =	stream.indirect.scatter.add.f32 [tilespmem:s24], [sflag:$0x4], $0x40, s11, s29, $0xb8;
	[tilespmem:$0x1DC00] =	vst v63  }
0x1d1: {  	s26 =	simm.s32 $0xCC00  }
0x1d2: {  	[spmem:s4] =	stream.indirect.scatter.add.f32 [tilespmem:s26], [sflag:$0x4], $0x10, s11, s29, $0xb8;
	[tilespmem:$0x1DC00] =	vst v63  }
0x1d3: {  	s9 =	simm.s32 $0x4  }
0x1d4: {  	_ =	swait.ge [sflag:s9], $0x2000  }
0x1d5: {  	[sflag:s9] =	ssyncset.done $0x0  }
0x1d6: {  	[sflag:s9] =	ssyncadd.s32 $0xFFFFE000  }
0x1d7: {  	_ =	swait.ge [sflag:s9], $0x800  }
0x1d8: {  	[sflag:s9] =	ssyncset.done $0x0  }
0x1d9: {  	[sflag:s9] =	ssyncadd.s32 $0xFFFFF800  }
0x1da: {  	_ =	swait.ge [sflag:s9], $0x2000  }
0x1db: {  	[sflag:s9] =	ssyncset.done $0x0  }
0x1dc: {  	[sflag:s9] =	ssyncadd.s32 $0xFFFFE000  }
0x1dd: {  	_ =	swait.ge [sflag:s9], $0x800  }
0x1de: {  	[sflag:s9] =	ssyncset.done $0x0  }
0x1df: {  	[sflag:s9] =	ssyncadd.s32 $0xFFFFF800  }
0x1e0: {  	s19 =	stileid.u32;
	[bflag:$0x0] =	sbarrier.arrive $0xFFFF  }
0x1e1: {  	s9 =	sshll.u32 s19, $0x6;
	s14 =	rddreg [dreg:$0x5]  }
0x1e2: {  	s9 =	sor.u32 $0x1C05, s9;
	s12 =	rddreg [dreg:$0x11];
	s10 =	sshrl.u32 s14, $0x3  }
0x1e3: {  	[hbm:s12], [sflag:s9] =	dma.local [spmem:s10], $0x1400  }
0x1e4: {  	_ =	swait.ge [sflag:s25], $0x1400  }
0x1e5: {  	[sflag:s25] =	ssyncset.done $0x0;
	s17 =	rddreg [dreg:$0x6]  }
0x1e6: {  	s23 =	rddreg [dreg:$0x12];
	[sflag:s25] =	ssyncadd.s32 $0xFFFFEC00;
	s20 =	sshrl.u32 s17, $0x3  }
0x1e7: {  	[hbm:s23], [sflag:s9] =	dma.local [spmem:s20], $0x500  }
0x1e8: {  	_ =	swait.ge [sflag:s25], $0x500  }
0x1e9: {  	s24 =	rddreg [dreg:$0x14]  }
0x1ea: {  	s26 =	rddreg [dreg:$0x13];
	s10 =	sadd.s32 $0x1, s24  }
0x1eb: {  	p0 =	sne.s32 s10, s26  }
.Ltmp5:
0x1ec: {  	_ = 	snop;
	(pc) =	sbr.rel @p0 .LBB2_1-.Ltmp5, $3  }
0x1ed: {  	_ =	sdelay $0x1  }
0x1ee: {  	[sflag:s25] =	ssyncset.done $0x0  }
0x1ef: {  	[sflag:s25] =	ssyncadd.s32 $0xFFFFFB00  }
0x1f0: {  	_ =	sfence.sel $0x180000  }
0x1f1: {  	[bflag:$0x0] =	sbarrier.arrive $0xFFFF  }
0x1f2: {  	_ =	strace $0x90000047  }
0x1f3: {  	s0 =	stileid.u32;
	[bflag:$0x2] =	sbarrier.arrive $0xFFFF  }
0x1f4: {  	p0 =	sne.s32 s0, $0x0;
	s0 =	rddreg [dreg:$0x4]  }
0x1f5: {  	s0 =	sadd.s32 @!p0 $0x100000, s0  }
0x1f6: {  	[sflag:s0] =	ssyncadd.tile.s32 @!p0 $0x1;
	_ =	shalt  }
.Lfunc_end2:
_tile_overlayer_lowered:
.L_overlay_start_2:
0x1f7: {  	(tag) =	ssettag $0x2  }
0x1f8: {  	s0 =	rddreg [dreg:$0x0];
	s2 =	stileid.u32  }
0x1f9: {  	s1 =	rddreg [dreg:$0x1];
	p0 =	sne.s32 s2, $0x0  }
0x1fa: {  	s3 =	rddreg [dreg:$0x2];
	[bflag:$0x3] =	sbarrier.arrive $0xFFFF;
	s2 =	simm.s32 @!p0 $0x1C05  }
0x1fb: {  	[timem:s3], [sflag:s2] =	dma.local @!p0 [hbm:s0], s1  }
0x1fc: {  	s0 =	simm.s32 @!p0 $0x5  }
0x1fd: {  	_ =	swait.ge @!p0 [sflag:s0], s1  }
0x1fe: {  	s1 =	ssub.s32 @!p0 $0x0, s1;
	[sflag:s0] =	ssyncset.done @!p0 $0x0  }
0x1ff: {  	[sflag:s0] =	ssyncadd.s32 @!p0 s1  }
0x200: {  	[bflag:$0x3] =	sbarrier.arrive $0xFFFF  }
0x201: {  	_ =	shalt  }

</sc_bundles>
